<compile_context>
chip_gen: v7x
topology: tpu7x:2x2x1
jax: 0.10.2.dev20260603
libtpu: 0.0.44.dev20260713+nightly
codegen_flags: <defaults>
</compile_context>

<pallas_src>
import functools

import jax
import jax.numpy as jnp
from jax import lax
from jax.experimental import pallas as pl
from jax.experimental.pallas import tpu as pltpu
from jax.experimental.pallas import tpu_sc as plsc

HASH_N = 1000000
D = 128
OUT_SCALE = 0.05
VOCAB = 1024
B = 4096
S = 200

NC, NS, L = 2, 16, 16
NW = NC * NS
TOTAL = B * S
PER_W = TOTAL // NW
CHUNK = 128
NCHUNK = PER_W // CHUNK
NBUF = 5

_mesh = plsc.VectorSubcoreMesh(core_axis_name="c", subcore_axis_name="s")


@functools.partial(
    pl.kernel,
    out_type=jax.ShapeDtypeStruct((TOTAL, D), jnp.float32),
    mesh=_mesh,
    scratch_types=[
        pltpu.VMEM((PER_W + 8,), jnp.int32),
        pltpu.VMEM((NBUF, CHUNK, D), jnp.float32),
        pltpu.SemaphoreType.DMA,
        pltpu.SemaphoreType.DMA,
        pltpu.SemaphoreType.DMA,
        pltpu.SemaphoreType.DMA,
        pltpu.SemaphoreType.DMA,
        pltpu.SemaphoreType.DMA,
        pltpu.SemaphoreType.DMA,
        pltpu.SemaphoreType.DMA,
        pltpu.SemaphoreType.DMA,
        pltpu.SemaphoreType.DMA,
    ],
)
def _sc_bigram(ids_hbm, table_hbm, out_hbm, ids_v, rows_v,
               g0, g1, g2, g3, g4, o0, o1, o2, o3, o4):
    gsems = (g0, g1, g2, g3, g4)
    osems = (o0, o1, o2, o3, o4)

    wid = lax.axis_index("s") * NC + lax.axis_index("c")
    base = wid * PER_W

    pltpu.sync_copy(ids_hbm.at[pl.ds(base, PER_W)], ids_v.at[pl.ds(8, PER_W)])

    lanes = lax.iota(jnp.int32, L)

    def _idx_row(j):
        @pl.loop(0, CHUNK // L)
        def _idx_vec(c):
            o = j * CHUNK + c * L
            pos = lanes + o
            cur = ids_v[pl.ds(o + 8, L)]
            prev = ids_v[pl.ds(o + 7, L)]
            is_start = (pos % S) == 0
            prev = jnp.where(is_start, 0, prev)
            h = prev * VOCAB + cur
            h = jnp.where(h >= HASH_N, h - HASH_N, h)
            ids_v[pl.ds(o, L)] = h

    def _gather_start(j, t):
        pltpu.async_copy(
            table_hbm.at[ids_v.at[pl.ds(j * CHUNK, CHUNK)]],
            rows_v.at[t], gsems[t])

    def _gather_wait(j, t):
        pltpu.make_async_copy(
            table_hbm.at[ids_v.at[pl.ds(j * CHUNK, CHUNK)]],
            rows_v.at[t], gsems[t]).wait()

    def _out_start(j, t):
        pltpu.async_copy(
            rows_v.at[t], out_hbm.at[pl.ds(base + j * CHUNK, CHUNK)], osems[t])

    def _out_wait(j, t):
        pltpu.make_async_copy(
            rows_v.at[t], out_hbm.at[pl.ds(base + j * CHUNK, CHUNK)],
            osems[t]).wait()

    for t in range(NBUF - 1):
        _idx_row(t)
        _gather_start(t, t)

    @pl.loop(0, NCHUNK, step=NBUF)
    def _chunk_ring(j0):
        for t in range(NBUF):
            j = j0 + t

            _gather_wait(j, t)

            @pl.loop(0, CHUNK, unroll=4)
            def _scale_row(r):
                for c in range(D // L):
                    rows_v[t, r, pl.ds(c * L, L)] = (
                        rows_v[t, r, pl.ds(c * L, L)] * OUT_SCALE)

            _out_start(j, t)

            tn = (t + NBUF - 1) % NBUF

            @pl.when(j >= 1)
            def _():
                _out_wait(j - 1, tn)

            @pl.when(j + NBUF - 1 < NCHUNK)
            def _():
                _idx_row(j + NBUF - 1)
                _gather_start(j + NBUF - 1, tn)

    _out_wait(NCHUNK - 1, (NCHUNK - 1) % NBUF)


def kernel(input_ids, table):
    out = _sc_bigram(input_ids.reshape(-1), table)
    return out.reshape(B, S, D)

# --- scband reference (transcript-rebuilt; emitter-appended) ---
"""Pipeline reference for scband-bigram-hash-embedding-66760971649215 (READ-ONLY COPY).

The authoritative reference and input builder live on the scoring server;
editing this copy changes nothing except your own understanding.
"""

import jax, jax.numpy as jnp
import numpy as np

HASH_SIZE = 1000000
MODEL_DIM = 128
SCALE = 0.05
VOCAB_SIZE = 1024
BATCH = 4096
SEQ = 200


def setup_inputs(seed: int = 0) -> dict:
    key = jax.random.key(seed)
    k1, k2 = jax.random.split(key)
    input_ids = jax.random.randint(k1, (BATCH, SEQ), 0, VOCAB_SIZE, dtype=jnp.int32)
    table = jax.random.normal(k2, (HASH_SIZE, MODEL_DIM), dtype=jnp.float32) * 0.002
    return {"input_ids": input_ids, "table": table}


def reference(input_ids, table):
    # prev_ids = pad(input_ids[:, :-1], (1, 0), value=0)
    prev_ids = jnp.pad(input_ids[:, :-1], ((0, 0), (1, 0)), constant_values=0)
    # hash = (prev * vocab_size + cur) % hash_size
    # max value: 1023 * 1024 + 1023 = 1_048_575, safely within int32
    hash_idx = (prev_ids.astype(jnp.int32) * VOCAB_SIZE + input_ids.astype(jnp.int32)) % HASH_SIZE
    # embedding gather + scale
    out = jnp.take(table, hash_idx, axis=0) * SCALE
    return out

if __name__ == "__main__":
    import jax
    _d = setup_inputs()
    print(jax.jit(kernel)(*tuple(_d.values())))

</pallas_src>

<mosaic_0001>
#map = affine_map<(d0, d1) -> (0)>
#map1 = affine_map<(d0, d1) -> (0, 0)>
module attributes {stable_mosaic.version = 14 : i64} {
  func.func @_sc_bigram(%arg0: i32, %arg1: i32, %arg2: memref<819200xi32, #tpu.memory_space<hbm>>, %arg3: memref<1000000x128xf32, #tpu.memory_space<hbm>>, %arg4: memref<819200x128xf32, #tpu.memory_space<hbm>>, %arg5: memref<25608xi32, #tpu.memory_space<vmem>>, %arg6: memref<5x128x128xf32, #tpu.memory_space<vmem>>, %arg7: memref<!tpu.dma_semaphore, #tpu.memory_space<semaphore_mem>>, %arg8: memref<!tpu.dma_semaphore, #tpu.memory_space<semaphore_mem>>, %arg9: memref<!tpu.dma_semaphore, #tpu.memory_space<semaphore_mem>>, %arg10: memref<!tpu.dma_semaphore, #tpu.memory_space<semaphore_mem>>, %arg11: memref<!tpu.dma_semaphore, #tpu.memory_space<semaphore_mem>>, %arg12: memref<!tpu.dma_semaphore, #tpu.memory_space<semaphore_mem>>, %arg13: memref<!tpu.dma_semaphore, #tpu.memory_space<semaphore_mem>>, %arg14: memref<!tpu.dma_semaphore, #tpu.memory_space<semaphore_mem>>, %arg15: memref<!tpu.dma_semaphore, #tpu.memory_space<semaphore_mem>>, %arg16: memref<!tpu.dma_semaphore, #tpu.memory_space<semaphore_mem>>) attributes {dimension_semantics = [#tpu.dimension_semantics<core_parallel>, #tpu.dimension_semantics<subcore_parallel>], iteration_bounds = array<i64: 2, 16>, scalar_prefetch = 0 : i64, scratch_operands = 12 : i64, tpu.core_type = #tpu.core_type<sc_vector_subcore>, window_params = [{transform_indices = #map}, {transform_indices = #map1}, {transform_indices = #map1}]} {
    %mul3A = arith.constant 2 : i32
    %mul3A_0 = arith.muli %arg1, %mul3A : i32
    %add3A = arith.addi %mul3A_0, %arg0 : i32
    %mul3A_1 = arith.constant 25600 : i32
    %mul3A_2 = arith.muli %add3A, %mul3A_1 : i32
    "tpu.region"() ({
      %run_scoped3A = tpu.sem_alloc : memref<!tpu.dma_semaphore, #tpu.memory_space<semaphore_mem>>
      %dma_start3A_80 = arith.constant 8 : i32
      %dma_start3A_81 = tpu.memref_slice %arg5[%dma_start3A_80] : memref<25608xi32, #tpu.memory_space<vmem>> -> memref<25600xi32, #tpu.memory_space<vmem>>
      %dma_start3A_82 = tpu.memref_slice %arg2[%mul3A_2] : memref<819200xi32, #tpu.memory_space<hbm>> -> memref<25600xi32, #tpu.memory_space<hbm>>
      %dma_start3A_83 = arith.constant 8 : i32
      %dma_start3A_84 = tpu.memref_slice %arg5[%dma_start3A_83] : memref<25608xi32, #tpu.memory_space<vmem>> -> memref<25600xi32, #tpu.memory_space<vmem>>
      %dma_start3A_85 = tpu.memref_slice %arg2[%mul3A_2] : memref<819200xi32, #tpu.memory_space<hbm>> -> memref<25600xi32, #tpu.memory_space<hbm>>
      tpu.enqueue_dma source(%dma_start3A_85 : memref<25600xi32, #tpu.memory_space<hbm>>) target(%dma_start3A_84 : memref<25600xi32, #tpu.memory_space<vmem>>) target_semaphore(%run_scoped3A : memref<!tpu.dma_semaphore, #tpu.memory_space<semaphore_mem>>)
      %dma_wait3A_86 = arith.constant 8 : i32
      %dma_wait3A_87 = tpu.memref_slice %arg5[%dma_wait3A_86] : memref<25608xi32, #tpu.memory_space<vmem>> -> memref<25600xi32, #tpu.memory_space<vmem>>
      %dma_wait3A_88 = tpu.memref_slice %arg2[%mul3A_2] : memref<819200xi32, #tpu.memory_space<hbm>> -> memref<25600xi32, #tpu.memory_space<hbm>>
      %dma_wait3A_89 = arith.constant 8 : i32
      %dma_wait3A_90 = tpu.memref_slice %arg5[%dma_wait3A_89] : memref<25608xi32, #tpu.memory_space<vmem>> -> memref<25600xi32, #tpu.memory_space<vmem>>
      %dma_wait3A_91 = tpu.memref_slice %arg2[%mul3A_2] : memref<819200xi32, #tpu.memory_space<hbm>> -> memref<25600xi32, #tpu.memory_space<hbm>>
      tpu.wait_dma2 semaphore(%run_scoped3A : memref<!tpu.dma_semaphore, #tpu.memory_space<semaphore_mem>>) src(%dma_wait3A_91 : memref<25600xi32, #tpu.memory_space<hbm>>) dst(%dma_wait3A_90 : memref<25600xi32, #tpu.memory_space<vmem>>)
      tpu.yield
    }) : () -> ()
    %iota3A = tpu.iota {dimensions = array<i32: 0>} : vector<16xi32>
    %scan3A = arith.constant 0 : i32
    %scan3A_3 = arith.constant 8 : i32
    %scan3A_4 = arith.addi %scan3A, %scan3A_3 : i32
    %scan3A_5 = arith.constant 1 : i32
    scf.for %scan3A_80 = %scan3A to %scan3A_4 step %scan3A_5  : i32 {
      %mul3A_81 = arith.constant 1 : i32
      %mul3A_82 = arith.muli %scan3A_80, %mul3A_81 : i32
      %add3A_83 = arith.constant 0 : i32
      %add3A_84 = arith.addi %add3A_83, %mul3A_82 : i32
      %mul3A_85 = arith.constant 16 : i32
      %mul3A_86 = arith.muli %add3A_84, %mul3A_85 : i32
      %add3A_87 = arith.constant 0 : i32
      %add3A_88 = arith.addi %add3A_87, %mul3A_86 : i32
      %add3A_89 = vector.broadcast %add3A_88 : i32 to vector<16xi32>
      %add3A_90 = arith.addi %iota3A, %add3A_89 : vector<16xi32>
      %add3A_91 = arith.constant 8 : i32
      %add3A_92 = arith.addi %add3A_88, %add3A_91 : i32
      %get3A = arith.index_cast %add3A_92 : i32 to index
      %get3A_93 = tpu.vector_load %arg5[%get3A] {strides = array<i32>} : memref<25608xi32, #tpu.memory_space<vmem>>, vector<16xi32>,
      %get3A_94 = vector.shape_cast %get3A_93 : vector<16xi32> to vector<16xi32>
      %add3A_95 = arith.constant 7 : i32
      %add3A_96 = arith.addi %add3A_88, %add3A_95 : i32
      %get3A_97 = arith.index_cast %add3A_96 : i32 to index
      %get3A_98 = tpu.vector_load %arg5[%get3A_97] {strides = array<i32>} : memref<25608xi32, #tpu.memory_space<vmem>>, vector<16xi32>,
      %get3A_99 = vector.shape_cast %get3A_98 : vector<16xi32> to vector<16xi32>
      %jit3A = arith.constant 200 : i32
      %eq3A = arith.constant 0 : i32
      %eq3A_100 = arith.cmpi eq, %jit3A, %eq3A : i32
      %jit3A_101 = arith.constant 1 : i32
      %select_n3A = arith.select %eq3A_100, %jit3A_101, %jit3A : i32
      %rem3A = vector.broadcast %select_n3A : i32 to vector<16xi32>
      %rem3A_102 = arith.remsi %add3A_90, %rem3A : vector<16xi32>
      %ne3A = arith.constant 0 : i32
      %ne3A_103 = vector.broadcast %ne3A : i32 to vector<16xi32>
      %ne3A_104 = arith.cmpi ne, %rem3A_102, %ne3A_103 : vector<16xi32>
      %lt3A = arith.constant 0 : i32
      %lt3A_105 = vector.broadcast %lt3A : i32 to vector<16xi32>
      %lt3A_106 = arith.cmpi slt, %rem3A_102, %lt3A_105 : vector<16xi32>
      %lt3A_107 = arith.constant 0 : i32
      %lt3A_108 = arith.cmpi slt, %select_n3A, %lt3A_107 : i32
      %ne3A_109 = vector.broadcast %lt3A_108 : i1 to vector<16xi1>
      %ne3A_110 = vector.broadcast %ne3A_109 : vector<16xi1> to vector<16xi1>
      %ne3A_111 = arith.xori %lt3A_106, %ne3A_110 : vector<16xi1>
      %and3A = arith.andi %ne3A_111, %ne3A_104 : vector<16xi1>
      %add3A_112 = vector.broadcast %select_n3A : i32 to vector<16xi32>
      %add3A_113 = arith.addi %rem3A_102, %add3A_112 : vector<16xi32>
      %select_n3A_114 = arith.select %and3A, %add3A_113, %rem3A_102 : vector<16xi1>, vector<16xi32>
      %eq3A_115 = arith.constant 0 : i32
      %eq3A_116 = vector.broadcast %eq3A_115 : i32 to vector<16xi32>
      %eq3A_117 = arith.cmpi eq, %select_n3A_114, %eq3A_116 : vector<16xi32>
      %jit3A_118 = arith.constant 0 : i32
      %broadcast_in_dim3A = vector.broadcast %jit3A_118 : i32 to vector<16xi32>
      %select_n3A_119 = arith.select %eq3A_117, %broadcast_in_dim3A, %get3A_99 : vector<16xi1>, vector<16xi32>
      %mul3A_120 = arith.constant 1024 : i32
      %mul3A_121 = vector.broadcast %mul3A_120 : i32 to vector<16xi32>
      %mul3A_122 = arith.muli %select_n3A_119, %mul3A_121 : vector<16xi32>
      %add3A_123 = arith.addi %mul3A_122, %get3A_94 : vector<16xi32>
      %ge3A = arith.constant 1000000 : i32
      %ge3A_124 = vector.broadcast %ge3A : i32 to vector<16xi32>
      %ge3A_125 = arith.cmpi sge, %add3A_123, %ge3A_124 : vector<16xi32>
      %sub3A = arith.constant 1000000 : i32
      %sub3A_126 = vector.broadcast %sub3A : i32 to vector<16xi32>
      %sub3A_127 = arith.subi %add3A_123, %sub3A_126 : vector<16xi32>
      %select_n3A_128 = arith.select %ge3A_125, %sub3A_127, %add3A_123 : vector<16xi1>, vector<16xi32>
      %swap3A = arith.index_cast %add3A_88 : i32 to index
      %swap3A_129 = tpu.vector_load %arg5[%swap3A] {strides = array<i32>} : memref<25608xi32, #tpu.memory_space<vmem>>, vector<16xi32>,
      %swap3A_130 = vector.shape_cast %swap3A_129 : vector<16xi32> to vector<16xi32>
      %swap3A_131 = vector.shape_cast %select_n3A_128 : vector<16xi32> to vector<16xi32>
      tpu.vector_store %arg5[%swap3A], %swap3A_131 {strides = array<i32>} : memref<25608xi32, #tpu.memory_space<vmem>>, vector<16xi32>,
    }
    %scan3A_6 = arith.constant 8 : i32
    %dma_start3A = arith.constant 0 : i32
    %dma_start3A_7 = arith.constant 0 : i32
    %dma_start3A_8 = arith.constant 0 : i32
    %dma_start3A_9 = tpu.memref_slice %arg6[%dma_start3A, %dma_start3A_7, %dma_start3A_8] : memref<5x128x128xf32, #tpu.memory_space<vmem>> -> memref<1x128x128xf32, #tpu.memory_space<vmem>>
    %dma_start3A_10 = tpu.memref_squeeze %dma_start3A_9 : memref<1x128x128xf32, #tpu.memory_space<vmem>> -> memref<128x128xf32, #tpu.memory_space<vmem>>
    %dma_start3A_11 = arith.constant 0 : i32
    %dma_start3A_12 = tpu.memref_slice %arg5[%dma_start3A_11] : memref<25608xi32, #tpu.memory_space<vmem>> -> memref<128xi32, #tpu.memory_space<vmem>>
    %dma_start3A_13 = arith.constant 0 : i32
    %dma_start3A_14 = arith.constant 0 : i32
    %dma_start3A_15 = tpu.memref_slice %arg3[%dma_start3A_13, %dma_start3A_14] : memref<1000000x128xf32, #tpu.memory_space<hbm>> -> memref<1000000x128xf32, #tpu.memory_space<hbm>>
    tpu.enqueue_indirect_dma source(%dma_start3A_15 : memref<1000000x128xf32, #tpu.memory_space<hbm>>) target(%dma_start3A_10 : memref<128x128xf32, #tpu.memory_space<vmem>>) offsets(%dma_start3A_12 : memref<128xi32, #tpu.memory_space<vmem>>) semaphore(%arg7 : memref<!tpu.dma_semaphore, #tpu.memory_space<semaphore_mem>>)
    %scan3A_16 = arith.constant 0 : i32
    %scan3A_17 = arith.constant 8 : i32
    %scan3A_18 = arith.addi %scan3A_16, %scan3A_17 : i32
    %scan3A_19 = arith.constant 1 : i32
    scf.for %scan3A_80 = %scan3A_16 to %scan3A_18 step %scan3A_19  : i32 {
      %mul3A_81 = arith.constant 1 : i32
      %mul3A_82 = arith.muli %scan3A_80, %mul3A_81 : i32
      %add3A_83 = arith.constant 0 : i32
      %add3A_84 = arith.addi %add3A_83, %mul3A_82 : i32
      %mul3A_85 = arith.constant 16 : i32
      %mul3A_86 = arith.muli %add3A_84, %mul3A_85 : i32
      %add3A_87 = arith.constant 128 : i32
      %add3A_88 = arith.addi %add3A_87, %mul3A_86 : i32
      %add3A_89 = vector.broadcast %add3A_88 : i32 to vector<16xi32>
      %add3A_90 = arith.addi %iota3A, %add3A_89 : vector<16xi32>
      %add3A_91 = arith.constant 8 : i32
      %add3A_92 = arith.addi %add3A_88, %add3A_91 : i32
      %get3A = arith.index_cast %add3A_92 : i32 to index
      %get3A_93 = tpu.vector_load %arg5[%get3A] {strides = array<i32>} : memref<25608xi32, #tpu.memory_space<vmem>>, vector<16xi32>,
      %get3A_94 = vector.shape_cast %get3A_93 : vector<16xi32> to vector<16xi32>
      %add3A_95 = arith.constant 7 : i32
      %add3A_96 = arith.addi %add3A_88, %add3A_95 : i32
      %get3A_97 = arith.index_cast %add3A_96 : i32 to index
      %get3A_98 = tpu.vector_load %arg5[%get3A_97] {strides = array<i32>} : memref<25608xi32, #tpu.memory_space<vmem>>, vector<16xi32>,
      %get3A_99 = vector.shape_cast %get3A_98 : vector<16xi32> to vector<16xi32>
      %jit3A = arith.constant 200 : i32
      %eq3A = arith.constant 0 : i32
      %eq3A_100 = arith.cmpi eq, %jit3A, %eq3A : i32
      %jit3A_101 = arith.constant 1 : i32
      %select_n3A = arith.select %eq3A_100, %jit3A_101, %jit3A : i32
      %rem3A = vector.broadcast %select_n3A : i32 to vector<16xi32>
      %rem3A_102 = arith.remsi %add3A_90, %rem3A : vector<16xi32>
      %ne3A = arith.constant 0 : i32
      %ne3A_103 = vector.broadcast %ne3A : i32 to vector<16xi32>
      %ne3A_104 = arith.cmpi ne, %rem3A_102, %ne3A_103 : vector<16xi32>
      %lt3A = arith.constant 0 : i32
      %lt3A_105 = vector.broadcast %lt3A : i32 to vector<16xi32>
      %lt3A_106 = arith.cmpi slt, %rem3A_102, %lt3A_105 : vector<16xi32>
      %lt3A_107 = arith.constant 0 : i32
      %lt3A_108 = arith.cmpi slt, %select_n3A, %lt3A_107 : i32
      %ne3A_109 = vector.broadcast %lt3A_108 : i1 to vector<16xi1>
      %ne3A_110 = vector.broadcast %ne3A_109 : vector<16xi1> to vector<16xi1>
      %ne3A_111 = arith.xori %lt3A_106, %ne3A_110 : vector<16xi1>
      %and3A = arith.andi %ne3A_111, %ne3A_104 : vector<16xi1>
      %add3A_112 = vector.broadcast %select_n3A : i32 to vector<16xi32>
      %add3A_113 = arith.addi %rem3A_102, %add3A_112 : vector<16xi32>
      %select_n3A_114 = arith.select %and3A, %add3A_113, %rem3A_102 : vector<16xi1>, vector<16xi32>
      %eq3A_115 = arith.constant 0 : i32
      %eq3A_116 = vector.broadcast %eq3A_115 : i32 to vector<16xi32>
      %eq3A_117 = arith.cmpi eq, %select_n3A_114, %eq3A_116 : vector<16xi32>
      %jit3A_118 = arith.constant 0 : i32
      %broadcast_in_dim3A = vector.broadcast %jit3A_118 : i32 to vector<16xi32>
      %select_n3A_119 = arith.select %eq3A_117, %broadcast_in_dim3A, %get3A_99 : vector<16xi1>, vector<16xi32>
      %mul3A_120 = arith.constant 1024 : i32
      %mul3A_121 = vector.broadcast %mul3A_120 : i32 to vector<16xi32>
      %mul3A_122 = arith.muli %select_n3A_119, %mul3A_121 : vector<16xi32>
      %add3A_123 = arith.addi %mul3A_122, %get3A_94 : vector<16xi32>
      %ge3A = arith.constant 1000000 : i32
      %ge3A_124 = vector.broadcast %ge3A : i32 to vector<16xi32>
      %ge3A_125 = arith.cmpi sge, %add3A_123, %ge3A_124 : vector<16xi32>
      %sub3A = arith.constant 1000000 : i32
      %sub3A_126 = vector.broadcast %sub3A : i32 to vector<16xi32>
      %sub3A_127 = arith.subi %add3A_123, %sub3A_126 : vector<16xi32>
      %select_n3A_128 = arith.select %ge3A_125, %sub3A_127, %add3A_123 : vector<16xi1>, vector<16xi32>
      %swap3A = arith.index_cast %add3A_88 : i32 to index
      %swap3A_129 = tpu.vector_load %arg5[%swap3A] {strides = array<i32>} : memref<25608xi32, #tpu.memory_space<vmem>>, vector<16xi32>,
      %swap3A_130 = vector.shape_cast %swap3A_129 : vector<16xi32> to vector<16xi32>
      %swap3A_131 = vector.shape_cast %select_n3A_128 : vector<16xi32> to vector<16xi32>
      tpu.vector_store %arg5[%swap3A], %swap3A_131 {strides = array<i32>} : memref<25608xi32, #tpu.memory_space<vmem>>, vector<16xi32>,
    }
    %scan3A_20 = arith.constant 8 : i32
    %dma_start3A_21 = arith.constant 1 : i32
    %dma_start3A_22 = arith.constant 0 : i32
    %dma_start3A_23 = arith.constant 0 : i32
    %dma_start3A_24 = tpu.memref_slice %arg6[%dma_start3A_21, %dma_start3A_22, %dma_start3A_23] : memref<5x128x128xf32, #tpu.memory_space<vmem>> -> memref<1x128x128xf32, #tpu.memory_space<vmem>>
    %dma_start3A_25 = tpu.memref_squeeze %dma_start3A_24 : memref<1x128x128xf32, #tpu.memory_space<vmem>> -> memref<128x128xf32, #tpu.memory_space<vmem>>
    %dma_start3A_26 = arith.constant 128 : i32
    %dma_start3A_27 = tpu.memref_slice %arg5[%dma_start3A_26] : memref<25608xi32, #tpu.memory_space<vmem>> -> memref<128xi32, #tpu.memory_space<vmem>>
    %dma_start3A_28 = arith.constant 0 : i32
    %dma_start3A_29 = arith.constant 0 : i32
    %dma_start3A_30 = tpu.memref_slice %arg3[%dma_start3A_28, %dma_start3A_29] : memref<1000000x128xf32, #tpu.memory_space<hbm>> -> memref<1000000x128xf32, #tpu.memory_space<hbm>>
    tpu.enqueue_indirect_dma source(%dma_start3A_30 : memref<1000000x128xf32, #tpu.memory_space<hbm>>) target(%dma_start3A_25 : memref<128x128xf32, #tpu.memory_space<vmem>>) offsets(%dma_start3A_27 : memref<128xi32, #tpu.memory_space<vmem>>) semaphore(%arg8 : memref<!tpu.dma_semaphore, #tpu.memory_space<semaphore_mem>>)
    %scan3A_31 = arith.constant 0 : i32
    %scan3A_32 = arith.constant 8 : i32
    %scan3A_33 = arith.addi %scan3A_31, %scan3A_32 : i32
    %scan3A_34 = arith.constant 1 : i32
    scf.for %scan3A_80 = %scan3A_31 to %scan3A_33 step %scan3A_34  : i32 {
      %mul3A_81 = arith.constant 1 : i32
      %mul3A_82 = arith.muli %scan3A_80, %mul3A_81 : i32
      %add3A_83 = arith.constant 0 : i32
      %add3A_84 = arith.addi %add3A_83, %mul3A_82 : i32
      %mul3A_85 = arith.constant 16 : i32
      %mul3A_86 = arith.muli %add3A_84, %mul3A_85 : i32
      %add3A_87 = arith.constant 256 : i32
      %add3A_88 = arith.addi %add3A_87, %mul3A_86 : i32
      %add3A_89 = vector.broadcast %add3A_88 : i32 to vector<16xi32>
      %add3A_90 = arith.addi %iota3A, %add3A_89 : vector<16xi32>
      %add3A_91 = arith.constant 8 : i32
      %add3A_92 = arith.addi %add3A_88, %add3A_91 : i32
      %get3A = arith.index_cast %add3A_92 : i32 to index
      %get3A_93 = tpu.vector_load %arg5[%get3A] {strides = array<i32>} : memref<25608xi32, #tpu.memory_space<vmem>>, vector<16xi32>,
      %get3A_94 = vector.shape_cast %get3A_93 : vector<16xi32> to vector<16xi32>
      %add3A_95 = arith.constant 7 : i32
      %add3A_96 = arith.addi %add3A_88, %add3A_95 : i32
      %get3A_97 = arith.index_cast %add3A_96 : i32 to index
      %get3A_98 = tpu.vector_load %arg5[%get3A_97] {strides = array<i32>} : memref<25608xi32, #tpu.memory_space<vmem>>, vector<16xi32>,
      %get3A_99 = vector.shape_cast %get3A_98 : vector<16xi32> to vector<16xi32>
      %jit3A = arith.constant 200 : i32
      %eq3A = arith.constant 0 : i32
      %eq3A_100 = arith.cmpi eq, %jit3A, %eq3A : i32
      %jit3A_101 = arith.constant 1 : i32
      %select_n3A = arith.select %eq3A_100, %jit3A_101, %jit3A : i32
      %rem3A = vector.broadcast %select_n3A : i32 to vector<16xi32>
      %rem3A_102 = arith.remsi %add3A_90, %rem3A : vector<16xi32>
      %ne3A = arith.constant 0 : i32
      %ne3A_103 = vector.broadcast %ne3A : i32 to vector<16xi32>
      %ne3A_104 = arith.cmpi ne, %rem3A_102, %ne3A_103 : vector<16xi32>
      %lt3A = arith.constant 0 : i32
      %lt3A_105 = vector.broadcast %lt3A : i32 to vector<16xi32>
      %lt3A_106 = arith.cmpi slt, %rem3A_102, %lt3A_105 : vector<16xi32>
      %lt3A_107 = arith.constant 0 : i32
      %lt3A_108 = arith.cmpi slt, %select_n3A, %lt3A_107 : i32
      %ne3A_109 = vector.broadcast %lt3A_108 : i1 to vector<16xi1>
      %ne3A_110 = vector.broadcast %ne3A_109 : vector<16xi1> to vector<16xi1>
      %ne3A_111 = arith.xori %lt3A_106, %ne3A_110 : vector<16xi1>
      %and3A = arith.andi %ne3A_111, %ne3A_104 : vector<16xi1>
      %add3A_112 = vector.broadcast %select_n3A : i32 to vector<16xi32>
      %add3A_113 = arith.addi %rem3A_102, %add3A_112 : vector<16xi32>
      %select_n3A_114 = arith.select %and3A, %add3A_113, %rem3A_102 : vector<16xi1>, vector<16xi32>
      %eq3A_115 = arith.constant 0 : i32
      %eq3A_116 = vector.broadcast %eq3A_115 : i32 to vector<16xi32>
      %eq3A_117 = arith.cmpi eq, %select_n3A_114, %eq3A_116 : vector<16xi32>
      %jit3A_118 = arith.constant 0 : i32
      %broadcast_in_dim3A = vector.broadcast %jit3A_118 : i32 to vector<16xi32>
      %select_n3A_119 = arith.select %eq3A_117, %broadcast_in_dim3A, %get3A_99 : vector<16xi1>, vector<16xi32>
      %mul3A_120 = arith.constant 1024 : i32
      %mul3A_121 = vector.broadcast %mul3A_120 : i32 to vector<16xi32>
      %mul3A_122 = arith.muli %select_n3A_119, %mul3A_121 : vector<16xi32>
      %add3A_123 = arith.addi %mul3A_122, %get3A_94 : vector<16xi32>
      %ge3A = arith.constant 1000000 : i32
      %ge3A_124 = vector.broadcast %ge3A : i32 to vector<16xi32>
      %ge3A_125 = arith.cmpi sge, %add3A_123, %ge3A_124 : vector<16xi32>
      %sub3A = arith.constant 1000000 : i32
      %sub3A_126 = vector.broadcast %sub3A : i32 to vector<16xi32>
      %sub3A_127 = arith.subi %add3A_123, %sub3A_126 : vector<16xi32>
      %select_n3A_128 = arith.select %ge3A_125, %sub3A_127, %add3A_123 : vector<16xi1>, vector<16xi32>
      %swap3A = arith.index_cast %add3A_88 : i32 to index
      %swap3A_129 = tpu.vector_load %arg5[%swap3A] {strides = array<i32>} : memref<25608xi32, #tpu.memory_space<vmem>>, vector<16xi32>,
      %swap3A_130 = vector.shape_cast %swap3A_129 : vector<16xi32> to vector<16xi32>
      %swap3A_131 = vector.shape_cast %select_n3A_128 : vector<16xi32> to vector<16xi32>
      tpu.vector_store %arg5[%swap3A], %swap3A_131 {strides = array<i32>} : memref<25608xi32, #tpu.memory_space<vmem>>, vector<16xi32>,
    }
    %scan3A_35 = arith.constant 8 : i32
    %dma_start3A_36 = arith.constant 2 : i32
    %dma_start3A_37 = arith.constant 0 : i32
    %dma_start3A_38 = arith.constant 0 : i32
    %dma_start3A_39 = tpu.memref_slice %arg6[%dma_start3A_36, %dma_start3A_37, %dma_start3A_38] : memref<5x128x128xf32, #tpu.memory_space<vmem>> -> memref<1x128x128xf32, #tpu.memory_space<vmem>>
    %dma_start3A_40 = tpu.memref_squeeze %dma_start3A_39 : memref<1x128x128xf32, #tpu.memory_space<vmem>> -> memref<128x128xf32, #tpu.memory_space<vmem>>
    %dma_start3A_41 = arith.constant 256 : i32
    %dma_start3A_42 = tpu.memref_slice %arg5[%dma_start3A_41] : memref<25608xi32, #tpu.memory_space<vmem>> -> memref<128xi32, #tpu.memory_space<vmem>>
    %dma_start3A_43 = arith.constant 0 : i32
    %dma_start3A_44 = arith.constant 0 : i32
    %dma_start3A_45 = tpu.memref_slice %arg3[%dma_start3A_43, %dma_start3A_44] : memref<1000000x128xf32, #tpu.memory_space<hbm>> -> memref<1000000x128xf32, #tpu.memory_space<hbm>>
    tpu.enqueue_indirect_dma source(%dma_start3A_45 : memref<1000000x128xf32, #tpu.memory_space<hbm>>) target(%dma_start3A_40 : memref<128x128xf32, #tpu.memory_space<vmem>>) offsets(%dma_start3A_42 : memref<128xi32, #tpu.memory_space<vmem>>) semaphore(%arg9 : memref<!tpu.dma_semaphore, #tpu.memory_space<semaphore_mem>>)
    %scan3A_46 = arith.constant 0 : i32
    %scan3A_47 = arith.constant 8 : i32
    %scan3A_48 = arith.addi %scan3A_46, %scan3A_47 : i32
    %scan3A_49 = arith.constant 1 : i32
    scf.for %scan3A_80 = %scan3A_46 to %scan3A_48 step %scan3A_49  : i32 {
      %mul3A_81 = arith.constant 1 : i32
      %mul3A_82 = arith.muli %scan3A_80, %mul3A_81 : i32
      %add3A_83 = arith.constant 0 : i32
      %add3A_84 = arith.addi %add3A_83, %mul3A_82 : i32
      %mul3A_85 = arith.constant 16 : i32
      %mul3A_86 = arith.muli %add3A_84, %mul3A_85 : i32
      %add3A_87 = arith.constant 384 : i32
      %add3A_88 = arith.addi %add3A_87, %mul3A_86 : i32
      %add3A_89 = vector.broadcast %add3A_88 : i32 to vector<16xi32>
      %add3A_90 = arith.addi %iota3A, %add3A_89 : vector<16xi32>
      %add3A_91 = arith.constant 8 : i32
      %add3A_92 = arith.addi %add3A_88, %add3A_91 : i32
      %get3A = arith.index_cast %add3A_92 : i32 to index
      %get3A_93 = tpu.vector_load %arg5[%get3A] {strides = array<i32>} : memref<25608xi32, #tpu.memory_space<vmem>>, vector<16xi32>,
      %get3A_94 = vector.shape_cast %get3A_93 : vector<16xi32> to vector<16xi32>
      %add3A_95 = arith.constant 7 : i32
      %add3A_96 = arith.addi %add3A_88, %add3A_95 : i32
      %get3A_97 = arith.index_cast %add3A_96 : i32 to index
      %get3A_98 = tpu.vector_load %arg5[%get3A_97] {strides = array<i32>} : memref<25608xi32, #tpu.memory_space<vmem>>, vector<16xi32>,
      %get3A_99 = vector.shape_cast %get3A_98 : vector<16xi32> to vector<16xi32>
      %jit3A = arith.constant 200 : i32
      %eq3A = arith.constant 0 : i32
      %eq3A_100 = arith.cmpi eq, %jit3A, %eq3A : i32
      %jit3A_101 = arith.constant 1 : i32
      %select_n3A = arith.select %eq3A_100, %jit3A_101, %jit3A : i32
      %rem3A = vector.broadcast %select_n3A : i32 to vector<16xi32>
      %rem3A_102 = arith.remsi %add3A_90, %rem3A : vector<16xi32>
      %ne3A = arith.constant 0 : i32
      %ne3A_103 = vector.broadcast %ne3A : i32 to vector<16xi32>
      %ne3A_104 = arith.cmpi ne, %rem3A_102, %ne3A_103 : vector<16xi32>
      %lt3A = arith.constant 0 : i32
      %lt3A_105 = vector.broadcast %lt3A : i32 to vector<16xi32>
      %lt3A_106 = arith.cmpi slt, %rem3A_102, %lt3A_105 : vector<16xi32>
      %lt3A_107 = arith.constant 0 : i32
      %lt3A_108 = arith.cmpi slt, %select_n3A, %lt3A_107 : i32
      %ne3A_109 = vector.broadcast %lt3A_108 : i1 to vector<16xi1>
      %ne3A_110 = vector.broadcast %ne3A_109 : vector<16xi1> to vector<16xi1>
      %ne3A_111 = arith.xori %lt3A_106, %ne3A_110 : vector<16xi1>
      %and3A = arith.andi %ne3A_111, %ne3A_104 : vector<16xi1>
      %add3A_112 = vector.broadcast %select_n3A : i32 to vector<16xi32>
      %add3A_113 = arith.addi %rem3A_102, %add3A_112 : vector<16xi32>
      %select_n3A_114 = arith.select %and3A, %add3A_113, %rem3A_102 : vector<16xi1>, vector<16xi32>
      %eq3A_115 = arith.constant 0 : i32
      %eq3A_116 = vector.broadcast %eq3A_115 : i32 to vector<16xi32>
      %eq3A_117 = arith.cmpi eq, %select_n3A_114, %eq3A_116 : vector<16xi32>
      %jit3A_118 = arith.constant 0 : i32
      %broadcast_in_dim3A = vector.broadcast %jit3A_118 : i32 to vector<16xi32>
      %select_n3A_119 = arith.select %eq3A_117, %broadcast_in_dim3A, %get3A_99 : vector<16xi1>, vector<16xi32>
      %mul3A_120 = arith.constant 1024 : i32
      %mul3A_121 = vector.broadcast %mul3A_120 : i32 to vector<16xi32>
      %mul3A_122 = arith.muli %select_n3A_119, %mul3A_121 : vector<16xi32>
      %add3A_123 = arith.addi %mul3A_122, %get3A_94 : vector<16xi32>
      %ge3A = arith.constant 1000000 : i32
      %ge3A_124 = vector.broadcast %ge3A : i32 to vector<16xi32>
      %ge3A_125 = arith.cmpi sge, %add3A_123, %ge3A_124 : vector<16xi32>
      %sub3A = arith.constant 1000000 : i32
      %sub3A_126 = vector.broadcast %sub3A : i32 to vector<16xi32>
      %sub3A_127 = arith.subi %add3A_123, %sub3A_126 : vector<16xi32>
      %select_n3A_128 = arith.select %ge3A_125, %sub3A_127, %add3A_123 : vector<16xi1>, vector<16xi32>
      %swap3A = arith.index_cast %add3A_88 : i32 to index
      %swap3A_129 = tpu.vector_load %arg5[%swap3A] {strides = array<i32>} : memref<25608xi32, #tpu.memory_space<vmem>>, vector<16xi32>,
      %swap3A_130 = vector.shape_cast %swap3A_129 : vector<16xi32> to vector<16xi32>
      %swap3A_131 = vector.shape_cast %select_n3A_128 : vector<16xi32> to vector<16xi32>
      tpu.vector_store %arg5[%swap3A], %swap3A_131 {strides = array<i32>} : memref<25608xi32, #tpu.memory_space<vmem>>, vector<16xi32>,
    }
    %scan3A_50 = arith.constant 8 : i32
    %dma_start3A_51 = arith.constant 3 : i32
    %dma_start3A_52 = arith.constant 0 : i32
    %dma_start3A_53 = arith.constant 0 : i32
    %dma_start3A_54 = tpu.memref_slice %arg6[%dma_start3A_51, %dma_start3A_52, %dma_start3A_53] : memref<5x128x128xf32, #tpu.memory_space<vmem>> -> memref<1x128x128xf32, #tpu.memory_space<vmem>>
    %dma_start3A_55 = tpu.memref_squeeze %dma_start3A_54 : memref<1x128x128xf32, #tpu.memory_space<vmem>> -> memref<128x128xf32, #tpu.memory_space<vmem>>
    %dma_start3A_56 = arith.constant 384 : i32
    %dma_start3A_57 = tpu.memref_slice %arg5[%dma_start3A_56] : memref<25608xi32, #tpu.memory_space<vmem>> -> memref<128xi32, #tpu.memory_space<vmem>>
    %dma_start3A_58 = arith.constant 0 : i32
    %dma_start3A_59 = arith.constant 0 : i32
    %dma_start3A_60 = tpu.memref_slice %arg3[%dma_start3A_58, %dma_start3A_59] : memref<1000000x128xf32, #tpu.memory_space<hbm>> -> memref<1000000x128xf32, #tpu.memory_space<hbm>>
    tpu.enqueue_indirect_dma source(%dma_start3A_60 : memref<1000000x128xf32, #tpu.memory_space<hbm>>) target(%dma_start3A_55 : memref<128x128xf32, #tpu.memory_space<vmem>>) offsets(%dma_start3A_57 : memref<128xi32, #tpu.memory_space<vmem>>) semaphore(%arg10 : memref<!tpu.dma_semaphore, #tpu.memory_space<semaphore_mem>>)
    %scan3A_61 = arith.constant 0 : i32
    %scan3A_62 = arith.constant 40 : i32
    %scan3A_63 = arith.addi %scan3A_61, %scan3A_62 : i32
    %scan3A_64 = arith.constant 1 : i32
    scf.for %scan3A_80 = %scan3A_61 to %scan3A_63 step %scan3A_64  : i32 {
      %mul3A_81 = arith.constant 5 : i32
      %mul3A_82 = arith.muli %scan3A_80, %mul3A_81 : i32
      %add3A_83 = arith.constant 0 : i32
      %add3A_84 = arith.addi %add3A_83, %mul3A_82 : i32
      %add3A_85 = arith.constant 0 : i32
      %add3A_86 = arith.addi %add3A_84, %add3A_85 : i32
      %mul3A_87 = arith.constant 128 : i32
      %mul3A_88 = arith.muli %add3A_86, %mul3A_87 : i32
      %dma_wait3A_89 = arith.constant 0 : i32
      %dma_wait3A_90 = arith.constant 0 : i32
      %dma_wait3A_91 = arith.constant 0 : i32
      %dma_wait3A_92 = tpu.memref_slice %arg6[%dma_wait3A_89, %dma_wait3A_90, %dma_wait3A_91] : memref<5x128x128xf32, #tpu.memory_space<vmem>> -> memref<1x128x128xf32, #tpu.memory_space<vmem>>
      %dma_wait3A_93 = tpu.memref_squeeze %dma_wait3A_92 : memref<1x128x128xf32, #tpu.memory_space<vmem>> -> memref<128x128xf32, #tpu.memory_space<vmem>>
      %dma_wait3A_94 = tpu.memref_slice %arg5[%mul3A_88] : memref<25608xi32, #tpu.memory_space<vmem>> -> memref<128xi32, #tpu.memory_space<vmem>>
      %dma_wait3A_95 = arith.constant 0 : i32
      %dma_wait3A_96 = arith.constant 0 : i32
      %dma_wait3A_97 = tpu.memref_slice %arg3[%dma_wait3A_95, %dma_wait3A_96] : memref<1000000x128xf32, #tpu.memory_space<hbm>> -> memref<1000000x128xf32, #tpu.memory_space<hbm>>
      tpu.wait_indirect_dma semaphore(%arg7 : memref<!tpu.dma_semaphore, #tpu.memory_space<semaphore_mem>>) src(%dma_wait3A_97 : memref<1000000x128xf32, #tpu.memory_space<hbm>>) dst(%dma_wait3A_93 : memref<128x128xf32, #tpu.memory_space<vmem>>)
      %scan3A_98 = arith.constant 0 : i32
      %scan3A_99 = arith.constant 128 : i32
      %scan3A_100 = arith.addi %scan3A_98, %scan3A_99 : i32
      %scan3A_101 = arith.constant 4 : i32
      scf.for %scan3A_320 = %scan3A_98 to %scan3A_100 step %scan3A_101  : i32 {
        %mul3A_321 = arith.constant 1 : i32
        %mul3A_322 = arith.muli %scan3A_320, %mul3A_321 : i32
        %add3A_323 = arith.constant 0 : i32
        %add3A_324 = arith.addi %add3A_323, %mul3A_322 : i32
        %get3A = arith.constant 0 : i32
        %get3A_325 = arith.index_cast %get3A : i32 to index
        %get3A_326 = arith.index_cast %add3A_324 : i32 to index
        %get3A_327 = arith.constant 0 : index
        %get3A_328 = tpu.vector_load %arg6[%get3A_325, %get3A_326, %get3A_327] {strides = array<i32>} : memref<5x128x128xf32, #tpu.memory_space<vmem>>, vector<1x1x16xf32>,
        %get3A_329 = vector.shape_cast %get3A_328 : vector<1x1x16xf32> to vector<16xf32>
        %mul3A_330 = arith.constant 5.000000e-02 : f32
        %mul3A_331 = vector.broadcast %mul3A_330 : f32 to vector<16xf32>
        %mul3A_332 = arith.mulf %get3A_329, %mul3A_331 : vector<16xf32>
        %swap3A = arith.constant 0 : i32
        %swap3A_333 = arith.index_cast %swap3A : i32 to index
        %swap3A_334 = arith.index_cast %add3A_324 : i32 to index
        %swap3A_335 = arith.constant 0 : index
        %swap3A_336 = tpu.vector_load %arg6[%swap3A_333, %swap3A_334, %swap3A_335] {strides = array<i32>} : memref<5x128x128xf32, #tpu.memory_space<vmem>>, vector<1x1x16xf32>,
        %swap3A_337 = vector.shape_cast %swap3A_336 : vector<1x1x16xf32> to vector<16xf32>
        %swap3A_338 = vector.shape_cast %mul3A_332 : vector<16xf32> to vector<1x1x16xf32>
        tpu.vector_store %arg6[%swap3A_333, %swap3A_334, %swap3A_335], %swap3A_338 {strides = array<i32>} : memref<5x128x128xf32, #tpu.memory_space<vmem>>, vector<1x1x16xf32>,
        %get3A_339 = arith.constant 0 : i32
        %get3A_340 = arith.index_cast %get3A_339 : i32 to index
        %get3A_341 = arith.index_cast %add3A_324 : i32 to index
        %get3A_342 = arith.constant 16 : index
        %get3A_343 = tpu.vector_load %arg6[%get3A_340, %get3A_341, %get3A_342] {strides = array<i32>} : memref<5x128x128xf32, #tpu.memory_space<vmem>>, vector<1x1x16xf32>,
        %get3A_344 = vector.shape_cast %get3A_343 : vector<1x1x16xf32> to vector<16xf32>
        %mul3A_345 = arith.constant 5.000000e-02 : f32
        %mul3A_346 = vector.broadcast %mul3A_345 : f32 to vector<16xf32>
        %mul3A_347 = arith.mulf %get3A_344, %mul3A_346 : vector<16xf32>
        %swap3A_348 = arith.constant 0 : i32
        %swap3A_349 = arith.index_cast %swap3A_348 : i32 to index
        %swap3A_350 = arith.index_cast %add3A_324 : i32 to index
        %swap3A_351 = arith.constant 16 : index
        %swap3A_352 = tpu.vector_load %arg6[%swap3A_349, %swap3A_350, %swap3A_351] {strides = array<i32>} : memref<5x128x128xf32, #tpu.memory_space<vmem>>, vector<1x1x16xf32>,
        %swap3A_353 = vector.shape_cast %swap3A_352 : vector<1x1x16xf32> to vector<16xf32>
        %swap3A_354 = vector.shape_cast %mul3A_347 : vector<16xf32> to vector<1x1x16xf32>
        tpu.vector_store %arg6[%swap3A_349, %swap3A_350, %swap3A_351], %swap3A_354 {strides = array<i32>} : memref<5x128x128xf32, #tpu.memory_space<vmem>>, vector<1x1x16xf32>,
        %get3A_355 = arith.constant 0 : i32
        %get3A_356 = arith.index_cast %get3A_355 : i32 to index
        %get3A_357 = arith.index_cast %add3A_324 : i32 to index
        %get3A_358 = arith.constant 32 : index
        %get3A_359 = tpu.vector_load %arg6[%get3A_356, %get3A_357, %get3A_358] {strides = array<i32>} : memref<5x128x128xf32, #tpu.memory_space<vmem>>, vector<1x1x16xf32>,
        %get3A_360 = vector.shape_cast %get3A_359 : vector<1x1x16xf32> to vector<16xf32>
        %mul3A_361 = arith.constant 5.000000e-02 : f32
        %mul3A_362 = vector.broadcast %mul3A_361 : f32 to vector<16xf32>
        %mul3A_363 = arith.mulf %get3A_360, %mul3A_362 : vector<16xf32>
        %swap3A_364 = arith.constant 0 : i32
        %swap3A_365 = arith.index_cast %swap3A_364 : i32 to index
        %swap3A_366 = arith.index_cast %add3A_324 : i32 to index
        %swap3A_367 = arith.constant 32 : index
        %swap3A_368 = tpu.vector_load %arg6[%swap3A_365, %swap3A_366, %swap3A_367] {strides = array<i32>} : memref<5x128x128xf32, #tpu.memory_space<vmem>>, vector<1x1x16xf32>,
        %swap3A_369 = vector.shape_cast %swap3A_368 : vector<1x1x16xf32> to vector<16xf32>
        %swap3A_370 = vector.shape_cast %mul3A_363 : vector<16xf32> to vector<1x1x16xf32>
        tpu.vector_store %arg6[%swap3A_365, %swap3A_366, %swap3A_367], %swap3A_370 {strides = array<i32>} : memref<5x128x128xf32, #tpu.memory_space<vmem>>, vector<1x1x16xf32>,
        %get3A_371 = arith.constant 0 : i32
        %get3A_372 = arith.index_cast %get3A_371 : i32 to index
        %get3A_373 = arith.index_cast %add3A_324 : i32 to index
        %get3A_374 = arith.constant 48 : index
        %get3A_375 = tpu.vector_load %arg6[%get3A_372, %get3A_373, %get3A_374] {strides = array<i32>} : memref<5x128x128xf32, #tpu.memory_space<vmem>>, vector<1x1x16xf32>,
        %get3A_376 = vector.shape_cast %get3A_375 : vector<1x1x16xf32> to vector<16xf32>
        %mul3A_377 = arith.constant 5.000000e-02 : f32
        %mul3A_378 = vector.broadcast %mul3A_377 : f32 to vector<16xf32>
        %mul3A_379 = arith.mulf %get3A_376, %mul3A_378 : vector<16xf32>
        %swap3A_380 = arith.constant 0 : i32
        %swap3A_381 = arith.index_cast %swap3A_380 : i32 to index
        %swap3A_382 = arith.index_cast %add3A_324 : i32 to index
        %swap3A_383 = arith.constant 48 : index
        %swap3A_384 = tpu.vector_load %arg6[%swap3A_381, %swap3A_382, %swap3A_383] {strides = array<i32>} : memref<5x128x128xf32, #tpu.memory_space<vmem>>, vector<1x1x16xf32>,
        %swap3A_385 = vector.shape_cast %swap3A_384 : vector<1x1x16xf32> to vector<16xf32>
        %swap3A_386 = vector.shape_cast %mul3A_379 : vector<16xf32> to vector<1x1x16xf32>
        tpu.vector_store %arg6[%swap3A_381, %swap3A_382, %swap3A_383], %swap3A_386 {strides = array<i32>} : memref<5x128x128xf32, #tpu.memory_space<vmem>>, vector<1x1x16xf32>,
        %get3A_387 = arith.constant 0 : i32
        %get3A_388 = arith.index_cast %get3A_387 : i32 to index
        %get3A_389 = arith.index_cast %add3A_324 : i32 to index
        %get3A_390 = arith.constant 64 : index
        %get3A_391 = tpu.vector_load %arg6[%get3A_388, %get3A_389, %get3A_390] {strides = array<i32>} : memref<5x128x128xf32, #tpu.memory_space<vmem>>, vector<1x1x16xf32>,
        %get3A_392 = vector.shape_cast %get3A_391 : vector<1x1x16xf32> to vector<16xf32>
        %mul3A_393 = arith.constant 5.000000e-02 : f32
        %mul3A_394 = vector.broadcast %mul3A_393 : f32 to vector<16xf32>
        %mul3A_395 = arith.mulf %get3A_392, %mul3A_394 : vector<16xf32>
        %swap3A_396 = arith.constant 0 : i32
        %swap3A_397 = arith.index_cast %swap3A_396 : i32 to index
        %swap3A_398 = arith.index_cast %add3A_324 : i32 to index
        %swap3A_399 = arith.constant 64 : index
        %swap3A_400 = tpu.vector_load %arg6[%swap3A_397, %swap3A_398, %swap3A_399] {strides = array<i32>} : memref<5x128x128xf32, #tpu.memory_space<vmem>>, vector<1x1x16xf32>,
        %swap3A_401 = vector.shape_cast %swap3A_400 : vector<1x1x16xf32> to vector<16xf32>
        %swap3A_402 = vector.shape_cast %mul3A_395 : vector<16xf32> to vector<1x1x16xf32>
        tpu.vector_store %arg6[%swap3A_397, %swap3A_398, %swap3A_399], %swap3A_402 {strides = array<i32>} : memref<5x128x128xf32, #tpu.memory_space<vmem>>, vector<1x1x16xf32>,
        %get3A_403 = arith.constant 0 : i32
        %get3A_404 = arith.index_cast %get3A_403 : i32 to index
        %get3A_405 = arith.index_cast %add3A_324 : i32 to index
        %get3A_406 = arith.constant 80 : index
        %get3A_407 = tpu.vector_load %arg6[%get3A_404, %get3A_405, %get3A_406] {strides = array<i32>} : memref<5x128x128xf32, #tpu.memory_space<vmem>>, vector<1x1x16xf32>,
        %get3A_408 = vector.shape_cast %get3A_407 : vector<1x1x16xf32> to vector<16xf32>
        %mul3A_409 = arith.constant 5.000000e-02 : f32
        %mul3A_410 = vector.broadcast %mul3A_409 : f32 to vector<16xf32>
        %mul3A_411 = arith.mulf %get3A_408, %mul3A_410 : vector<16xf32>
        %swap3A_412 = arith.constant 0 : i32
        %swap3A_413 = arith.index_cast %swap3A_412 : i32 to index
        %swap3A_414 = arith.index_cast %add3A_324 : i32 to index
        %swap3A_415 = arith.constant 80 : index
        %swap3A_416 = tpu.vector_load %arg6[%swap3A_413, %swap3A_414, %swap3A_415] {strides = array<i32>} : memref<5x128x128xf32, #tpu.memory_space<vmem>>, vector<1x1x16xf32>,
        %swap3A_417 = vector.shape_cast %swap3A_416 : vector<1x1x16xf32> to vector<16xf32>
        %swap3A_418 = vector.shape_cast %mul3A_411 : vector<16xf32> to vector<1x1x16xf32>
        tpu.vector_store %arg6[%swap3A_413, %swap3A_414, %swap3A_415], %swap3A_418 {strides = array<i32>} : memref<5x128x128xf32, #tpu.memory_space<vmem>>, vector<1x1x16xf32>,
        %get3A_419 = arith.constant 0 : i32
        %get3A_420 = arith.index_cast %get3A_419 : i32 to index
        %get3A_421 = arith.index_cast %add3A_324 : i32 to index
        %get3A_422 = arith.constant 96 : index
        %get3A_423 = tpu.vector_load %arg6[%get3A_420, %get3A_421, %get3A_422] {strides = array<i32>} : memref<5x128x128xf32, #tpu.memory_space<vmem>>, vector<1x1x16xf32>,
        %get3A_424 = vector.shape_cast %get3A_423 : vector<1x1x16xf32> to vector<16xf32>
        %mul3A_425 = arith.constant 5.000000e-02 : f32
        %mul3A_426 = vector.broadcast %mul3A_425 : f32 to vector<16xf32>
        %mul3A_427 = arith.mulf %get3A_424, %mul3A_426 : vector<16xf32>
        %swap3A_428 = arith.constant 0 : i32
        %swap3A_429 = arith.index_cast %swap3A_428 : i32 to index
        %swap3A_430 = arith.index_cast %add3A_324 : i32 to index
        %swap3A_431 = arith.constant 96 : index
        %swap3A_432 = tpu.vector_load %arg6[%swap3A_429, %swap3A_430, %swap3A_431] {strides = array<i32>} : memref<5x128x128xf32, #tpu.memory_space<vmem>>, vector<1x1x16xf32>,
        %swap3A_433 = vector.shape_cast %swap3A_432 : vector<1x1x16xf32> to vector<16xf32>
        %swap3A_434 = vector.shape_cast %mul3A_427 : vector<16xf32> to vector<1x1x16xf32>
        tpu.vector_store %arg6[%swap3A_429, %swap3A_430, %swap3A_431], %swap3A_434 {strides = array<i32>} : memref<5x128x128xf32, #tpu.memory_space<vmem>>, vector<1x1x16xf32>,
        %get3A_435 = arith.constant 0 : i32
        %get3A_436 = arith.index_cast %get3A_435 : i32 to index
        %get3A_437 = arith.index_cast %add3A_324 : i32 to index
        %get3A_438 = arith.constant 112 : index
        %get3A_439 = tpu.vector_load %arg6[%get3A_436, %get3A_437, %get3A_438] {strides = array<i32>} : memref<5x128x128xf32, #tpu.memory_space<vmem>>, vector<1x1x16xf32>,
        %get3A_440 = vector.shape_cast %get3A_439 : vector<1x1x16xf32> to vector<16xf32>
        %mul3A_441 = arith.constant 5.000000e-02 : f32
        %mul3A_442 = vector.broadcast %mul3A_441 : f32 to vector<16xf32>
        %mul3A_443 = arith.mulf %get3A_440, %mul3A_442 : vector<16xf32>
        %swap3A_444 = arith.constant 0 : i32
        %swap3A_445 = arith.index_cast %swap3A_444 : i32 to index
        %swap3A_446 = arith.index_cast %add3A_324 : i32 to index
        %swap3A_447 = arith.constant 112 : index
        %swap3A_448 = tpu.vector_load %arg6[%swap3A_445, %swap3A_446, %swap3A_447] {strides = array<i32>} : memref<5x128x128xf32, #tpu.memory_space<vmem>>, vector<1x1x16xf32>,
        %swap3A_449 = vector.shape_cast %swap3A_448 : vector<1x1x16xf32> to vector<16xf32>
        %swap3A_450 = vector.shape_cast %mul3A_443 : vector<16xf32> to vector<1x1x16xf32>
        tpu.vector_store %arg6[%swap3A_445, %swap3A_446, %swap3A_447], %swap3A_450 {strides = array<i32>} : memref<5x128x128xf32, #tpu.memory_space<vmem>>, vector<1x1x16xf32>,
        %scan3A_451 = arith.constant 1 : i32
        %scan3A_452 = arith.addi %scan3A_320, %scan3A_451 : i32
        %mul3A_453 = arith.constant 1 : i32
        %mul3A_454 = arith.muli %scan3A_452, %mul3A_453 : i32
        %add3A_455 = arith.constant 0 : i32
        %add3A_456 = arith.addi %add3A_455, %mul3A_454 : i32
        %get3A_457 = arith.constant 0 : i32
        %get3A_458 = arith.index_cast %get3A_457 : i32 to index
        %get3A_459 = arith.index_cast %add3A_456 : i32 to index
        %get3A_460 = arith.constant 0 : index
        %get3A_461 = tpu.vector_load %arg6[%get3A_458, %get3A_459, %get3A_460] {strides = array<i32>} : memref<5x128x128xf32, #tpu.memory_space<vmem>>, vector<1x1x16xf32>,
        %get3A_462 = vector.shape_cast %get3A_461 : vector<1x1x16xf32> to vector<16xf32>
        %mul3A_463 = arith.constant 5.000000e-02 : f32
        %mul3A_464 = vector.broadcast %mul3A_463 : f32 to vector<16xf32>
        %mul3A_465 = arith.mulf %get3A_462, %mul3A_464 : vector<16xf32>
        %swap3A_466 = arith.constant 0 : i32
        %swap3A_467 = arith.index_cast %swap3A_466 : i32 to index
        %swap3A_468 = arith.index_cast %add3A_456 : i32 to index
        %swap3A_469 = arith.constant 0 : index
        %swap3A_470 = tpu.vector_load %arg6[%swap3A_467, %swap3A_468, %swap3A_469] {strides = array<i32>} : memref<5x128x128xf32, #tpu.memory_space<vmem>>, vector<1x1x16xf32>,
        %swap3A_471 = vector.shape_cast %swap3A_470 : vector<1x1x16xf32> to vector<16xf32>
        %swap3A_472 = vector.shape_cast %mul3A_465 : vector<16xf32> to vector<1x1x16xf32>
        tpu.vector_store %arg6[%swap3A_467, %swap3A_468, %swap3A_469], %swap3A_472 {strides = array<i32>} : memref<5x128x128xf32, #tpu.memory_space<vmem>>, vector<1x1x16xf32>,
        %get3A_473 = arith.constant 0 : i32
        %get3A_474 = arith.index_cast %get3A_473 : i32 to index
        %get3A_475 = arith.index_cast %add3A_456 : i32 to index
        %get3A_476 = arith.constant 16 : index
        %get3A_477 = tpu.vector_load %arg6[%get3A_474, %get3A_475, %get3A_476] {strides = array<i32>} : memref<5x128x128xf32, #tpu.memory_space<vmem>>, vector<1x1x16xf32>,
        %get3A_478 = vector.shape_cast %get3A_477 : vector<1x1x16xf32> to vector<16xf32>
        %mul3A_479 = arith.constant 5.000000e-02 : f32
        %mul3A_480 = vector.broadcast %mul3A_479 : f32 to vector<16xf32>
        %mul3A_481 = arith.mulf %get3A_478, %mul3A_480 : vector<16xf32>
        %swap3A_482 = arith.constant 0 : i32
        %swap3A_483 = arith.index_cast %swap3A_482 : i32 to index
        %swap3A_484 = arith.index_cast %add3A_456 : i32 to index
        %swap3A_485 = arith.constant 16 : index
        %swap3A_486 = tpu.vector_load %arg6[%swap3A_483, %swap3A_484, %swap3A_485] {strides = array<i32>} : memref<5x128x128xf32, #tpu.memory_space<vmem>>, vector<1x1x16xf32>,
        %swap3A_487 = vector.shape_cast %swap3A_486 : vector<1x1x16xf32> to vector<16xf32>
        %swap3A_488 = vector.shape_cast %mul3A_481 : vector<16xf32> to vector<1x1x16xf32>
        tpu.vector_store %arg6[%swap3A_483, %swap3A_484, %swap3A_485], %swap3A_488 {strides = array<i32>} : memref<5x128x128xf32, #tpu.memory_space<vmem>>, vector<1x1x16xf32>,
        %get3A_489 = arith.constant 0 : i32
        %get3A_490 = arith.index_cast %get3A_489 : i32 to index
        %get3A_491 = arith.index_cast %add3A_456 : i32 to index
        %get3A_492 = arith.constant 32 : index
        %get3A_493 = tpu.vector_load %arg6[%get3A_490, %get3A_491, %get3A_492] {strides = array<i32>} : memref<5x128x128xf32, #tpu.memory_space<vmem>>, vector<1x1x16xf32>,
        %get3A_494 = vector.shape_cast %get3A_493 : vector<1x1x16xf32> to vector<16xf32>
        %mul3A_495 = arith.constant 5.000000e-02 : f32
        %mul3A_496 = vector.broadcast %mul3A_495 : f32 to vector<16xf32>
        %mul3A_497 = arith.mulf %get3A_494, %mul3A_496 : vector<16xf32>
        %swap3A_498 = arith.constant 0 : i32
        %swap3A_499 = arith.index_cast %swap3A_498 : i32 to index
        %swap3A_500 = arith.index_cast %add3A_456 : i32 to index
        %swap3A_501 = arith.constant 32 : index
        %swap3A_502 = tpu.vector_load %arg6[%swap3A_499, %swap3A_500, %swap3A_501] {strides = array<i32>} : memref<5x128x128xf32, #tpu.memory_space<vmem>>, vector<1x1x16xf32>,
        %swap3A_503 = vector.shape_cast %swap3A_502 : vector<1x1x16xf32> to vector<16xf32>
        %swap3A_504 = vector.shape_cast %mul3A_497 : vector<16xf32> to vector<1x1x16xf32>
        tpu.vector_store %arg6[%swap3A_499, %swap3A_500, %swap3A_501], %swap3A_504 {strides = array<i32>} : memref<5x128x128xf32, #tpu.memory_space<vmem>>, vector<1x1x16xf32>,
        %get3A_505 = arith.constant 0 : i32
        %get3A_506 = arith.index_cast %get3A_505 : i32 to index
        %get3A_507 = arith.index_cast %add3A_456 : i32 to index
        %get3A_508 = arith.constant 48 : index
        %get3A_509 = tpu.vector_load %arg6[%get3A_506, %get3A_507, %get3A_508] {strides = array<i32>} : memref<5x128x128xf32, #tpu.memory_space<vmem>>, vector<1x1x16xf32>,
        %get3A_510 = vector.shape_cast %get3A_509 : vector<1x1x16xf32> to vector<16xf32>
        %mul3A_511 = arith.constant 5.000000e-02 : f32
        %mul3A_512 = vector.broadcast %mul3A_511 : f32 to vector<16xf32>
        %mul3A_513 = arith.mulf %get3A_510, %mul3A_512 : vector<16xf32>
        %swap3A_514 = arith.constant 0 : i32
        %swap3A_515 = arith.index_cast %swap3A_514 : i32 to index
        %swap3A_516 = arith.index_cast %add3A_456 : i32 to index
        %swap3A_517 = arith.constant 48 : index
        %swap3A_518 = tpu.vector_load %arg6[%swap3A_515, %swap3A_516, %swap3A_517] {strides = array<i32>} : memref<5x128x128xf32, #tpu.memory_space<vmem>>, vector<1x1x16xf32>,
        %swap3A_519 = vector.shape_cast %swap3A_518 : vector<1x1x16xf32> to vector<16xf32>
        %swap3A_520 = vector.shape_cast %mul3A_513 : vector<16xf32> to vector<1x1x16xf32>
        tpu.vector_store %arg6[%swap3A_515, %swap3A_516, %swap3A_517], %swap3A_520 {strides = array<i32>} : memref<5x128x128xf32, #tpu.memory_space<vmem>>, vector<1x1x16xf32>,
        %get3A_521 = arith.constant 0 : i32
        %get3A_522 = arith.index_cast %get3A_521 : i32 to index
        %get3A_523 = arith.index_cast %add3A_456 : i32 to index
        %get3A_524 = arith.constant 64 : index
        %get3A_525 = tpu.vector_load %arg6[%get3A_522, %get3A_523, %get3A_524] {strides = array<i32>} : memref<5x128x128xf32, #tpu.memory_space<vmem>>, vector<1x1x16xf32>,
        %get3A_526 = vector.shape_cast %get3A_525 : vector<1x1x16xf32> to vector<16xf32>
        %mul3A_527 = arith.constant 5.000000e-02 : f32
        %mul3A_528 = vector.broadcast %mul3A_527 : f32 to vector<16xf32>
        %mul3A_529 = arith.mulf %get3A_526, %mul3A_528 : vector<16xf32>
        %swap3A_530 = arith.constant 0 : i32
        %swap3A_531 = arith.index_cast %swap3A_530 : i32 to index
        %swap3A_532 = arith.index_cast %add3A_456 : i32 to index
        %swap3A_533 = arith.constant 64 : index
        %swap3A_534 = tpu.vector_load %arg6[%swap3A_531, %swap3A_532, %swap3A_533] {strides = array<i32>} : memref<5x128x128xf32, #tpu.memory_space<vmem>>, vector<1x1x16xf32>,
        %swap3A_535 = vector.shape_cast %swap3A_534 : vector<1x1x16xf32> to vector<16xf32>
        %swap3A_536 = vector.shape_cast %mul3A_529 : vector<16xf32> to vector<1x1x16xf32>
        tpu.vector_store %arg6[%swap3A_531, %swap3A_532, %swap3A_533], %swap3A_536 {strides = array<i32>} : memref<5x128x128xf32, #tpu.memory_space<vmem>>, vector<1x1x16xf32>,
        %get3A_537 = arith.constant 0 : i32
        %get3A_538 = arith.index_cast %get3A_537 : i32 to index
        %get3A_539 = arith.index_cast %add3A_456 : i32 to index
        %get3A_540 = arith.constant 80 : index
        %get3A_541 = tpu.vector_load %arg6[%get3A_538, %get3A_539, %get3A_540] {strides = array<i32>} : memref<5x128x128xf32, #tpu.memory_space<vmem>>, vector<1x1x16xf32>,
        %get3A_542 = vector.shape_cast %get3A_541 : vector<1x1x16xf32> to vector<16xf32>
        %mul3A_543 = arith.constant 5.000000e-02 : f32
        %mul3A_544 = vector.broadcast %mul3A_543 : f32 to vector<16xf32>
        %mul3A_545 = arith.mulf %get3A_542, %mul3A_544 : vector<16xf32>
        %swap3A_546 = arith.constant 0 : i32
        %swap3A_547 = arith.index_cast %swap3A_546 : i32 to index
        %swap3A_548 = arith.index_cast %add3A_456 : i32 to index
        %swap3A_549 = arith.constant 80 : index
        %swap3A_550 = tpu.vector_load %arg6[%swap3A_547, %swap3A_548, %swap3A_549] {strides = array<i32>} : memref<5x128x128xf32, #tpu.memory_space<vmem>>, vector<1x1x16xf32>,
        %swap3A_551 = vector.shape_cast %swap3A_550 : vector<1x1x16xf32> to vector<16xf32>
        %swap3A_552 = vector.shape_cast %mul3A_545 : vector<16xf32> to vector<1x1x16xf32>
        tpu.vector_store %arg6[%swap3A_547, %swap3A_548, %swap3A_549], %swap3A_552 {strides = array<i32>} : memref<5x128x128xf32, #tpu.memory_space<vmem>>, vector<1x1x16xf32>,
        %get3A_553 = arith.constant 0 : i32
        %get3A_554 = arith.index_cast %get3A_553 : i32 to index
        %get3A_555 = arith.index_cast %add3A_456 : i32 to index
        %get3A_556 = arith.constant 96 : index
        %get3A_557 = tpu.vector_load %arg6[%get3A_554, %get3A_555, %get3A_556] {strides = array<i32>} : memref<5x128x128xf32, #tpu.memory_space<vmem>>, vector<1x1x16xf32>,
        %get3A_558 = vector.shape_cast %get3A_557 : vector<1x1x16xf32> to vector<16xf32>
        %mul3A_559 = arith.constant 5.000000e-02 : f32
        %mul3A_560 = vector.broadcast %mul3A_559 : f32 to vector<16xf32>
        %mul3A_561 = arith.mulf %get3A_558, %mul3A_560 : vector<16xf32>
        %swap3A_562 = arith.constant 0 : i32
        %swap3A_563 = arith.index_cast %swap3A_562 : i32 to index
        %swap3A_564 = arith.index_cast %add3A_456 : i32 to index
        %swap3A_565 = arith.constant 96 : index
        %swap3A_566 = tpu.vector_load %arg6[%swap3A_563, %swap3A_564, %swap3A_565] {strides = array<i32>} : memref<5x128x128xf32, #tpu.memory_space<vmem>>, vector<1x1x16xf32>,
        %swap3A_567 = vector.shape_cast %swap3A_566 : vector<1x1x16xf32> to vector<16xf32>
        %swap3A_568 = vector.shape_cast %mul3A_561 : vector<16xf32> to vector<1x1x16xf32>
        tpu.vector_store %arg6[%swap3A_563, %swap3A_564, %swap3A_565], %swap3A_568 {strides = array<i32>} : memref<5x128x128xf32, #tpu.memory_space<vmem>>, vector<1x1x16xf32>,
        %get3A_569 = arith.constant 0 : i32
        %get3A_570 = arith.index_cast %get3A_569 : i32 to index
        %get3A_571 = arith.index_cast %add3A_456 : i32 to index
        %get3A_572 = arith.constant 112 : index
        %get3A_573 = tpu.vector_load %arg6[%get3A_570, %get3A_571, %get3A_572] {strides = array<i32>} : memref<5x128x128xf32, #tpu.memory_space<vmem>>, vector<1x1x16xf32>,
        %get3A_574 = vector.shape_cast %get3A_573 : vector<1x1x16xf32> to vector<16xf32>
        %mul3A_575 = arith.constant 5.000000e-02 : f32
        %mul3A_576 = vector.broadcast %mul3A_575 : f32 to vector<16xf32>
        %mul3A_577 = arith.mulf %get3A_574, %mul3A_576 : vector<16xf32>
        %swap3A_578 = arith.constant 0 : i32
        %swap3A_579 = arith.index_cast %swap3A_578 : i32 to index
        %swap3A_580 = arith.index_cast %add3A_456 : i32 to index
        %swap3A_581 = arith.constant 112 : index
        %swap3A_582 = tpu.vector_load %arg6[%swap3A_579, %swap3A_580, %swap3A_581] {strides = array<i32>} : memref<5x128x128xf32, #tpu.memory_space<vmem>>, vector<1x1x16xf32>,
        %swap3A_583 = vector.shape_cast %swap3A_582 : vector<1x1x16xf32> to vector<16xf32>
        %swap3A_584 = vector.shape_cast %mul3A_577 : vector<16xf32> to vector<1x1x16xf32>
        tpu.vector_store %arg6[%swap3A_579, %swap3A_580, %swap3A_581], %swap3A_584 {strides = array<i32>} : memref<5x128x128xf32, #tpu.memory_space<vmem>>, vector<1x1x16xf32>,
        %scan3A_585 = arith.constant 2 : i32
        %scan3A_586 = arith.addi %scan3A_320, %scan3A_585 : i32
        %mul3A_587 = arith.constant 1 : i32
        %mul3A_588 = arith.muli %scan3A_586, %mul3A_587 : i32
        %add3A_589 = arith.constant 0 : i32
        %add3A_590 = arith.addi %add3A_589, %mul3A_588 : i32
        %get3A_591 = arith.constant 0 : i32
        %get3A_592 = arith.index_cast %get3A_591 : i32 to index
        %get3A_593 = arith.index_cast %add3A_590 : i32 to index
        %get3A_594 = arith.constant 0 : index
        %get3A_595 = tpu.vector_load %arg6[%get3A_592, %get3A_593, %get3A_594] {strides = array<i32>} : memref<5x128x128xf32, #tpu.memory_space<vmem>>, vector<1x1x16xf32>,
        %get3A_596 = vector.shape_cast %get3A_595 : vector<1x1x16xf32> to vector<16xf32>
        %mul3A_597 = arith.constant 5.000000e-02 : f32
        %mul3A_598 = vector.broadcast %mul3A_597 : f32 to vector<16xf32>
        %mul3A_599 = arith.mulf %get3A_596, %mul3A_598 : vector<16xf32>
        %swap3A_600 = arith.constant 0 : i32
        %swap3A_601 = arith.index_cast %swap3A_600 : i32 to index
        %swap3A_602 = arith.index_cast %add3A_590 : i32 to index
        %swap3A_603 = arith.constant 0 : index
        %swap3A_604 = tpu.vector_load %arg6[%swap3A_601, %swap3A_602, %swap3A_603] {strides = array<i32>} : memref<5x128x128xf32, #tpu.memory_space<vmem>>, vector<1x1x16xf32>,
        %swap3A_605 = vector.shape_cast %swap3A_604 : vector<1x1x16xf32> to vector<16xf32>
        %swap3A_606 = vector.shape_cast %mul3A_599 : vector<16xf32> to vector<1x1x16xf32>
        tpu.vector_store %arg6[%swap3A_601, %swap3A_602, %swap3A_603], %swap3A_606 {strides = array<i32>} : memref<5x128x128xf32, #tpu.memory_space<vmem>>, vector<1x1x16xf32>,
        %get3A_607 = arith.constant 0 : i32
        %get3A_608 = arith.index_cast %get3A_607 : i32 to index
        %get3A_609 = arith.index_cast %add3A_590 : i32 to index
        %get3A_610 = arith.constant 16 : index
        %get3A_611 = tpu.vector_load %arg6[%get3A_608, %get3A_609, %get3A_610] {strides = array<i32>} : memref<5x128x128xf32, #tpu.memory_space<vmem>>, vector<1x1x16xf32>,
        %get3A_612 = vector.shape_cast %get3A_611 : vector<1x1x16xf32> to vector<16xf32>
        %mul3A_613 = arith.constant 5.000000e-02 : f32
        %mul3A_614 = vector.broadcast %mul3A_613 : f32 to vector<16xf32>
        %mul3A_615 = arith.mulf %get3A_612, %mul3A_614 : vector<16xf32>
        %swap3A_616 = arith.constant 0 : i32
        %swap3A_617 = arith.index_cast %swap3A_616 : i32 to index
        %swap3A_618 = arith.index_cast %add3A_590 : i32 to index
        %swap3A_619 = arith.constant 16 : index
        %swap3A_620 = tpu.vector_load %arg6[%swap3A_617, %swap3A_618, %swap3A_619] {strides = array<i32>} : memref<5x128x128xf32, #tpu.memory_space<vmem>>, vector<1x1x16xf32>,
        %swap3A_621 = vector.shape_cast %swap3A_620 : vector<1x1x16xf32> to vector<16xf32>
        %swap3A_622 = vector.shape_cast %mul3A_615 : vector<16xf32> to vector<1x1x16xf32>
        tpu.vector_store %arg6[%swap3A_617, %swap3A_618, %swap3A_619], %swap3A_622 {strides = array<i32>} : memref<5x128x128xf32, #tpu.memory_space<vmem>>, vector<1x1x16xf32>,
        %get3A_623 = arith.constant 0 : i32
        %get3A_624 = arith.index_cast %get3A_623 : i32 to index
        %get3A_625 = arith.index_cast %add3A_590 : i32 to index
        %get3A_626 = arith.constant 32 : index
        %get3A_627 = tpu.vector_load %arg6[%get3A_624, %get3A_625, %get3A_626] {strides = array<i32>} : memref<5x128x128xf32, #tpu.memory_space<vmem>>, vector<1x1x16xf32>,
        %get3A_628 = vector.shape_cast %get3A_627 : vector<1x1x16xf32> to vector<16xf32>
        %mul3A_629 = arith.constant 5.000000e-02 : f32
        %mul3A_630 = vector.broadcast %mul3A_629 : f32 to vector<16xf32>
        %mul3A_631 = arith.mulf %get3A_628, %mul3A_630 : vector<16xf32>
        %swap3A_632 = arith.constant 0 : i32
        %swap3A_633 = arith.index_cast %swap3A_632 : i32 to index
        %swap3A_634 = arith.index_cast %add3A_590 : i32 to index
        %swap3A_635 = arith.constant 32 : index
        %swap3A_636 = tpu.vector_load %arg6[%swap3A_633, %swap3A_634, %swap3A_635] {strides = array<i32>} : memref<5x128x128xf32, #tpu.memory_space<vmem>>, vector<1x1x16xf32>,
        %swap3A_637 = vector.shape_cast %swap3A_636 : vector<1x1x16xf32> to vector<16xf32>
        %swap3A_638 = vector.shape_cast %mul3A_631 : vector<16xf32> to vector<1x1x16xf32>
        tpu.vector_store %arg6[%swap3A_633, %swap3A_634, %swap3A_635], %swap3A_638 {strides = array<i32>} : memref<5x128x128xf32, #tpu.memory_space<vmem>>, vector<1x1x16xf32>,
        %get3A_639 = arith.constant 0 : i32
        %get3A_640 = arith.index_cast %get3A_639 : i32 to index
        %get3A_641 = arith.index_cast %add3A_590 : i32 to index
        %get3A_642 = arith.constant 48 : index
        %get3A_643 = tpu.vector_load %arg6[%get3A_640, %get3A_641, %get3A_642] {strides = array<i32>} : memref<5x128x128xf32, #tpu.memory_space<vmem>>, vector<1x1x16xf32>,
        %get3A_644 = vector.shape_cast %get3A_643 : vector<1x1x16xf32> to vector<16xf32>
        %mul3A_645 = arith.constant 5.000000e-02 : f32
        %mul3A_646 = vector.broadcast %mul3A_645 : f32 to vector<16xf32>
        %mul3A_647 = arith.mulf %get3A_644, %mul3A_646 : vector<16xf32>
        %swap3A_648 = arith.constant 0 : i32
        %swap3A_649 = arith.index_cast %swap3A_648 : i32 to index
        %swap3A_650 = arith.index_cast %add3A_590 : i32 to index
        %swap3A_651 = arith.constant 48 : index
        %swap3A_652 = tpu.vector_load %arg6[%swap3A_649, %swap3A_650, %swap3A_651] {strides = array<i32>} : memref<5x128x128xf32, #tpu.memory_space<vmem>>, vector<1x1x16xf32>,
        %swap3A_653 = vector.shape_cast %swap3A_652 : vector<1x1x16xf32> to vector<16xf32>
        %swap3A_654 = vector.shape_cast %mul3A_647 : vector<16xf32> to vector<1x1x16xf32>
        tpu.vector_store %arg6[%swap3A_649, %swap3A_650, %swap3A_651], %swap3A_654 {strides = array<i32>} : memref<5x128x128xf32, #tpu.memory_space<vmem>>, vector<1x1x16xf32>,
        %get3A_655 = arith.constant 0 : i32
        %get3A_656 = arith.index_cast %get3A_655 : i32 to index
        %get3A_657 = arith.index_cast %add3A_590 : i32 to index
        %get3A_658 = arith.constant 64 : index
        %get3A_659 = tpu.vector_load %arg6[%get3A_656, %get3A_657, %get3A_658] {strides = array<i32>} : memref<5x128x128xf32, #tpu.memory_space<vmem>>, vector<1x1x16xf32>,
        %get3A_660 = vector.shape_cast %get3A_659 : vector<1x1x16xf32> to vector<16xf32>
        %mul3A_661 = arith.constant 5.000000e-02 : f32
        %mul3A_662 = vector.broadcast %mul3A_661 : f32 to vector<16xf32>
        %mul3A_663 = arith.mulf %get3A_660, %mul3A_662 : vector<16xf32>
        %swap3A_664 = arith.constant 0 : i32
        %swap3A_665 = arith.index_cast %swap3A_664 : i32 to index
        %swap3A_666 = arith.index_cast %add3A_590 : i32 to index
        %swap3A_667 = arith.constant 64 : index
        %swap3A_668 = tpu.vector_load %arg6[%swap3A_665, %swap3A_666, %swap3A_667] {strides = array<i32>} : memref<5x128x128xf32, #tpu.memory_space<vmem>>, vector<1x1x16xf32>,
        %swap3A_669 = vector.shape_cast %swap3A_668 : vector<1x1x16xf32> to vector<16xf32>
        %swap3A_670 = vector.shape_cast %mul3A_663 : vector<16xf32> to vector<1x1x16xf32>
        tpu.vector_store %arg6[%swap3A_665, %swap3A_666, %swap3A_667], %swap3A_670 {strides = array<i32>} : memref<5x128x128xf32, #tpu.memory_space<vmem>>, vector<1x1x16xf32>,
        %get3A_671 = arith.constant 0 : i32
        %get3A_672 = arith.index_cast %get3A_671 : i32 to index
        %get3A_673 = arith.index_cast %add3A_590 : i32 to index
        %get3A_674 = arith.constant 80 : index
        %get3A_675 = tpu.vector_load %arg6[%get3A_672, %get3A_673, %get3A_674] {strides = array<i32>} : memref<5x128x128xf32, #tpu.memory_space<vmem>>, vector<1x1x16xf32>,
        %get3A_676 = vector.shape_cast %get3A_675 : vector<1x1x16xf32> to vector<16xf32>
        %mul3A_677 = arith.constant 5.000000e-02 : f32
        %mul3A_678 = vector.broadcast %mul3A_677 : f32 to vector<16xf32>
        %mul3A_679 = arith.mulf %get3A_676, %mul3A_678 : vector<16xf32>
        %swap3A_680 = arith.constant 0 : i32
        %swap3A_681 = arith.index_cast %swap3A_680 : i32 to index
        %swap3A_682 = arith.index_cast %add3A_590 : i32 to index
        %swap3A_683 = arith.constant 80 : index
        %swap3A_684 = tpu.vector_load %arg6[%swap3A_681, %swap3A_682, %swap3A_683] {strides = array<i32>} : memref<5x128x128xf32, #tpu.memory_space<vmem>>, vector<1x1x16xf32>,
        %swap3A_685 = vector.shape_cast %swap3A_684 : vector<1x1x16xf32> to vector<16xf32>
        %swap3A_686 = vector.shape_cast %mul3A_679 : vector<16xf32> to vector<1x1x16xf32>
        tpu.vector_store %arg6[%swap3A_681, %swap3A_682, %swap3A_683], %swap3A_686 {strides = array<i32>} : memref<5x128x128xf32, #tpu.memory_space<vmem>>, vector<1x1x16xf32>,
        %get3A_687 = arith.constant 0 : i32
        %get3A_688 = arith.index_cast %get3A_687 : i32 to index
        %get3A_689 = arith.index_cast %add3A_590 : i32 to index
        %get3A_690 = arith.constant 96 : index
        %get3A_691 = tpu.vector_load %arg6[%get3A_688, %get3A_689, %get3A_690] {strides = array<i32>} : memref<5x128x128xf32, #tpu.memory_space<vmem>>, vector<1x1x16xf32>,
        %get3A_692 = vector.shape_cast %get3A_691 : vector<1x1x16xf32> to vector<16xf32>
        %mul3A_693 = arith.constant 5.000000e-02 : f32
        %mul3A_694 = vector.broadcast %mul3A_693 : f32 to vector<16xf32>
        %mul3A_695 = arith.mulf %get3A_692, %mul3A_694 : vector<16xf32>
        %swap3A_696 = arith.constant 0 : i32
        %swap3A_697 = arith.index_cast %swap3A_696 : i32 to index
        %swap3A_698 = arith.index_cast %add3A_590 : i32 to index
        %swap3A_699 = arith.constant 96 : index
        %swap3A_700 = tpu.vector_load %arg6[%swap3A_697, %swap3A_698, %swap3A_699] {strides = array<i32>} : memref<5x128x128xf32, #tpu.memory_space<vmem>>, vector<1x1x16xf32>,
        %swap3A_701 = vector.shape_cast %swap3A_700 : vector<1x1x16xf32> to vector<16xf32>
        %swap3A_702 = vector.shape_cast %mul3A_695 : vector<16xf32> to vector<1x1x16xf32>
        tpu.vector_store %arg6[%swap3A_697, %swap3A_698, %swap3A_699], %swap3A_702 {strides = array<i32>} : memref<5x128x128xf32, #tpu.memory_space<vmem>>, vector<1x1x16xf32>,
        %get3A_703 = arith.constant 0 : i32
        %get3A_704 = arith.index_cast %get3A_703 : i32 to index
        %get3A_705 = arith.index_cast %add3A_590 : i32 to index
        %get3A_706 = arith.constant 112 : index
        %get3A_707 = tpu.vector_load %arg6[%get3A_704, %get3A_705, %get3A_706] {strides = array<i32>} : memref<5x128x128xf32, #tpu.memory_space<vmem>>, vector<1x1x16xf32>,
        %get3A_708 = vector.shape_cast %get3A_707 : vector<1x1x16xf32> to vector<16xf32>
        %mul3A_709 = arith.constant 5.000000e-02 : f32
        %mul3A_710 = vector.broadcast %mul3A_709 : f32 to vector<16xf32>
        %mul3A_711 = arith.mulf %get3A_708, %mul3A_710 : vector<16xf32>
        %swap3A_712 = arith.constant 0 : i32
        %swap3A_713 = arith.index_cast %swap3A_712 : i32 to index
        %swap3A_714 = arith.index_cast %add3A_590 : i32 to index
        %swap3A_715 = arith.constant 112 : index
        %swap3A_716 = tpu.vector_load %arg6[%swap3A_713, %swap3A_714, %swap3A_715] {strides = array<i32>} : memref<5x128x128xf32, #tpu.memory_space<vmem>>, vector<1x1x16xf32>,
        %swap3A_717 = vector.shape_cast %swap3A_716 : vector<1x1x16xf32> to vector<16xf32>
        %swap3A_718 = vector.shape_cast %mul3A_711 : vector<16xf32> to vector<1x1x16xf32>
        tpu.vector_store %arg6[%swap3A_713, %swap3A_714, %swap3A_715], %swap3A_718 {strides = array<i32>} : memref<5x128x128xf32, #tpu.memory_space<vmem>>, vector<1x1x16xf32>,
        %scan3A_719 = arith.constant 3 : i32
        %scan3A_720 = arith.addi %scan3A_320, %scan3A_719 : i32
        %mul3A_721 = arith.constant 1 : i32
        %mul3A_722 = arith.muli %scan3A_720, %mul3A_721 : i32
        %add3A_723 = arith.constant 0 : i32
        %add3A_724 = arith.addi %add3A_723, %mul3A_722 : i32
        %get3A_725 = arith.constant 0 : i32
        %get3A_726 = arith.index_cast %get3A_725 : i32 to index
        %get3A_727 = arith.index_cast %add3A_724 : i32 to index
        %get3A_728 = arith.constant 0 : index
        %get3A_729 = tpu.vector_load %arg6[%get3A_726, %get3A_727, %get3A_728] {strides = array<i32>} : memref<5x128x128xf32, #tpu.memory_space<vmem>>, vector<1x1x16xf32>,
        %get3A_730 = vector.shape_cast %get3A_729 : vector<1x1x16xf32> to vector<16xf32>
        %mul3A_731 = arith.constant 5.000000e-02 : f32
        %mul3A_732 = vector.broadcast %mul3A_731 : f32 to vector<16xf32>
        %mul3A_733 = arith.mulf %get3A_730, %mul3A_732 : vector<16xf32>
        %swap3A_734 = arith.constant 0 : i32
        %swap3A_735 = arith.index_cast %swap3A_734 : i32 to index
        %swap3A_736 = arith.index_cast %add3A_724 : i32 to index
        %swap3A_737 = arith.constant 0 : index
        %swap3A_738 = tpu.vector_load %arg6[%swap3A_735, %swap3A_736, %swap3A_737] {strides = array<i32>} : memref<5x128x128xf32, #tpu.memory_space<vmem>>, vector<1x1x16xf32>,
        %swap3A_739 = vector.shape_cast %swap3A_738 : vector<1x1x16xf32> to vector<16xf32>
        %swap3A_740 = vector.shape_cast %mul3A_733 : vector<16xf32> to vector<1x1x16xf32>
        tpu.vector_store %arg6[%swap3A_735, %swap3A_736, %swap3A_737], %swap3A_740 {strides = array<i32>} : memref<5x128x128xf32, #tpu.memory_space<vmem>>, vector<1x1x16xf32>,
        %get3A_741 = arith.constant 0 : i32
        %get3A_742 = arith.index_cast %get3A_741 : i32 to index
        %get3A_743 = arith.index_cast %add3A_724 : i32 to index
        %get3A_744 = arith.constant 16 : index
        %get3A_745 = tpu.vector_load %arg6[%get3A_742, %get3A_743, %get3A_744] {strides = array<i32>} : memref<5x128x128xf32, #tpu.memory_space<vmem>>, vector<1x1x16xf32>,
        %get3A_746 = vector.shape_cast %get3A_745 : vector<1x1x16xf32> to vector<16xf32>
        %mul3A_747 = arith.constant 5.000000e-02 : f32
        %mul3A_748 = vector.broadcast %mul3A_747 : f32 to vector<16xf32>
        %mul3A_749 = arith.mulf %get3A_746, %mul3A_748 : vector<16xf32>
        %swap3A_750 = arith.constant 0 : i32
        %swap3A_751 = arith.index_cast %swap3A_750 : i32 to index
        %swap3A_752 = arith.index_cast %add3A_724 : i32 to index
        %swap3A_753 = arith.constant 16 : index
        %swap3A_754 = tpu.vector_load %arg6[%swap3A_751, %swap3A_752, %swap3A_753] {strides = array<i32>} : memref<5x128x128xf32, #tpu.memory_space<vmem>>, vector<1x1x16xf32>,
        %swap3A_755 = vector.shape_cast %swap3A_754 : vector<1x1x16xf32> to vector<16xf32>
        %swap3A_756 = vector.shape_cast %mul3A_749 : vector<16xf32> to vector<1x1x16xf32>
        tpu.vector_store %arg6[%swap3A_751, %swap3A_752, %swap3A_753], %swap3A_756 {strides = array<i32>} : memref<5x128x128xf32, #tpu.memory_space<vmem>>, vector<1x1x16xf32>,
        %get3A_757 = arith.constant 0 : i32
        %get3A_758 = arith.index_cast %get3A_757 : i32 to index
        %get3A_759 = arith.index_cast %add3A_724 : i32 to index
        %get3A_760 = arith.constant 32 : index
        %get3A_761 = tpu.vector_load %arg6[%get3A_758, %get3A_759, %get3A_760] {strides = array<i32>} : memref<5x128x128xf32, #tpu.memory_space<vmem>>, vector<1x1x16xf32>,
        %get3A_762 = vector.shape_cast %get3A_761 : vector<1x1x16xf32> to vector<16xf32>
        %mul3A_763 = arith.constant 5.000000e-02 : f32
        %mul3A_764 = vector.broadcast %mul3A_763 : f32 to vector<16xf32>
        %mul3A_765 = arith.mulf %get3A_762, %mul3A_764 : vector<16xf32>
        %swap3A_766 = arith.constant 0 : i32
        %swap3A_767 = arith.index_cast %swap3A_766 : i32 to index
        %swap3A_768 = arith.index_cast %add3A_724 : i32 to index
        %swap3A_769 = arith.constant 32 : index
        %swap3A_770 = tpu.vector_load %arg6[%swap3A_767, %swap3A_768, %swap3A_769] {strides = array<i32>} : memref<5x128x128xf32, #tpu.memory_space<vmem>>, vector<1x1x16xf32>,
        %swap3A_771 = vector.shape_cast %swap3A_770 : vector<1x1x16xf32> to vector<16xf32>
        %swap3A_772 = vector.shape_cast %mul3A_765 : vector<16xf32> to vector<1x1x16xf32>
        tpu.vector_store %arg6[%swap3A_767, %swap3A_768, %swap3A_769], %swap3A_772 {strides = array<i32>} : memref<5x128x128xf32, #tpu.memory_space<vmem>>, vector<1x1x16xf32>,
        %get3A_773 = arith.constant 0 : i32
        %get3A_774 = arith.index_cast %get3A_773 : i32 to index
        %get3A_775 = arith.index_cast %add3A_724 : i32 to index
        %get3A_776 = arith.constant 48 : index
        %get3A_777 = tpu.vector_load %arg6[%get3A_774, %get3A_775, %get3A_776] {strides = array<i32>} : memref<5x128x128xf32, #tpu.memory_space<vmem>>, vector<1x1x16xf32>,
        %get3A_778 = vector.shape_cast %get3A_777 : vector<1x1x16xf32> to vector<16xf32>
        %mul3A_779 = arith.constant 5.000000e-02 : f32
        %mul3A_780 = vector.broadcast %mul3A_779 : f32 to vector<16xf32>
        %mul3A_781 = arith.mulf %get3A_778, %mul3A_780 : vector<16xf32>
        %swap3A_782 = arith.constant 0 : i32
        %swap3A_783 = arith.index_cast %swap3A_782 : i32 to index
        %swap3A_784 = arith.index_cast %add3A_724 : i32 to index
        %swap3A_785 = arith.constant 48 : index
        %swap3A_786 = tpu.vector_load %arg6[%swap3A_783, %swap3A_784, %swap3A_785] {strides = array<i32>} : memref<5x128x128xf32, #tpu.memory_space<vmem>>, vector<1x1x16xf32>,
        %swap3A_787 = vector.shape_cast %swap3A_786 : vector<1x1x16xf32> to vector<16xf32>
        %swap3A_788 = vector.shape_cast %mul3A_781 : vector<16xf32> to vector<1x1x16xf32>
        tpu.vector_store %arg6[%swap3A_783, %swap3A_784, %swap3A_785], %swap3A_788 {strides = array<i32>} : memref<5x128x128xf32, #tpu.memory_space<vmem>>, vector<1x1x16xf32>,
        %get3A_789 = arith.constant 0 : i32
        %get3A_790 = arith.index_cast %get3A_789 : i32 to index
        %get3A_791 = arith.index_cast %add3A_724 : i32 to index
        %get3A_792 = arith.constant 64 : index
        %get3A_793 = tpu.vector_load %arg6[%get3A_790, %get3A_791, %get3A_792] {strides = array<i32>} : memref<5x128x128xf32, #tpu.memory_space<vmem>>, vector<1x1x16xf32>,
        %get3A_794 = vector.shape_cast %get3A_793 : vector<1x1x16xf32> to vector<16xf32>
        %mul3A_795 = arith.constant 5.000000e-02 : f32
        %mul3A_796 = vector.broadcast %mul3A_795 : f32 to vector<16xf32>
        %mul3A_797 = arith.mulf %get3A_794, %mul3A_796 : vector<16xf32>
        %swap3A_798 = arith.constant 0 : i32
        %swap3A_799 = arith.index_cast %swap3A_798 : i32 to index
        %swap3A_800 = arith.index_cast %add3A_724 : i32 to index
        %swap3A_801 = arith.constant 64 : index
        %swap3A_802 = tpu.vector_load %arg6[%swap3A_799, %swap3A_800, %swap3A_801] {strides = array<i32>} : memref<5x128x128xf32, #tpu.memory_space<vmem>>, vector<1x1x16xf32>,
        %swap3A_803 = vector.shape_cast %swap3A_802 : vector<1x1x16xf32> to vector<16xf32>
        %swap3A_804 = vector.shape_cast %mul3A_797 : vector<16xf32> to vector<1x1x16xf32>
        tpu.vector_store %arg6[%swap3A_799, %swap3A_800, %swap3A_801], %swap3A_804 {strides = array<i32>} : memref<5x128x128xf32, #tpu.memory_space<vmem>>, vector<1x1x16xf32>,
        %get3A_805 = arith.constant 0 : i32
        %get3A_806 = arith.index_cast %get3A_805 : i32 to index
        %get3A_807 = arith.index_cast %add3A_724 : i32 to index
        %get3A_808 = arith.constant 80 : index
        %get3A_809 = tpu.vector_load %arg6[%get3A_806, %get3A_807, %get3A_808] {strides = array<i32>} : memref<5x128x128xf32, #tpu.memory_space<vmem>>, vector<1x1x16xf32>,
        %get3A_810 = vector.shape_cast %get3A_809 : vector<1x1x16xf32> to vector<16xf32>
        %mul3A_811 = arith.constant 5.000000e-02 : f32
        %mul3A_812 = vector.broadcast %mul3A_811 : f32 to vector<16xf32>
        %mul3A_813 = arith.mulf %get3A_810, %mul3A_812 : vector<16xf32>
        %swap3A_814 = arith.constant 0 : i32
        %swap3A_815 = arith.index_cast %swap3A_814 : i32 to index
        %swap3A_816 = arith.index_cast %add3A_724 : i32 to index
        %swap3A_817 = arith.constant 80 : index
        %swap3A_818 = tpu.vector_load %arg6[%swap3A_815, %swap3A_816, %swap3A_817] {strides = array<i32>} : memref<5x128x128xf32, #tpu.memory_space<vmem>>, vector<1x1x16xf32>,
        %swap3A_819 = vector.shape_cast %swap3A_818 : vector<1x1x16xf32> to vector<16xf32>
        %swap3A_820 = vector.shape_cast %mul3A_813 : vector<16xf32> to vector<1x1x16xf32>
        tpu.vector_store %arg6[%swap3A_815, %swap3A_816, %swap3A_817], %swap3A_820 {strides = array<i32>} : memref<5x128x128xf32, #tpu.memory_space<vmem>>, vector<1x1x16xf32>,
        %get3A_821 = arith.constant 0 : i32
        %get3A_822 = arith.index_cast %get3A_821 : i32 to index
        %get3A_823 = arith.index_cast %add3A_724 : i32 to index
        %get3A_824 = arith.constant 96 : index
        %get3A_825 = tpu.vector_load %arg6[%get3A_822, %get3A_823, %get3A_824] {strides = array<i32>} : memref<5x128x128xf32, #tpu.memory_space<vmem>>, vector<1x1x16xf32>,
        %get3A_826 = vector.shape_cast %get3A_825 : vector<1x1x16xf32> to vector<16xf32>
        %mul3A_827 = arith.constant 5.000000e-02 : f32
        %mul3A_828 = vector.broadcast %mul3A_827 : f32 to vector<16xf32>
        %mul3A_829 = arith.mulf %get3A_826, %mul3A_828 : vector<16xf32>
        %swap3A_830 = arith.constant 0 : i32
        %swap3A_831 = arith.index_cast %swap3A_830 : i32 to index
        %swap3A_832 = arith.index_cast %add3A_724 : i32 to index
        %swap3A_833 = arith.constant 96 : index
        %swap3A_834 = tpu.vector_load %arg6[%swap3A_831, %swap3A_832, %swap3A_833] {strides = array<i32>} : memref<5x128x128xf32, #tpu.memory_space<vmem>>, vector<1x1x16xf32>,
        %swap3A_835 = vector.shape_cast %swap3A_834 : vector<1x1x16xf32> to vector<16xf32>
        %swap3A_836 = vector.shape_cast %mul3A_829 : vector<16xf32> to vector<1x1x16xf32>
        tpu.vector_store %arg6[%swap3A_831, %swap3A_832, %swap3A_833], %swap3A_836 {strides = array<i32>} : memref<5x128x128xf32, #tpu.memory_space<vmem>>, vector<1x1x16xf32>,
        %get3A_837 = arith.constant 0 : i32
        %get3A_838 = arith.index_cast %get3A_837 : i32 to index
        %get3A_839 = arith.index_cast %add3A_724 : i32 to index
        %get3A_840 = arith.constant 112 : index
        %get3A_841 = tpu.vector_load %arg6[%get3A_838, %get3A_839, %get3A_840] {strides = array<i32>} : memref<5x128x128xf32, #tpu.memory_space<vmem>>, vector<1x1x16xf32>,
        %get3A_842 = vector.shape_cast %get3A_841 : vector<1x1x16xf32> to vector<16xf32>
        %mul3A_843 = arith.constant 5.000000e-02 : f32
        %mul3A_844 = vector.broadcast %mul3A_843 : f32 to vector<16xf32>
        %mul3A_845 = arith.mulf %get3A_842, %mul3A_844 : vector<16xf32>
        %swap3A_846 = arith.constant 0 : i32
        %swap3A_847 = arith.index_cast %swap3A_846 : i32 to index
        %swap3A_848 = arith.index_cast %add3A_724 : i32 to index
        %swap3A_849 = arith.constant 112 : index
        %swap3A_850 = tpu.vector_load %arg6[%swap3A_847, %swap3A_848, %swap3A_849] {strides = array<i32>} : memref<5x128x128xf32, #tpu.memory_space<vmem>>, vector<1x1x16xf32>,
        %swap3A_851 = vector.shape_cast %swap3A_850 : vector<1x1x16xf32> to vector<16xf32>
        %swap3A_852 = vector.shape_cast %mul3A_845 : vector<16xf32> to vector<1x1x16xf32>
        tpu.vector_store %arg6[%swap3A_847, %swap3A_848, %swap3A_849], %swap3A_852 {strides = array<i32>} : memref<5x128x128xf32, #tpu.memory_space<vmem>>, vector<1x1x16xf32>,
      }
      %scan3A_102 = arith.constant 128 : i32
      %mul3A_103 = arith.constant 128 : i32
      %mul3A_104 = arith.muli %add3A_86, %mul3A_103 : i32
      %add3A_105 = arith.addi %mul3A_2, %mul3A_104 : i32
      %dma_start3A_106 = arith.constant 0 : i32
      %dma_start3A_107 = arith.constant 0 : i32
      %dma_start3A_108 = arith.constant 0 : i32
      %dma_start3A_109 = tpu.memref_slice %arg6[%dma_start3A_106, %dma_start3A_107, %dma_start3A_108] : memref<5x128x128xf32, #tpu.memory_space<vmem>> -> memref<1x128x128xf32, #tpu.memory_space<vmem>>
      %dma_start3A_110 = tpu.memref_squeeze %dma_start3A_109 : memref<1x128x128xf32, #tpu.memory_space<vmem>> -> memref<128x128xf32, #tpu.memory_space<vmem>>
      %dma_start3A_111 = arith.constant 0 : i32
      %dma_start3A_112 = tpu.memref_slice %arg4[%add3A_105, %dma_start3A_111] : memref<819200x128xf32, #tpu.memory_space<hbm>> -> memref<128x128xf32, #tpu.memory_space<hbm>>
      %dma_start3A_113 = arith.constant 0 : i32
      %dma_start3A_114 = tpu.memref_slice %arg4[%add3A_105, %dma_start3A_113] : memref<819200x128xf32, #tpu.memory_space<hbm>> -> memref<128x128xf32, #tpu.memory_space<hbm>>
      %dma_start3A_115 = arith.constant 0 : i32
      %dma_start3A_116 = arith.constant 0 : i32
      %dma_start3A_117 = tpu.memref_slice %arg6[%dma_start3A_106, %dma_start3A_115, %dma_start3A_116] : memref<5x128x128xf32, #tpu.memory_space<vmem>> -> memref<1x128x128xf32, #tpu.memory_space<vmem>>
      %dma_start3A_118 = tpu.memref_squeeze %dma_start3A_117 : memref<1x128x128xf32, #tpu.memory_space<vmem>> -> memref<128x128xf32, #tpu.memory_space<vmem>>
      tpu.enqueue_dma source(%dma_start3A_118 : memref<128x128xf32, #tpu.memory_space<vmem>>) target(%dma_start3A_114 : memref<128x128xf32, #tpu.memory_space<hbm>>) target_semaphore(%arg12 : memref<!tpu.dma_semaphore, #tpu.memory_space<semaphore_mem>>)
      %ge3A = arith.constant 1 : i32
      %ge3A_119 = arith.cmpi sge, %add3A_86, %ge3A : i32
      %convert_element_type3A = arith.extui %ge3A_119 : i1 to i32
      %cond3A = arith.constant 0 : i32
      %cond3A_120 = arith.cmpi ne, %convert_element_type3A, %cond3A : i32
      scf.if %cond3A_120 {
        %sub3A_320 = arith.constant 1 : i32
        %sub3A_321 = arith.subi %add3A_86, %sub3A_320 : i32
        %mul3A_322 = arith.constant 128 : i32
        %mul3A_323 = arith.muli %sub3A_321, %mul3A_322 : i32
        %add3A_324 = arith.addi %mul3A_2, %mul3A_323 : i32
        %dma_wait3A_325 = arith.constant 4 : i32
        %dma_wait3A_326 = arith.constant 0 : i32
        %dma_wait3A_327 = arith.constant 0 : i32
        %dma_wait3A_328 = tpu.memref_slice %arg6[%dma_wait3A_325, %dma_wait3A_326, %dma_wait3A_327] : memref<5x128x128xf32, #tpu.memory_space<vmem>> -> memref<1x128x128xf32, #tpu.memory_space<vmem>>
        %dma_wait3A_329 = tpu.memref_squeeze %dma_wait3A_328 : memref<1x128x128xf32, #tpu.memory_space<vmem>> -> memref<128x128xf32, #tpu.memory_space<vmem>>
        %dma_wait3A_330 = arith.constant 0 : i32
        %dma_wait3A_331 = tpu.memref_slice %arg4[%add3A_324, %dma_wait3A_330] : memref<819200x128xf32, #tpu.memory_space<hbm>> -> memref<128x128xf32, #tpu.memory_space<hbm>>
        %dma_wait3A_332 = arith.constant 0 : i32
        %dma_wait3A_333 = tpu.memref_slice %arg4[%add3A_324, %dma_wait3A_332] : memref<819200x128xf32, #tpu.memory_space<hbm>> -> memref<128x128xf32, #tpu.memory_space<hbm>>
        %dma_wait3A_334 = arith.constant 0 : i32
        %dma_wait3A_335 = arith.constant 0 : i32
        %dma_wait3A_336 = tpu.memref_slice %arg6[%dma_wait3A_325, %dma_wait3A_334, %dma_wait3A_335] : memref<5x128x128xf32, #tpu.memory_space<vmem>> -> memref<1x128x128xf32, #tpu.memory_space<vmem>>
        %dma_wait3A_337 = tpu.memref_squeeze %dma_wait3A_336 : memref<1x128x128xf32, #tpu.memory_space<vmem>> -> memref<128x128xf32, #tpu.memory_space<vmem>>
        tpu.wait_dma2 semaphore(%arg16 : memref<!tpu.dma_semaphore, #tpu.memory_space<semaphore_mem>>) src(%dma_wait3A_337 : memref<128x128xf32, #tpu.memory_space<vmem>>) dst(%dma_wait3A_333 : memref<128x128xf32, #tpu.memory_space<hbm>>)
      } else {
      }
      %add3A_121 = arith.constant 5 : i32
      %add3A_122 = arith.addi %add3A_86, %add3A_121 : i32
      %sub3A = arith.constant 1 : i32
      %sub3A_123 = arith.subi %add3A_122, %sub3A : i32
      %lt3A = arith.constant 200 : i32
      %lt3A_124 = arith.cmpi slt, %sub3A_123, %lt3A : i32
      %convert_element_type3A_125 = arith.extui %lt3A_124 : i1 to i32
      %cond3A_126 = arith.constant 0 : i32
      %cond3A_127 = arith.cmpi ne, %convert_element_type3A_125, %cond3A_126 : i32
      scf.if %cond3A_127 {
        %add3A_320 = arith.constant 5 : i32
        %add3A_321 = arith.addi %add3A_86, %add3A_320 : i32
        %sub3A_322 = arith.constant 1 : i32
        %sub3A_323 = arith.subi %add3A_321, %sub3A_322 : i32
        %scan3A_324 = arith.constant 0 : i32
        %scan3A_325 = arith.constant 8 : i32
        %scan3A_326 = arith.addi %scan3A_324, %scan3A_325 : i32
        %scan3A_327 = arith.constant 1 : i32
        scf.for %scan3A_344 = %scan3A_324 to %scan3A_326 step %scan3A_327  : i32 {
          %mul3A_345 = arith.constant 1 : i32
          %mul3A_346 = arith.muli %scan3A_344, %mul3A_345 : i32
          %add3A_347 = arith.constant 0 : i32
          %add3A_348 = arith.addi %add3A_347, %mul3A_346 : i32
          %mul3A_349 = arith.constant 128 : i32
          %mul3A_350 = arith.muli %sub3A_323, %mul3A_349 : i32
          %mul3A_351 = arith.constant 16 : i32
          %mul3A_352 = arith.muli %add3A_348, %mul3A_351 : i32
          %add3A_353 = arith.addi %mul3A_350, %mul3A_352 : i32
          %add3A_354 = vector.broadcast %add3A_353 : i32 to vector<16xi32>
          %add3A_355 = arith.addi %iota3A, %add3A_354 : vector<16xi32>
          %add3A_356 = arith.constant 8 : i32
          %add3A_357 = arith.addi %add3A_353, %add3A_356 : i32
          %get3A = arith.index_cast %add3A_357 : i32 to index
          %get3A_358 = tpu.vector_load %arg5[%get3A] {strides = array<i32>} : memref<25608xi32, #tpu.memory_space<vmem>>, vector<16xi32>,
          %get3A_359 = vector.shape_cast %get3A_358 : vector<16xi32> to vector<16xi32>
          %add3A_360 = arith.constant 7 : i32
          %add3A_361 = arith.addi %add3A_353, %add3A_360 : i32
          %get3A_362 = arith.index_cast %add3A_361 : i32 to index
          %get3A_363 = tpu.vector_load %arg5[%get3A_362] {strides = array<i32>} : memref<25608xi32, #tpu.memory_space<vmem>>, vector<16xi32>,
          %get3A_364 = vector.shape_cast %get3A_363 : vector<16xi32> to vector<16xi32>
          %jit3A = arith.constant 200 : i32
          %eq3A = arith.constant 0 : i32
          %eq3A_365 = arith.cmpi eq, %jit3A, %eq3A : i32
          %jit3A_366 = arith.constant 1 : i32
          %select_n3A = arith.select %eq3A_365, %jit3A_366, %jit3A : i32
          %rem3A = vector.broadcast %select_n3A : i32 to vector<16xi32>
          %rem3A_367 = arith.remsi %add3A_355, %rem3A : vector<16xi32>
          %ne3A = arith.constant 0 : i32
          %ne3A_368 = vector.broadcast %ne3A : i32 to vector<16xi32>
          %ne3A_369 = arith.cmpi ne, %rem3A_367, %ne3A_368 : vector<16xi32>
          %lt3A_370 = arith.constant 0 : i32
          %lt3A_371 = vector.broadcast %lt3A_370 : i32 to vector<16xi32>
          %lt3A_372 = arith.cmpi slt, %rem3A_367, %lt3A_371 : vector<16xi32>
          %lt3A_373 = arith.constant 0 : i32
          %lt3A_374 = arith.cmpi slt, %select_n3A, %lt3A_373 : i32
          %ne3A_375 = vector.broadcast %lt3A_374 : i1 to vector<16xi1>
          %ne3A_376 = vector.broadcast %ne3A_375 : vector<16xi1> to vector<16xi1>
          %ne3A_377 = arith.xori %lt3A_372, %ne3A_376 : vector<16xi1>
          %and3A = arith.andi %ne3A_377, %ne3A_369 : vector<16xi1>
          %add3A_378 = vector.broadcast %select_n3A : i32 to vector<16xi32>
          %add3A_379 = arith.addi %rem3A_367, %add3A_378 : vector<16xi32>
          %select_n3A_380 = arith.select %and3A, %add3A_379, %rem3A_367 : vector<16xi1>, vector<16xi32>
          %eq3A_381 = arith.constant 0 : i32
          %eq3A_382 = vector.broadcast %eq3A_381 : i32 to vector<16xi32>
          %eq3A_383 = arith.cmpi eq, %select_n3A_380, %eq3A_382 : vector<16xi32>
          %jit3A_384 = arith.constant 0 : i32
          %broadcast_in_dim3A = vector.broadcast %jit3A_384 : i32 to vector<16xi32>
          %select_n3A_385 = arith.select %eq3A_383, %broadcast_in_dim3A, %get3A_364 : vector<16xi1>, vector<16xi32>
          %mul3A_386 = arith.constant 1024 : i32
          %mul3A_387 = vector.broadcast %mul3A_386 : i32 to vector<16xi32>
          %mul3A_388 = arith.muli %select_n3A_385, %mul3A_387 : vector<16xi32>
          %add3A_389 = arith.addi %mul3A_388, %get3A_359 : vector<16xi32>
          %ge3A_390 = arith.constant 1000000 : i32
          %ge3A_391 = vector.broadcast %ge3A_390 : i32 to vector<16xi32>
          %ge3A_392 = arith.cmpi sge, %add3A_389, %ge3A_391 : vector<16xi32>
          %sub3A_393 = arith.constant 1000000 : i32
          %sub3A_394 = vector.broadcast %sub3A_393 : i32 to vector<16xi32>
          %sub3A_395 = arith.subi %add3A_389, %sub3A_394 : vector<16xi32>
          %select_n3A_396 = arith.select %ge3A_392, %sub3A_395, %add3A_389 : vector<16xi1>, vector<16xi32>
          %swap3A = arith.index_cast %add3A_353 : i32 to index
          %swap3A_397 = tpu.vector_load %arg5[%swap3A] {strides = array<i32>} : memref<25608xi32, #tpu.memory_space<vmem>>, vector<16xi32>,
          %swap3A_398 = vector.shape_cast %swap3A_397 : vector<16xi32> to vector<16xi32>
          %swap3A_399 = vector.shape_cast %select_n3A_396 : vector<16xi32> to vector<16xi32>
          tpu.vector_store %arg5[%swap3A], %swap3A_399 {strides = array<i32>} : memref<25608xi32, #tpu.memory_space<vmem>>, vector<16xi32>,
        }
        %scan3A_328 = arith.constant 8 : i32
        %add3A_329 = arith.constant 5 : i32
        %add3A_330 = arith.addi %add3A_86, %add3A_329 : i32
        %sub3A_331 = arith.constant 1 : i32
        %sub3A_332 = arith.subi %add3A_330, %sub3A_331 : i32
        %mul3A_333 = arith.constant 128 : i32
        %mul3A_334 = arith.muli %sub3A_332, %mul3A_333 : i32
        %dma_start3A_335 = arith.constant 4 : i32
        %dma_start3A_336 = arith.constant 0 : i32
        %dma_start3A_337 = arith.constant 0 : i32
        %dma_start3A_338 = tpu.memref_slice %arg6[%dma_start3A_335, %dma_start3A_336, %dma_start3A_337] : memref<5x128x128xf32, #tpu.memory_space<vmem>> -> memref<1x128x128xf32, #tpu.memory_space<vmem>>
        %dma_start3A_339 = tpu.memref_squeeze %dma_start3A_338 : memref<1x128x128xf32, #tpu.memory_space<vmem>> -> memref<128x128xf32, #tpu.memory_space<vmem>>
        %dma_start3A_340 = tpu.memref_slice %arg5[%mul3A_334] : memref<25608xi32, #tpu.memory_space<vmem>> -> memref<128xi32, #tpu.memory_space<vmem>>
        %dma_start3A_341 = arith.constant 0 : i32
        %dma_start3A_342 = arith.constant 0 : i32
        %dma_start3A_343 = tpu.memref_slice %arg3[%dma_start3A_341, %dma_start3A_342] : memref<1000000x128xf32, #tpu.memory_space<hbm>> -> memref<1000000x128xf32, #tpu.memory_space<hbm>>
        tpu.enqueue_indirect_dma source(%dma_start3A_343 : memref<1000000x128xf32, #tpu.memory_space<hbm>>) target(%dma_start3A_339 : memref<128x128xf32, #tpu.memory_space<vmem>>) offsets(%dma_start3A_340 : memref<128xi32, #tpu.memory_space<vmem>>) semaphore(%arg11 : memref<!tpu.dma_semaphore, #tpu.memory_space<semaphore_mem>>)
      } else {
      }
      %add3A_128 = arith.constant 1 : i32
      %add3A_129 = arith.addi %add3A_84, %add3A_128 : i32
      %mul3A_130 = arith.constant 128 : i32
      %mul3A_131 = arith.muli %add3A_129, %mul3A_130 : i32
      %dma_wait3A_132 = arith.constant 1 : i32
      %dma_wait3A_133 = arith.constant 0 : i32
      %dma_wait3A_134 = arith.constant 0 : i32
      %dma_wait3A_135 = tpu.memref_slice %arg6[%dma_wait3A_132, %dma_wait3A_133, %dma_wait3A_134] : memref<5x128x128xf32, #tpu.memory_space<vmem>> -> memref<1x128x128xf32, #tpu.memory_space<vmem>>
      %dma_wait3A_136 = tpu.memref_squeeze %dma_wait3A_135 : memref<1x128x128xf32, #tpu.memory_space<vmem>> -> memref<128x128xf32, #tpu.memory_space<vmem>>
      %dma_wait3A_137 = tpu.memref_slice %arg5[%mul3A_131] : memref<25608xi32, #tpu.memory_space<vmem>> -> memref<128xi32, #tpu.memory_space<vmem>>
      %dma_wait3A_138 = arith.constant 0 : i32
      %dma_wait3A_139 = arith.constant 0 : i32
      %dma_wait3A_140 = tpu.memref_slice %arg3[%dma_wait3A_138, %dma_wait3A_139] : memref<1000000x128xf32, #tpu.memory_space<hbm>> -> memref<1000000x128xf32, #tpu.memory_space<hbm>>
      tpu.wait_indirect_dma semaphore(%arg8 : memref<!tpu.dma_semaphore, #tpu.memory_space<semaphore_mem>>) src(%dma_wait3A_140 : memref<1000000x128xf32, #tpu.memory_space<hbm>>) dst(%dma_wait3A_136 : memref<128x128xf32, #tpu.memory_space<vmem>>)
      %scan3A_141 = arith.constant 0 : i32
      %scan3A_142 = arith.constant 128 : i32
      %scan3A_143 = arith.addi %scan3A_141, %scan3A_142 : i32
      %scan3A_144 = arith.constant 4 : i32
      scf.for %scan3A_320 = %scan3A_141 to %scan3A_143 step %scan3A_144  : i32 {
        %mul3A_321 = arith.constant 1 : i32
        %mul3A_322 = arith.muli %scan3A_320, %mul3A_321 : i32
        %add3A_323 = arith.constant 0 : i32
        %add3A_324 = arith.addi %add3A_323, %mul3A_322 : i32
        %get3A = arith.constant 1 : i32
        %get3A_325 = arith.index_cast %get3A : i32 to index
        %get3A_326 = arith.index_cast %add3A_324 : i32 to index
        %get3A_327 = arith.constant 0 : index
        %get3A_328 = tpu.vector_load %arg6[%get3A_325, %get3A_326, %get3A_327] {strides = array<i32>} : memref<5x128x128xf32, #tpu.memory_space<vmem>>, vector<1x1x16xf32>,
        %get3A_329 = vector.shape_cast %get3A_328 : vector<1x1x16xf32> to vector<16xf32>
        %mul3A_330 = arith.constant 5.000000e-02 : f32
        %mul3A_331 = vector.broadcast %mul3A_330 : f32 to vector<16xf32>
        %mul3A_332 = arith.mulf %get3A_329, %mul3A_331 : vector<16xf32>
        %swap3A = arith.constant 1 : i32
        %swap3A_333 = arith.index_cast %swap3A : i32 to index
        %swap3A_334 = arith.index_cast %add3A_324 : i32 to index
        %swap3A_335 = arith.constant 0 : index
        %swap3A_336 = tpu.vector_load %arg6[%swap3A_333, %swap3A_334, %swap3A_335] {strides = array<i32>} : memref<5x128x128xf32, #tpu.memory_space<vmem>>, vector<1x1x16xf32>,
        %swap3A_337 = vector.shape_cast %swap3A_336 : vector<1x1x16xf32> to vector<16xf32>
        %swap3A_338 = vector.shape_cast %mul3A_332 : vector<16xf32> to vector<1x1x16xf32>
        tpu.vector_store %arg6[%swap3A_333, %swap3A_334, %swap3A_335], %swap3A_338 {strides = array<i32>} : memref<5x128x128xf32, #tpu.memory_space<vmem>>, vector<1x1x16xf32>,
        %get3A_339 = arith.constant 1 : i32
        %get3A_340 = arith.index_cast %get3A_339 : i32 to index
        %get3A_341 = arith.index_cast %add3A_324 : i32 to index
        %get3A_342 = arith.constant 16 : index
        %get3A_343 = tpu.vector_load %arg6[%get3A_340, %get3A_341, %get3A_342] {strides = array<i32>} : memref<5x128x128xf32, #tpu.memory_space<vmem>>, vector<1x1x16xf32>,
        %get3A_344 = vector.shape_cast %get3A_343 : vector<1x1x16xf32> to vector<16xf32>
        %mul3A_345 = arith.constant 5.000000e-02 : f32
        %mul3A_346 = vector.broadcast %mul3A_345 : f32 to vector<16xf32>
        %mul3A_347 = arith.mulf %get3A_344, %mul3A_346 : vector<16xf32>
        %swap3A_348 = arith.constant 1 : i32
        %swap3A_349 = arith.index_cast %swap3A_348 : i32 to index
        %swap3A_350 = arith.index_cast %add3A_324 : i32 to index
        %swap3A_351 = arith.constant 16 : index
        %swap3A_352 = tpu.vector_load %arg6[%swap3A_349, %swap3A_350, %swap3A_351] {strides = array<i32>} : memref<5x128x128xf32, #tpu.memory_space<vmem>>, vector<1x1x16xf32>,
        %swap3A_353 = vector.shape_cast %swap3A_352 : vector<1x1x16xf32> to vector<16xf32>
        %swap3A_354 = vector.shape_cast %mul3A_347 : vector<16xf32> to vector<1x1x16xf32>
        tpu.vector_store %arg6[%swap3A_349, %swap3A_350, %swap3A_351], %swap3A_354 {strides = array<i32>} : memref<5x128x128xf32, #tpu.memory_space<vmem>>, vector<1x1x16xf32>,
        %get3A_355 = arith.constant 1 : i32
        %get3A_356 = arith.index_cast %get3A_355 : i32 to index
        %get3A_357 = arith.index_cast %add3A_324 : i32 to index
        %get3A_358 = arith.constant 32 : index
        %get3A_359 = tpu.vector_load %arg6[%get3A_356, %get3A_357, %get3A_358] {strides = array<i32>} : memref<5x128x128xf32, #tpu.memory_space<vmem>>, vector<1x1x16xf32>,
        %get3A_360 = vector.shape_cast %get3A_359 : vector<1x1x16xf32> to vector<16xf32>
        %mul3A_361 = arith.constant 5.000000e-02 : f32
        %mul3A_362 = vector.broadcast %mul3A_361 : f32 to vector<16xf32>
        %mul3A_363 = arith.mulf %get3A_360, %mul3A_362 : vector<16xf32>
        %swap3A_364 = arith.constant 1 : i32
        %swap3A_365 = arith.index_cast %swap3A_364 : i32 to index
        %swap3A_366 = arith.index_cast %add3A_324 : i32 to index
        %swap3A_367 = arith.constant 32 : index
        %swap3A_368 = tpu.vector_load %arg6[%swap3A_365, %swap3A_366, %swap3A_367] {strides = array<i32>} : memref<5x128x128xf32, #tpu.memory_space<vmem>>, vector<1x1x16xf32>,
        %swap3A_369 = vector.shape_cast %swap3A_368 : vector<1x1x16xf32> to vector<16xf32>
        %swap3A_370 = vector.shape_cast %mul3A_363 : vector<16xf32> to vector<1x1x16xf32>
        tpu.vector_store %arg6[%swap3A_365, %swap3A_366, %swap3A_367], %swap3A_370 {strides = array<i32>} : memref<5x128x128xf32, #tpu.memory_space<vmem>>, vector<1x1x16xf32>,
        %get3A_371 = arith.constant 1 : i32
        %get3A_372 = arith.index_cast %get3A_371 : i32 to index
        %get3A_373 = arith.index_cast %add3A_324 : i32 to index
        %get3A_374 = arith.constant 48 : index
        %get3A_375 = tpu.vector_load %arg6[%get3A_372, %get3A_373, %get3A_374] {strides = array<i32>} : memref<5x128x128xf32, #tpu.memory_space<vmem>>, vector<1x1x16xf32>,
        %get3A_376 = vector.shape_cast %get3A_375 : vector<1x1x16xf32> to vector<16xf32>
        %mul3A_377 = arith.constant 5.000000e-02 : f32
        %mul3A_378 = vector.broadcast %mul3A_377 : f32 to vector<16xf32>
        %mul3A_379 = arith.mulf %get3A_376, %mul3A_378 : vector<16xf32>
        %swap3A_380 = arith.constant 1 : i32
        %swap3A_381 = arith.index_cast %swap3A_380 : i32 to index
        %swap3A_382 = arith.index_cast %add3A_324 : i32 to index
        %swap3A_383 = arith.constant 48 : index
        %swap3A_384 = tpu.vector_load %arg6[%swap3A_381, %swap3A_382, %swap3A_383] {strides = array<i32>} : memref<5x128x128xf32, #tpu.memory_space<vmem>>, vector<1x1x16xf32>,
        %swap3A_385 = vector.shape_cast %swap3A_384 : vector<1x1x16xf32> to vector<16xf32>
        %swap3A_386 = vector.shape_cast %mul3A_379 : vector<16xf32> to vector<1x1x16xf32>
        tpu.vector_store %arg6[%swap3A_381, %swap3A_382, %swap3A_383], %swap3A_386 {strides = array<i32>} : memref<5x128x128xf32, #tpu.memory_space<vmem>>, vector<1x1x16xf32>,
        %get3A_387 = arith.constant 1 : i32
        %get3A_388 = arith.index_cast %get3A_387 : i32 to index
        %get3A_389 = arith.index_cast %add3A_324 : i32 to index
        %get3A_390 = arith.constant 64 : index
        %get3A_391 = tpu.vector_load %arg6[%get3A_388, %get3A_389, %get3A_390] {strides = array<i32>} : memref<5x128x128xf32, #tpu.memory_space<vmem>>, vector<1x1x16xf32>,
        %get3A_392 = vector.shape_cast %get3A_391 : vector<1x1x16xf32> to vector<16xf32>
        %mul3A_393 = arith.constant 5.000000e-02 : f32
        %mul3A_394 = vector.broadcast %mul3A_393 : f32 to vector<16xf32>
        %mul3A_395 = arith.mulf %get3A_392, %mul3A_394 : vector<16xf32>
        %swap3A_396 = arith.constant 1 : i32
        %swap3A_397 = arith.index_cast %swap3A_396 : i32 to index
        %swap3A_398 = arith.index_cast %add3A_324 : i32 to index
        %swap3A_399 = arith.constant 64 : index
        %swap3A_400 = tpu.vector_load %arg6[%swap3A_397, %swap3A_398, %swap3A_399] {strides = array<i32>} : memref<5x128x128xf32, #tpu.memory_space<vmem>>, vector<1x1x16xf32>,
        %swap3A_401 = vector.shape_cast %swap3A_400 : vector<1x1x16xf32> to vector<16xf32>
        %swap3A_402 = vector.shape_cast %mul3A_395 : vector<16xf32> to vector<1x1x16xf32>
        tpu.vector_store %arg6[%swap3A_397, %swap3A_398, %swap3A_399], %swap3A_402 {strides = array<i32>} : memref<5x128x128xf32, #tpu.memory_space<vmem>>, vector<1x1x16xf32>,
        %get3A_403 = arith.constant 1 : i32
        %get3A_404 = arith.index_cast %get3A_403 : i32 to index
        %get3A_405 = arith.index_cast %add3A_324 : i32 to index
        %get3A_406 = arith.constant 80 : index
        %get3A_407 = tpu.vector_load %arg6[%get3A_404, %get3A_405, %get3A_406] {strides = array<i32>} : memref<5x128x128xf32, #tpu.memory_space<vmem>>, vector<1x1x16xf32>,
        %get3A_408 = vector.shape_cast %get3A_407 : vector<1x1x16xf32> to vector<16xf32>
        %mul3A_409 = arith.constant 5.000000e-02 : f32
        %mul3A_410 = vector.broadcast %mul3A_409 : f32 to vector<16xf32>
        %mul3A_411 = arith.mulf %get3A_408, %mul3A_410 : vector<16xf32>
        %swap3A_412 = arith.constant 1 : i32
        %swap3A_413 = arith.index_cast %swap3A_412 : i32 to index
        %swap3A_414 = arith.index_cast %add3A_324 : i32 to index
        %swap3A_415 = arith.constant 80 : index
        %swap3A_416 = tpu.vector_load %arg6[%swap3A_413, %swap3A_414, %swap3A_415] {strides = array<i32>} : memref<5x128x128xf32, #tpu.memory_space<vmem>>, vector<1x1x16xf32>,
        %swap3A_417 = vector.shape_cast %swap3A_416 : vector<1x1x16xf32> to vector<16xf32>
        %swap3A_418 = vector.shape_cast %mul3A_411 : vector<16xf32> to vector<1x1x16xf32>
        tpu.vector_store %arg6[%swap3A_413, %swap3A_414, %swap3A_415], %swap3A_418 {strides = array<i32>} : memref<5x128x128xf32, #tpu.memory_space<vmem>>, vector<1x1x16xf32>,
        %get3A_419 = arith.constant 1 : i32
        %get3A_420 = arith.index_cast %get3A_419 : i32 to index
        %get3A_421 = arith.index_cast %add3A_324 : i32 to index
        %get3A_422 = arith.constant 96 : index
        %get3A_423 = tpu.vector_load %arg6[%get3A_420, %get3A_421, %get3A_422] {strides = array<i32>} : memref<5x128x128xf32, #tpu.memory_space<vmem>>, vector<1x1x16xf32>,
        %get3A_424 = vector.shape_cast %get3A_423 : vector<1x1x16xf32> to vector<16xf32>
        %mul3A_425 = arith.constant 5.000000e-02 : f32
        %mul3A_426 = vector.broadcast %mul3A_425 : f32 to vector<16xf32>
        %mul3A_427 = arith.mulf %get3A_424, %mul3A_426 : vector<16xf32>
        %swap3A_428 = arith.constant 1 : i32
        %swap3A_429 = arith.index_cast %swap3A_428 : i32 to index
        %swap3A_430 = arith.index_cast %add3A_324 : i32 to index
        %swap3A_431 = arith.constant 96 : index
        %swap3A_432 = tpu.vector_load %arg6[%swap3A_429, %swap3A_430, %swap3A_431] {strides = array<i32>} : memref<5x128x128xf32, #tpu.memory_space<vmem>>, vector<1x1x16xf32>,
        %swap3A_433 = vector.shape_cast %swap3A_432 : vector<1x1x16xf32> to vector<16xf32>
        %swap3A_434 = vector.shape_cast %mul3A_427 : vector<16xf32> to vector<1x1x16xf32>
        tpu.vector_store %arg6[%swap3A_429, %swap3A_430, %swap3A_431], %swap3A_434 {strides = array<i32>} : memref<5x128x128xf32, #tpu.memory_space<vmem>>, vector<1x1x16xf32>,
        %get3A_435 = arith.constant 1 : i32
        %get3A_436 = arith.index_cast %get3A_435 : i32 to index
        %get3A_437 = arith.index_cast %add3A_324 : i32 to index
        %get3A_438 = arith.constant 112 : index
        %get3A_439 = tpu.vector_load %arg6[%get3A_436, %get3A_437, %get3A_438] {strides = array<i32>} : memref<5x128x128xf32, #tpu.memory_space<vmem>>, vector<1x1x16xf32>,
        %get3A_440 = vector.shape_cast %get3A_439 : vector<1x1x16xf32> to vector<16xf32>
        %mul3A_441 = arith.constant 5.000000e-02 : f32
        %mul3A_442 = vector.broadcast %mul3A_441 : f32 to vector<16xf32>
        %mul3A_443 = arith.mulf %get3A_440, %mul3A_442 : vector<16xf32>
        %swap3A_444 = arith.constant 1 : i32
        %swap3A_445 = arith.index_cast %swap3A_444 : i32 to index
        %swap3A_446 = arith.index_cast %add3A_324 : i32 to index
        %swap3A_447 = arith.constant 112 : index
        %swap3A_448 = tpu.vector_load %arg6[%swap3A_445, %swap3A_446, %swap3A_447] {strides = array<i32>} : memref<5x128x128xf32, #tpu.memory_space<vmem>>, vector<1x1x16xf32>,
        %swap3A_449 = vector.shape_cast %swap3A_448 : vector<1x1x16xf32> to vector<16xf32>
        %swap3A_450 = vector.shape_cast %mul3A_443 : vector<16xf32> to vector<1x1x16xf32>
        tpu.vector_store %arg6[%swap3A_445, %swap3A_446, %swap3A_447], %swap3A_450 {strides = array<i32>} : memref<5x128x128xf32, #tpu.memory_space<vmem>>, vector<1x1x16xf32>,
        %scan3A_451 = arith.constant 1 : i32
        %scan3A_452 = arith.addi %scan3A_320, %scan3A_451 : i32
        %mul3A_453 = arith.constant 1 : i32
        %mul3A_454 = arith.muli %scan3A_452, %mul3A_453 : i32
        %add3A_455 = arith.constant 0 : i32
        %add3A_456 = arith.addi %add3A_455, %mul3A_454 : i32
        %get3A_457 = arith.constant 1 : i32
        %get3A_458 = arith.index_cast %get3A_457 : i32 to index
        %get3A_459 = arith.index_cast %add3A_456 : i32 to index
        %get3A_460 = arith.constant 0 : index
        %get3A_461 = tpu.vector_load %arg6[%get3A_458, %get3A_459, %get3A_460] {strides = array<i32>} : memref<5x128x128xf32, #tpu.memory_space<vmem>>, vector<1x1x16xf32>,
        %get3A_462 = vector.shape_cast %get3A_461 : vector<1x1x16xf32> to vector<16xf32>
        %mul3A_463 = arith.constant 5.000000e-02 : f32
        %mul3A_464 = vector.broadcast %mul3A_463 : f32 to vector<16xf32>
        %mul3A_465 = arith.mulf %get3A_462, %mul3A_464 : vector<16xf32>
        %swap3A_466 = arith.constant 1 : i32
        %swap3A_467 = arith.index_cast %swap3A_466 : i32 to index
        %swap3A_468 = arith.index_cast %add3A_456 : i32 to index
        %swap3A_469 = arith.constant 0 : index
        %swap3A_470 = tpu.vector_load %arg6[%swap3A_467, %swap3A_468, %swap3A_469] {strides = array<i32>} : memref<5x128x128xf32, #tpu.memory_space<vmem>>, vector<1x1x16xf32>,
        %swap3A_471 = vector.shape_cast %swap3A_470 : vector<1x1x16xf32> to vector<16xf32>
        %swap3A_472 = vector.shape_cast %mul3A_465 : vector<16xf32> to vector<1x1x16xf32>
        tpu.vector_store %arg6[%swap3A_467, %swap3A_468, %swap3A_469], %swap3A_472 {strides = array<i32>} : memref<5x128x128xf32, #tpu.memory_space<vmem>>, vector<1x1x16xf32>,
        %get3A_473 = arith.constant 1 : i32
        %get3A_474 = arith.index_cast %get3A_473 : i32 to index
        %get3A_475 = arith.index_cast %add3A_456 : i32 to index
        %get3A_476 = arith.constant 16 : index
        %get3A_477 = tpu.vector_load %arg6[%get3A_474, %get3A_475, %get3A_476] {strides = array<i32>} : memref<5x128x128xf32, #tpu.memory_space<vmem>>, vector<1x1x16xf32>,
        %get3A_478 = vector.shape_cast %get3A_477 : vector<1x1x16xf32> to vector<16xf32>
        %mul3A_479 = arith.constant 5.000000e-02 : f32
        %mul3A_480 = vector.broadcast %mul3A_479 : f32 to vector<16xf32>
        %mul3A_481 = arith.mulf %get3A_478, %mul3A_480 : vector<16xf32>
        %swap3A_482 = arith.constant 1 : i32
        %swap3A_483 = arith.index_cast %swap3A_482 : i32 to index
        %swap3A_484 = arith.index_cast %add3A_456 : i32 to index
        %swap3A_485 = arith.constant 16 : index
        %swap3A_486 = tpu.vector_load %arg6[%swap3A_483, %swap3A_484, %swap3A_485] {strides = array<i32>} : memref<5x128x128xf32, #tpu.memory_space<vmem>>, vector<1x1x16xf32>,
        %swap3A_487 = vector.shape_cast %swap3A_486 : vector<1x1x16xf32> to vector<16xf32>
        %swap3A_488 = vector.shape_cast %mul3A_481 : vector<16xf32> to vector<1x1x16xf32>
        tpu.vector_store %arg6[%swap3A_483, %swap3A_484, %swap3A_485], %swap3A_488 {strides = array<i32>} : memref<5x128x128xf32, #tpu.memory_space<vmem>>, vector<1x1x16xf32>,
        %get3A_489 = arith.constant 1 : i32
        %get3A_490 = arith.index_cast %get3A_489 : i32 to index
        %get3A_491 = arith.index_cast %add3A_456 : i32 to index
        %get3A_492 = arith.constant 32 : index
        %get3A_493 = tpu.vector_load %arg6[%get3A_490, %get3A_491, %get3A_492] {strides = array<i32>} : memref<5x128x128xf32, #tpu.memory_space<vmem>>, vector<1x1x16xf32>,
        %get3A_494 = vector.shape_cast %get3A_493 : vector<1x1x16xf32> to vector<16xf32>
        %mul3A_495 = arith.constant 5.000000e-02 : f32
        %mul3A_496 = vector.broadcast %mul3A_495 : f32 to vector<16xf32>
        %mul3A_497 = arith.mulf %get3A_494, %mul3A_496 : vector<16xf32>
        %swap3A_498 = arith.constant 1 : i32
        %swap3A_499 = arith.index_cast %swap3A_498 : i32 to index
        %swap3A_500 = arith.index_cast %add3A_456 : i32 to index
        %swap3A_501 = arith.constant 32 : index
        %swap3A_502 = tpu.vector_load %arg6[%swap3A_499, %swap3A_500, %swap3A_501] {strides = array<i32>} : memref<5x128x128xf32, #tpu.memory_space<vmem>>, vector<1x1x16xf32>,
        %swap3A_503 = vector.shape_cast %swap3A_502 : vector<1x1x16xf32> to vector<16xf32>
        %swap3A_504 = vector.shape_cast %mul3A_497 : vector<16xf32> to vector<1x1x16xf32>
        tpu.vector_store %arg6[%swap3A_499, %swap3A_500, %swap3A_501], %swap3A_504 {strides = array<i32>} : memref<5x128x128xf32, #tpu.memory_space<vmem>>, vector<1x1x16xf32>,
        %get3A_505 = arith.constant 1 : i32
        %get3A_506 = arith.index_cast %get3A_505 : i32 to index
        %get3A_507 = arith.index_cast %add3A_456 : i32 to index
        %get3A_508 = arith.constant 48 : index
        %get3A_509 = tpu.vector_load %arg6[%get3A_506, %get3A_507, %get3A_508] {strides = array<i32>} : memref<5x128x128xf32, #tpu.memory_space<vmem>>, vector<1x1x16xf32>,
        %get3A_510 = vector.shape_cast %get3A_509 : vector<1x1x16xf32> to vector<16xf32>
        %mul3A_511 = arith.constant 5.000000e-02 : f32
        %mul3A_512 = vector.broadcast %mul3A_511 : f32 to vector<16xf32>
        %mul3A_513 = arith.mulf %get3A_510, %mul3A_512 : vector<16xf32>
        %swap3A_514 = arith.constant 1 : i32
        %swap3A_515 = arith.index_cast %swap3A_514 : i32 to index
        %swap3A_516 = arith.index_cast %add3A_456 : i32 to index
        %swap3A_517 = arith.constant 48 : index
        %swap3A_518 = tpu.vector_load %arg6[%swap3A_515, %swap3A_516, %swap3A_517] {strides = array<i32>} : memref<5x128x128xf32, #tpu.memory_space<vmem>>, vector<1x1x16xf32>,
        %swap3A_519 = vector.shape_cast %swap3A_518 : vector<1x1x16xf32> to vector<16xf32>
        %swap3A_520 = vector.shape_cast %mul3A_513 : vector<16xf32> to vector<1x1x16xf32>
        tpu.vector_store %arg6[%swap3A_515, %swap3A_516, %swap3A_517], %swap3A_520 {strides = array<i32>} : memref<5x128x128xf32, #tpu.memory_space<vmem>>, vector<1x1x16xf32>,
        %get3A_521 = arith.constant 1 : i32
        %get3A_522 = arith.index_cast %get3A_521 : i32 to index
        %get3A_523 = arith.index_cast %add3A_456 : i32 to index
        %get3A_524 = arith.constant 64 : index
        %get3A_525 = tpu.vector_load %arg6[%get3A_522, %get3A_523, %get3A_524] {strides = array<i32>} : memref<5x128x128xf32, #tpu.memory_space<vmem>>, vector<1x1x16xf32>,
        %get3A_526 = vector.shape_cast %get3A_525 : vector<1x1x16xf32> to vector<16xf32>
        %mul3A_527 = arith.constant 5.000000e-02 : f32
        %mul3A_528 = vector.broadcast %mul3A_527 : f32 to vector<16xf32>
        %mul3A_529 = arith.mulf %get3A_526, %mul3A_528 : vector<16xf32>
        %swap3A_530 = arith.constant 1 : i32
        %swap3A_531 = arith.index_cast %swap3A_530 : i32 to index
        %swap3A_532 = arith.index_cast %add3A_456 : i32 to index
        %swap3A_533 = arith.constant 64 : index
        %swap3A_534 = tpu.vector_load %arg6[%swap3A_531, %swap3A_532, %swap3A_533] {strides = array<i32>} : memref<5x128x128xf32, #tpu.memory_space<vmem>>, vector<1x1x16xf32>,
        %swap3A_535 = vector.shape_cast %swap3A_534 : vector<1x1x16xf32> to vector<16xf32>
        %swap3A_536 = vector.shape_cast %mul3A_529 : vector<16xf32> to vector<1x1x16xf32>
        tpu.vector_store %arg6[%swap3A_531, %swap3A_532, %swap3A_533], %swap3A_536 {strides = array<i32>} : memref<5x128x128xf32, #tpu.memory_space<vmem>>, vector<1x1x16xf32>,
        %get3A_537 = arith.constant 1 : i32
        %get3A_538 = arith.index_cast %get3A_537 : i32 to index
        %get3A_539 = arith.index_cast %add3A_456 : i32 to index
        %get3A_540 = arith.constant 80 : index
        %get3A_541 = tpu.vector_load %arg6[%get3A_538, %get3A_539, %get3A_540] {strides = array<i32>} : memref<5x128x128xf32, #tpu.memory_space<vmem>>, vector<1x1x16xf32>,
        %get3A_542 = vector.shape_cast %get3A_541 : vector<1x1x16xf32> to vector<16xf32>
        %mul3A_543 = arith.constant 5.000000e-02 : f32
        %mul3A_544 = vector.broadcast %mul3A_543 : f32 to vector<16xf32>
        %mul3A_545 = arith.mulf %get3A_542, %mul3A_544 : vector<16xf32>
        %swap3A_546 = arith.constant 1 : i32
        %swap3A_547 = arith.index_cast %swap3A_546 : i32 to index
        %swap3A_548 = arith.index_cast %add3A_456 : i32 to index
        %swap3A_549 = arith.constant 80 : index
        %swap3A_550 = tpu.vector_load %arg6[%swap3A_547, %swap3A_548, %swap3A_549] {strides = array<i32>} : memref<5x128x128xf32, #tpu.memory_space<vmem>>, vector<1x1x16xf32>,
        %swap3A_551 = vector.shape_cast %swap3A_550 : vector<1x1x16xf32> to vector<16xf32>
        %swap3A_552 = vector.shape_cast %mul3A_545 : vector<16xf32> to vector<1x1x16xf32>
        tpu.vector_store %arg6[%swap3A_547, %swap3A_548, %swap3A_549], %swap3A_552 {strides = array<i32>} : memref<5x128x128xf32, #tpu.memory_space<vmem>>, vector<1x1x16xf32>,
        %get3A_553 = arith.constant 1 : i32
        %get3A_554 = arith.index_cast %get3A_553 : i32 to index
        %get3A_555 = arith.index_cast %add3A_456 : i32 to index
        %get3A_556 = arith.constant 96 : index
        %get3A_557 = tpu.vector_load %arg6[%get3A_554, %get3A_555, %get3A_556] {strides = array<i32>} : memref<5x128x128xf32, #tpu.memory_space<vmem>>, vector<1x1x16xf32>,
        %get3A_558 = vector.shape_cast %get3A_557 : vector<1x1x16xf32> to vector<16xf32>
        %mul3A_559 = arith.constant 5.000000e-02 : f32
        %mul3A_560 = vector.broadcast %mul3A_559 : f32 to vector<16xf32>
        %mul3A_561 = arith.mulf %get3A_558, %mul3A_560 : vector<16xf32>
        %swap3A_562 = arith.constant 1 : i32
        %swap3A_563 = arith.index_cast %swap3A_562 : i32 to index
        %swap3A_564 = arith.index_cast %add3A_456 : i32 to index
        %swap3A_565 = arith.constant 96 : index
        %swap3A_566 = tpu.vector_load %arg6[%swap3A_563, %swap3A_564, %swap3A_565] {strides = array<i32>} : memref<5x128x128xf32, #tpu.memory_space<vmem>>, vector<1x1x16xf32>,
        %swap3A_567 = vector.shape_cast %swap3A_566 : vector<1x1x16xf32> to vector<16xf32>
        %swap3A_568 = vector.shape_cast %mul3A_561 : vector<16xf32> to vector<1x1x16xf32>
        tpu.vector_store %arg6[%swap3A_563, %swap3A_564, %swap3A_565], %swap3A_568 {strides = array<i32>} : memref<5x128x128xf32, #tpu.memory_space<vmem>>, vector<1x1x16xf32>,
        %get3A_569 = arith.constant 1 : i32
        %get3A_570 = arith.index_cast %get3A_569 : i32 to index
        %get3A_571 = arith.index_cast %add3A_456 : i32 to index
        %get3A_572 = arith.constant 112 : index
        %get3A_573 = tpu.vector_load %arg6[%get3A_570, %get3A_571, %get3A_572] {strides = array<i32>} : memref<5x128x128xf32, #tpu.memory_space<vmem>>, vector<1x1x16xf32>,
        %get3A_574 = vector.shape_cast %get3A_573 : vector<1x1x16xf32> to vector<16xf32>
        %mul3A_575 = arith.constant 5.000000e-02 : f32
        %mul3A_576 = vector.broadcast %mul3A_575 : f32 to vector<16xf32>
        %mul3A_577 = arith.mulf %get3A_574, %mul3A_576 : vector<16xf32>
        %swap3A_578 = arith.constant 1 : i32
        %swap3A_579 = arith.index_cast %swap3A_578 : i32 to index
        %swap3A_580 = arith.index_cast %add3A_456 : i32 to index
        %swap3A_581 = arith.constant 112 : index
        %swap3A_582 = tpu.vector_load %arg6[%swap3A_579, %swap3A_580, %swap3A_581] {strides = array<i32>} : memref<5x128x128xf32, #tpu.memory_space<vmem>>, vector<1x1x16xf32>,
        %swap3A_583 = vector.shape_cast %swap3A_582 : vector<1x1x16xf32> to vector<16xf32>
        %swap3A_584 = vector.shape_cast %mul3A_577 : vector<16xf32> to vector<1x1x16xf32>
        tpu.vector_store %arg6[%swap3A_579, %swap3A_580, %swap3A_581], %swap3A_584 {strides = array<i32>} : memref<5x128x128xf32, #tpu.memory_space<vmem>>, vector<1x1x16xf32>,
        %scan3A_585 = arith.constant 2 : i32
        %scan3A_586 = arith.addi %scan3A_320, %scan3A_585 : i32
        %mul3A_587 = arith.constant 1 : i32
        %mul3A_588 = arith.muli %scan3A_586, %mul3A_587 : i32
        %add3A_589 = arith.constant 0 : i32
        %add3A_590 = arith.addi %add3A_589, %mul3A_588 : i32
        %get3A_591 = arith.constant 1 : i32
        %get3A_592 = arith.index_cast %get3A_591 : i32 to index
        %get3A_593 = arith.index_cast %add3A_590 : i32 to index
        %get3A_594 = arith.constant 0 : index
        %get3A_595 = tpu.vector_load %arg6[%get3A_592, %get3A_593, %get3A_594] {strides = array<i32>} : memref<5x128x128xf32, #tpu.memory_space<vmem>>, vector<1x1x16xf32>,
        %get3A_596 = vector.shape_cast %get3A_595 : vector<1x1x16xf32> to vector<16xf32>
        %mul3A_597 = arith.constant 5.000000e-02 : f32
        %mul3A_598 = vector.broadcast %mul3A_597 : f32 to vector<16xf32>
        %mul3A_599 = arith.mulf %get3A_596, %mul3A_598 : vector<16xf32>
        %swap3A_600 = arith.constant 1 : i32
        %swap3A_601 = arith.index_cast %swap3A_600 : i32 to index
        %swap3A_602 = arith.index_cast %add3A_590 : i32 to index
        %swap3A_603 = arith.constant 0 : index
        %swap3A_604 = tpu.vector_load %arg6[%swap3A_601, %swap3A_602, %swap3A_603] {strides = array<i32>} : memref<5x128x128xf32, #tpu.memory_space<vmem>>, vector<1x1x16xf32>,
        %swap3A_605 = vector.shape_cast %swap3A_604 : vector<1x1x16xf32> to vector<16xf32>
        %swap3A_606 = vector.shape_cast %mul3A_599 : vector<16xf32> to vector<1x1x16xf32>
        tpu.vector_store %arg6[%swap3A_601, %swap3A_602, %swap3A_603], %swap3A_606 {strides = array<i32>} : memref<5x128x128xf32, #tpu.memory_space<vmem>>, vector<1x1x16xf32>,
        %get3A_607 = arith.constant 1 : i32
        %get3A_608 = arith.index_cast %get3A_607 : i32 to index
        %get3A_609 = arith.index_cast %add3A_590 : i32 to index
        %get3A_610 = arith.constant 16 : index
        %get3A_611 = tpu.vector_load %arg6[%get3A_608, %get3A_609, %get3A_610] {strides = array<i32>} : memref<5x128x128xf32, #tpu.memory_space<vmem>>, vector<1x1x16xf32>,
        %get3A_612 = vector.shape_cast %get3A_611 : vector<1x1x16xf32> to vector<16xf32>
        %mul3A_613 = arith.constant 5.000000e-02 : f32
        %mul3A_614 = vector.broadcast %mul3A_613 : f32 to vector<16xf32>
        %mul3A_615 = arith.mulf %get3A_612, %mul3A_614 : vector<16xf32>
        %swap3A_616 = arith.constant 1 : i32
        %swap3A_617 = arith.index_cast %swap3A_616 : i32 to index
        %swap3A_618 = arith.index_cast %add3A_590 : i32 to index
        %swap3A_619 = arith.constant 16 : index
        %swap3A_620 = tpu.vector_load %arg6[%swap3A_617, %swap3A_618, %swap3A_619] {strides = array<i32>} : memref<5x128x128xf32, #tpu.memory_space<vmem>>, vector<1x1x16xf32>,
        %swap3A_621 = vector.shape_cast %swap3A_620 : vector<1x1x16xf32> to vector<16xf32>
        %swap3A_622 = vector.shape_cast %mul3A_615 : vector<16xf32> to vector<1x1x16xf32>
        tpu.vector_store %arg6[%swap3A_617, %swap3A_618, %swap3A_619], %swap3A_622 {strides = array<i32>} : memref<5x128x128xf32, #tpu.memory_space<vmem>>, vector<1x1x16xf32>,
        %get3A_623 = arith.constant 1 : i32
        %get3A_624 = arith.index_cast %get3A_623 : i32 to index
        %get3A_625 = arith.index_cast %add3A_590 : i32 to index
        %get3A_626 = arith.constant 32 : index
        %get3A_627 = tpu.vector_load %arg6[%get3A_624, %get3A_625, %get3A_626] {strides = array<i32>} : memref<5x128x128xf32, #tpu.memory_space<vmem>>, vector<1x1x16xf32>,
        %get3A_628 = vector.shape_cast %get3A_627 : vector<1x1x16xf32> to vector<16xf32>
        %mul3A_629 = arith.constant 5.000000e-02 : f32
        %mul3A_630 = vector.broadcast %mul3A_629 : f32 to vector<16xf32>
        %mul3A_631 = arith.mulf %get3A_628, %mul3A_630 : vector<16xf32>
        %swap3A_632 = arith.constant 1 : i32
        %swap3A_633 = arith.index_cast %swap3A_632 : i32 to index
        %swap3A_634 = arith.index_cast %add3A_590 : i32 to index
        %swap3A_635 = arith.constant 32 : index
        %swap3A_636 = tpu.vector_load %arg6[%swap3A_633, %swap3A_634, %swap3A_635] {strides = array<i32>} : memref<5x128x128xf32, #tpu.memory_space<vmem>>, vector<1x1x16xf32>,
        %swap3A_637 = vector.shape_cast %swap3A_636 : vector<1x1x16xf32> to vector<16xf32>
        %swap3A_638 = vector.shape_cast %mul3A_631 : vector<16xf32> to vector<1x1x16xf32>
        tpu.vector_store %arg6[%swap3A_633, %swap3A_634, %swap3A_635], %swap3A_638 {strides = array<i32>} : memref<5x128x128xf32, #tpu.memory_space<vmem>>, vector<1x1x16xf32>,
        %get3A_639 = arith.constant 1 : i32
        %get3A_640 = arith.index_cast %get3A_639 : i32 to index
        %get3A_641 = arith.index_cast %add3A_590 : i32 to index
        %get3A_642 = arith.constant 48 : index
        %get3A_643 = tpu.vector_load %arg6[%get3A_640, %get3A_641, %get3A_642] {strides = array<i32>} : memref<5x128x128xf32, #tpu.memory_space<vmem>>, vector<1x1x16xf32>,
        %get3A_644 = vector.shape_cast %get3A_643 : vector<1x1x16xf32> to vector<16xf32>
        %mul3A_645 = arith.constant 5.000000e-02 : f32
        %mul3A_646 = vector.broadcast %mul3A_645 : f32 to vector<16xf32>
        %mul3A_647 = arith.mulf %get3A_644, %mul3A_646 : vector<16xf32>
        %swap3A_648 = arith.constant 1 : i32
        %swap3A_649 = arith.index_cast %swap3A_648 : i32 to index
        %swap3A_650 = arith.index_cast %add3A_590 : i32 to index
        %swap3A_651 = arith.constant 48 : index
        %swap3A_652 = tpu.vector_load %arg6[%swap3A_649, %swap3A_650, %swap3A_651] {strides = array<i32>} : memref<5x128x128xf32, #tpu.memory_space<vmem>>, vector<1x1x16xf32>,
        %swap3A_653 = vector.shape_cast %swap3A_652 : vector<1x1x16xf32> to vector<16xf32>
        %swap3A_654 = vector.shape_cast %mul3A_647 : vector<16xf32> to vector<1x1x16xf32>
        tpu.vector_store %arg6[%swap3A_649, %swap3A_650, %swap3A_651], %swap3A_654 {strides = array<i32>} : memref<5x128x128xf32, #tpu.memory_space<vmem>>, vector<1x1x16xf32>,
        %get3A_655 = arith.constant 1 : i32
        %get3A_656 = arith.index_cast %get3A_655 : i32 to index
        %get3A_657 = arith.index_cast %add3A_590 : i32 to index
        %get3A_658 = arith.constant 64 : index
        %get3A_659 = tpu.vector_load %arg6[%get3A_656, %get3A_657, %get3A_658] {strides = array<i32>} : memref<5x128x128xf32, #tpu.memory_space<vmem>>, vector<1x1x16xf32>,
        %get3A_660 = vector.shape_cast %get3A_659 : vector<1x1x16xf32> to vector<16xf32>
        %mul3A_661 = arith.constant 5.000000e-02 : f32
        %mul3A_662 = vector.broadcast %mul3A_661 : f32 to vector<16xf32>
        %mul3A_663 = arith.mulf %get3A_660, %mul3A_662 : vector<16xf32>
        %swap3A_664 = arith.constant 1 : i32
        %swap3A_665 = arith.index_cast %swap3A_664 : i32 to index
        %swap3A_666 = arith.index_cast %add3A_590 : i32 to index
        %swap3A_667 = arith.constant 64 : index
        %swap3A_668 = tpu.vector_load %arg6[%swap3A_665, %swap3A_666, %swap3A_667] {strides = array<i32>} : memref<5x128x128xf32, #tpu.memory_space<vmem>>, vector<1x1x16xf32>,
        %swap3A_669 = vector.shape_cast %swap3A_668 : vector<1x1x16xf32> to vector<16xf32>
        %swap3A_670 = vector.shape_cast %mul3A_663 : vector<16xf32> to vector<1x1x16xf32>
        tpu.vector_store %arg6[%swap3A_665, %swap3A_666, %swap3A_667], %swap3A_670 {strides = array<i32>} : memref<5x128x128xf32, #tpu.memory_space<vmem>>, vector<1x1x16xf32>,
        %get3A_671 = arith.constant 1 : i32
        %get3A_672 = arith.index_cast %get3A_671 : i32 to index
        %get3A_673 = arith.index_cast %add3A_590 : i32 to index
        %get3A_674 = arith.constant 80 : index
        %get3A_675 = tpu.vector_load %arg6[%get3A_672, %get3A_673, %get3A_674] {strides = array<i32>} : memref<5x128x128xf32, #tpu.memory_space<vmem>>, vector<1x1x16xf32>,
        %get3A_676 = vector.shape_cast %get3A_675 : vector<1x1x16xf32> to vector<16xf32>
        %mul3A_677 = arith.constant 5.000000e-02 : f32
        %mul3A_678 = vector.broadcast %mul3A_677 : f32 to vector<16xf32>
        %mul3A_679 = arith.mulf %get3A_676, %mul3A_678 : vector<16xf32>
        %swap3A_680 = arith.constant 1 : i32
        %swap3A_681 = arith.index_cast %swap3A_680 : i32 to index
        %swap3A_682 = arith.index_cast %add3A_590 : i32 to index
        %swap3A_683 = arith.constant 80 : index
        %swap3A_684 = tpu.vector_load %arg6[%swap3A_681, %swap3A_682, %swap3A_683] {strides = array<i32>} : memref<5x128x128xf32, #tpu.memory_space<vmem>>, vector<1x1x16xf32>,
        %swap3A_685 = vector.shape_cast %swap3A_684 : vector<1x1x16xf32> to vector<16xf32>
        %swap3A_686 = vector.shape_cast %mul3A_679 : vector<16xf32> to vector<1x1x16xf32>
        tpu.vector_store %arg6[%swap3A_681, %swap3A_682, %swap3A_683], %swap3A_686 {strides = array<i32>} : memref<5x128x128xf32, #tpu.memory_space<vmem>>, vector<1x1x16xf32>,
        %get3A_687 = arith.constant 1 : i32
        %get3A_688 = arith.index_cast %get3A_687 : i32 to index
        %get3A_689 = arith.index_cast %add3A_590 : i32 to index
        %get3A_690 = arith.constant 96 : index
        %get3A_691 = tpu.vector_load %arg6[%get3A_688, %get3A_689, %get3A_690] {strides = array<i32>} : memref<5x128x128xf32, #tpu.memory_space<vmem>>, vector<1x1x16xf32>,
        %get3A_692 = vector.shape_cast %get3A_691 : vector<1x1x16xf32> to vector<16xf32>
        %mul3A_693 = arith.constant 5.000000e-02 : f32
        %mul3A_694 = vector.broadcast %mul3A_693 : f32 to vector<16xf32>
        %mul3A_695 = arith.mulf %get3A_692, %mul3A_694 : vector<16xf32>
        %swap3A_696 = arith.constant 1 : i32
        %swap3A_697 = arith.index_cast %swap3A_696 : i32 to index
        %swap3A_698 = arith.index_cast %add3A_590 : i32 to index
        %swap3A_699 = arith.constant 96 : index
        %swap3A_700 = tpu.vector_load %arg6[%swap3A_697, %swap3A_698, %swap3A_699] {strides = array<i32>} : memref<5x128x128xf32, #tpu.memory_space<vmem>>, vector<1x1x16xf32>,
        %swap3A_701 = vector.shape_cast %swap3A_700 : vector<1x1x16xf32> to vector<16xf32>
        %swap3A_702 = vector.shape_cast %mul3A_695 : vector<16xf32> to vector<1x1x16xf32>
        tpu.vector_store %arg6[%swap3A_697, %swap3A_698, %swap3A_699], %swap3A_702 {strides = array<i32>} : memref<5x128x128xf32, #tpu.memory_space<vmem>>, vector<1x1x16xf32>,
        %get3A_703 = arith.constant 1 : i32
        %get3A_704 = arith.index_cast %get3A_703 : i32 to index
        %get3A_705 = arith.index_cast %add3A_590 : i32 to index
        %get3A_706 = arith.constant 112 : index
        %get3A_707 = tpu.vector_load %arg6[%get3A_704, %get3A_705, %get3A_706] {strides = array<i32>} : memref<5x128x128xf32, #tpu.memory_space<vmem>>, vector<1x1x16xf32>,
        %get3A_708 = vector.shape_cast %get3A_707 : vector<1x1x16xf32> to vector<16xf32>
        %mul3A_709 = arith.constant 5.000000e-02 : f32
        %mul3A_710 = vector.broadcast %mul3A_709 : f32 to vector<16xf32>
        %mul3A_711 = arith.mulf %get3A_708, %mul3A_710 : vector<16xf32>
        %swap3A_712 = arith.constant 1 : i32
        %swap3A_713 = arith.index_cast %swap3A_712 : i32 to index
        %swap3A_714 = arith.index_cast %add3A_590 : i32 to index
        %swap3A_715 = arith.constant 112 : index
        %swap3A_716 = tpu.vector_load %arg6[%swap3A_713, %swap3A_714, %swap3A_715] {strides = array<i32>} : memref<5x128x128xf32, #tpu.memory_space<vmem>>, vector<1x1x16xf32>,
        %swap3A_717 = vector.shape_cast %swap3A_716 : vector<1x1x16xf32> to vector<16xf32>
        %swap3A_718 = vector.shape_cast %mul3A_711 : vector<16xf32> to vector<1x1x16xf32>
        tpu.vector_store %arg6[%swap3A_713, %swap3A_714, %swap3A_715], %swap3A_718 {strides = array<i32>} : memref<5x128x128xf32, #tpu.memory_space<vmem>>, vector<1x1x16xf32>,
        %scan3A_719 = arith.constant 3 : i32
        %scan3A_720 = arith.addi %scan3A_320, %scan3A_719 : i32
        %mul3A_721 = arith.constant 1 : i32
        %mul3A_722 = arith.muli %scan3A_720, %mul3A_721 : i32
        %add3A_723 = arith.constant 0 : i32
        %add3A_724 = arith.addi %add3A_723, %mul3A_722 : i32
        %get3A_725 = arith.constant 1 : i32
        %get3A_726 = arith.index_cast %get3A_725 : i32 to index
        %get3A_727 = arith.index_cast %add3A_724 : i32 to index
        %get3A_728 = arith.constant 0 : index
        %get3A_729 = tpu.vector_load %arg6[%get3A_726, %get3A_727, %get3A_728] {strides = array<i32>} : memref<5x128x128xf32, #tpu.memory_space<vmem>>, vector<1x1x16xf32>,
        %get3A_730 = vector.shape_cast %get3A_729 : vector<1x1x16xf32> to vector<16xf32>
        %mul3A_731 = arith.constant 5.000000e-02 : f32
        %mul3A_732 = vector.broadcast %mul3A_731 : f32 to vector<16xf32>
        %mul3A_733 = arith.mulf %get3A_730, %mul3A_732 : vector<16xf32>
        %swap3A_734 = arith.constant 1 : i32
        %swap3A_735 = arith.index_cast %swap3A_734 : i32 to index
        %swap3A_736 = arith.index_cast %add3A_724 : i32 to index
        %swap3A_737 = arith.constant 0 : index
        %swap3A_738 = tpu.vector_load %arg6[%swap3A_735, %swap3A_736, %swap3A_737] {strides = array<i32>} : memref<5x128x128xf32, #tpu.memory_space<vmem>>, vector<1x1x16xf32>,
        %swap3A_739 = vector.shape_cast %swap3A_738 : vector<1x1x16xf32> to vector<16xf32>
        %swap3A_740 = vector.shape_cast %mul3A_733 : vector<16xf32> to vector<1x1x16xf32>
        tpu.vector_store %arg6[%swap3A_735, %swap3A_736, %swap3A_737], %swap3A_740 {strides = array<i32>} : memref<5x128x128xf32, #tpu.memory_space<vmem>>, vector<1x1x16xf32>,
        %get3A_741 = arith.constant 1 : i32
        %get3A_742 = arith.index_cast %get3A_741 : i32 to index
        %get3A_743 = arith.index_cast %add3A_724 : i32 to index
        %get3A_744 = arith.constant 16 : index
        %get3A_745 = tpu.vector_load %arg6[%get3A_742, %get3A_743, %get3A_744] {strides = array<i32>} : memref<5x128x128xf32, #tpu.memory_space<vmem>>, vector<1x1x16xf32>,
        %get3A_746 = vector.shape_cast %get3A_745 : vector<1x1x16xf32> to vector<16xf32>
        %mul3A_747 = arith.constant 5.000000e-02 : f32
        %mul3A_748 = vector.broadcast %mul3A_747 : f32 to vector<16xf32>
        %mul3A_749 = arith.mulf %get3A_746, %mul3A_748 : vector<16xf32>
        %swap3A_750 = arith.constant 1 : i32
        %swap3A_751 = arith.index_cast %swap3A_750 : i32 to index
        %swap3A_752 = arith.index_cast %add3A_724 : i32 to index
        %swap3A_753 = arith.constant 16 : index
        %swap3A_754 = tpu.vector_load %arg6[%swap3A_751, %swap3A_752, %swap3A_753] {strides = array<i32>} : memref<5x128x128xf32, #tpu.memory_space<vmem>>, vector<1x1x16xf32>,
        %swap3A_755 = vector.shape_cast %swap3A_754 : vector<1x1x16xf32> to vector<16xf32>
        %swap3A_756 = vector.shape_cast %mul3A_749 : vector<16xf32> to vector<1x1x16xf32>
        tpu.vector_store %arg6[%swap3A_751, %swap3A_752, %swap3A_753], %swap3A_756 {strides = array<i32>} : memref<5x128x128xf32, #tpu.memory_space<vmem>>, vector<1x1x16xf32>,
        %get3A_757 = arith.constant 1 : i32
        %get3A_758 = arith.index_cast %get3A_757 : i32 to index
        %get3A_759 = arith.index_cast %add3A_724 : i32 to index
        %get3A_760 = arith.constant 32 : index
        %get3A_761 = tpu.vector_load %arg6[%get3A_758, %get3A_759, %get3A_760] {strides = array<i32>} : memref<5x128x128xf32, #tpu.memory_space<vmem>>, vector<1x1x16xf32>,
        %get3A_762 = vector.shape_cast %get3A_761 : vector<1x1x16xf32> to vector<16xf32>
        %mul3A_763 = arith.constant 5.000000e-02 : f32
        %mul3A_764 = vector.broadcast %mul3A_763 : f32 to vector<16xf32>
        %mul3A_765 = arith.mulf %get3A_762, %mul3A_764 : vector<16xf32>
        %swap3A_766 = arith.constant 1 : i32
        %swap3A_767 = arith.index_cast %swap3A_766 : i32 to index
        %swap3A_768 = arith.index_cast %add3A_724 : i32 to index
        %swap3A_769 = arith.constant 32 : index
        %swap3A_770 = tpu.vector_load %arg6[%swap3A_767, %swap3A_768, %swap3A_769] {strides = array<i32>} : memref<5x128x128xf32, #tpu.memory_space<vmem>>, vector<1x1x16xf32>,
        %swap3A_771 = vector.shape_cast %swap3A_770 : vector<1x1x16xf32> to vector<16xf32>
        %swap3A_772 = vector.shape_cast %mul3A_765 : vector<16xf32> to vector<1x1x16xf32>
        tpu.vector_store %arg6[%swap3A_767, %swap3A_768, %swap3A_769], %swap3A_772 {strides = array<i32>} : memref<5x128x128xf32, #tpu.memory_space<vmem>>, vector<1x1x16xf32>,
        %get3A_773 = arith.constant 1 : i32
        %get3A_774 = arith.index_cast %get3A_773 : i32 to index
        %get3A_775 = arith.index_cast %add3A_724 : i32 to index
        %get3A_776 = arith.constant 48 : index
        %get3A_777 = tpu.vector_load %arg6[%get3A_774, %get3A_775, %get3A_776] {strides = array<i32>} : memref<5x128x128xf32, #tpu.memory_space<vmem>>, vector<1x1x16xf32>,
        %get3A_778 = vector.shape_cast %get3A_777 : vector<1x1x16xf32> to vector<16xf32>
        %mul3A_779 = arith.constant 5.000000e-02 : f32
        %mul3A_780 = vector.broadcast %mul3A_779 : f32 to vector<16xf32>
        %mul3A_781 = arith.mulf %get3A_778, %mul3A_780 : vector<16xf32>
        %swap3A_782 = arith.constant 1 : i32
        %swap3A_783 = arith.index_cast %swap3A_782 : i32 to index
        %swap3A_784 = arith.index_cast %add3A_724 : i32 to index
        %swap3A_785 = arith.constant 48 : index
        %swap3A_786 = tpu.vector_load %arg6[%swap3A_783, %swap3A_784, %swap3A_785] {strides = array<i32>} : memref<5x128x128xf32, #tpu.memory_space<vmem>>, vector<1x1x16xf32>,
        %swap3A_787 = vector.shape_cast %swap3A_786 : vector<1x1x16xf32> to vector<16xf32>
        %swap3A_788 = vector.shape_cast %mul3A_781 : vector<16xf32> to vector<1x1x16xf32>
        tpu.vector_store %arg6[%swap3A_783, %swap3A_784, %swap3A_785], %swap3A_788 {strides = array<i32>} : memref<5x128x128xf32, #tpu.memory_space<vmem>>, vector<1x1x16xf32>,
        %get3A_789 = arith.constant 1 : i32
        %get3A_790 = arith.index_cast %get3A_789 : i32 to index
        %get3A_791 = arith.index_cast %add3A_724 : i32 to index
        %get3A_792 = arith.constant 64 : index
        %get3A_793 = tpu.vector_load %arg6[%get3A_790, %get3A_791, %get3A_792] {strides = array<i32>} : memref<5x128x128xf32, #tpu.memory_space<vmem>>, vector<1x1x16xf32>,
        %get3A_794 = vector.shape_cast %get3A_793 : vector<1x1x16xf32> to vector<16xf32>
        %mul3A_795 = arith.constant 5.000000e-02 : f32
        %mul3A_796 = vector.broadcast %mul3A_795 : f32 to vector<16xf32>
        %mul3A_797 = arith.mulf %get3A_794, %mul3A_796 : vector<16xf32>
        %swap3A_798 = arith.constant 1 : i32
        %swap3A_799 = arith.index_cast %swap3A_798 : i32 to index
        %swap3A_800 = arith.index_cast %add3A_724 : i32 to index
        %swap3A_801 = arith.constant 64 : index
        %swap3A_802 = tpu.vector_load %arg6[%swap3A_799, %swap3A_800, %swap3A_801] {strides = array<i32>} : memref<5x128x128xf32, #tpu.memory_space<vmem>>, vector<1x1x16xf32>,
        %swap3A_803 = vector.shape_cast %swap3A_802 : vector<1x1x16xf32> to vector<16xf32>
        %swap3A_804 = vector.shape_cast %mul3A_797 : vector<16xf32> to vector<1x1x16xf32>
        tpu.vector_store %arg6[%swap3A_799, %swap3A_800, %swap3A_801], %swap3A_804 {strides = array<i32>} : memref<5x128x128xf32, #tpu.memory_space<vmem>>, vector<1x1x16xf32>,
        %get3A_805 = arith.constant 1 : i32
        %get3A_806 = arith.index_cast %get3A_805 : i32 to index
        %get3A_807 = arith.index_cast %add3A_724 : i32 to index
        %get3A_808 = arith.constant 80 : index
        %get3A_809 = tpu.vector_load %arg6[%get3A_806, %get3A_807, %get3A_808] {strides = array<i32>} : memref<5x128x128xf32, #tpu.memory_space<vmem>>, vector<1x1x16xf32>,
        %get3A_810 = vector.shape_cast %get3A_809 : vector<1x1x16xf32> to vector<16xf32>
        %mul3A_811 = arith.constant 5.000000e-02 : f32
        %mul3A_812 = vector.broadcast %mul3A_811 : f32 to vector<16xf32>
        %mul3A_813 = arith.mulf %get3A_810, %mul3A_812 : vector<16xf32>
        %swap3A_814 = arith.constant 1 : i32
        %swap3A_815 = arith.index_cast %swap3A_814 : i32 to index
        %swap3A_816 = arith.index_cast %add3A_724 : i32 to index
        %swap3A_817 = arith.constant 80 : index
        %swap3A_818 = tpu.vector_load %arg6[%swap3A_815, %swap3A_816, %swap3A_817] {strides = array<i32>} : memref<5x128x128xf32, #tpu.memory_space<vmem>>, vector<1x1x16xf32>,
        %swap3A_819 = vector.shape_cast %swap3A_818 : vector<1x1x16xf32> to vector<16xf32>
        %swap3A_820 = vector.shape_cast %mul3A_813 : vector<16xf32> to vector<1x1x16xf32>
        tpu.vector_store %arg6[%swap3A_815, %swap3A_816, %swap3A_817], %swap3A_820 {strides = array<i32>} : memref<5x128x128xf32, #tpu.memory_space<vmem>>, vector<1x1x16xf32>,
        %get3A_821 = arith.constant 1 : i32
        %get3A_822 = arith.index_cast %get3A_821 : i32 to index
        %get3A_823 = arith.index_cast %add3A_724 : i32 to index
        %get3A_824 = arith.constant 96 : index
        %get3A_825 = tpu.vector_load %arg6[%get3A_822, %get3A_823, %get3A_824] {strides = array<i32>} : memref<5x128x128xf32, #tpu.memory_space<vmem>>, vector<1x1x16xf32>,
        %get3A_826 = vector.shape_cast %get3A_825 : vector<1x1x16xf32> to vector<16xf32>
        %mul3A_827 = arith.constant 5.000000e-02 : f32
        %mul3A_828 = vector.broadcast %mul3A_827 : f32 to vector<16xf32>
        %mul3A_829 = arith.mulf %get3A_826, %mul3A_828 : vector<16xf32>
        %swap3A_830 = arith.constant 1 : i32
        %swap3A_831 = arith.index_cast %swap3A_830 : i32 to index
        %swap3A_832 = arith.index_cast %add3A_724 : i32 to index
        %swap3A_833 = arith.constant 96 : index
        %swap3A_834 = tpu.vector_load %arg6[%swap3A_831, %swap3A_832, %swap3A_833] {strides = array<i32>} : memref<5x128x128xf32, #tpu.memory_space<vmem>>, vector<1x1x16xf32>,
        %swap3A_835 = vector.shape_cast %swap3A_834 : vector<1x1x16xf32> to vector<16xf32>
        %swap3A_836 = vector.shape_cast %mul3A_829 : vector<16xf32> to vector<1x1x16xf32>
        tpu.vector_store %arg6[%swap3A_831, %swap3A_832, %swap3A_833], %swap3A_836 {strides = array<i32>} : memref<5x128x128xf32, #tpu.memory_space<vmem>>, vector<1x1x16xf32>,
        %get3A_837 = arith.constant 1 : i32
        %get3A_838 = arith.index_cast %get3A_837 : i32 to index
        %get3A_839 = arith.index_cast %add3A_724 : i32 to index
        %get3A_840 = arith.constant 112 : index
        %get3A_841 = tpu.vector_load %arg6[%get3A_838, %get3A_839, %get3A_840] {strides = array<i32>} : memref<5x128x128xf32, #tpu.memory_space<vmem>>, vector<1x1x16xf32>,
        %get3A_842 = vector.shape_cast %get3A_841 : vector<1x1x16xf32> to vector<16xf32>
        %mul3A_843 = arith.constant 5.000000e-02 : f32
        %mul3A_844 = vector.broadcast %mul3A_843 : f32 to vector<16xf32>
        %mul3A_845 = arith.mulf %get3A_842, %mul3A_844 : vector<16xf32>
        %swap3A_846 = arith.constant 1 : i32
        %swap3A_847 = arith.index_cast %swap3A_846 : i32 to index
        %swap3A_848 = arith.index_cast %add3A_724 : i32 to index
        %swap3A_849 = arith.constant 112 : index
        %swap3A_850 = tpu.vector_load %arg6[%swap3A_847, %swap3A_848, %swap3A_849] {strides = array<i32>} : memref<5x128x128xf32, #tpu.memory_space<vmem>>, vector<1x1x16xf32>,
        %swap3A_851 = vector.shape_cast %swap3A_850 : vector<1x1x16xf32> to vector<16xf32>
        %swap3A_852 = vector.shape_cast %mul3A_845 : vector<16xf32> to vector<1x1x16xf32>
        tpu.vector_store %arg6[%swap3A_847, %swap3A_848, %swap3A_849], %swap3A_852 {strides = array<i32>} : memref<5x128x128xf32, #tpu.memory_space<vmem>>, vector<1x1x16xf32>,
      }
      %scan3A_145 = arith.constant 128 : i32
      %mul3A_146 = arith.constant 128 : i32
      %mul3A_147 = arith.muli %add3A_129, %mul3A_146 : i32
      %add3A_148 = arith.addi %mul3A_2, %mul3A_147 : i32
      %dma_start3A_149 = arith.constant 1 : i32
      %dma_start3A_150 = arith.constant 0 : i32
      %dma_start3A_151 = arith.constant 0 : i32
      %dma_start3A_152 = tpu.memref_slice %arg6[%dma_start3A_149, %dma_start3A_150, %dma_start3A_151] : memref<5x128x128xf32, #tpu.memory_space<vmem>> -> memref<1x128x128xf32, #tpu.memory_space<vmem>>
      %dma_start3A_153 = tpu.memref_squeeze %dma_start3A_152 : memref<1x128x128xf32, #tpu.memory_space<vmem>> -> memref<128x128xf32, #tpu.memory_space<vmem>>
      %dma_start3A_154 = arith.constant 0 : i32
      %dma_start3A_155 = tpu.memref_slice %arg4[%add3A_148, %dma_start3A_154] : memref<819200x128xf32, #tpu.memory_space<hbm>> -> memref<128x128xf32, #tpu.memory_space<hbm>>
      %dma_start3A_156 = arith.constant 0 : i32
      %dma_start3A_157 = tpu.memref_slice %arg4[%add3A_148, %dma_start3A_156] : memref<819200x128xf32, #tpu.memory_space<hbm>> -> memref<128x128xf32, #tpu.memory_space<hbm>>
      %dma_start3A_158 = arith.constant 0 : i32
      %dma_start3A_159 = arith.constant 0 : i32
      %dma_start3A_160 = tpu.memref_slice %arg6[%dma_start3A_149, %dma_start3A_158, %dma_start3A_159] : memref<5x128x128xf32, #tpu.memory_space<vmem>> -> memref<1x128x128xf32, #tpu.memory_space<vmem>>
      %dma_start3A_161 = tpu.memref_squeeze %dma_start3A_160 : memref<1x128x128xf32, #tpu.memory_space<vmem>> -> memref<128x128xf32, #tpu.memory_space<vmem>>
      tpu.enqueue_dma source(%dma_start3A_161 : memref<128x128xf32, #tpu.memory_space<vmem>>) target(%dma_start3A_157 : memref<128x128xf32, #tpu.memory_space<hbm>>) target_semaphore(%arg13 : memref<!tpu.dma_semaphore, #tpu.memory_space<semaphore_mem>>)
      %ge3A_162 = arith.constant 1 : i32
      %ge3A_163 = arith.cmpi sge, %add3A_129, %ge3A_162 : i32
      %convert_element_type3A_164 = arith.extui %ge3A_163 : i1 to i32
      %cond3A_165 = arith.constant 0 : i32
      %cond3A_166 = arith.cmpi ne, %convert_element_type3A_164, %cond3A_165 : i32
      scf.if %cond3A_166 {
        %sub3A_320 = arith.constant 1 : i32
        %sub3A_321 = arith.subi %add3A_129, %sub3A_320 : i32
        %mul3A_322 = arith.constant 128 : i32
        %mul3A_323 = arith.muli %sub3A_321, %mul3A_322 : i32
        %add3A_324 = arith.addi %mul3A_2, %mul3A_323 : i32
        %dma_wait3A_325 = arith.constant 0 : i32
        %dma_wait3A_326 = arith.constant 0 : i32
        %dma_wait3A_327 = arith.constant 0 : i32
        %dma_wait3A_328 = tpu.memref_slice %arg6[%dma_wait3A_325, %dma_wait3A_326, %dma_wait3A_327] : memref<5x128x128xf32, #tpu.memory_space<vmem>> -> memref<1x128x128xf32, #tpu.memory_space<vmem>>
        %dma_wait3A_329 = tpu.memref_squeeze %dma_wait3A_328 : memref<1x128x128xf32, #tpu.memory_space<vmem>> -> memref<128x128xf32, #tpu.memory_space<vmem>>
        %dma_wait3A_330 = arith.constant 0 : i32
        %dma_wait3A_331 = tpu.memref_slice %arg4[%add3A_324, %dma_wait3A_330] : memref<819200x128xf32, #tpu.memory_space<hbm>> -> memref<128x128xf32, #tpu.memory_space<hbm>>
        %dma_wait3A_332 = arith.constant 0 : i32
        %dma_wait3A_333 = tpu.memref_slice %arg4[%add3A_324, %dma_wait3A_332] : memref<819200x128xf32, #tpu.memory_space<hbm>> -> memref<128x128xf32, #tpu.memory_space<hbm>>
        %dma_wait3A_334 = arith.constant 0 : i32
        %dma_wait3A_335 = arith.constant 0 : i32
        %dma_wait3A_336 = tpu.memref_slice %arg6[%dma_wait3A_325, %dma_wait3A_334, %dma_wait3A_335] : memref<5x128x128xf32, #tpu.memory_space<vmem>> -> memref<1x128x128xf32, #tpu.memory_space<vmem>>
        %dma_wait3A_337 = tpu.memref_squeeze %dma_wait3A_336 : memref<1x128x128xf32, #tpu.memory_space<vmem>> -> memref<128x128xf32, #tpu.memory_space<vmem>>
        tpu.wait_dma2 semaphore(%arg12 : memref<!tpu.dma_semaphore, #tpu.memory_space<semaphore_mem>>) src(%dma_wait3A_337 : memref<128x128xf32, #tpu.memory_space<vmem>>) dst(%dma_wait3A_333 : memref<128x128xf32, #tpu.memory_space<hbm>>)
      } else {
      }
      %add3A_167 = arith.constant 5 : i32
      %add3A_168 = arith.addi %add3A_129, %add3A_167 : i32
      %sub3A_169 = arith.constant 1 : i32
      %sub3A_170 = arith.subi %add3A_168, %sub3A_169 : i32
      %lt3A_171 = arith.constant 200 : i32
      %lt3A_172 = arith.cmpi slt, %sub3A_170, %lt3A_171 : i32
      %convert_element_type3A_173 = arith.extui %lt3A_172 : i1 to i32
      %cond3A_174 = arith.constant 0 : i32
      %cond3A_175 = arith.cmpi ne, %convert_element_type3A_173, %cond3A_174 : i32
      scf.if %cond3A_175 {
        %add3A_320 = arith.constant 5 : i32
        %add3A_321 = arith.addi %add3A_129, %add3A_320 : i32
        %sub3A_322 = arith.constant 1 : i32
        %sub3A_323 = arith.subi %add3A_321, %sub3A_322 : i32
        %scan3A_324 = arith.constant 0 : i32
        %scan3A_325 = arith.constant 8 : i32
        %scan3A_326 = arith.addi %scan3A_324, %scan3A_325 : i32
        %scan3A_327 = arith.constant 1 : i32
        scf.for %scan3A_344 = %scan3A_324 to %scan3A_326 step %scan3A_327  : i32 {
          %mul3A_345 = arith.constant 1 : i32
          %mul3A_346 = arith.muli %scan3A_344, %mul3A_345 : i32
          %add3A_347 = arith.constant 0 : i32
          %add3A_348 = arith.addi %add3A_347, %mul3A_346 : i32
          %mul3A_349 = arith.constant 128 : i32
          %mul3A_350 = arith.muli %sub3A_323, %mul3A_349 : i32
          %mul3A_351 = arith.constant 16 : i32
          %mul3A_352 = arith.muli %add3A_348, %mul3A_351 : i32
          %add3A_353 = arith.addi %mul3A_350, %mul3A_352 : i32
          %add3A_354 = vector.broadcast %add3A_353 : i32 to vector<16xi32>
          %add3A_355 = arith.addi %iota3A, %add3A_354 : vector<16xi32>
          %add3A_356 = arith.constant 8 : i32
          %add3A_357 = arith.addi %add3A_353, %add3A_356 : i32
          %get3A = arith.index_cast %add3A_357 : i32 to index
          %get3A_358 = tpu.vector_load %arg5[%get3A] {strides = array<i32>} : memref<25608xi32, #tpu.memory_space<vmem>>, vector<16xi32>,
          %get3A_359 = vector.shape_cast %get3A_358 : vector<16xi32> to vector<16xi32>
          %add3A_360 = arith.constant 7 : i32
          %add3A_361 = arith.addi %add3A_353, %add3A_360 : i32
          %get3A_362 = arith.index_cast %add3A_361 : i32 to index
          %get3A_363 = tpu.vector_load %arg5[%get3A_362] {strides = array<i32>} : memref<25608xi32, #tpu.memory_space<vmem>>, vector<16xi32>,
          %get3A_364 = vector.shape_cast %get3A_363 : vector<16xi32> to vector<16xi32>
          %jit3A = arith.constant 200 : i32
          %eq3A = arith.constant 0 : i32
          %eq3A_365 = arith.cmpi eq, %jit3A, %eq3A : i32
          %jit3A_366 = arith.constant 1 : i32
          %select_n3A = arith.select %eq3A_365, %jit3A_366, %jit3A : i32
          %rem3A = vector.broadcast %select_n3A : i32 to vector<16xi32>
          %rem3A_367 = arith.remsi %add3A_355, %rem3A : vector<16xi32>
          %ne3A = arith.constant 0 : i32
          %ne3A_368 = vector.broadcast %ne3A : i32 to vector<16xi32>
          %ne3A_369 = arith.cmpi ne, %rem3A_367, %ne3A_368 : vector<16xi32>
          %lt3A_370 = arith.constant 0 : i32
          %lt3A_371 = vector.broadcast %lt3A_370 : i32 to vector<16xi32>
          %lt3A_372 = arith.cmpi slt, %rem3A_367, %lt3A_371 : vector<16xi32>
          %lt3A_373 = arith.constant 0 : i32
          %lt3A_374 = arith.cmpi slt, %select_n3A, %lt3A_373 : i32
          %ne3A_375 = vector.broadcast %lt3A_374 : i1 to vector<16xi1>
          %ne3A_376 = vector.broadcast %ne3A_375 : vector<16xi1> to vector<16xi1>
          %ne3A_377 = arith.xori %lt3A_372, %ne3A_376 : vector<16xi1>
          %and3A = arith.andi %ne3A_377, %ne3A_369 : vector<16xi1>
          %add3A_378 = vector.broadcast %select_n3A : i32 to vector<16xi32>
          %add3A_379 = arith.addi %rem3A_367, %add3A_378 : vector<16xi32>
          %select_n3A_380 = arith.select %and3A, %add3A_379, %rem3A_367 : vector<16xi1>, vector<16xi32>
          %eq3A_381 = arith.constant 0 : i32
          %eq3A_382 = vector.broadcast %eq3A_381 : i32 to vector<16xi32>
          %eq3A_383 = arith.cmpi eq, %select_n3A_380, %eq3A_382 : vector<16xi32>
          %jit3A_384 = arith.constant 0 : i32
          %broadcast_in_dim3A = vector.broadcast %jit3A_384 : i32 to vector<16xi32>
          %select_n3A_385 = arith.select %eq3A_383, %broadcast_in_dim3A, %get3A_364 : vector<16xi1>, vector<16xi32>
          %mul3A_386 = arith.constant 1024 : i32
          %mul3A_387 = vector.broadcast %mul3A_386 : i32 to vector<16xi32>
          %mul3A_388 = arith.muli %select_n3A_385, %mul3A_387 : vector<16xi32>
          %add3A_389 = arith.addi %mul3A_388, %get3A_359 : vector<16xi32>
          %ge3A_390 = arith.constant 1000000 : i32
          %ge3A_391 = vector.broadcast %ge3A_390 : i32 to vector<16xi32>
          %ge3A_392 = arith.cmpi sge, %add3A_389, %ge3A_391 : vector<16xi32>
          %sub3A_393 = arith.constant 1000000 : i32
          %sub3A_394 = vector.broadcast %sub3A_393 : i32 to vector<16xi32>
          %sub3A_395 = arith.subi %add3A_389, %sub3A_394 : vector<16xi32>
          %select_n3A_396 = arith.select %ge3A_392, %sub3A_395, %add3A_389 : vector<16xi1>, vector<16xi32>
          %swap3A = arith.index_cast %add3A_353 : i32 to index
          %swap3A_397 = tpu.vector_load %arg5[%swap3A] {strides = array<i32>} : memref<25608xi32, #tpu.memory_space<vmem>>, vector<16xi32>,
          %swap3A_398 = vector.shape_cast %swap3A_397 : vector<16xi32> to vector<16xi32>
          %swap3A_399 = vector.shape_cast %select_n3A_396 : vector<16xi32> to vector<16xi32>
          tpu.vector_store %arg5[%swap3A], %swap3A_399 {strides = array<i32>} : memref<25608xi32, #tpu.memory_space<vmem>>, vector<16xi32>,
        }
        %scan3A_328 = arith.constant 8 : i32
        %add3A_329 = arith.constant 5 : i32
        %add3A_330 = arith.addi %add3A_129, %add3A_329 : i32
        %sub3A_331 = arith.constant 1 : i32
        %sub3A_332 = arith.subi %add3A_330, %sub3A_331 : i32
        %mul3A_333 = arith.constant 128 : i32
        %mul3A_334 = arith.muli %sub3A_332, %mul3A_333 : i32
        %dma_start3A_335 = arith.constant 0 : i32
        %dma_start3A_336 = arith.constant 0 : i32
        %dma_start3A_337 = arith.constant 0 : i32
        %dma_start3A_338 = tpu.memref_slice %arg6[%dma_start3A_335, %dma_start3A_336, %dma_start3A_337] : memref<5x128x128xf32, #tpu.memory_space<vmem>> -> memref<1x128x128xf32, #tpu.memory_space<vmem>>
        %dma_start3A_339 = tpu.memref_squeeze %dma_start3A_338 : memref<1x128x128xf32, #tpu.memory_space<vmem>> -> memref<128x128xf32, #tpu.memory_space<vmem>>
        %dma_start3A_340 = tpu.memref_slice %arg5[%mul3A_334] : memref<25608xi32, #tpu.memory_space<vmem>> -> memref<128xi32, #tpu.memory_space<vmem>>
        %dma_start3A_341 = arith.constant 0 : i32
        %dma_start3A_342 = arith.constant 0 : i32
        %dma_start3A_343 = tpu.memref_slice %arg3[%dma_start3A_341, %dma_start3A_342] : memref<1000000x128xf32, #tpu.memory_space<hbm>> -> memref<1000000x128xf32, #tpu.memory_space<hbm>>
        tpu.enqueue_indirect_dma source(%dma_start3A_343 : memref<1000000x128xf32, #tpu.memory_space<hbm>>) target(%dma_start3A_339 : memref<128x128xf32, #tpu.memory_space<vmem>>) offsets(%dma_start3A_340 : memref<128xi32, #tpu.memory_space<vmem>>) semaphore(%arg7 : memref<!tpu.dma_semaphore, #tpu.memory_space<semaphore_mem>>)
      } else {
      }
      %add3A_176 = arith.constant 2 : i32
      %add3A_177 = arith.addi %add3A_84, %add3A_176 : i32
      %mul3A_178 = arith.constant 128 : i32
      %mul3A_179 = arith.muli %add3A_177, %mul3A_178 : i32
      %dma_wait3A_180 = arith.constant 2 : i32
      %dma_wait3A_181 = arith.constant 0 : i32
      %dma_wait3A_182 = arith.constant 0 : i32
      %dma_wait3A_183 = tpu.memref_slice %arg6[%dma_wait3A_180, %dma_wait3A_181, %dma_wait3A_182] : memref<5x128x128xf32, #tpu.memory_space<vmem>> -> memref<1x128x128xf32, #tpu.memory_space<vmem>>
      %dma_wait3A_184 = tpu.memref_squeeze %dma_wait3A_183 : memref<1x128x128xf32, #tpu.memory_space<vmem>> -> memref<128x128xf32, #tpu.memory_space<vmem>>
      %dma_wait3A_185 = tpu.memref_slice %arg5[%mul3A_179] : memref<25608xi32, #tpu.memory_space<vmem>> -> memref<128xi32, #tpu.memory_space<vmem>>
      %dma_wait3A_186 = arith.constant 0 : i32
      %dma_wait3A_187 = arith.constant 0 : i32
      %dma_wait3A_188 = tpu.memref_slice %arg3[%dma_wait3A_186, %dma_wait3A_187] : memref<1000000x128xf32, #tpu.memory_space<hbm>> -> memref<1000000x128xf32, #tpu.memory_space<hbm>>
      tpu.wait_indirect_dma semaphore(%arg9 : memref<!tpu.dma_semaphore, #tpu.memory_space<semaphore_mem>>) src(%dma_wait3A_188 : memref<1000000x128xf32, #tpu.memory_space<hbm>>) dst(%dma_wait3A_184 : memref<128x128xf32, #tpu.memory_space<vmem>>)
      %scan3A_189 = arith.constant 0 : i32
      %scan3A_190 = arith.constant 128 : i32
      %scan3A_191 = arith.addi %scan3A_189, %scan3A_190 : i32
      %scan3A_192 = arith.constant 4 : i32
      scf.for %scan3A_320 = %scan3A_189 to %scan3A_191 step %scan3A_192  : i32 {
        %mul3A_321 = arith.constant 1 : i32
        %mul3A_322 = arith.muli %scan3A_320, %mul3A_321 : i32
        %add3A_323 = arith.constant 0 : i32
        %add3A_324 = arith.addi %add3A_323, %mul3A_322 : i32
        %get3A = arith.constant 2 : i32
        %get3A_325 = arith.index_cast %get3A : i32 to index
        %get3A_326 = arith.index_cast %add3A_324 : i32 to index
        %get3A_327 = arith.constant 0 : index
        %get3A_328 = tpu.vector_load %arg6[%get3A_325, %get3A_326, %get3A_327] {strides = array<i32>} : memref<5x128x128xf32, #tpu.memory_space<vmem>>, vector<1x1x16xf32>,
        %get3A_329 = vector.shape_cast %get3A_328 : vector<1x1x16xf32> to vector<16xf32>
        %mul3A_330 = arith.constant 5.000000e-02 : f32
        %mul3A_331 = vector.broadcast %mul3A_330 : f32 to vector<16xf32>
        %mul3A_332 = arith.mulf %get3A_329, %mul3A_331 : vector<16xf32>
        %swap3A = arith.constant 2 : i32
        %swap3A_333 = arith.index_cast %swap3A : i32 to index
        %swap3A_334 = arith.index_cast %add3A_324 : i32 to index
        %swap3A_335 = arith.constant 0 : index
        %swap3A_336 = tpu.vector_load %arg6[%swap3A_333, %swap3A_334, %swap3A_335] {strides = array<i32>} : memref<5x128x128xf32, #tpu.memory_space<vmem>>, vector<1x1x16xf32>,
        %swap3A_337 = vector.shape_cast %swap3A_336 : vector<1x1x16xf32> to vector<16xf32>
        %swap3A_338 = vector.shape_cast %mul3A_332 : vector<16xf32> to vector<1x1x16xf32>
        tpu.vector_store %arg6[%swap3A_333, %swap3A_334, %swap3A_335], %swap3A_338 {strides = array<i32>} : memref<5x128x128xf32, #tpu.memory_space<vmem>>, vector<1x1x16xf32>,
        %get3A_339 = arith.constant 2 : i32
        %get3A_340 = arith.index_cast %get3A_339 : i32 to index
        %get3A_341 = arith.index_cast %add3A_324 : i32 to index
        %get3A_342 = arith.constant 16 : index
        %get3A_343 = tpu.vector_load %arg6[%get3A_340, %get3A_341, %get3A_342] {strides = array<i32>} : memref<5x128x128xf32, #tpu.memory_space<vmem>>, vector<1x1x16xf32>,
        %get3A_344 = vector.shape_cast %get3A_343 : vector<1x1x16xf32> to vector<16xf32>
        %mul3A_345 = arith.constant 5.000000e-02 : f32
        %mul3A_346 = vector.broadcast %mul3A_345 : f32 to vector<16xf32>
        %mul3A_347 = arith.mulf %get3A_344, %mul3A_346 : vector<16xf32>
        %swap3A_348 = arith.constant 2 : i32
        %swap3A_349 = arith.index_cast %swap3A_348 : i32 to index
        %swap3A_350 = arith.index_cast %add3A_324 : i32 to index
        %swap3A_351 = arith.constant 16 : index
        %swap3A_352 = tpu.vector_load %arg6[%swap3A_349, %swap3A_350, %swap3A_351] {strides = array<i32>} : memref<5x128x128xf32, #tpu.memory_space<vmem>>, vector<1x1x16xf32>,
        %swap3A_353 = vector.shape_cast %swap3A_352 : vector<1x1x16xf32> to vector<16xf32>
        %swap3A_354 = vector.shape_cast %mul3A_347 : vector<16xf32> to vector<1x1x16xf32>
        tpu.vector_store %arg6[%swap3A_349, %swap3A_350, %swap3A_351], %swap3A_354 {strides = array<i32>} : memref<5x128x128xf32, #tpu.memory_space<vmem>>, vector<1x1x16xf32>,
        %get3A_355 = arith.constant 2 : i32
        %get3A_356 = arith.index_cast %get3A_355 : i32 to index
        %get3A_357 = arith.index_cast %add3A_324 : i32 to index
        %get3A_358 = arith.constant 32 : index
        %get3A_359 = tpu.vector_load %arg6[%get3A_356, %get3A_357, %get3A_358] {strides = array<i32>} : memref<5x128x128xf32, #tpu.memory_space<vmem>>, vector<1x1x16xf32>,
        %get3A_360 = vector.shape_cast %get3A_359 : vector<1x1x16xf32> to vector<16xf32>
        %mul3A_361 = arith.constant 5.000000e-02 : f32
        %mul3A_362 = vector.broadcast %mul3A_361 : f32 to vector<16xf32>
        %mul3A_363 = arith.mulf %get3A_360, %mul3A_362 : vector<16xf32>
        %swap3A_364 = arith.constant 2 : i32
        %swap3A_365 = arith.index_cast %swap3A_364 : i32 to index
        %swap3A_366 = arith.index_cast %add3A_324 : i32 to index
        %swap3A_367 = arith.constant 32 : index
        %swap3A_368 = tpu.vector_load %arg6[%swap3A_365, %swap3A_366, %swap3A_367] {strides = array<i32>} : memref<5x128x128xf32, #tpu.memory_space<vmem>>, vector<1x1x16xf32>,
        %swap3A_369 = vector.shape_cast %swap3A_368 : vector<1x1x16xf32> to vector<16xf32>
        %swap3A_370 = vector.shape_cast %mul3A_363 : vector<16xf32> to vector<1x1x16xf32>
        tpu.vector_store %arg6[%swap3A_365, %swap3A_366, %swap3A_367], %swap3A_370 {strides = array<i32>} : memref<5x128x128xf32, #tpu.memory_space<vmem>>, vector<1x1x16xf32>,
        %get3A_371 = arith.constant 2 : i32
        %get3A_372 = arith.index_cast %get3A_371 : i32 to index
        %get3A_373 = arith.index_cast %add3A_324 : i32 to index
        %get3A_374 = arith.constant 48 : index
        %get3A_375 = tpu.vector_load %arg6[%get3A_372, %get3A_373, %get3A_374] {strides = array<i32>} : memref<5x128x128xf32, #tpu.memory_space<vmem>>, vector<1x1x16xf32>,
        %get3A_376 = vector.shape_cast %get3A_375 : vector<1x1x16xf32> to vector<16xf32>
        %mul3A_377 = arith.constant 5.000000e-02 : f32
        %mul3A_378 = vector.broadcast %mul3A_377 : f32 to vector<16xf32>
        %mul3A_379 = arith.mulf %get3A_376, %mul3A_378 : vector<16xf32>
        %swap3A_380 = arith.constant 2 : i32
        %swap3A_381 = arith.index_cast %swap3A_380 : i32 to index
        %swap3A_382 = arith.index_cast %add3A_324 : i32 to index
        %swap3A_383 = arith.constant 48 : index
        %swap3A_384 = tpu.vector_load %arg6[%swap3A_381, %swap3A_382, %swap3A_383] {strides = array<i32>} : memref<5x128x128xf32, #tpu.memory_space<vmem>>, vector<1x1x16xf32>,
        %swap3A_385 = vector.shape_cast %swap3A_384 : vector<1x1x16xf32> to vector<16xf32>
        %swap3A_386 = vector.shape_cast %mul3A_379 : vector<16xf32> to vector<1x1x16xf32>
        tpu.vector_store %arg6[%swap3A_381, %swap3A_382, %swap3A_383], %swap3A_386 {strides = array<i32>} : memref<5x128x128xf32, #tpu.memory_space<vmem>>, vector<1x1x16xf32>,
        %get3A_387 = arith.constant 2 : i32
        %get3A_388 = arith.index_cast %get3A_387 : i32 to index
        %get3A_389 = arith.index_cast %add3A_324 : i32 to index
        %get3A_390 = arith.constant 64 : index
        %get3A_391 = tpu.vector_load %arg6[%get3A_388, %get3A_389, %get3A_390] {strides = array<i32>} : memref<5x128x128xf32, #tpu.memory_space<vmem>>, vector<1x1x16xf32>,
        %get3A_392 = vector.shape_cast %get3A_391 : vector<1x1x16xf32> to vector<16xf32>
        %mul3A_393 = arith.constant 5.000000e-02 : f32
        %mul3A_394 = vector.broadcast %mul3A_393 : f32 to vector<16xf32>
        %mul3A_395 = arith.mulf %get3A_392, %mul3A_394 : vector<16xf32>
        %swap3A_396 = arith.constant 2 : i32
        %swap3A_397 = arith.index_cast %swap3A_396 : i32 to index
        %swap3A_398 = arith.index_cast %add3A_324 : i32 to index
        %swap3A_399 = arith.constant 64 : index
        %swap3A_400 = tpu.vector_load %arg6[%swap3A_397, %swap3A_398, %swap3A_399] {strides = array<i32>} : memref<5x128x128xf32, #tpu.memory_space<vmem>>, vector<1x1x16xf32>,
        %swap3A_401 = vector.shape_cast %swap3A_400 : vector<1x1x16xf32> to vector<16xf32>
        %swap3A_402 = vector.shape_cast %mul3A_395 : vector<16xf32> to vector<1x1x16xf32>
        tpu.vector_store %arg6[%swap3A_397, %swap3A_398, %swap3A_399], %swap3A_402 {strides = array<i32>} : memref<5x128x128xf32, #tpu.memory_space<vmem>>, vector<1x1x16xf32>,
        %get3A_403 = arith.constant 2 : i32
        %get3A_404 = arith.index_cast %get3A_403 : i32 to index
        %get3A_405 = arith.index_cast %add3A_324 : i32 to index
        %get3A_406 = arith.constant 80 : index
        %get3A_407 = tpu.vector_load %arg6[%get3A_404, %get3A_405, %get3A_406] {strides = array<i32>} : memref<5x128x128xf32, #tpu.memory_space<vmem>>, vector<1x1x16xf32>,
        %get3A_408 = vector.shape_cast %get3A_407 : vector<1x1x16xf32> to vector<16xf32>
        %mul3A_409 = arith.constant 5.000000e-02 : f32
        %mul3A_410 = vector.broadcast %mul3A_409 : f32 to vector<16xf32>
        %mul3A_411 = arith.mulf %get3A_408, %mul3A_410 : vector<16xf32>
        %swap3A_412 = arith.constant 2 : i32
        %swap3A_413 = arith.index_cast %swap3A_412 : i32 to index
        %swap3A_414 = arith.index_cast %add3A_324 : i32 to index
        %swap3A_415 = arith.constant 80 : index
        %swap3A_416 = tpu.vector_load %arg6[%swap3A_413, %swap3A_414, %swap3A_415] {strides = array<i32>} : memref<5x128x128xf32, #tpu.memory_space<vmem>>, vector<1x1x16xf32>,
        %swap3A_417 = vector.shape_cast %swap3A_416 : vector<1x1x16xf32> to vector<16xf32>
        %swap3A_418 = vector.shape_cast %mul3A_411 : vector<16xf32> to vector<1x1x16xf32>
        tpu.vector_store %arg6[%swap3A_413, %swap3A_414, %swap3A_415], %swap3A_418 {strides = array<i32>} : memref<5x128x128xf32, #tpu.memory_space<vmem>>, vector<1x1x16xf32>,
        %get3A_419 = arith.constant 2 : i32
        %get3A_420 = arith.index_cast %get3A_419 : i32 to index
        %get3A_421 = arith.index_cast %add3A_324 : i32 to index
        %get3A_422 = arith.constant 96 : index
        %get3A_423 = tpu.vector_load %arg6[%get3A_420, %get3A_421, %get3A_422] {strides = array<i32>} : memref<5x128x128xf32, #tpu.memory_space<vmem>>, vector<1x1x16xf32>,
        %get3A_424 = vector.shape_cast %get3A_423 : vector<1x1x16xf32> to vector<16xf32>
        %mul3A_425 = arith.constant 5.000000e-02 : f32
        %mul3A_426 = vector.broadcast %mul3A_425 : f32 to vector<16xf32>
        %mul3A_427 = arith.mulf %get3A_424, %mul3A_426 : vector<16xf32>
        %swap3A_428 = arith.constant 2 : i32
        %swap3A_429 = arith.index_cast %swap3A_428 : i32 to index
        %swap3A_430 = arith.index_cast %add3A_324 : i32 to index
        %swap3A_431 = arith.constant 96 : index
        %swap3A_432 = tpu.vector_load %arg6[%swap3A_429, %swap3A_430, %swap3A_431] {strides = array<i32>} : memref<5x128x128xf32, #tpu.memory_space<vmem>>, vector<1x1x16xf32>,
        %swap3A_433 = vector.shape_cast %swap3A_432 : vector<1x1x16xf32> to vector<16xf32>
        %swap3A_434 = vector.shape_cast %mul3A_427 : vector<16xf32> to vector<1x1x16xf32>
        tpu.vector_store %arg6[%swap3A_429, %swap3A_430, %swap3A_431], %swap3A_434 {strides = array<i32>} : memref<5x128x128xf32, #tpu.memory_space<vmem>>, vector<1x1x16xf32>,
        %get3A_435 = arith.constant 2 : i32
        %get3A_436 = arith.index_cast %get3A_435 : i32 to index
        %get3A_437 = arith.index_cast %add3A_324 : i32 to index
        %get3A_438 = arith.constant 112 : index
        %get3A_439 = tpu.vector_load %arg6[%get3A_436, %get3A_437, %get3A_438] {strides = array<i32>} : memref<5x128x128xf32, #tpu.memory_space<vmem>>, vector<1x1x16xf32>,
        %get3A_440 = vector.shape_cast %get3A_439 : vector<1x1x16xf32> to vector<16xf32>
        %mul3A_441 = arith.constant 5.000000e-02 : f32
        %mul3A_442 = vector.broadcast %mul3A_441 : f32 to vector<16xf32>
        %mul3A_443 = arith.mulf %get3A_440, %mul3A_442 : vector<16xf32>
        %swap3A_444 = arith.constant 2 : i32
        %swap3A_445 = arith.index_cast %swap3A_444 : i32 to index
        %swap3A_446 = arith.index_cast %add3A_324 : i32 to index
        %swap3A_447 = arith.constant 112 : index
        %swap3A_448 = tpu.vector_load %arg6[%swap3A_445, %swap3A_446, %swap3A_447] {strides = array<i32>} : memref<5x128x128xf32, #tpu.memory_space<vmem>>, vector<1x1x16xf32>,
        %swap3A_449 = vector.shape_cast %swap3A_448 : vector<1x1x16xf32> to vector<16xf32>
        %swap3A_450 = vector.shape_cast %mul3A_443 : vector<16xf32> to vector<1x1x16xf32>
        tpu.vector_store %arg6[%swap3A_445, %swap3A_446, %swap3A_447], %swap3A_450 {strides = array<i32>} : memref<5x128x128xf32, #tpu.memory_space<vmem>>, vector<1x1x16xf32>,
        %scan3A_451 = arith.constant 1 : i32
        %scan3A_452 = arith.addi %scan3A_320, %scan3A_451 : i32
        %mul3A_453 = arith.constant 1 : i32
        %mul3A_454 = arith.muli %scan3A_452, %mul3A_453 : i32
        %add3A_455 = arith.constant 0 : i32
        %add3A_456 = arith.addi %add3A_455, %mul3A_454 : i32
        %get3A_457 = arith.constant 2 : i32
        %get3A_458 = arith.index_cast %get3A_457 : i32 to index
        %get3A_459 = arith.index_cast %add3A_456 : i32 to index
        %get3A_460 = arith.constant 0 : index
        %get3A_461 = tpu.vector_load %arg6[%get3A_458, %get3A_459, %get3A_460] {strides = array<i32>} : memref<5x128x128xf32, #tpu.memory_space<vmem>>, vector<1x1x16xf32>,
        %get3A_462 = vector.shape_cast %get3A_461 : vector<1x1x16xf32> to vector<16xf32>
        %mul3A_463 = arith.constant 5.000000e-02 : f32
        %mul3A_464 = vector.broadcast %mul3A_463 : f32 to vector<16xf32>
        %mul3A_465 = arith.mulf %get3A_462, %mul3A_464 : vector<16xf32>
        %swap3A_466 = arith.constant 2 : i32
        %swap3A_467 = arith.index_cast %swap3A_466 : i32 to index
        %swap3A_468 = arith.index_cast %add3A_456 : i32 to index
        %swap3A_469 = arith.constant 0 : index
        %swap3A_470 = tpu.vector_load %arg6[%swap3A_467, %swap3A_468, %swap3A_469] {strides = array<i32>} : memref<5x128x128xf32, #tpu.memory_space<vmem>>, vector<1x1x16xf32>,
        %swap3A_471 = vector.shape_cast %swap3A_470 : vector<1x1x16xf32> to vector<16xf32>
        %swap3A_472 = vector.shape_cast %mul3A_465 : vector<16xf32> to vector<1x1x16xf32>
        tpu.vector_store %arg6[%swap3A_467, %swap3A_468, %swap3A_469], %swap3A_472 {strides = array<i32>} : memref<5x128x128xf32, #tpu.memory_space<vmem>>, vector<1x1x16xf32>,
        %get3A_473 = arith.constant 2 : i32
        %get3A_474 = arith.index_cast %get3A_473 : i32 to index
        %get3A_475 = arith.index_cast %add3A_456 : i32 to index
        %get3A_476 = arith.constant 16 : index
        %get3A_477 = tpu.vector_load %arg6[%get3A_474, %get3A_475, %get3A_476] {strides = array<i32>} : memref<5x128x128xf32, #tpu.memory_space<vmem>>, vector<1x1x16xf32>,
        %get3A_478 = vector.shape_cast %get3A_477 : vector<1x1x16xf32> to vector<16xf32>
        %mul3A_479 = arith.constant 5.000000e-02 : f32
        %mul3A_480 = vector.broadcast %mul3A_479 : f32 to vector<16xf32>
        %mul3A_481 = arith.mulf %get3A_478, %mul3A_480 : vector<16xf32>
        %swap3A_482 = arith.constant 2 : i32
        %swap3A_483 = arith.index_cast %swap3A_482 : i32 to index
        %swap3A_484 = arith.index_cast %add3A_456 : i32 to index
        %swap3A_485 = arith.constant 16 : index
        %swap3A_486 = tpu.vector_load %arg6[%swap3A_483, %swap3A_484, %swap3A_485] {strides = array<i32>} : memref<5x128x128xf32, #tpu.memory_space<vmem>>, vector<1x1x16xf32>,
        %swap3A_487 = vector.shape_cast %swap3A_486 : vector<1x1x16xf32> to vector<16xf32>
        %swap3A_488 = vector.shape_cast %mul3A_481 : vector<16xf32> to vector<1x1x16xf32>
        tpu.vector_store %arg6[%swap3A_483, %swap3A_484, %swap3A_485], %swap3A_488 {strides = array<i32>} : memref<5x128x128xf32, #tpu.memory_space<vmem>>, vector<1x1x16xf32>,
        %get3A_489 = arith.constant 2 : i32
        %get3A_490 = arith.index_cast %get3A_489 : i32 to index
        %get3A_491 = arith.index_cast %add3A_456 : i32 to index
        %get3A_492 = arith.constant 32 : index
        %get3A_493 = tpu.vector_load %arg6[%get3A_490, %get3A_491, %get3A_492] {strides = array<i32>} : memref<5x128x128xf32, #tpu.memory_space<vmem>>, vector<1x1x16xf32>,
        %get3A_494 = vector.shape_cast %get3A_493 : vector<1x1x16xf32> to vector<16xf32>
        %mul3A_495 = arith.constant 5.000000e-02 : f32
        %mul3A_496 = vector.broadcast %mul3A_495 : f32 to vector<16xf32>
        %mul3A_497 = arith.mulf %get3A_494, %mul3A_496 : vector<16xf32>
        %swap3A_498 = arith.constant 2 : i32
        %swap3A_499 = arith.index_cast %swap3A_498 : i32 to index
        %swap3A_500 = arith.index_cast %add3A_456 : i32 to index
        %swap3A_501 = arith.constant 32 : index
        %swap3A_502 = tpu.vector_load %arg6[%swap3A_499, %swap3A_500, %swap3A_501] {strides = array<i32>} : memref<5x128x128xf32, #tpu.memory_space<vmem>>, vector<1x1x16xf32>,
        %swap3A_503 = vector.shape_cast %swap3A_502 : vector<1x1x16xf32> to vector<16xf32>
        %swap3A_504 = vector.shape_cast %mul3A_497 : vector<16xf32> to vector<1x1x16xf32>
        tpu.vector_store %arg6[%swap3A_499, %swap3A_500, %swap3A_501], %swap3A_504 {strides = array<i32>} : memref<5x128x128xf32, #tpu.memory_space<vmem>>, vector<1x1x16xf32>,
        %get3A_505 = arith.constant 2 : i32
        %get3A_506 = arith.index_cast %get3A_505 : i32 to index
        %get3A_507 = arith.index_cast %add3A_456 : i32 to index
        %get3A_508 = arith.constant 48 : index
        %get3A_509 = tpu.vector_load %arg6[%get3A_506, %get3A_507, %get3A_508] {strides = array<i32>} : memref<5x128x128xf32, #tpu.memory_space<vmem>>, vector<1x1x16xf32>,
        %get3A_510 = vector.shape_cast %get3A_509 : vector<1x1x16xf32> to vector<16xf32>
        %mul3A_511 = arith.constant 5.000000e-02 : f32
        %mul3A_512 = vector.broadcast %mul3A_511 : f32 to vector<16xf32>
        %mul3A_513 = arith.mulf %get3A_510, %mul3A_512 : vector<16xf32>
        %swap3A_514 = arith.constant 2 : i32
        %swap3A_515 = arith.index_cast %swap3A_514 : i32 to index
        %swap3A_516 = arith.index_cast %add3A_456 : i32 to index
        %swap3A_517 = arith.constant 48 : index
        %swap3A_518 = tpu.vector_load %arg6[%swap3A_515, %swap3A_516, %swap3A_517] {strides = array<i32>} : memref<5x128x128xf32, #tpu.memory_space<vmem>>, vector<1x1x16xf32>,
        %swap3A_519 = vector.shape_cast %swap3A_518 : vector<1x1x16xf32> to vector<16xf32>
        %swap3A_520 = vector.shape_cast %mul3A_513 : vector<16xf32> to vector<1x1x16xf32>
        tpu.vector_store %arg6[%swap3A_515, %swap3A_516, %swap3A_517], %swap3A_520 {strides = array<i32>} : memref<5x128x128xf32, #tpu.memory_space<vmem>>, vector<1x1x16xf32>,
        %get3A_521 = arith.constant 2 : i32
        %get3A_522 = arith.index_cast %get3A_521 : i32 to index
        %get3A_523 = arith.index_cast %add3A_456 : i32 to index
        %get3A_524 = arith.constant 64 : index
        %get3A_525 = tpu.vector_load %arg6[%get3A_522, %get3A_523, %get3A_524] {strides = array<i32>} : memref<5x128x128xf32, #tpu.memory_space<vmem>>, vector<1x1x16xf32>,
        %get3A_526 = vector.shape_cast %get3A_525 : vector<1x1x16xf32> to vector<16xf32>
        %mul3A_527 = arith.constant 5.000000e-02 : f32
        %mul3A_528 = vector.broadcast %mul3A_527 : f32 to vector<16xf32>
        %mul3A_529 = arith.mulf %get3A_526, %mul3A_528 : vector<16xf32>
        %swap3A_530 = arith.constant 2 : i32
        %swap3A_531 = arith.index_cast %swap3A_530 : i32 to index
        %swap3A_532 = arith.index_cast %add3A_456 : i32 to index
        %swap3A_533 = arith.constant 64 : index
        %swap3A_534 = tpu.vector_load %arg6[%swap3A_531, %swap3A_532, %swap3A_533] {strides = array<i32>} : memref<5x128x128xf32, #tpu.memory_space<vmem>>, vector<1x1x16xf32>,
        %swap3A_535 = vector.shape_cast %swap3A_534 : vector<1x1x16xf32> to vector<16xf32>
        %swap3A_536 = vector.shape_cast %mul3A_529 : vector<16xf32> to vector<1x1x16xf32>
        tpu.vector_store %arg6[%swap3A_531, %swap3A_532, %swap3A_533], %swap3A_536 {strides = array<i32>} : memref<5x128x128xf32, #tpu.memory_space<vmem>>, vector<1x1x16xf32>,
        %get3A_537 = arith.constant 2 : i32
        %get3A_538 = arith.index_cast %get3A_537 : i32 to index
        %get3A_539 = arith.index_cast %add3A_456 : i32 to index
        %get3A_540 = arith.constant 80 : index
        %get3A_541 = tpu.vector_load %arg6[%get3A_538, %get3A_539, %get3A_540] {strides = array<i32>} : memref<5x128x128xf32, #tpu.memory_space<vmem>>, vector<1x1x16xf32>,
        %get3A_542 = vector.shape_cast %get3A_541 : vector<1x1x16xf32> to vector<16xf32>
        %mul3A_543 = arith.constant 5.000000e-02 : f32
        %mul3A_544 = vector.broadcast %mul3A_543 : f32 to vector<16xf32>
        %mul3A_545 = arith.mulf %get3A_542, %mul3A_544 : vector<16xf32>
        %swap3A_546 = arith.constant 2 : i32
        %swap3A_547 = arith.index_cast %swap3A_546 : i32 to index
        %swap3A_548 = arith.index_cast %add3A_456 : i32 to index
        %swap3A_549 = arith.constant 80 : index
        %swap3A_550 = tpu.vector_load %arg6[%swap3A_547, %swap3A_548, %swap3A_549] {strides = array<i32>} : memref<5x128x128xf32, #tpu.memory_space<vmem>>, vector<1x1x16xf32>,
        %swap3A_551 = vector.shape_cast %swap3A_550 : vector<1x1x16xf32> to vector<16xf32>
        %swap3A_552 = vector.shape_cast %mul3A_545 : vector<16xf32> to vector<1x1x16xf32>
        tpu.vector_store %arg6[%swap3A_547, %swap3A_548, %swap3A_549], %swap3A_552 {strides = array<i32>} : memref<5x128x128xf32, #tpu.memory_space<vmem>>, vector<1x1x16xf32>,
        %get3A_553 = arith.constant 2 : i32
        %get3A_554 = arith.index_cast %get3A_553 : i32 to index
        %get3A_555 = arith.index_cast %add3A_456 : i32 to index
        %get3A_556 = arith.constant 96 : index
        %get3A_557 = tpu.vector_load %arg6[%get3A_554, %get3A_555, %get3A_556] {strides = array<i32>} : memref<5x128x128xf32, #tpu.memory_space<vmem>>, vector<1x1x16xf32>,
        %get3A_558 = vector.shape_cast %get3A_557 : vector<1x1x16xf32> to vector<16xf32>
        %mul3A_559 = arith.constant 5.000000e-02 : f32
        %mul3A_560 = vector.broadcast %mul3A_559 : f32 to vector<16xf32>
        %mul3A_561 = arith.mulf %get3A_558, %mul3A_560 : vector<16xf32>
        %swap3A_562 = arith.constant 2 : i32
        %swap3A_563 = arith.index_cast %swap3A_562 : i32 to index
        %swap3A_564 = arith.index_cast %add3A_456 : i32 to index
        %swap3A_565 = arith.constant 96 : index
        %swap3A_566 = tpu.vector_load %arg6[%swap3A_563, %swap3A_564, %swap3A_565] {strides = array<i32>} : memref<5x128x128xf32, #tpu.memory_space<vmem>>, vector<1x1x16xf32>,
        %swap3A_567 = vector.shape_cast %swap3A_566 : vector<1x1x16xf32> to vector<16xf32>
        %swap3A_568 = vector.shape_cast %mul3A_561 : vector<16xf32> to vector<1x1x16xf32>
        tpu.vector_store %arg6[%swap3A_563, %swap3A_564, %swap3A_565], %swap3A_568 {strides = array<i32>} : memref<5x128x128xf32, #tpu.memory_space<vmem>>, vector<1x1x16xf32>,
        %get3A_569 = arith.constant 2 : i32
        %get3A_570 = arith.index_cast %get3A_569 : i32 to index
        %get3A_571 = arith.index_cast %add3A_456 : i32 to index
        %get3A_572 = arith.constant 112 : index
        %get3A_573 = tpu.vector_load %arg6[%get3A_570, %get3A_571, %get3A_572] {strides = array<i32>} : memref<5x128x128xf32, #tpu.memory_space<vmem>>, vector<1x1x16xf32>,
        %get3A_574 = vector.shape_cast %get3A_573 : vector<1x1x16xf32> to vector<16xf32>
        %mul3A_575 = arith.constant 5.000000e-02 : f32
        %mul3A_576 = vector.broadcast %mul3A_575 : f32 to vector<16xf32>
        %mul3A_577 = arith.mulf %get3A_574, %mul3A_576 : vector<16xf32>
        %swap3A_578 = arith.constant 2 : i32
        %swap3A_579 = arith.index_cast %swap3A_578 : i32 to index
        %swap3A_580 = arith.index_cast %add3A_456 : i32 to index
        %swap3A_581 = arith.constant 112 : index
        %swap3A_582 = tpu.vector_load %arg6[%swap3A_579, %swap3A_580, %swap3A_581] {strides = array<i32>} : memref<5x128x128xf32, #tpu.memory_space<vmem>>, vector<1x1x16xf32>,
        %swap3A_583 = vector.shape_cast %swap3A_582 : vector<1x1x16xf32> to vector<16xf32>
        %swap3A_584 = vector.shape_cast %mul3A_577 : vector<16xf32> to vector<1x1x16xf32>
        tpu.vector_store %arg6[%swap3A_579, %swap3A_580, %swap3A_581], %swap3A_584 {strides = array<i32>} : memref<5x128x128xf32, #tpu.memory_space<vmem>>, vector<1x1x16xf32>,
        %scan3A_585 = arith.constant 2 : i32
        %scan3A_586 = arith.addi %scan3A_320, %scan3A_585 : i32
        %mul3A_587 = arith.constant 1 : i32
        %mul3A_588 = arith.muli %scan3A_586, %mul3A_587 : i32
        %add3A_589 = arith.constant 0 : i32
        %add3A_590 = arith.addi %add3A_589, %mul3A_588 : i32
        %get3A_591 = arith.constant 2 : i32
        %get3A_592 = arith.index_cast %get3A_591 : i32 to index
        %get3A_593 = arith.index_cast %add3A_590 : i32 to index
        %get3A_594 = arith.constant 0 : index
        %get3A_595 = tpu.vector_load %arg6[%get3A_592, %get3A_593, %get3A_594] {strides = array<i32>} : memref<5x128x128xf32, #tpu.memory_space<vmem>>, vector<1x1x16xf32>,
        %get3A_596 = vector.shape_cast %get3A_595 : vector<1x1x16xf32> to vector<16xf32>
        %mul3A_597 = arith.constant 5.000000e-02 : f32
        %mul3A_598 = vector.broadcast %mul3A_597 : f32 to vector<16xf32>
        %mul3A_599 = arith.mulf %get3A_596, %mul3A_598 : vector<16xf32>
        %swap3A_600 = arith.constant 2 : i32
        %swap3A_601 = arith.index_cast %swap3A_600 : i32 to index
        %swap3A_602 = arith.index_cast %add3A_590 : i32 to index
        %swap3A_603 = arith.constant 0 : index
        %swap3A_604 = tpu.vector_load %arg6[%swap3A_601, %swap3A_602, %swap3A_603] {strides = array<i32>} : memref<5x128x128xf32, #tpu.memory_space<vmem>>, vector<1x1x16xf32>,
        %swap3A_605 = vector.shape_cast %swap3A_604 : vector<1x1x16xf32> to vector<16xf32>
        %swap3A_606 = vector.shape_cast %mul3A_599 : vector<16xf32> to vector<1x1x16xf32>
        tpu.vector_store %arg6[%swap3A_601, %swap3A_602, %swap3A_603], %swap3A_606 {strides = array<i32>} : memref<5x128x128xf32, #tpu.memory_space<vmem>>, vector<1x1x16xf32>,
        %get3A_607 = arith.constant 2 : i32
        %get3A_608 = arith.index_cast %get3A_607 : i32 to index
        %get3A_609 = arith.index_cast %add3A_590 : i32 to index
        %get3A_610 = arith.constant 16 : index
        %get3A_611 = tpu.vector_load %arg6[%get3A_608, %get3A_609, %get3A_610] {strides = array<i32>} : memref<5x128x128xf32, #tpu.memory_space<vmem>>, vector<1x1x16xf32>,
        %get3A_612 = vector.shape_cast %get3A_611 : vector<1x1x16xf32> to vector<16xf32>
        %mul3A_613 = arith.constant 5.000000e-02 : f32
        %mul3A_614 = vector.broadcast %mul3A_613 : f32 to vector<16xf32>
        %mul3A_615 = arith.mulf %get3A_612, %mul3A_614 : vector<16xf32>
        %swap3A_616 = arith.constant 2 : i32
        %swap3A_617 = arith.index_cast %swap3A_616 : i32 to index
        %swap3A_618 = arith.index_cast %add3A_590 : i32 to index
        %swap3A_619 = arith.constant 16 : index
        %swap3A_620 = tpu.vector_load %arg6[%swap3A_617, %swap3A_618, %swap3A_619] {strides = array<i32>} : memref<5x128x128xf32, #tpu.memory_space<vmem>>, vector<1x1x16xf32>,
        %swap3A_621 = vector.shape_cast %swap3A_620 : vector<1x1x16xf32> to vector<16xf32>
        %swap3A_622 = vector.shape_cast %mul3A_615 : vector<16xf32> to vector<1x1x16xf32>
        tpu.vector_store %arg6[%swap3A_617, %swap3A_618, %swap3A_619], %swap3A_622 {strides = array<i32>} : memref<5x128x128xf32, #tpu.memory_space<vmem>>, vector<1x1x16xf32>,
        %get3A_623 = arith.constant 2 : i32
        %get3A_624 = arith.index_cast %get3A_623 : i32 to index
        %get3A_625 = arith.index_cast %add3A_590 : i32 to index
        %get3A_626 = arith.constant 32 : index
        %get3A_627 = tpu.vector_load %arg6[%get3A_624, %get3A_625, %get3A_626] {strides = array<i32>} : memref<5x128x128xf32, #tpu.memory_space<vmem>>, vector<1x1x16xf32>,
        %get3A_628 = vector.shape_cast %get3A_627 : vector<1x1x16xf32> to vector<16xf32>
        %mul3A_629 = arith.constant 5.000000e-02 : f32
        %mul3A_630 = vector.broadcast %mul3A_629 : f32 to vector<16xf32>
        %mul3A_631 = arith.mulf %get3A_628, %mul3A_630 : vector<16xf32>
        %swap3A_632 = arith.constant 2 : i32
        %swap3A_633 = arith.index_cast %swap3A_632 : i32 to index
        %swap3A_634 = arith.index_cast %add3A_590 : i32 to index
        %swap3A_635 = arith.constant 32 : index
        %swap3A_636 = tpu.vector_load %arg6[%swap3A_633, %swap3A_634, %swap3A_635] {strides = array<i32>} : memref<5x128x128xf32, #tpu.memory_space<vmem>>, vector<1x1x16xf32>,
        %swap3A_637 = vector.shape_cast %swap3A_636 : vector<1x1x16xf32> to vector<16xf32>
        %swap3A_638 = vector.shape_cast %mul3A_631 : vector<16xf32> to vector<1x1x16xf32>
        tpu.vector_store %arg6[%swap3A_633, %swap3A_634, %swap3A_635], %swap3A_638 {strides = array<i32>} : memref<5x128x128xf32, #tpu.memory_space<vmem>>, vector<1x1x16xf32>,
        %get3A_639 = arith.constant 2 : i32
        %get3A_640 = arith.index_cast %get3A_639 : i32 to index
        %get3A_641 = arith.index_cast %add3A_590 : i32 to index
        %get3A_642 = arith.constant 48 : index
        %get3A_643 = tpu.vector_load %arg6[%get3A_640, %get3A_641, %get3A_642] {strides = array<i32>} : memref<5x128x128xf32, #tpu.memory_space<vmem>>, vector<1x1x16xf32>,
        %get3A_644 = vector.shape_cast %get3A_643 : vector<1x1x16xf32> to vector<16xf32>
        %mul3A_645 = arith.constant 5.000000e-02 : f32
        %mul3A_646 = vector.broadcast %mul3A_645 : f32 to vector<16xf32>
        %mul3A_647 = arith.mulf %get3A_644, %mul3A_646 : vector<16xf32>
        %swap3A_648 = arith.constant 2 : i32
        %swap3A_649 = arith.index_cast %swap3A_648 : i32 to index
        %swap3A_650 = arith.index_cast %add3A_590 : i32 to index
        %swap3A_651 = arith.constant 48 : index
        %swap3A_652 = tpu.vector_load %arg6[%swap3A_649, %swap3A_650, %swap3A_651] {strides = array<i32>} : memref<5x128x128xf32, #tpu.memory_space<vmem>>, vector<1x1x16xf32>,
        %swap3A_653 = vector.shape_cast %swap3A_652 : vector<1x1x16xf32> to vector<16xf32>
        %swap3A_654 = vector.shape_cast %mul3A_647 : vector<16xf32> to vector<1x1x16xf32>
        tpu.vector_store %arg6[%swap3A_649, %swap3A_650, %swap3A_651], %swap3A_654 {strides = array<i32>} : memref<5x128x128xf32, #tpu.memory_space<vmem>>, vector<1x1x16xf32>,
        %get3A_655 = arith.constant 2 : i32
        %get3A_656 = arith.index_cast %get3A_655 : i32 to index
        %get3A_657 = arith.index_cast %add3A_590 : i32 to index
        %get3A_658 = arith.constant 64 : index
        %get3A_659 = tpu.vector_load %arg6[%get3A_656, %get3A_657, %get3A_658] {strides = array<i32>} : memref<5x128x128xf32, #tpu.memory_space<vmem>>, vector<1x1x16xf32>,
        %get3A_660 = vector.shape_cast %get3A_659 : vector<1x1x16xf32> to vector<16xf32>
        %mul3A_661 = arith.constant 5.000000e-02 : f32
        %mul3A_662 = vector.broadcast %mul3A_661 : f32 to vector<16xf32>
        %mul3A_663 = arith.mulf %get3A_660, %mul3A_662 : vector<16xf32>
        %swap3A_664 = arith.constant 2 : i32
        %swap3A_665 = arith.index_cast %swap3A_664 : i32 to index
        %swap3A_666 = arith.index_cast %add3A_590 : i32 to index
        %swap3A_667 = arith.constant 64 : index
        %swap3A_668 = tpu.vector_load %arg6[%swap3A_665, %swap3A_666, %swap3A_667] {strides = array<i32>} : memref<5x128x128xf32, #tpu.memory_space<vmem>>, vector<1x1x16xf32>,
        %swap3A_669 = vector.shape_cast %swap3A_668 : vector<1x1x16xf32> to vector<16xf32>
        %swap3A_670 = vector.shape_cast %mul3A_663 : vector<16xf32> to vector<1x1x16xf32>
        tpu.vector_store %arg6[%swap3A_665, %swap3A_666, %swap3A_667], %swap3A_670 {strides = array<i32>} : memref<5x128x128xf32, #tpu.memory_space<vmem>>, vector<1x1x16xf32>,
        %get3A_671 = arith.constant 2 : i32
        %get3A_672 = arith.index_cast %get3A_671 : i32 to index
        %get3A_673 = arith.index_cast %add3A_590 : i32 to index
        %get3A_674 = arith.constant 80 : index
        %get3A_675 = tpu.vector_load %arg6[%get3A_672, %get3A_673, %get3A_674] {strides = array<i32>} : memref<5x128x128xf32, #tpu.memory_space<vmem>>, vector<1x1x16xf32>,
        %get3A_676 = vector.shape_cast %get3A_675 : vector<1x1x16xf32> to vector<16xf32>
        %mul3A_677 = arith.constant 5.000000e-02 : f32
        %mul3A_678 = vector.broadcast %mul3A_677 : f32 to vector<16xf32>
        %mul3A_679 = arith.mulf %get3A_676, %mul3A_678 : vector<16xf32>
        %swap3A_680 = arith.constant 2 : i32
        %swap3A_681 = arith.index_cast %swap3A_680 : i32 to index
        %swap3A_682 = arith.index_cast %add3A_590 : i32 to index
        %swap3A_683 = arith.constant 80 : index
        %swap3A_684 = tpu.vector_load %arg6[%swap3A_681, %swap3A_682, %swap3A_683] {strides = array<i32>} : memref<5x128x128xf32, #tpu.memory_space<vmem>>, vector<1x1x16xf32>,
        %swap3A_685 = vector.shape_cast %swap3A_684 : vector<1x1x16xf32> to vector<16xf32>
        %swap3A_686 = vector.shape_cast %mul3A_679 : vector<16xf32> to vector<1x1x16xf32>
        tpu.vector_store %arg6[%swap3A_681, %swap3A_682, %swap3A_683], %swap3A_686 {strides = array<i32>} : memref<5x128x128xf32, #tpu.memory_space<vmem>>, vector<1x1x16xf32>,
        %get3A_687 = arith.constant 2 : i32
        %get3A_688 = arith.index_cast %get3A_687 : i32 to index
        %get3A_689 = arith.index_cast %add3A_590 : i32 to index
        %get3A_690 = arith.constant 96 : index
        %get3A_691 = tpu.vector_load %arg6[%get3A_688, %get3A_689, %get3A_690] {strides = array<i32>} : memref<5x128x128xf32, #tpu.memory_space<vmem>>, vector<1x1x16xf32>,
        %get3A_692 = vector.shape_cast %get3A_691 : vector<1x1x16xf32> to vector<16xf32>
        %mul3A_693 = arith.constant 5.000000e-02 : f32
        %mul3A_694 = vector.broadcast %mul3A_693 : f32 to vector<16xf32>
        %mul3A_695 = arith.mulf %get3A_692, %mul3A_694 : vector<16xf32>
        %swap3A_696 = arith.constant 2 : i32
        %swap3A_697 = arith.index_cast %swap3A_696 : i32 to index
        %swap3A_698 = arith.index_cast %add3A_590 : i32 to index
        %swap3A_699 = arith.constant 96 : index
        %swap3A_700 = tpu.vector_load %arg6[%swap3A_697, %swap3A_698, %swap3A_699] {strides = array<i32>} : memref<5x128x128xf32, #tpu.memory_space<vmem>>, vector<1x1x16xf32>,
        %swap3A_701 = vector.shape_cast %swap3A_700 : vector<1x1x16xf32> to vector<16xf32>
        %swap3A_702 = vector.shape_cast %mul3A_695 : vector<16xf32> to vector<1x1x16xf32>
        tpu.vector_store %arg6[%swap3A_697, %swap3A_698, %swap3A_699], %swap3A_702 {strides = array<i32>} : memref<5x128x128xf32, #tpu.memory_space<vmem>>, vector<1x1x16xf32>,
        %get3A_703 = arith.constant 2 : i32
        %get3A_704 = arith.index_cast %get3A_703 : i32 to index
        %get3A_705 = arith.index_cast %add3A_590 : i32 to index
        %get3A_706 = arith.constant 112 : index
        %get3A_707 = tpu.vector_load %arg6[%get3A_704, %get3A_705, %get3A_706] {strides = array<i32>} : memref<5x128x128xf32, #tpu.memory_space<vmem>>, vector<1x1x16xf32>,
        %get3A_708 = vector.shape_cast %get3A_707 : vector<1x1x16xf32> to vector<16xf32>
        %mul3A_709 = arith.constant 5.000000e-02 : f32
        %mul3A_710 = vector.broadcast %mul3A_709 : f32 to vector<16xf32>
        %mul3A_711 = arith.mulf %get3A_708, %mul3A_710 : vector<16xf32>
        %swap3A_712 = arith.constant 2 : i32
        %swap3A_713 = arith.index_cast %swap3A_712 : i32 to index
        %swap3A_714 = arith.index_cast %add3A_590 : i32 to index
        %swap3A_715 = arith.constant 112 : index
        %swap3A_716 = tpu.vector_load %arg6[%swap3A_713, %swap3A_714, %swap3A_715] {strides = array<i32>} : memref<5x128x128xf32, #tpu.memory_space<vmem>>, vector<1x1x16xf32>,
        %swap3A_717 = vector.shape_cast %swap3A_716 : vector<1x1x16xf32> to vector<16xf32>
        %swap3A_718 = vector.shape_cast %mul3A_711 : vector<16xf32> to vector<1x1x16xf32>
        tpu.vector_store %arg6[%swap3A_713, %swap3A_714, %swap3A_715], %swap3A_718 {strides = array<i32>} : memref<5x128x128xf32, #tpu.memory_space<vmem>>, vector<1x1x16xf32>,
        %scan3A_719 = arith.constant 3 : i32
        %scan3A_720 = arith.addi %scan3A_320, %scan3A_719 : i32
        %mul3A_721 = arith.constant 1 : i32
        %mul3A_722 = arith.muli %scan3A_720, %mul3A_721 : i32
        %add3A_723 = arith.constant 0 : i32
        %add3A_724 = arith.addi %add3A_723, %mul3A_722 : i32
        %get3A_725 = arith.constant 2 : i32
        %get3A_726 = arith.index_cast %get3A_725 : i32 to index
        %get3A_727 = arith.index_cast %add3A_724 : i32 to index
        %get3A_728 = arith.constant 0 : index
        %get3A_729 = tpu.vector_load %arg6[%get3A_726, %get3A_727, %get3A_728] {strides = array<i32>} : memref<5x128x128xf32, #tpu.memory_space<vmem>>, vector<1x1x16xf32>,
        %get3A_730 = vector.shape_cast %get3A_729 : vector<1x1x16xf32> to vector<16xf32>
        %mul3A_731 = arith.constant 5.000000e-02 : f32
        %mul3A_732 = vector.broadcast %mul3A_731 : f32 to vector<16xf32>
        %mul3A_733 = arith.mulf %get3A_730, %mul3A_732 : vector<16xf32>
        %swap3A_734 = arith.constant 2 : i32
        %swap3A_735 = arith.index_cast %swap3A_734 : i32 to index
        %swap3A_736 = arith.index_cast %add3A_724 : i32 to index
        %swap3A_737 = arith.constant 0 : index
        %swap3A_738 = tpu.vector_load %arg6[%swap3A_735, %swap3A_736, %swap3A_737] {strides = array<i32>} : memref<5x128x128xf32, #tpu.memory_space<vmem>>, vector<1x1x16xf32>,
        %swap3A_739 = vector.shape_cast %swap3A_738 : vector<1x1x16xf32> to vector<16xf32>
        %swap3A_740 = vector.shape_cast %mul3A_733 : vector<16xf32> to vector<1x1x16xf32>
        tpu.vector_store %arg6[%swap3A_735, %swap3A_736, %swap3A_737], %swap3A_740 {strides = array<i32>} : memref<5x128x128xf32, #tpu.memory_space<vmem>>, vector<1x1x16xf32>,
        %get3A_741 = arith.constant 2 : i32
        %get3A_742 = arith.index_cast %get3A_741 : i32 to index
        %get3A_743 = arith.index_cast %add3A_724 : i32 to index
        %get3A_744 = arith.constant 16 : index
        %get3A_745 = tpu.vector_load %arg6[%get3A_742, %get3A_743, %get3A_744] {strides = array<i32>} : memref<5x128x128xf32, #tpu.memory_space<vmem>>, vector<1x1x16xf32>,
        %get3A_746 = vector.shape_cast %get3A_745 : vector<1x1x16xf32> to vector<16xf32>
        %mul3A_747 = arith.constant 5.000000e-02 : f32
        %mul3A_748 = vector.broadcast %mul3A_747 : f32 to vector<16xf32>
        %mul3A_749 = arith.mulf %get3A_746, %mul3A_748 : vector<16xf32>
        %swap3A_750 = arith.constant 2 : i32
        %swap3A_751 = arith.index_cast %swap3A_750 : i32 to index
        %swap3A_752 = arith.index_cast %add3A_724 : i32 to index
        %swap3A_753 = arith.constant 16 : index
        %swap3A_754 = tpu.vector_load %arg6[%swap3A_751, %swap3A_752, %swap3A_753] {strides = array<i32>} : memref<5x128x128xf32, #tpu.memory_space<vmem>>, vector<1x1x16xf32>,
        %swap3A_755 = vector.shape_cast %swap3A_754 : vector<1x1x16xf32> to vector<16xf32>
        %swap3A_756 = vector.shape_cast %mul3A_749 : vector<16xf32> to vector<1x1x16xf32>
        tpu.vector_store %arg6[%swap3A_751, %swap3A_752, %swap3A_753], %swap3A_756 {strides = array<i32>} : memref<5x128x128xf32, #tpu.memory_space<vmem>>, vector<1x1x16xf32>,
        %get3A_757 = arith.constant 2 : i32
        %get3A_758 = arith.index_cast %get3A_757 : i32 to index
        %get3A_759 = arith.index_cast %add3A_724 : i32 to index
        %get3A_760 = arith.constant 32 : index
        %get3A_761 = tpu.vector_load %arg6[%get3A_758, %get3A_759, %get3A_760] {strides = array<i32>} : memref<5x128x128xf32, #tpu.memory_space<vmem>>, vector<1x1x16xf32>,
        %get3A_762 = vector.shape_cast %get3A_761 : vector<1x1x16xf32> to vector<16xf32>
        %mul3A_763 = arith.constant 5.000000e-02 : f32
        %mul3A_764 = vector.broadcast %mul3A_763 : f32 to vector<16xf32>
        %mul3A_765 = arith.mulf %get3A_762, %mul3A_764 : vector<16xf32>
        %swap3A_766 = arith.constant 2 : i32
        %swap3A_767 = arith.index_cast %swap3A_766 : i32 to index
        %swap3A_768 = arith.index_cast %add3A_724 : i32 to index
        %swap3A_769 = arith.constant 32 : index
        %swap3A_770 = tpu.vector_load %arg6[%swap3A_767, %swap3A_768, %swap3A_769] {strides = array<i32>} : memref<5x128x128xf32, #tpu.memory_space<vmem>>, vector<1x1x16xf32>,
        %swap3A_771 = vector.shape_cast %swap3A_770 : vector<1x1x16xf32> to vector<16xf32>
        %swap3A_772 = vector.shape_cast %mul3A_765 : vector<16xf32> to vector<1x1x16xf32>
        tpu.vector_store %arg6[%swap3A_767, %swap3A_768, %swap3A_769], %swap3A_772 {strides = array<i32>} : memref<5x128x128xf32, #tpu.memory_space<vmem>>, vector<1x1x16xf32>,
        %get3A_773 = arith.constant 2 : i32
        %get3A_774 = arith.index_cast %get3A_773 : i32 to index
        %get3A_775 = arith.index_cast %add3A_724 : i32 to index
        %get3A_776 = arith.constant 48 : index
        %get3A_777 = tpu.vector_load %arg6[%get3A_774, %get3A_775, %get3A_776] {strides = array<i32>} : memref<5x128x128xf32, #tpu.memory_space<vmem>>, vector<1x1x16xf32>,
        %get3A_778 = vector.shape_cast %get3A_777 : vector<1x1x16xf32> to vector<16xf32>
        %mul3A_779 = arith.constant 5.000000e-02 : f32
        %mul3A_780 = vector.broadcast %mul3A_779 : f32 to vector<16xf32>
        %mul3A_781 = arith.mulf %get3A_778, %mul3A_780 : vector<16xf32>
        %swap3A_782 = arith.constant 2 : i32
        %swap3A_783 = arith.index_cast %swap3A_782 : i32 to index
        %swap3A_784 = arith.index_cast %add3A_724 : i32 to index
        %swap3A_785 = arith.constant 48 : index
        %swap3A_786 = tpu.vector_load %arg6[%swap3A_783, %swap3A_784, %swap3A_785] {strides = array<i32>} : memref<5x128x128xf32, #tpu.memory_space<vmem>>, vector<1x1x16xf32>,
        %swap3A_787 = vector.shape_cast %swap3A_786 : vector<1x1x16xf32> to vector<16xf32>
        %swap3A_788 = vector.shape_cast %mul3A_781 : vector<16xf32> to vector<1x1x16xf32>
        tpu.vector_store %arg6[%swap3A_783, %swap3A_784, %swap3A_785], %swap3A_788 {strides = array<i32>} : memref<5x128x128xf32, #tpu.memory_space<vmem>>, vector<1x1x16xf32>,
        %get3A_789 = arith.constant 2 : i32
        %get3A_790 = arith.index_cast %get3A_789 : i32 to index
        %get3A_791 = arith.index_cast %add3A_724 : i32 to index
        %get3A_792 = arith.constant 64 : index
        %get3A_793 = tpu.vector_load %arg6[%get3A_790, %get3A_791, %get3A_792] {strides = array<i32>} : memref<5x128x128xf32, #tpu.memory_space<vmem>>, vector<1x1x16xf32>,
        %get3A_794 = vector.shape_cast %get3A_793 : vector<1x1x16xf32> to vector<16xf32>
        %mul3A_795 = arith.constant 5.000000e-02 : f32
        %mul3A_796 = vector.broadcast %mul3A_795 : f32 to vector<16xf32>
        %mul3A_797 = arith.mulf %get3A_794, %mul3A_796 : vector<16xf32>
        %swap3A_798 = arith.constant 2 : i32
        %swap3A_799 = arith.index_cast %swap3A_798 : i32 to index
        %swap3A_800 = arith.index_cast %add3A_724 : i32 to index
        %swap3A_801 = arith.constant 64 : index
        %swap3A_802 = tpu.vector_load %arg6[%swap3A_799, %swap3A_800, %swap3A_801] {strides = array<i32>} : memref<5x128x128xf32, #tpu.memory_space<vmem>>, vector<1x1x16xf32>,
        %swap3A_803 = vector.shape_cast %swap3A_802 : vector<1x1x16xf32> to vector<16xf32>
        %swap3A_804 = vector.shape_cast %mul3A_797 : vector<16xf32> to vector<1x1x16xf32>
        tpu.vector_store %arg6[%swap3A_799, %swap3A_800, %swap3A_801], %swap3A_804 {strides = array<i32>} : memref<5x128x128xf32, #tpu.memory_space<vmem>>, vector<1x1x16xf32>,
        %get3A_805 = arith.constant 2 : i32
        %get3A_806 = arith.index_cast %get3A_805 : i32 to index
        %get3A_807 = arith.index_cast %add3A_724 : i32 to index
        %get3A_808 = arith.constant 80 : index
        %get3A_809 = tpu.vector_load %arg6[%get3A_806, %get3A_807, %get3A_808] {strides = array<i32>} : memref<5x128x128xf32, #tpu.memory_space<vmem>>, vector<1x1x16xf32>,
        %get3A_810 = vector.shape_cast %get3A_809 : vector<1x1x16xf32> to vector<16xf32>
        %mul3A_811 = arith.constant 5.000000e-02 : f32
        %mul3A_812 = vector.broadcast %mul3A_811 : f32 to vector<16xf32>
        %mul3A_813 = arith.mulf %get3A_810, %mul3A_812 : vector<16xf32>
        %swap3A_814 = arith.constant 2 : i32
        %swap3A_815 = arith.index_cast %swap3A_814 : i32 to index
        %swap3A_816 = arith.index_cast %add3A_724 : i32 to index
        %swap3A_817 = arith.constant 80 : index
        %swap3A_818 = tpu.vector_load %arg6[%swap3A_815, %swap3A_816, %swap3A_817] {strides = array<i32>} : memref<5x128x128xf32, #tpu.memory_space<vmem>>, vector<1x1x16xf32>,
        %swap3A_819 = vector.shape_cast %swap3A_818 : vector<1x1x16xf32> to vector<16xf32>
        %swap3A_820 = vector.shape_cast %mul3A_813 : vector<16xf32> to vector<1x1x16xf32>
        tpu.vector_store %arg6[%swap3A_815, %swap3A_816, %swap3A_817], %swap3A_820 {strides = array<i32>} : memref<5x128x128xf32, #tpu.memory_space<vmem>>, vector<1x1x16xf32>,
        %get3A_821 = arith.constant 2 : i32
        %get3A_822 = arith.index_cast %get3A_821 : i32 to index
        %get3A_823 = arith.index_cast %add3A_724 : i32 to index
        %get3A_824 = arith.constant 96 : index
        %get3A_825 = tpu.vector_load %arg6[%get3A_822, %get3A_823, %get3A_824] {strides = array<i32>} : memref<5x128x128xf32, #tpu.memory_space<vmem>>, vector<1x1x16xf32>,
        %get3A_826 = vector.shape_cast %get3A_825 : vector<1x1x16xf32> to vector<16xf32>
        %mul3A_827 = arith.constant 5.000000e-02 : f32
        %mul3A_828 = vector.broadcast %mul3A_827 : f32 to vector<16xf32>
        %mul3A_829 = arith.mulf %get3A_826, %mul3A_828 : vector<16xf32>
        %swap3A_830 = arith.constant 2 : i32
        %swap3A_831 = arith.index_cast %swap3A_830 : i32 to index
        %swap3A_832 = arith.index_cast %add3A_724 : i32 to index
        %swap3A_833 = arith.constant 96 : index
        %swap3A_834 = tpu.vector_load %arg6[%swap3A_831, %swap3A_832, %swap3A_833] {strides = array<i32>} : memref<5x128x128xf32, #tpu.memory_space<vmem>>, vector<1x1x16xf32>,
        %swap3A_835 = vector.shape_cast %swap3A_834 : vector<1x1x16xf32> to vector<16xf32>
        %swap3A_836 = vector.shape_cast %mul3A_829 : vector<16xf32> to vector<1x1x16xf32>
        tpu.vector_store %arg6[%swap3A_831, %swap3A_832, %swap3A_833], %swap3A_836 {strides = array<i32>} : memref<5x128x128xf32, #tpu.memory_space<vmem>>, vector<1x1x16xf32>,
        %get3A_837 = arith.constant 2 : i32
        %get3A_838 = arith.index_cast %get3A_837 : i32 to index
        %get3A_839 = arith.index_cast %add3A_724 : i32 to index
        %get3A_840 = arith.constant 112 : index
        %get3A_841 = tpu.vector_load %arg6[%get3A_838, %get3A_839, %get3A_840] {strides = array<i32>} : memref<5x128x128xf32, #tpu.memory_space<vmem>>, vector<1x1x16xf32>,
        %get3A_842 = vector.shape_cast %get3A_841 : vector<1x1x16xf32> to vector<16xf32>
        %mul3A_843 = arith.constant 5.000000e-02 : f32
        %mul3A_844 = vector.broadcast %mul3A_843 : f32 to vector<16xf32>
        %mul3A_845 = arith.mulf %get3A_842, %mul3A_844 : vector<16xf32>
        %swap3A_846 = arith.constant 2 : i32
        %swap3A_847 = arith.index_cast %swap3A_846 : i32 to index
        %swap3A_848 = arith.index_cast %add3A_724 : i32 to index
        %swap3A_849 = arith.constant 112 : index
        %swap3A_850 = tpu.vector_load %arg6[%swap3A_847, %swap3A_848, %swap3A_849] {strides = array<i32>} : memref<5x128x128xf32, #tpu.memory_space<vmem>>, vector<1x1x16xf32>,
        %swap3A_851 = vector.shape_cast %swap3A_850 : vector<1x1x16xf32> to vector<16xf32>
        %swap3A_852 = vector.shape_cast %mul3A_845 : vector<16xf32> to vector<1x1x16xf32>
        tpu.vector_store %arg6[%swap3A_847, %swap3A_848, %swap3A_849], %swap3A_852 {strides = array<i32>} : memref<5x128x128xf32, #tpu.memory_space<vmem>>, vector<1x1x16xf32>,
      }
      %scan3A_193 = arith.constant 128 : i32
      %mul3A_194 = arith.constant 128 : i32
      %mul3A_195 = arith.muli %add3A_177, %mul3A_194 : i32
      %add3A_196 = arith.addi %mul3A_2, %mul3A_195 : i32
      %dma_start3A_197 = arith.constant 2 : i32
      %dma_start3A_198 = arith.constant 0 : i32
      %dma_start3A_199 = arith.constant 0 : i32
      %dma_start3A_200 = tpu.memref_slice %arg6[%dma_start3A_197, %dma_start3A_198, %dma_start3A_199] : memref<5x128x128xf32, #tpu.memory_space<vmem>> -> memref<1x128x128xf32, #tpu.memory_space<vmem>>
      %dma_start3A_201 = tpu.memref_squeeze %dma_start3A_200 : memref<1x128x128xf32, #tpu.memory_space<vmem>> -> memref<128x128xf32, #tpu.memory_space<vmem>>
      %dma_start3A_202 = arith.constant 0 : i32
      %dma_start3A_203 = tpu.memref_slice %arg4[%add3A_196, %dma_start3A_202] : memref<819200x128xf32, #tpu.memory_space<hbm>> -> memref<128x128xf32, #tpu.memory_space<hbm>>
      %dma_start3A_204 = arith.constant 0 : i32
      %dma_start3A_205 = tpu.memref_slice %arg4[%add3A_196, %dma_start3A_204] : memref<819200x128xf32, #tpu.memory_space<hbm>> -> memref<128x128xf32, #tpu.memory_space<hbm>>
      %dma_start3A_206 = arith.constant 0 : i32
      %dma_start3A_207 = arith.constant 0 : i32
      %dma_start3A_208 = tpu.memref_slice %arg6[%dma_start3A_197, %dma_start3A_206, %dma_start3A_207] : memref<5x128x128xf32, #tpu.memory_space<vmem>> -> memref<1x128x128xf32, #tpu.memory_space<vmem>>
      %dma_start3A_209 = tpu.memref_squeeze %dma_start3A_208 : memref<1x128x128xf32, #tpu.memory_space<vmem>> -> memref<128x128xf32, #tpu.memory_space<vmem>>
      tpu.enqueue_dma source(%dma_start3A_209 : memref<128x128xf32, #tpu.memory_space<vmem>>) target(%dma_start3A_205 : memref<128x128xf32, #tpu.memory_space<hbm>>) target_semaphore(%arg14 : memref<!tpu.dma_semaphore, #tpu.memory_space<semaphore_mem>>)
      %ge3A_210 = arith.constant 1 : i32
      %ge3A_211 = arith.cmpi sge, %add3A_177, %ge3A_210 : i32
      %convert_element_type3A_212 = arith.extui %ge3A_211 : i1 to i32
      %cond3A_213 = arith.constant 0 : i32
      %cond3A_214 = arith.cmpi ne, %convert_element_type3A_212, %cond3A_213 : i32
      scf.if %cond3A_214 {
        %sub3A_320 = arith.constant 1 : i32
        %sub3A_321 = arith.subi %add3A_177, %sub3A_320 : i32
        %mul3A_322 = arith.constant 128 : i32
        %mul3A_323 = arith.muli %sub3A_321, %mul3A_322 : i32
        %add3A_324 = arith.addi %mul3A_2, %mul3A_323 : i32
        %dma_wait3A_325 = arith.constant 1 : i32
        %dma_wait3A_326 = arith.constant 0 : i32
        %dma_wait3A_327 = arith.constant 0 : i32
        %dma_wait3A_328 = tpu.memref_slice %arg6[%dma_wait3A_325, %dma_wait3A_326, %dma_wait3A_327] : memref<5x128x128xf32, #tpu.memory_space<vmem>> -> memref<1x128x128xf32, #tpu.memory_space<vmem>>
        %dma_wait3A_329 = tpu.memref_squeeze %dma_wait3A_328 : memref<1x128x128xf32, #tpu.memory_space<vmem>> -> memref<128x128xf32, #tpu.memory_space<vmem>>
        %dma_wait3A_330 = arith.constant 0 : i32
        %dma_wait3A_331 = tpu.memref_slice %arg4[%add3A_324, %dma_wait3A_330] : memref<819200x128xf32, #tpu.memory_space<hbm>> -> memref<128x128xf32, #tpu.memory_space<hbm>>
        %dma_wait3A_332 = arith.constant 0 : i32
        %dma_wait3A_333 = tpu.memref_slice %arg4[%add3A_324, %dma_wait3A_332] : memref<819200x128xf32, #tpu.memory_space<hbm>> -> memref<128x128xf32, #tpu.memory_space<hbm>>
        %dma_wait3A_334 = arith.constant 0 : i32
        %dma_wait3A_335 = arith.constant 0 : i32
        %dma_wait3A_336 = tpu.memref_slice %arg6[%dma_wait3A_325, %dma_wait3A_334, %dma_wait3A_335] : memref<5x128x128xf32, #tpu.memory_space<vmem>> -> memref<1x128x128xf32, #tpu.memory_space<vmem>>
        %dma_wait3A_337 = tpu.memref_squeeze %dma_wait3A_336 : memref<1x128x128xf32, #tpu.memory_space<vmem>> -> memref<128x128xf32, #tpu.memory_space<vmem>>
        tpu.wait_dma2 semaphore(%arg13 : memref<!tpu.dma_semaphore, #tpu.memory_space<semaphore_mem>>) src(%dma_wait3A_337 : memref<128x128xf32, #tpu.memory_space<vmem>>) dst(%dma_wait3A_333 : memref<128x128xf32, #tpu.memory_space<hbm>>)
      } else {
      }
      %add3A_215 = arith.constant 5 : i32
      %add3A_216 = arith.addi %add3A_177, %add3A_215 : i32
      %sub3A_217 = arith.constant 1 : i32
      %sub3A_218 = arith.subi %add3A_216, %sub3A_217 : i32
      %lt3A_219 = arith.constant 200 : i32
      %lt3A_220 = arith.cmpi slt, %sub3A_218, %lt3A_219 : i32
      %convert_element_type3A_221 = arith.extui %lt3A_220 : i1 to i32
      %cond3A_222 = arith.constant 0 : i32
      %cond3A_223 = arith.cmpi ne, %convert_element_type3A_221, %cond3A_222 : i32
      scf.if %cond3A_223 {
        %add3A_320 = arith.constant 5 : i32
        %add3A_321 = arith.addi %add3A_177, %add3A_320 : i32
        %sub3A_322 = arith.constant 1 : i32
        %sub3A_323 = arith.subi %add3A_321, %sub3A_322 : i32
        %scan3A_324 = arith.constant 0 : i32
        %scan3A_325 = arith.constant 8 : i32
        %scan3A_326 = arith.addi %scan3A_324, %scan3A_325 : i32
        %scan3A_327 = arith.constant 1 : i32
        scf.for %scan3A_344 = %scan3A_324 to %scan3A_326 step %scan3A_327  : i32 {
          %mul3A_345 = arith.constant 1 : i32
          %mul3A_346 = arith.muli %scan3A_344, %mul3A_345 : i32
          %add3A_347 = arith.constant 0 : i32
          %add3A_348 = arith.addi %add3A_347, %mul3A_346 : i32
          %mul3A_349 = arith.constant 128 : i32
          %mul3A_350 = arith.muli %sub3A_323, %mul3A_349 : i32
          %mul3A_351 = arith.constant 16 : i32
          %mul3A_352 = arith.muli %add3A_348, %mul3A_351 : i32
          %add3A_353 = arith.addi %mul3A_350, %mul3A_352 : i32
          %add3A_354 = vector.broadcast %add3A_353 : i32 to vector<16xi32>
          %add3A_355 = arith.addi %iota3A, %add3A_354 : vector<16xi32>
          %add3A_356 = arith.constant 8 : i32
          %add3A_357 = arith.addi %add3A_353, %add3A_356 : i32
          %get3A = arith.index_cast %add3A_357 : i32 to index
          %get3A_358 = tpu.vector_load %arg5[%get3A] {strides = array<i32>} : memref<25608xi32, #tpu.memory_space<vmem>>, vector<16xi32>,
          %get3A_359 = vector.shape_cast %get3A_358 : vector<16xi32> to vector<16xi32>
          %add3A_360 = arith.constant 7 : i32
          %add3A_361 = arith.addi %add3A_353, %add3A_360 : i32
          %get3A_362 = arith.index_cast %add3A_361 : i32 to index
          %get3A_363 = tpu.vector_load %arg5[%get3A_362] {strides = array<i32>} : memref<25608xi32, #tpu.memory_space<vmem>>, vector<16xi32>,
          %get3A_364 = vector.shape_cast %get3A_363 : vector<16xi32> to vector<16xi32>
          %jit3A = arith.constant 200 : i32
          %eq3A = arith.constant 0 : i32
          %eq3A_365 = arith.cmpi eq, %jit3A, %eq3A : i32
          %jit3A_366 = arith.constant 1 : i32
          %select_n3A = arith.select %eq3A_365, %jit3A_366, %jit3A : i32
          %rem3A = vector.broadcast %select_n3A : i32 to vector<16xi32>
          %rem3A_367 = arith.remsi %add3A_355, %rem3A : vector<16xi32>
          %ne3A = arith.constant 0 : i32
          %ne3A_368 = vector.broadcast %ne3A : i32 to vector<16xi32>
          %ne3A_369 = arith.cmpi ne, %rem3A_367, %ne3A_368 : vector<16xi32>
          %lt3A_370 = arith.constant 0 : i32
          %lt3A_371 = vector.broadcast %lt3A_370 : i32 to vector<16xi32>
          %lt3A_372 = arith.cmpi slt, %rem3A_367, %lt3A_371 : vector<16xi32>
          %lt3A_373 = arith.constant 0 : i32
          %lt3A_374 = arith.cmpi slt, %select_n3A, %lt3A_373 : i32
          %ne3A_375 = vector.broadcast %lt3A_374 : i1 to vector<16xi1>
          %ne3A_376 = vector.broadcast %ne3A_375 : vector<16xi1> to vector<16xi1>
          %ne3A_377 = arith.xori %lt3A_372, %ne3A_376 : vector<16xi1>
          %and3A = arith.andi %ne3A_377, %ne3A_369 : vector<16xi1>
          %add3A_378 = vector.broadcast %select_n3A : i32 to vector<16xi32>
          %add3A_379 = arith.addi %rem3A_367, %add3A_378 : vector<16xi32>
          %select_n3A_380 = arith.select %and3A, %add3A_379, %rem3A_367 : vector<16xi1>, vector<16xi32>
          %eq3A_381 = arith.constant 0 : i32
          %eq3A_382 = vector.broadcast %eq3A_381 : i32 to vector<16xi32>
          %eq3A_383 = arith.cmpi eq, %select_n3A_380, %eq3A_382 : vector<16xi32>
          %jit3A_384 = arith.constant 0 : i32
          %broadcast_in_dim3A = vector.broadcast %jit3A_384 : i32 to vector<16xi32>
          %select_n3A_385 = arith.select %eq3A_383, %broadcast_in_dim3A, %get3A_364 : vector<16xi1>, vector<16xi32>
          %mul3A_386 = arith.constant 1024 : i32
          %mul3A_387 = vector.broadcast %mul3A_386 : i32 to vector<16xi32>
          %mul3A_388 = arith.muli %select_n3A_385, %mul3A_387 : vector<16xi32>
          %add3A_389 = arith.addi %mul3A_388, %get3A_359 : vector<16xi32>
          %ge3A_390 = arith.constant 1000000 : i32
          %ge3A_391 = vector.broadcast %ge3A_390 : i32 to vector<16xi32>
          %ge3A_392 = arith.cmpi sge, %add3A_389, %ge3A_391 : vector<16xi32>
          %sub3A_393 = arith.constant 1000000 : i32
          %sub3A_394 = vector.broadcast %sub3A_393 : i32 to vector<16xi32>
          %sub3A_395 = arith.subi %add3A_389, %sub3A_394 : vector<16xi32>
          %select_n3A_396 = arith.select %ge3A_392, %sub3A_395, %add3A_389 : vector<16xi1>, vector<16xi32>
          %swap3A = arith.index_cast %add3A_353 : i32 to index
          %swap3A_397 = tpu.vector_load %arg5[%swap3A] {strides = array<i32>} : memref<25608xi32, #tpu.memory_space<vmem>>, vector<16xi32>,
          %swap3A_398 = vector.shape_cast %swap3A_397 : vector<16xi32> to vector<16xi32>
          %swap3A_399 = vector.shape_cast %select_n3A_396 : vector<16xi32> to vector<16xi32>
          tpu.vector_store %arg5[%swap3A], %swap3A_399 {strides = array<i32>} : memref<25608xi32, #tpu.memory_space<vmem>>, vector<16xi32>,
        }
        %scan3A_328 = arith.constant 8 : i32
        %add3A_329 = arith.constant 5 : i32
        %add3A_330 = arith.addi %add3A_177, %add3A_329 : i32
        %sub3A_331 = arith.constant 1 : i32
        %sub3A_332 = arith.subi %add3A_330, %sub3A_331 : i32
        %mul3A_333 = arith.constant 128 : i32
        %mul3A_334 = arith.muli %sub3A_332, %mul3A_333 : i32
        %dma_start3A_335 = arith.constant 1 : i32
        %dma_start3A_336 = arith.constant 0 : i32
        %dma_start3A_337 = arith.constant 0 : i32
        %dma_start3A_338 = tpu.memref_slice %arg6[%dma_start3A_335, %dma_start3A_336, %dma_start3A_337] : memref<5x128x128xf32, #tpu.memory_space<vmem>> -> memref<1x128x128xf32, #tpu.memory_space<vmem>>
        %dma_start3A_339 = tpu.memref_squeeze %dma_start3A_338 : memref<1x128x128xf32, #tpu.memory_space<vmem>> -> memref<128x128xf32, #tpu.memory_space<vmem>>
        %dma_start3A_340 = tpu.memref_slice %arg5[%mul3A_334] : memref<25608xi32, #tpu.memory_space<vmem>> -> memref<128xi32, #tpu.memory_space<vmem>>
        %dma_start3A_341 = arith.constant 0 : i32
        %dma_start3A_342 = arith.constant 0 : i32
        %dma_start3A_343 = tpu.memref_slice %arg3[%dma_start3A_341, %dma_start3A_342] : memref<1000000x128xf32, #tpu.memory_space<hbm>> -> memref<1000000x128xf32, #tpu.memory_space<hbm>>
        tpu.enqueue_indirect_dma source(%dma_start3A_343 : memref<1000000x128xf32, #tpu.memory_space<hbm>>) target(%dma_start3A_339 : memref<128x128xf32, #tpu.memory_space<vmem>>) offsets(%dma_start3A_340 : memref<128xi32, #tpu.memory_space<vmem>>) semaphore(%arg8 : memref<!tpu.dma_semaphore, #tpu.memory_space<semaphore_mem>>)
      } else {
      }
      %add3A_224 = arith.constant 3 : i32
      %add3A_225 = arith.addi %add3A_84, %add3A_224 : i32
      %mul3A_226 = arith.constant 128 : i32
      %mul3A_227 = arith.muli %add3A_225, %mul3A_226 : i32
      %dma_wait3A_228 = arith.constant 3 : i32
      %dma_wait3A_229 = arith.constant 0 : i32
      %dma_wait3A_230 = arith.constant 0 : i32
      %dma_wait3A_231 = tpu.memref_slice %arg6[%dma_wait3A_228, %dma_wait3A_229, %dma_wait3A_230] : memref<5x128x128xf32, #tpu.memory_space<vmem>> -> memref<1x128x128xf32, #tpu.memory_space<vmem>>
      %dma_wait3A_232 = tpu.memref_squeeze %dma_wait3A_231 : memref<1x128x128xf32, #tpu.memory_space<vmem>> -> memref<128x128xf32, #tpu.memory_space<vmem>>
      %dma_wait3A_233 = tpu.memref_slice %arg5[%mul3A_227] : memref<25608xi32, #tpu.memory_space<vmem>> -> memref<128xi32, #tpu.memory_space<vmem>>
      %dma_wait3A_234 = arith.constant 0 : i32
      %dma_wait3A_235 = arith.constant 0 : i32
      %dma_wait3A_236 = tpu.memref_slice %arg3[%dma_wait3A_234, %dma_wait3A_235] : memref<1000000x128xf32, #tpu.memory_space<hbm>> -> memref<1000000x128xf32, #tpu.memory_space<hbm>>
      tpu.wait_indirect_dma semaphore(%arg10 : memref<!tpu.dma_semaphore, #tpu.memory_space<semaphore_mem>>) src(%dma_wait3A_236 : memref<1000000x128xf32, #tpu.memory_space<hbm>>) dst(%dma_wait3A_232 : memref<128x128xf32, #tpu.memory_space<vmem>>)
      %scan3A_237 = arith.constant 0 : i32
      %scan3A_238 = arith.constant 128 : i32
      %scan3A_239 = arith.addi %scan3A_237, %scan3A_238 : i32
      %scan3A_240 = arith.constant 4 : i32
      scf.for %scan3A_320 = %scan3A_237 to %scan3A_239 step %scan3A_240  : i32 {
        %mul3A_321 = arith.constant 1 : i32
        %mul3A_322 = arith.muli %scan3A_320, %mul3A_321 : i32
        %add3A_323 = arith.constant 0 : i32
        %add3A_324 = arith.addi %add3A_323, %mul3A_322 : i32
        %get3A = arith.constant 3 : i32
        %get3A_325 = arith.index_cast %get3A : i32 to index
        %get3A_326 = arith.index_cast %add3A_324 : i32 to index
        %get3A_327 = arith.constant 0 : index
        %get3A_328 = tpu.vector_load %arg6[%get3A_325, %get3A_326, %get3A_327] {strides = array<i32>} : memref<5x128x128xf32, #tpu.memory_space<vmem>>, vector<1x1x16xf32>,
        %get3A_329 = vector.shape_cast %get3A_328 : vector<1x1x16xf32> to vector<16xf32>
        %mul3A_330 = arith.constant 5.000000e-02 : f32
        %mul3A_331 = vector.broadcast %mul3A_330 : f32 to vector<16xf32>
        %mul3A_332 = arith.mulf %get3A_329, %mul3A_331 : vector<16xf32>
        %swap3A = arith.constant 3 : i32
        %swap3A_333 = arith.index_cast %swap3A : i32 to index
        %swap3A_334 = arith.index_cast %add3A_324 : i32 to index
        %swap3A_335 = arith.constant 0 : index
        %swap3A_336 = tpu.vector_load %arg6[%swap3A_333, %swap3A_334, %swap3A_335] {strides = array<i32>} : memref<5x128x128xf32, #tpu.memory_space<vmem>>, vector<1x1x16xf32>,
        %swap3A_337 = vector.shape_cast %swap3A_336 : vector<1x1x16xf32> to vector<16xf32>
        %swap3A_338 = vector.shape_cast %mul3A_332 : vector<16xf32> to vector<1x1x16xf32>
        tpu.vector_store %arg6[%swap3A_333, %swap3A_334, %swap3A_335], %swap3A_338 {strides = array<i32>} : memref<5x128x128xf32, #tpu.memory_space<vmem>>, vector<1x1x16xf32>,
        %get3A_339 = arith.constant 3 : i32
        %get3A_340 = arith.index_cast %get3A_339 : i32 to index
        %get3A_341 = arith.index_cast %add3A_324 : i32 to index
        %get3A_342 = arith.constant 16 : index
        %get3A_343 = tpu.vector_load %arg6[%get3A_340, %get3A_341, %get3A_342] {strides = array<i32>} : memref<5x128x128xf32, #tpu.memory_space<vmem>>, vector<1x1x16xf32>,
        %get3A_344 = vector.shape_cast %get3A_343 : vector<1x1x16xf32> to vector<16xf32>
        %mul3A_345 = arith.constant 5.000000e-02 : f32
        %mul3A_346 = vector.broadcast %mul3A_345 : f32 to vector<16xf32>
        %mul3A_347 = arith.mulf %get3A_344, %mul3A_346 : vector<16xf32>
        %swap3A_348 = arith.constant 3 : i32
        %swap3A_349 = arith.index_cast %swap3A_348 : i32 to index
        %swap3A_350 = arith.index_cast %add3A_324 : i32 to index
        %swap3A_351 = arith.constant 16 : index
        %swap3A_352 = tpu.vector_load %arg6[%swap3A_349, %swap3A_350, %swap3A_351] {strides = array<i32>} : memref<5x128x128xf32, #tpu.memory_space<vmem>>, vector<1x1x16xf32>,
        %swap3A_353 = vector.shape_cast %swap3A_352 : vector<1x1x16xf32> to vector<16xf32>
        %swap3A_354 = vector.shape_cast %mul3A_347 : vector<16xf32> to vector<1x1x16xf32>
        tpu.vector_store %arg6[%swap3A_349, %swap3A_350, %swap3A_351], %swap3A_354 {strides = array<i32>} : memref<5x128x128xf32, #tpu.memory_space<vmem>>, vector<1x1x16xf32>,
        %get3A_355 = arith.constant 3 : i32
        %get3A_356 = arith.index_cast %get3A_355 : i32 to index
        %get3A_357 = arith.index_cast %add3A_324 : i32 to index
        %get3A_358 = arith.constant 32 : index
        %get3A_359 = tpu.vector_load %arg6[%get3A_356, %get3A_357, %get3A_358] {strides = array<i32>} : memref<5x128x128xf32, #tpu.memory_space<vmem>>, vector<1x1x16xf32>,
        %get3A_360 = vector.shape_cast %get3A_359 : vector<1x1x16xf32> to vector<16xf32>
        %mul3A_361 = arith.constant 5.000000e-02 : f32
        %mul3A_362 = vector.broadcast %mul3A_361 : f32 to vector<16xf32>
        %mul3A_363 = arith.mulf %get3A_360, %mul3A_362 : vector<16xf32>
        %swap3A_364 = arith.constant 3 : i32
        %swap3A_365 = arith.index_cast %swap3A_364 : i32 to index
        %swap3A_366 = arith.index_cast %add3A_324 : i32 to index
        %swap3A_367 = arith.constant 32 : index
        %swap3A_368 = tpu.vector_load %arg6[%swap3A_365, %swap3A_366, %swap3A_367] {strides = array<i32>} : memref<5x128x128xf32, #tpu.memory_space<vmem>>, vector<1x1x16xf32>,
        %swap3A_369 = vector.shape_cast %swap3A_368 : vector<1x1x16xf32> to vector<16xf32>
        %swap3A_370 = vector.shape_cast %mul3A_363 : vector<16xf32> to vector<1x1x16xf32>
        tpu.vector_store %arg6[%swap3A_365, %swap3A_366, %swap3A_367], %swap3A_370 {strides = array<i32>} : memref<5x128x128xf32, #tpu.memory_space<vmem>>, vector<1x1x16xf32>,
        %get3A_371 = arith.constant 3 : i32
        %get3A_372 = arith.index_cast %get3A_371 : i32 to index
        %get3A_373 = arith.index_cast %add3A_324 : i32 to index
        %get3A_374 = arith.constant 48 : index
        %get3A_375 = tpu.vector_load %arg6[%get3A_372, %get3A_373, %get3A_374] {strides = array<i32>} : memref<5x128x128xf32, #tpu.memory_space<vmem>>, vector<1x1x16xf32>,
        %get3A_376 = vector.shape_cast %get3A_375 : vector<1x1x16xf32> to vector<16xf32>
        %mul3A_377 = arith.constant 5.000000e-02 : f32
        %mul3A_378 = vector.broadcast %mul3A_377 : f32 to vector<16xf32>
        %mul3A_379 = arith.mulf %get3A_376, %mul3A_378 : vector<16xf32>
        %swap3A_380 = arith.constant 3 : i32
        %swap3A_381 = arith.index_cast %swap3A_380 : i32 to index
        %swap3A_382 = arith.index_cast %add3A_324 : i32 to index
        %swap3A_383 = arith.constant 48 : index
        %swap3A_384 = tpu.vector_load %arg6[%swap3A_381, %swap3A_382, %swap3A_383] {strides = array<i32>} : memref<5x128x128xf32, #tpu.memory_space<vmem>>, vector<1x1x16xf32>,
        %swap3A_385 = vector.shape_cast %swap3A_384 : vector<1x1x16xf32> to vector<16xf32>
        %swap3A_386 = vector.shape_cast %mul3A_379 : vector<16xf32> to vector<1x1x16xf32>
        tpu.vector_store %arg6[%swap3A_381, %swap3A_382, %swap3A_383], %swap3A_386 {strides = array<i32>} : memref<5x128x128xf32, #tpu.memory_space<vmem>>, vector<1x1x16xf32>,
        %get3A_387 = arith.constant 3 : i32
        %get3A_388 = arith.index_cast %get3A_387 : i32 to index
        %get3A_389 = arith.index_cast %add3A_324 : i32 to index
        %get3A_390 = arith.constant 64 : index
        %get3A_391 = tpu.vector_load %arg6[%get3A_388, %get3A_389, %get3A_390] {strides = array<i32>} : memref<5x128x128xf32, #tpu.memory_space<vmem>>, vector<1x1x16xf32>,
        %get3A_392 = vector.shape_cast %get3A_391 : vector<1x1x16xf32> to vector<16xf32>
        %mul3A_393 = arith.constant 5.000000e-02 : f32
        %mul3A_394 = vector.broadcast %mul3A_393 : f32 to vector<16xf32>
        %mul3A_395 = arith.mulf %get3A_392, %mul3A_394 : vector<16xf32>
        %swap3A_396 = arith.constant 3 : i32
        %swap3A_397 = arith.index_cast %swap3A_396 : i32 to index
        %swap3A_398 = arith.index_cast %add3A_324 : i32 to index
        %swap3A_399 = arith.constant 64 : index
        %swap3A_400 = tpu.vector_load %arg6[%swap3A_397, %swap3A_398, %swap3A_399] {strides = array<i32>} : memref<5x128x128xf32, #tpu.memory_space<vmem>>, vector<1x1x16xf32>,
        %swap3A_401 = vector.shape_cast %swap3A_400 : vector<1x1x16xf32> to vector<16xf32>
        %swap3A_402 = vector.shape_cast %mul3A_395 : vector<16xf32> to vector<1x1x16xf32>
        tpu.vector_store %arg6[%swap3A_397, %swap3A_398, %swap3A_399], %swap3A_402 {strides = array<i32>} : memref<5x128x128xf32, #tpu.memory_space<vmem>>, vector<1x1x16xf32>,
        %get3A_403 = arith.constant 3 : i32
        %get3A_404 = arith.index_cast %get3A_403 : i32 to index
        %get3A_405 = arith.index_cast %add3A_324 : i32 to index
        %get3A_406 = arith.constant 80 : index
        %get3A_407 = tpu.vector_load %arg6[%get3A_404, %get3A_405, %get3A_406] {strides = array<i32>} : memref<5x128x128xf32, #tpu.memory_space<vmem>>, vector<1x1x16xf32>,
        %get3A_408 = vector.shape_cast %get3A_407 : vector<1x1x16xf32> to vector<16xf32>
        %mul3A_409 = arith.constant 5.000000e-02 : f32
        %mul3A_410 = vector.broadcast %mul3A_409 : f32 to vector<16xf32>
        %mul3A_411 = arith.mulf %get3A_408, %mul3A_410 : vector<16xf32>
        %swap3A_412 = arith.constant 3 : i32
        %swap3A_413 = arith.index_cast %swap3A_412 : i32 to index
        %swap3A_414 = arith.index_cast %add3A_324 : i32 to index
        %swap3A_415 = arith.constant 80 : index
        %swap3A_416 = tpu.vector_load %arg6[%swap3A_413, %swap3A_414, %swap3A_415] {strides = array<i32>} : memref<5x128x128xf32, #tpu.memory_space<vmem>>, vector<1x1x16xf32>,
        %swap3A_417 = vector.shape_cast %swap3A_416 : vector<1x1x16xf32> to vector<16xf32>
        %swap3A_418 = vector.shape_cast %mul3A_411 : vector<16xf32> to vector<1x1x16xf32>
        tpu.vector_store %arg6[%swap3A_413, %swap3A_414, %swap3A_415], %swap3A_418 {strides = array<i32>} : memref<5x128x128xf32, #tpu.memory_space<vmem>>, vector<1x1x16xf32>,
        %get3A_419 = arith.constant 3 : i32
        %get3A_420 = arith.index_cast %get3A_419 : i32 to index
        %get3A_421 = arith.index_cast %add3A_324 : i32 to index
        %get3A_422 = arith.constant 96 : index
        %get3A_423 = tpu.vector_load %arg6[%get3A_420, %get3A_421, %get3A_422] {strides = array<i32>} : memref<5x128x128xf32, #tpu.memory_space<vmem>>, vector<1x1x16xf32>,
        %get3A_424 = vector.shape_cast %get3A_423 : vector<1x1x16xf32> to vector<16xf32>
        %mul3A_425 = arith.constant 5.000000e-02 : f32
        %mul3A_426 = vector.broadcast %mul3A_425 : f32 to vector<16xf32>
        %mul3A_427 = arith.mulf %get3A_424, %mul3A_426 : vector<16xf32>
        %swap3A_428 = arith.constant 3 : i32
        %swap3A_429 = arith.index_cast %swap3A_428 : i32 to index
        %swap3A_430 = arith.index_cast %add3A_324 : i32 to index
        %swap3A_431 = arith.constant 96 : index
        %swap3A_432 = tpu.vector_load %arg6[%swap3A_429, %swap3A_430, %swap3A_431] {strides = array<i32>} : memref<5x128x128xf32, #tpu.memory_space<vmem>>, vector<1x1x16xf32>,
        %swap3A_433 = vector.shape_cast %swap3A_432 : vector<1x1x16xf32> to vector<16xf32>
        %swap3A_434 = vector.shape_cast %mul3A_427 : vector<16xf32> to vector<1x1x16xf32>
        tpu.vector_store %arg6[%swap3A_429, %swap3A_430, %swap3A_431], %swap3A_434 {strides = array<i32>} : memref<5x128x128xf32, #tpu.memory_space<vmem>>, vector<1x1x16xf32>,
        %get3A_435 = arith.constant 3 : i32
        %get3A_436 = arith.index_cast %get3A_435 : i32 to index
        %get3A_437 = arith.index_cast %add3A_324 : i32 to index
        %get3A_438 = arith.constant 112 : index
        %get3A_439 = tpu.vector_load %arg6[%get3A_436, %get3A_437, %get3A_438] {strides = array<i32>} : memref<5x128x128xf32, #tpu.memory_space<vmem>>, vector<1x1x16xf32>,
        %get3A_440 = vector.shape_cast %get3A_439 : vector<1x1x16xf32> to vector<16xf32>
        %mul3A_441 = arith.constant 5.000000e-02 : f32
        %mul3A_442 = vector.broadcast %mul3A_441 : f32 to vector<16xf32>
        %mul3A_443 = arith.mulf %get3A_440, %mul3A_442 : vector<16xf32>
        %swap3A_444 = arith.constant 3 : i32
        %swap3A_445 = arith.index_cast %swap3A_444 : i32 to index
        %swap3A_446 = arith.index_cast %add3A_324 : i32 to index
        %swap3A_447 = arith.constant 112 : index
        %swap3A_448 = tpu.vector_load %arg6[%swap3A_445, %swap3A_446, %swap3A_447] {strides = array<i32>} : memref<5x128x128xf32, #tpu.memory_space<vmem>>, vector<1x1x16xf32>,
        %swap3A_449 = vector.shape_cast %swap3A_448 : vector<1x1x16xf32> to vector<16xf32>
        %swap3A_450 = vector.shape_cast %mul3A_443 : vector<16xf32> to vector<1x1x16xf32>
        tpu.vector_store %arg6[%swap3A_445, %swap3A_446, %swap3A_447], %swap3A_450 {strides = array<i32>} : memref<5x128x128xf32, #tpu.memory_space<vmem>>, vector<1x1x16xf32>,
        %scan3A_451 = arith.constant 1 : i32
        %scan3A_452 = arith.addi %scan3A_320, %scan3A_451 : i32
        %mul3A_453 = arith.constant 1 : i32
        %mul3A_454 = arith.muli %scan3A_452, %mul3A_453 : i32
        %add3A_455 = arith.constant 0 : i32
        %add3A_456 = arith.addi %add3A_455, %mul3A_454 : i32
        %get3A_457 = arith.constant 3 : i32
        %get3A_458 = arith.index_cast %get3A_457 : i32 to index
        %get3A_459 = arith.index_cast %add3A_456 : i32 to index
        %get3A_460 = arith.constant 0 : index
        %get3A_461 = tpu.vector_load %arg6[%get3A_458, %get3A_459, %get3A_460] {strides = array<i32>} : memref<5x128x128xf32, #tpu.memory_space<vmem>>, vector<1x1x16xf32>,
        %get3A_462 = vector.shape_cast %get3A_461 : vector<1x1x16xf32> to vector<16xf32>
        %mul3A_463 = arith.constant 5.000000e-02 : f32
        %mul3A_464 = vector.broadcast %mul3A_463 : f32 to vector<16xf32>
        %mul3A_465 = arith.mulf %get3A_462, %mul3A_464 : vector<16xf32>
        %swap3A_466 = arith.constant 3 : i32
        %swap3A_467 = arith.index_cast %swap3A_466 : i32 to index
        %swap3A_468 = arith.index_cast %add3A_456 : i32 to index
        %swap3A_469 = arith.constant 0 : index
        %swap3A_470 = tpu.vector_load %arg6[%swap3A_467, %swap3A_468, %swap3A_469] {strides = array<i32>} : memref<5x128x128xf32, #tpu.memory_space<vmem>>, vector<1x1x16xf32>,
        %swap3A_471 = vector.shape_cast %swap3A_470 : vector<1x1x16xf32> to vector<16xf32>
        %swap3A_472 = vector.shape_cast %mul3A_465 : vector<16xf32> to vector<1x1x16xf32>
        tpu.vector_store %arg6[%swap3A_467, %swap3A_468, %swap3A_469], %swap3A_472 {strides = array<i32>} : memref<5x128x128xf32, #tpu.memory_space<vmem>>, vector<1x1x16xf32>,
        %get3A_473 = arith.constant 3 : i32
        %get3A_474 = arith.index_cast %get3A_473 : i32 to index
        %get3A_475 = arith.index_cast %add3A_456 : i32 to index
        %get3A_476 = arith.constant 16 : index
        %get3A_477 = tpu.vector_load %arg6[%get3A_474, %get3A_475, %get3A_476] {strides = array<i32>} : memref<5x128x128xf32, #tpu.memory_space<vmem>>, vector<1x1x16xf32>,
        %get3A_478 = vector.shape_cast %get3A_477 : vector<1x1x16xf32> to vector<16xf32>
        %mul3A_479 = arith.constant 5.000000e-02 : f32
        %mul3A_480 = vector.broadcast %mul3A_479 : f32 to vector<16xf32>
        %mul3A_481 = arith.mulf %get3A_478, %mul3A_480 : vector<16xf32>
        %swap3A_482 = arith.constant 3 : i32
        %swap3A_483 = arith.index_cast %swap3A_482 : i32 to index
        %swap3A_484 = arith.index_cast %add3A_456 : i32 to index
        %swap3A_485 = arith.constant 16 : index
        %swap3A_486 = tpu.vector_load %arg6[%swap3A_483, %swap3A_484, %swap3A_485] {strides = array<i32>} : memref<5x128x128xf32, #tpu.memory_space<vmem>>, vector<1x1x16xf32>,
        %swap3A_487 = vector.shape_cast %swap3A_486 : vector<1x1x16xf32> to vector<16xf32>
        %swap3A_488 = vector.shape_cast %mul3A_481 : vector<16xf32> to vector<1x1x16xf32>
        tpu.vector_store %arg6[%swap3A_483, %swap3A_484, %swap3A_485], %swap3A_488 {strides = array<i32>} : memref<5x128x128xf32, #tpu.memory_space<vmem>>, vector<1x1x16xf32>,
        %get3A_489 = arith.constant 3 : i32
        %get3A_490 = arith.index_cast %get3A_489 : i32 to index
        %get3A_491 = arith.index_cast %add3A_456 : i32 to index
        %get3A_492 = arith.constant 32 : index
        %get3A_493 = tpu.vector_load %arg6[%get3A_490, %get3A_491, %get3A_492] {strides = array<i32>} : memref<5x128x128xf32, #tpu.memory_space<vmem>>, vector<1x1x16xf32>,
        %get3A_494 = vector.shape_cast %get3A_493 : vector<1x1x16xf32> to vector<16xf32>
        %mul3A_495 = arith.constant 5.000000e-02 : f32
        %mul3A_496 = vector.broadcast %mul3A_495 : f32 to vector<16xf32>
        %mul3A_497 = arith.mulf %get3A_494, %mul3A_496 : vector<16xf32>
        %swap3A_498 = arith.constant 3 : i32
        %swap3A_499 = arith.index_cast %swap3A_498 : i32 to index
        %swap3A_500 = arith.index_cast %add3A_456 : i32 to index
        %swap3A_501 = arith.constant 32 : index
        %swap3A_502 = tpu.vector_load %arg6[%swap3A_499, %swap3A_500, %swap3A_501] {strides = array<i32>} : memref<5x128x128xf32, #tpu.memory_space<vmem>>, vector<1x1x16xf32>,
        %swap3A_503 = vector.shape_cast %swap3A_502 : vector<1x1x16xf32> to vector<16xf32>
        %swap3A_504 = vector.shape_cast %mul3A_497 : vector<16xf32> to vector<1x1x16xf32>
        tpu.vector_store %arg6[%swap3A_499, %swap3A_500, %swap3A_501], %swap3A_504 {strides = array<i32>} : memref<5x128x128xf32, #tpu.memory_space<vmem>>, vector<1x1x16xf32>,
        %get3A_505 = arith.constant 3 : i32
        %get3A_506 = arith.index_cast %get3A_505 : i32 to index
        %get3A_507 = arith.index_cast %add3A_456 : i32 to index
        %get3A_508 = arith.constant 48 : index
        %get3A_509 = tpu.vector_load %arg6[%get3A_506, %get3A_507, %get3A_508] {strides = array<i32>} : memref<5x128x128xf32, #tpu.memory_space<vmem>>, vector<1x1x16xf32>,
        %get3A_510 = vector.shape_cast %get3A_509 : vector<1x1x16xf32> to vector<16xf32>
        %mul3A_511 = arith.constant 5.000000e-02 : f32
        %mul3A_512 = vector.broadcast %mul3A_511 : f32 to vector<16xf32>
        %mul3A_513 = arith.mulf %get3A_510, %mul3A_512 : vector<16xf32>
        %swap3A_514 = arith.constant 3 : i32
        %swap3A_515 = arith.index_cast %swap3A_514 : i32 to index
        %swap3A_516 = arith.index_cast %add3A_456 : i32 to index
        %swap3A_517 = arith.constant 48 : index
        %swap3A_518 = tpu.vector_load %arg6[%swap3A_515, %swap3A_516, %swap3A_517] {strides = array<i32>} : memref<5x128x128xf32, #tpu.memory_space<vmem>>, vector<1x1x16xf32>,
        %swap3A_519 = vector.shape_cast %swap3A_518 : vector<1x1x16xf32> to vector<16xf32>
        %swap3A_520 = vector.shape_cast %mul3A_513 : vector<16xf32> to vector<1x1x16xf32>
        tpu.vector_store %arg6[%swap3A_515, %swap3A_516, %swap3A_517], %swap3A_520 {strides = array<i32>} : memref<5x128x128xf32, #tpu.memory_space<vmem>>, vector<1x1x16xf32>,
        %get3A_521 = arith.constant 3 : i32
        %get3A_522 = arith.index_cast %get3A_521 : i32 to index
        %get3A_523 = arith.index_cast %add3A_456 : i32 to index
        %get3A_524 = arith.constant 64 : index
        %get3A_525 = tpu.vector_load %arg6[%get3A_522, %get3A_523, %get3A_524] {strides = array<i32>} : memref<5x128x128xf32, #tpu.memory_space<vmem>>, vector<1x1x16xf32>,
        %get3A_526 = vector.shape_cast %get3A_525 : vector<1x1x16xf32> to vector<16xf32>
        %mul3A_527 = arith.constant 5.000000e-02 : f32
        %mul3A_528 = vector.broadcast %mul3A_527 : f32 to vector<16xf32>
        %mul3A_529 = arith.mulf %get3A_526, %mul3A_528 : vector<16xf32>
        %swap3A_530 = arith.constant 3 : i32
        %swap3A_531 = arith.index_cast %swap3A_530 : i32 to index
        %swap3A_532 = arith.index_cast %add3A_456 : i32 to index
        %swap3A_533 = arith.constant 64 : index
        %swap3A_534 = tpu.vector_load %arg6[%swap3A_531, %swap3A_532, %swap3A_533] {strides = array<i32>} : memref<5x128x128xf32, #tpu.memory_space<vmem>>, vector<1x1x16xf32>,
        %swap3A_535 = vector.shape_cast %swap3A_534 : vector<1x1x16xf32> to vector<16xf32>
        %swap3A_536 = vector.shape_cast %mul3A_529 : vector<16xf32> to vector<1x1x16xf32>
        tpu.vector_store %arg6[%swap3A_531, %swap3A_532, %swap3A_533], %swap3A_536 {strides = array<i32>} : memref<5x128x128xf32, #tpu.memory_space<vmem>>, vector<1x1x16xf32>,
        %get3A_537 = arith.constant 3 : i32
        %get3A_538 = arith.index_cast %get3A_537 : i32 to index
        %get3A_539 = arith.index_cast %add3A_456 : i32 to index
        %get3A_540 = arith.constant 80 : index
        %get3A_541 = tpu.vector_load %arg6[%get3A_538, %get3A_539, %get3A_540] {strides = array<i32>} : memref<5x128x128xf32, #tpu.memory_space<vmem>>, vector<1x1x16xf32>,
        %get3A_542 = vector.shape_cast %get3A_541 : vector<1x1x16xf32> to vector<16xf32>
        %mul3A_543 = arith.constant 5.000000e-02 : f32
        %mul3A_544 = vector.broadcast %mul3A_543 : f32 to vector<16xf32>
        %mul3A_545 = arith.mulf %get3A_542, %mul3A_544 : vector<16xf32>
        %swap3A_546 = arith.constant 3 : i32
        %swap3A_547 = arith.index_cast %swap3A_546 : i32 to index
        %swap3A_548 = arith.index_cast %add3A_456 : i32 to index
        %swap3A_549 = arith.constant 80 : index
        %swap3A_550 = tpu.vector_load %arg6[%swap3A_547, %swap3A_548, %swap3A_549] {strides = array<i32>} : memref<5x128x128xf32, #tpu.memory_space<vmem>>, vector<1x1x16xf32>,
        %swap3A_551 = vector.shape_cast %swap3A_550 : vector<1x1x16xf32> to vector<16xf32>
        %swap3A_552 = vector.shape_cast %mul3A_545 : vector<16xf32> to vector<1x1x16xf32>
        tpu.vector_store %arg6[%swap3A_547, %swap3A_548, %swap3A_549], %swap3A_552 {strides = array<i32>} : memref<5x128x128xf32, #tpu.memory_space<vmem>>, vector<1x1x16xf32>,
        %get3A_553 = arith.constant 3 : i32
        %get3A_554 = arith.index_cast %get3A_553 : i32 to index
        %get3A_555 = arith.index_cast %add3A_456 : i32 to index
        %get3A_556 = arith.constant 96 : index
        %get3A_557 = tpu.vector_load %arg6[%get3A_554, %get3A_555, %get3A_556] {strides = array<i32>} : memref<5x128x128xf32, #tpu.memory_space<vmem>>, vector<1x1x16xf32>,
        %get3A_558 = vector.shape_cast %get3A_557 : vector<1x1x16xf32> to vector<16xf32>
        %mul3A_559 = arith.constant 5.000000e-02 : f32
        %mul3A_560 = vector.broadcast %mul3A_559 : f32 to vector<16xf32>
        %mul3A_561 = arith.mulf %get3A_558, %mul3A_560 : vector<16xf32>
        %swap3A_562 = arith.constant 3 : i32
        %swap3A_563 = arith.index_cast %swap3A_562 : i32 to index
        %swap3A_564 = arith.index_cast %add3A_456 : i32 to index
        %swap3A_565 = arith.constant 96 : index
        %swap3A_566 = tpu.vector_load %arg6[%swap3A_563, %swap3A_564, %swap3A_565] {strides = array<i32>} : memref<5x128x128xf32, #tpu.memory_space<vmem>>, vector<1x1x16xf32>,
        %swap3A_567 = vector.shape_cast %swap3A_566 : vector<1x1x16xf32> to vector<16xf32>
        %swap3A_568 = vector.shape_cast %mul3A_561 : vector<16xf32> to vector<1x1x16xf32>
        tpu.vector_store %arg6[%swap3A_563, %swap3A_564, %swap3A_565], %swap3A_568 {strides = array<i32>} : memref<5x128x128xf32, #tpu.memory_space<vmem>>, vector<1x1x16xf32>,
        %get3A_569 = arith.constant 3 : i32
        %get3A_570 = arith.index_cast %get3A_569 : i32 to index
        %get3A_571 = arith.index_cast %add3A_456 : i32 to index
        %get3A_572 = arith.constant 112 : index
        %get3A_573 = tpu.vector_load %arg6[%get3A_570, %get3A_571, %get3A_572] {strides = array<i32>} : memref<5x128x128xf32, #tpu.memory_space<vmem>>, vector<1x1x16xf32>,
        %get3A_574 = vector.shape_cast %get3A_573 : vector<1x1x16xf32> to vector<16xf32>
        %mul3A_575 = arith.constant 5.000000e-02 : f32
        %mul3A_576 = vector.broadcast %mul3A_575 : f32 to vector<16xf32>
        %mul3A_577 = arith.mulf %get3A_574, %mul3A_576 : vector<16xf32>
        %swap3A_578 = arith.constant 3 : i32
        %swap3A_579 = arith.index_cast %swap3A_578 : i32 to index
        %swap3A_580 = arith.index_cast %add3A_456 : i32 to index
        %swap3A_581 = arith.constant 112 : index
        %swap3A_582 = tpu.vector_load %arg6[%swap3A_579, %swap3A_580, %swap3A_581] {strides = array<i32>} : memref<5x128x128xf32, #tpu.memory_space<vmem>>, vector<1x1x16xf32>,
        %swap3A_583 = vector.shape_cast %swap3A_582 : vector<1x1x16xf32> to vector<16xf32>
        %swap3A_584 = vector.shape_cast %mul3A_577 : vector<16xf32> to vector<1x1x16xf32>
        tpu.vector_store %arg6[%swap3A_579, %swap3A_580, %swap3A_581], %swap3A_584 {strides = array<i32>} : memref<5x128x128xf32, #tpu.memory_space<vmem>>, vector<1x1x16xf32>,
        %scan3A_585 = arith.constant 2 : i32
        %scan3A_586 = arith.addi %scan3A_320, %scan3A_585 : i32
        %mul3A_587 = arith.constant 1 : i32
        %mul3A_588 = arith.muli %scan3A_586, %mul3A_587 : i32
        %add3A_589 = arith.constant 0 : i32
        %add3A_590 = arith.addi %add3A_589, %mul3A_588 : i32
        %get3A_591 = arith.constant 3 : i32
        %get3A_592 = arith.index_cast %get3A_591 : i32 to index
        %get3A_593 = arith.index_cast %add3A_590 : i32 to index
        %get3A_594 = arith.constant 0 : index
        %get3A_595 = tpu.vector_load %arg6[%get3A_592, %get3A_593, %get3A_594] {strides = array<i32>} : memref<5x128x128xf32, #tpu.memory_space<vmem>>, vector<1x1x16xf32>,
        %get3A_596 = vector.shape_cast %get3A_595 : vector<1x1x16xf32> to vector<16xf32>
        %mul3A_597 = arith.constant 5.000000e-02 : f32
        %mul3A_598 = vector.broadcast %mul3A_597 : f32 to vector<16xf32>
        %mul3A_599 = arith.mulf %get3A_596, %mul3A_598 : vector<16xf32>
        %swap3A_600 = arith.constant 3 : i32
        %swap3A_601 = arith.index_cast %swap3A_600 : i32 to index
        %swap3A_602 = arith.index_cast %add3A_590 : i32 to index
        %swap3A_603 = arith.constant 0 : index
        %swap3A_604 = tpu.vector_load %arg6[%swap3A_601, %swap3A_602, %swap3A_603] {strides = array<i32>} : memref<5x128x128xf32, #tpu.memory_space<vmem>>, vector<1x1x16xf32>,
        %swap3A_605 = vector.shape_cast %swap3A_604 : vector<1x1x16xf32> to vector<16xf32>
        %swap3A_606 = vector.shape_cast %mul3A_599 : vector<16xf32> to vector<1x1x16xf32>
        tpu.vector_store %arg6[%swap3A_601, %swap3A_602, %swap3A_603], %swap3A_606 {strides = array<i32>} : memref<5x128x128xf32, #tpu.memory_space<vmem>>, vector<1x1x16xf32>,
        %get3A_607 = arith.constant 3 : i32
        %get3A_608 = arith.index_cast %get3A_607 : i32 to index
        %get3A_609 = arith.index_cast %add3A_590 : i32 to index
        %get3A_610 = arith.constant 16 : index
        %get3A_611 = tpu.vector_load %arg6[%get3A_608, %get3A_609, %get3A_610] {strides = array<i32>} : memref<5x128x128xf32, #tpu.memory_space<vmem>>, vector<1x1x16xf32>,
        %get3A_612 = vector.shape_cast %get3A_611 : vector<1x1x16xf32> to vector<16xf32>
        %mul3A_613 = arith.constant 5.000000e-02 : f32
        %mul3A_614 = vector.broadcast %mul3A_613 : f32 to vector<16xf32>
        %mul3A_615 = arith.mulf %get3A_612, %mul3A_614 : vector<16xf32>
        %swap3A_616 = arith.constant 3 : i32
        %swap3A_617 = arith.index_cast %swap3A_616 : i32 to index
        %swap3A_618 = arith.index_cast %add3A_590 : i32 to index
        %swap3A_619 = arith.constant 16 : index
        %swap3A_620 = tpu.vector_load %arg6[%swap3A_617, %swap3A_618, %swap3A_619] {strides = array<i32>} : memref<5x128x128xf32, #tpu.memory_space<vmem>>, vector<1x1x16xf32>,
        %swap3A_621 = vector.shape_cast %swap3A_620 : vector<1x1x16xf32> to vector<16xf32>
        %swap3A_622 = vector.shape_cast %mul3A_615 : vector<16xf32> to vector<1x1x16xf32>
        tpu.vector_store %arg6[%swap3A_617, %swap3A_618, %swap3A_619], %swap3A_622 {strides = array<i32>} : memref<5x128x128xf32, #tpu.memory_space<vmem>>, vector<1x1x16xf32>,
        %get3A_623 = arith.constant 3 : i32
        %get3A_624 = arith.index_cast %get3A_623 : i32 to index
        %get3A_625 = arith.index_cast %add3A_590 : i32 to index
        %get3A_626 = arith.constant 32 : index
        %get3A_627 = tpu.vector_load %arg6[%get3A_624, %get3A_625, %get3A_626] {strides = array<i32>} : memref<5x128x128xf32, #tpu.memory_space<vmem>>, vector<1x1x16xf32>,
        %get3A_628 = vector.shape_cast %get3A_627 : vector<1x1x16xf32> to vector<16xf32>
        %mul3A_629 = arith.constant 5.000000e-02 : f32
        %mul3A_630 = vector.broadcast %mul3A_629 : f32 to vector<16xf32>
        %mul3A_631 = arith.mulf %get3A_628, %mul3A_630 : vector<16xf32>
        %swap3A_632 = arith.constant 3 : i32
        %swap3A_633 = arith.index_cast %swap3A_632 : i32 to index
        %swap3A_634 = arith.index_cast %add3A_590 : i32 to index
        %swap3A_635 = arith.constant 32 : index
        %swap3A_636 = tpu.vector_load %arg6[%swap3A_633, %swap3A_634, %swap3A_635] {strides = array<i32>} : memref<5x128x128xf32, #tpu.memory_space<vmem>>, vector<1x1x16xf32>,
        %swap3A_637 = vector.shape_cast %swap3A_636 : vector<1x1x16xf32> to vector<16xf32>
        %swap3A_638 = vector.shape_cast %mul3A_631 : vector<16xf32> to vector<1x1x16xf32>
        tpu.vector_store %arg6[%swap3A_633, %swap3A_634, %swap3A_635], %swap3A_638 {strides = array<i32>} : memref<5x128x128xf32, #tpu.memory_space<vmem>>, vector<1x1x16xf32>,
        %get3A_639 = arith.constant 3 : i32
        %get3A_640 = arith.index_cast %get3A_639 : i32 to index
        %get3A_641 = arith.index_cast %add3A_590 : i32 to index
        %get3A_642 = arith.constant 48 : index
        %get3A_643 = tpu.vector_load %arg6[%get3A_640, %get3A_641, %get3A_642] {strides = array<i32>} : memref<5x128x128xf32, #tpu.memory_space<vmem>>, vector<1x1x16xf32>,
        %get3A_644 = vector.shape_cast %get3A_643 : vector<1x1x16xf32> to vector<16xf32>
        %mul3A_645 = arith.constant 5.000000e-02 : f32
        %mul3A_646 = vector.broadcast %mul3A_645 : f32 to vector<16xf32>
        %mul3A_647 = arith.mulf %get3A_644, %mul3A_646 : vector<16xf32>
        %swap3A_648 = arith.constant 3 : i32
        %swap3A_649 = arith.index_cast %swap3A_648 : i32 to index
        %swap3A_650 = arith.index_cast %add3A_590 : i32 to index
        %swap3A_651 = arith.constant 48 : index
        %swap3A_652 = tpu.vector_load %arg6[%swap3A_649, %swap3A_650, %swap3A_651] {strides = array<i32>} : memref<5x128x128xf32, #tpu.memory_space<vmem>>, vector<1x1x16xf32>,
        %swap3A_653 = vector.shape_cast %swap3A_652 : vector<1x1x16xf32> to vector<16xf32>
        %swap3A_654 = vector.shape_cast %mul3A_647 : vector<16xf32> to vector<1x1x16xf32>
        tpu.vector_store %arg6[%swap3A_649, %swap3A_650, %swap3A_651], %swap3A_654 {strides = array<i32>} : memref<5x128x128xf32, #tpu.memory_space<vmem>>, vector<1x1x16xf32>,
        %get3A_655 = arith.constant 3 : i32
        %get3A_656 = arith.index_cast %get3A_655 : i32 to index
        %get3A_657 = arith.index_cast %add3A_590 : i32 to index
        %get3A_658 = arith.constant 64 : index
        %get3A_659 = tpu.vector_load %arg6[%get3A_656, %get3A_657, %get3A_658] {strides = array<i32>} : memref<5x128x128xf32, #tpu.memory_space<vmem>>, vector<1x1x16xf32>,
        %get3A_660 = vector.shape_cast %get3A_659 : vector<1x1x16xf32> to vector<16xf32>
        %mul3A_661 = arith.constant 5.000000e-02 : f32
        %mul3A_662 = vector.broadcast %mul3A_661 : f32 to vector<16xf32>
        %mul3A_663 = arith.mulf %get3A_660, %mul3A_662 : vector<16xf32>
        %swap3A_664 = arith.constant 3 : i32
        %swap3A_665 = arith.index_cast %swap3A_664 : i32 to index
        %swap3A_666 = arith.index_cast %add3A_590 : i32 to index
        %swap3A_667 = arith.constant 64 : index
        %swap3A_668 = tpu.vector_load %arg6[%swap3A_665, %swap3A_666, %swap3A_667] {strides = array<i32>} : memref<5x128x128xf32, #tpu.memory_space<vmem>>, vector<1x1x16xf32>,
        %swap3A_669 = vector.shape_cast %swap3A_668 : vector<1x1x16xf32> to vector<16xf32>
        %swap3A_670 = vector.shape_cast %mul3A_663 : vector<16xf32> to vector<1x1x16xf32>
        tpu.vector_store %arg6[%swap3A_665, %swap3A_666, %swap3A_667], %swap3A_670 {strides = array<i32>} : memref<5x128x128xf32, #tpu.memory_space<vmem>>, vector<1x1x16xf32>,
        %get3A_671 = arith.constant 3 : i32
        %get3A_672 = arith.index_cast %get3A_671 : i32 to index
        %get3A_673 = arith.index_cast %add3A_590 : i32 to index
        %get3A_674 = arith.constant 80 : index
        %get3A_675 = tpu.vector_load %arg6[%get3A_672, %get3A_673, %get3A_674] {strides = array<i32>} : memref<5x128x128xf32, #tpu.memory_space<vmem>>, vector<1x1x16xf32>,
        %get3A_676 = vector.shape_cast %get3A_675 : vector<1x1x16xf32> to vector<16xf32>
        %mul3A_677 = arith.constant 5.000000e-02 : f32
        %mul3A_678 = vector.broadcast %mul3A_677 : f32 to vector<16xf32>
        %mul3A_679 = arith.mulf %get3A_676, %mul3A_678 : vector<16xf32>
        %swap3A_680 = arith.constant 3 : i32
        %swap3A_681 = arith.index_cast %swap3A_680 : i32 to index
        %swap3A_682 = arith.index_cast %add3A_590 : i32 to index
        %swap3A_683 = arith.constant 80 : index
        %swap3A_684 = tpu.vector_load %arg6[%swap3A_681, %swap3A_682, %swap3A_683] {strides = array<i32>} : memref<5x128x128xf32, #tpu.memory_space<vmem>>, vector<1x1x16xf32>,
        %swap3A_685 = vector.shape_cast %swap3A_684 : vector<1x1x16xf32> to vector<16xf32>
        %swap3A_686 = vector.shape_cast %mul3A_679 : vector<16xf32> to vector<1x1x16xf32>
        tpu.vector_store %arg6[%swap3A_681, %swap3A_682, %swap3A_683], %swap3A_686 {strides = array<i32>} : memref<5x128x128xf32, #tpu.memory_space<vmem>>, vector<1x1x16xf32>,
        %get3A_687 = arith.constant 3 : i32
        %get3A_688 = arith.index_cast %get3A_687 : i32 to index
        %get3A_689 = arith.index_cast %add3A_590 : i32 to index
        %get3A_690 = arith.constant 96 : index
        %get3A_691 = tpu.vector_load %arg6[%get3A_688, %get3A_689, %get3A_690] {strides = array<i32>} : memref<5x128x128xf32, #tpu.memory_space<vmem>>, vector<1x1x16xf32>,
        %get3A_692 = vector.shape_cast %get3A_691 : vector<1x1x16xf32> to vector<16xf32>
        %mul3A_693 = arith.constant 5.000000e-02 : f32
        %mul3A_694 = vector.broadcast %mul3A_693 : f32 to vector<16xf32>
        %mul3A_695 = arith.mulf %get3A_692, %mul3A_694 : vector<16xf32>
        %swap3A_696 = arith.constant 3 : i32
        %swap3A_697 = arith.index_cast %swap3A_696 : i32 to index
        %swap3A_698 = arith.index_cast %add3A_590 : i32 to index
        %swap3A_699 = arith.constant 96 : index
        %swap3A_700 = tpu.vector_load %arg6[%swap3A_697, %swap3A_698, %swap3A_699] {strides = array<i32>} : memref<5x128x128xf32, #tpu.memory_space<vmem>>, vector<1x1x16xf32>,
        %swap3A_701 = vector.shape_cast %swap3A_700 : vector<1x1x16xf32> to vector<16xf32>
        %swap3A_702 = vector.shape_cast %mul3A_695 : vector<16xf32> to vector<1x1x16xf32>
        tpu.vector_store %arg6[%swap3A_697, %swap3A_698, %swap3A_699], %swap3A_702 {strides = array<i32>} : memref<5x128x128xf32, #tpu.memory_space<vmem>>, vector<1x1x16xf32>,
        %get3A_703 = arith.constant 3 : i32
        %get3A_704 = arith.index_cast %get3A_703 : i32 to index
        %get3A_705 = arith.index_cast %add3A_590 : i32 to index
        %get3A_706 = arith.constant 112 : index
        %get3A_707 = tpu.vector_load %arg6[%get3A_704, %get3A_705, %get3A_706] {strides = array<i32>} : memref<5x128x128xf32, #tpu.memory_space<vmem>>, vector<1x1x16xf32>,
        %get3A_708 = vector.shape_cast %get3A_707 : vector<1x1x16xf32> to vector<16xf32>
        %mul3A_709 = arith.constant 5.000000e-02 : f32
        %mul3A_710 = vector.broadcast %mul3A_709 : f32 to vector<16xf32>
        %mul3A_711 = arith.mulf %get3A_708, %mul3A_710 : vector<16xf32>
        %swap3A_712 = arith.constant 3 : i32
        %swap3A_713 = arith.index_cast %swap3A_712 : i32 to index
        %swap3A_714 = arith.index_cast %add3A_590 : i32 to index
        %swap3A_715 = arith.constant 112 : index
        %swap3A_716 = tpu.vector_load %arg6[%swap3A_713, %swap3A_714, %swap3A_715] {strides = array<i32>} : memref<5x128x128xf32, #tpu.memory_space<vmem>>, vector<1x1x16xf32>,
        %swap3A_717 = vector.shape_cast %swap3A_716 : vector<1x1x16xf32> to vector<16xf32>
        %swap3A_718 = vector.shape_cast %mul3A_711 : vector<16xf32> to vector<1x1x16xf32>
        tpu.vector_store %arg6[%swap3A_713, %swap3A_714, %swap3A_715], %swap3A_718 {strides = array<i32>} : memref<5x128x128xf32, #tpu.memory_space<vmem>>, vector<1x1x16xf32>,
        %scan3A_719 = arith.constant 3 : i32
        %scan3A_720 = arith.addi %scan3A_320, %scan3A_719 : i32
        %mul3A_721 = arith.constant 1 : i32
        %mul3A_722 = arith.muli %scan3A_720, %mul3A_721 : i32
        %add3A_723 = arith.constant 0 : i32
        %add3A_724 = arith.addi %add3A_723, %mul3A_722 : i32
        %get3A_725 = arith.constant 3 : i32
        %get3A_726 = arith.index_cast %get3A_725 : i32 to index
        %get3A_727 = arith.index_cast %add3A_724 : i32 to index
        %get3A_728 = arith.constant 0 : index
        %get3A_729 = tpu.vector_load %arg6[%get3A_726, %get3A_727, %get3A_728] {strides = array<i32>} : memref<5x128x128xf32, #tpu.memory_space<vmem>>, vector<1x1x16xf32>,
        %get3A_730 = vector.shape_cast %get3A_729 : vector<1x1x16xf32> to vector<16xf32>
        %mul3A_731 = arith.constant 5.000000e-02 : f32
        %mul3A_732 = vector.broadcast %mul3A_731 : f32 to vector<16xf32>
        %mul3A_733 = arith.mulf %get3A_730, %mul3A_732 : vector<16xf32>
        %swap3A_734 = arith.constant 3 : i32
        %swap3A_735 = arith.index_cast %swap3A_734 : i32 to index
        %swap3A_736 = arith.index_cast %add3A_724 : i32 to index
        %swap3A_737 = arith.constant 0 : index
        %swap3A_738 = tpu.vector_load %arg6[%swap3A_735, %swap3A_736, %swap3A_737] {strides = array<i32>} : memref<5x128x128xf32, #tpu.memory_space<vmem>>, vector<1x1x16xf32>,
        %swap3A_739 = vector.shape_cast %swap3A_738 : vector<1x1x16xf32> to vector<16xf32>
        %swap3A_740 = vector.shape_cast %mul3A_733 : vector<16xf32> to vector<1x1x16xf32>
        tpu.vector_store %arg6[%swap3A_735, %swap3A_736, %swap3A_737], %swap3A_740 {strides = array<i32>} : memref<5x128x128xf32, #tpu.memory_space<vmem>>, vector<1x1x16xf32>,
        %get3A_741 = arith.constant 3 : i32
        %get3A_742 = arith.index_cast %get3A_741 : i32 to index
        %get3A_743 = arith.index_cast %add3A_724 : i32 to index
        %get3A_744 = arith.constant 16 : index
        %get3A_745 = tpu.vector_load %arg6[%get3A_742, %get3A_743, %get3A_744] {strides = array<i32>} : memref<5x128x128xf32, #tpu.memory_space<vmem>>, vector<1x1x16xf32>,
        %get3A_746 = vector.shape_cast %get3A_745 : vector<1x1x16xf32> to vector<16xf32>
        %mul3A_747 = arith.constant 5.000000e-02 : f32
        %mul3A_748 = vector.broadcast %mul3A_747 : f32 to vector<16xf32>
        %mul3A_749 = arith.mulf %get3A_746, %mul3A_748 : vector<16xf32>
        %swap3A_750 = arith.constant 3 : i32
        %swap3A_751 = arith.index_cast %swap3A_750 : i32 to index
        %swap3A_752 = arith.index_cast %add3A_724 : i32 to index
        %swap3A_753 = arith.constant 16 : index
        %swap3A_754 = tpu.vector_load %arg6[%swap3A_751, %swap3A_752, %swap3A_753] {strides = array<i32>} : memref<5x128x128xf32, #tpu.memory_space<vmem>>, vector<1x1x16xf32>,
        %swap3A_755 = vector.shape_cast %swap3A_754 : vector<1x1x16xf32> to vector<16xf32>
        %swap3A_756 = vector.shape_cast %mul3A_749 : vector<16xf32> to vector<1x1x16xf32>
        tpu.vector_store %arg6[%swap3A_751, %swap3A_752, %swap3A_753], %swap3A_756 {strides = array<i32>} : memref<5x128x128xf32, #tpu.memory_space<vmem>>, vector<1x1x16xf32>,
        %get3A_757 = arith.constant 3 : i32
        %get3A_758 = arith.index_cast %get3A_757 : i32 to index
        %get3A_759 = arith.index_cast %add3A_724 : i32 to index
        %get3A_760 = arith.constant 32 : index
        %get3A_761 = tpu.vector_load %arg6[%get3A_758, %get3A_759, %get3A_760] {strides = array<i32>} : memref<5x128x128xf32, #tpu.memory_space<vmem>>, vector<1x1x16xf32>,
        %get3A_762 = vector.shape_cast %get3A_761 : vector<1x1x16xf32> to vector<16xf32>
        %mul3A_763 = arith.constant 5.000000e-02 : f32
        %mul3A_764 = vector.broadcast %mul3A_763 : f32 to vector<16xf32>
        %mul3A_765 = arith.mulf %get3A_762, %mul3A_764 : vector<16xf32>
        %swap3A_766 = arith.constant 3 : i32
        %swap3A_767 = arith.index_cast %swap3A_766 : i32 to index
        %swap3A_768 = arith.index_cast %add3A_724 : i32 to index
        %swap3A_769 = arith.constant 32 : index
        %swap3A_770 = tpu.vector_load %arg6[%swap3A_767, %swap3A_768, %swap3A_769] {strides = array<i32>} : memref<5x128x128xf32, #tpu.memory_space<vmem>>, vector<1x1x16xf32>,
        %swap3A_771 = vector.shape_cast %swap3A_770 : vector<1x1x16xf32> to vector<16xf32>
        %swap3A_772 = vector.shape_cast %mul3A_765 : vector<16xf32> to vector<1x1x16xf32>
        tpu.vector_store %arg6[%swap3A_767, %swap3A_768, %swap3A_769], %swap3A_772 {strides = array<i32>} : memref<5x128x128xf32, #tpu.memory_space<vmem>>, vector<1x1x16xf32>,
        %get3A_773 = arith.constant 3 : i32
        %get3A_774 = arith.index_cast %get3A_773 : i32 to index
        %get3A_775 = arith.index_cast %add3A_724 : i32 to index
        %get3A_776 = arith.constant 48 : index
        %get3A_777 = tpu.vector_load %arg6[%get3A_774, %get3A_775, %get3A_776] {strides = array<i32>} : memref<5x128x128xf32, #tpu.memory_space<vmem>>, vector<1x1x16xf32>,
        %get3A_778 = vector.shape_cast %get3A_777 : vector<1x1x16xf32> to vector<16xf32>
        %mul3A_779 = arith.constant 5.000000e-02 : f32
        %mul3A_780 = vector.broadcast %mul3A_779 : f32 to vector<16xf32>
        %mul3A_781 = arith.mulf %get3A_778, %mul3A_780 : vector<16xf32>
        %swap3A_782 = arith.constant 3 : i32
        %swap3A_783 = arith.index_cast %swap3A_782 : i32 to index
        %swap3A_784 = arith.index_cast %add3A_724 : i32 to index
        %swap3A_785 = arith.constant 48 : index
        %swap3A_786 = tpu.vector_load %arg6[%swap3A_783, %swap3A_784, %swap3A_785] {strides = array<i32>} : memref<5x128x128xf32, #tpu.memory_space<vmem>>, vector<1x1x16xf32>,
        %swap3A_787 = vector.shape_cast %swap3A_786 : vector<1x1x16xf32> to vector<16xf32>
        %swap3A_788 = vector.shape_cast %mul3A_781 : vector<16xf32> to vector<1x1x16xf32>
        tpu.vector_store %arg6[%swap3A_783, %swap3A_784, %swap3A_785], %swap3A_788 {strides = array<i32>} : memref<5x128x128xf32, #tpu.memory_space<vmem>>, vector<1x1x16xf32>,
        %get3A_789 = arith.constant 3 : i32
        %get3A_790 = arith.index_cast %get3A_789 : i32 to index
        %get3A_791 = arith.index_cast %add3A_724 : i32 to index
        %get3A_792 = arith.constant 64 : index
        %get3A_793 = tpu.vector_load %arg6[%get3A_790, %get3A_791, %get3A_792] {strides = array<i32>} : memref<5x128x128xf32, #tpu.memory_space<vmem>>, vector<1x1x16xf32>,
        %get3A_794 = vector.shape_cast %get3A_793 : vector<1x1x16xf32> to vector<16xf32>
        %mul3A_795 = arith.constant 5.000000e-02 : f32
        %mul3A_796 = vector.broadcast %mul3A_795 : f32 to vector<16xf32>
        %mul3A_797 = arith.mulf %get3A_794, %mul3A_796 : vector<16xf32>
        %swap3A_798 = arith.constant 3 : i32
        %swap3A_799 = arith.index_cast %swap3A_798 : i32 to index
        %swap3A_800 = arith.index_cast %add3A_724 : i32 to index
        %swap3A_801 = arith.constant 64 : index
        %swap3A_802 = tpu.vector_load %arg6[%swap3A_799, %swap3A_800, %swap3A_801] {strides = array<i32>} : memref<5x128x128xf32, #tpu.memory_space<vmem>>, vector<1x1x16xf32>,
        %swap3A_803 = vector.shape_cast %swap3A_802 : vector<1x1x16xf32> to vector<16xf32>
        %swap3A_804 = vector.shape_cast %mul3A_797 : vector<16xf32> to vector<1x1x16xf32>
        tpu.vector_store %arg6[%swap3A_799, %swap3A_800, %swap3A_801], %swap3A_804 {strides = array<i32>} : memref<5x128x128xf32, #tpu.memory_space<vmem>>, vector<1x1x16xf32>,
        %get3A_805 = arith.constant 3 : i32
        %get3A_806 = arith.index_cast %get3A_805 : i32 to index
        %get3A_807 = arith.index_cast %add3A_724 : i32 to index
        %get3A_808 = arith.constant 80 : index
        %get3A_809 = tpu.vector_load %arg6[%get3A_806, %get3A_807, %get3A_808] {strides = array<i32>} : memref<5x128x128xf32, #tpu.memory_space<vmem>>, vector<1x1x16xf32>,
        %get3A_810 = vector.shape_cast %get3A_809 : vector<1x1x16xf32> to vector<16xf32>
        %mul3A_811 = arith.constant 5.000000e-02 : f32
        %mul3A_812 = vector.broadcast %mul3A_811 : f32 to vector<16xf32>
        %mul3A_813 = arith.mulf %get3A_810, %mul3A_812 : vector<16xf32>
        %swap3A_814 = arith.constant 3 : i32
        %swap3A_815 = arith.index_cast %swap3A_814 : i32 to index
        %swap3A_816 = arith.index_cast %add3A_724 : i32 to index
        %swap3A_817 = arith.constant 80 : index
        %swap3A_818 = tpu.vector_load %arg6[%swap3A_815, %swap3A_816, %swap3A_817] {strides = array<i32>} : memref<5x128x128xf32, #tpu.memory_space<vmem>>, vector<1x1x16xf32>,
        %swap3A_819 = vector.shape_cast %swap3A_818 : vector<1x1x16xf32> to vector<16xf32>
        %swap3A_820 = vector.shape_cast %mul3A_813 : vector<16xf32> to vector<1x1x16xf32>
        tpu.vector_store %arg6[%swap3A_815, %swap3A_816, %swap3A_817], %swap3A_820 {strides = array<i32>} : memref<5x128x128xf32, #tpu.memory_space<vmem>>, vector<1x1x16xf32>,
        %get3A_821 = arith.constant 3 : i32
        %get3A_822 = arith.index_cast %get3A_821 : i32 to index
        %get3A_823 = arith.index_cast %add3A_724 : i32 to index
        %get3A_824 = arith.constant 96 : index
        %get3A_825 = tpu.vector_load %arg6[%get3A_822, %get3A_823, %get3A_824] {strides = array<i32>} : memref<5x128x128xf32, #tpu.memory_space<vmem>>, vector<1x1x16xf32>,
        %get3A_826 = vector.shape_cast %get3A_825 : vector<1x1x16xf32> to vector<16xf32>
        %mul3A_827 = arith.constant 5.000000e-02 : f32
        %mul3A_828 = vector.broadcast %mul3A_827 : f32 to vector<16xf32>
        %mul3A_829 = arith.mulf %get3A_826, %mul3A_828 : vector<16xf32>
        %swap3A_830 = arith.constant 3 : i32
        %swap3A_831 = arith.index_cast %swap3A_830 : i32 to index
        %swap3A_832 = arith.index_cast %add3A_724 : i32 to index
        %swap3A_833 = arith.constant 96 : index
        %swap3A_834 = tpu.vector_load %arg6[%swap3A_831, %swap3A_832, %swap3A_833] {strides = array<i32>} : memref<5x128x128xf32, #tpu.memory_space<vmem>>, vector<1x1x16xf32>,
        %swap3A_835 = vector.shape_cast %swap3A_834 : vector<1x1x16xf32> to vector<16xf32>
        %swap3A_836 = vector.shape_cast %mul3A_829 : vector<16xf32> to vector<1x1x16xf32>
        tpu.vector_store %arg6[%swap3A_831, %swap3A_832, %swap3A_833], %swap3A_836 {strides = array<i32>} : memref<5x128x128xf32, #tpu.memory_space<vmem>>, vector<1x1x16xf32>,
        %get3A_837 = arith.constant 3 : i32
        %get3A_838 = arith.index_cast %get3A_837 : i32 to index
        %get3A_839 = arith.index_cast %add3A_724 : i32 to index
        %get3A_840 = arith.constant 112 : index
        %get3A_841 = tpu.vector_load %arg6[%get3A_838, %get3A_839, %get3A_840] {strides = array<i32>} : memref<5x128x128xf32, #tpu.memory_space<vmem>>, vector<1x1x16xf32>,
        %get3A_842 = vector.shape_cast %get3A_841 : vector<1x1x16xf32> to vector<16xf32>
        %mul3A_843 = arith.constant 5.000000e-02 : f32
        %mul3A_844 = vector.broadcast %mul3A_843 : f32 to vector<16xf32>
        %mul3A_845 = arith.mulf %get3A_842, %mul3A_844 : vector<16xf32>
        %swap3A_846 = arith.constant 3 : i32
        %swap3A_847 = arith.index_cast %swap3A_846 : i32 to index
        %swap3A_848 = arith.index_cast %add3A_724 : i32 to index
        %swap3A_849 = arith.constant 112 : index
        %swap3A_850 = tpu.vector_load %arg6[%swap3A_847, %swap3A_848, %swap3A_849] {strides = array<i32>} : memref<5x128x128xf32, #tpu.memory_space<vmem>>, vector<1x1x16xf32>,
        %swap3A_851 = vector.shape_cast %swap3A_850 : vector<1x1x16xf32> to vector<16xf32>
        %swap3A_852 = vector.shape_cast %mul3A_845 : vector<16xf32> to vector<1x1x16xf32>
        tpu.vector_store %arg6[%swap3A_847, %swap3A_848, %swap3A_849], %swap3A_852 {strides = array<i32>} : memref<5x128x128xf32, #tpu.memory_space<vmem>>, vector<1x1x16xf32>,
      }
      %scan3A_241 = arith.constant 128 : i32
      %mul3A_242 = arith.constant 128 : i32
      %mul3A_243 = arith.muli %add3A_225, %mul3A_242 : i32
      %add3A_244 = arith.addi %mul3A_2, %mul3A_243 : i32
      %dma_start3A_245 = arith.constant 3 : i32
      %dma_start3A_246 = arith.constant 0 : i32
      %dma_start3A_247 = arith.constant 0 : i32
      %dma_start3A_248 = tpu.memref_slice %arg6[%dma_start3A_245, %dma_start3A_246, %dma_start3A_247] : memref<5x128x128xf32, #tpu.memory_space<vmem>> -> memref<1x128x128xf32, #tpu.memory_space<vmem>>
      %dma_start3A_249 = tpu.memref_squeeze %dma_start3A_248 : memref<1x128x128xf32, #tpu.memory_space<vmem>> -> memref<128x128xf32, #tpu.memory_space<vmem>>
      %dma_start3A_250 = arith.constant 0 : i32
      %dma_start3A_251 = tpu.memref_slice %arg4[%add3A_244, %dma_start3A_250] : memref<819200x128xf32, #tpu.memory_space<hbm>> -> memref<128x128xf32, #tpu.memory_space<hbm>>
      %dma_start3A_252 = arith.constant 0 : i32
      %dma_start3A_253 = tpu.memref_slice %arg4[%add3A_244, %dma_start3A_252] : memref<819200x128xf32, #tpu.memory_space<hbm>> -> memref<128x128xf32, #tpu.memory_space<hbm>>
      %dma_start3A_254 = arith.constant 0 : i32
      %dma_start3A_255 = arith.constant 0 : i32
      %dma_start3A_256 = tpu.memref_slice %arg6[%dma_start3A_245, %dma_start3A_254, %dma_start3A_255] : memref<5x128x128xf32, #tpu.memory_space<vmem>> -> memref<1x128x128xf32, #tpu.memory_space<vmem>>
      %dma_start3A_257 = tpu.memref_squeeze %dma_start3A_256 : memref<1x128x128xf32, #tpu.memory_space<vmem>> -> memref<128x128xf32, #tpu.memory_space<vmem>>
      tpu.enqueue_dma source(%dma_start3A_257 : memref<128x128xf32, #tpu.memory_space<vmem>>) target(%dma_start3A_253 : memref<128x128xf32, #tpu.memory_space<hbm>>) target_semaphore(%arg15 : memref<!tpu.dma_semaphore, #tpu.memory_space<semaphore_mem>>)
      %ge3A_258 = arith.constant 1 : i32
      %ge3A_259 = arith.cmpi sge, %add3A_225, %ge3A_258 : i32
      %convert_element_type3A_260 = arith.extui %ge3A_259 : i1 to i32
      %cond3A_261 = arith.constant 0 : i32
      %cond3A_262 = arith.cmpi ne, %convert_element_type3A_260, %cond3A_261 : i32
      scf.if %cond3A_262 {
        %sub3A_320 = arith.constant 1 : i32
        %sub3A_321 = arith.subi %add3A_225, %sub3A_320 : i32
        %mul3A_322 = arith.constant 128 : i32
        %mul3A_323 = arith.muli %sub3A_321, %mul3A_322 : i32
        %add3A_324 = arith.addi %mul3A_2, %mul3A_323 : i32
        %dma_wait3A_325 = arith.constant 2 : i32
        %dma_wait3A_326 = arith.constant 0 : i32
        %dma_wait3A_327 = arith.constant 0 : i32
        %dma_wait3A_328 = tpu.memref_slice %arg6[%dma_wait3A_325, %dma_wait3A_326, %dma_wait3A_327] : memref<5x128x128xf32, #tpu.memory_space<vmem>> -> memref<1x128x128xf32, #tpu.memory_space<vmem>>
        %dma_wait3A_329 = tpu.memref_squeeze %dma_wait3A_328 : memref<1x128x128xf32, #tpu.memory_space<vmem>> -> memref<128x128xf32, #tpu.memory_space<vmem>>
        %dma_wait3A_330 = arith.constant 0 : i32
        %dma_wait3A_331 = tpu.memref_slice %arg4[%add3A_324, %dma_wait3A_330] : memref<819200x128xf32, #tpu.memory_space<hbm>> -> memref<128x128xf32, #tpu.memory_space<hbm>>
        %dma_wait3A_332 = arith.constant 0 : i32
        %dma_wait3A_333 = tpu.memref_slice %arg4[%add3A_324, %dma_wait3A_332] : memref<819200x128xf32, #tpu.memory_space<hbm>> -> memref<128x128xf32, #tpu.memory_space<hbm>>
        %dma_wait3A_334 = arith.constant 0 : i32
        %dma_wait3A_335 = arith.constant 0 : i32
        %dma_wait3A_336 = tpu.memref_slice %arg6[%dma_wait3A_325, %dma_wait3A_334, %dma_wait3A_335] : memref<5x128x128xf32, #tpu.memory_space<vmem>> -> memref<1x128x128xf32, #tpu.memory_space<vmem>>
        %dma_wait3A_337 = tpu.memref_squeeze %dma_wait3A_336 : memref<1x128x128xf32, #tpu.memory_space<vmem>> -> memref<128x128xf32, #tpu.memory_space<vmem>>
        tpu.wait_dma2 semaphore(%arg14 : memref<!tpu.dma_semaphore, #tpu.memory_space<semaphore_mem>>) src(%dma_wait3A_337 : memref<128x128xf32, #tpu.memory_space<vmem>>) dst(%dma_wait3A_333 : memref<128x128xf32, #tpu.memory_space<hbm>>)
      } else {
      }
      %add3A_263 = arith.constant 5 : i32
      %add3A_264 = arith.addi %add3A_225, %add3A_263 : i32
      %sub3A_265 = arith.constant 1 : i32
      %sub3A_266 = arith.subi %add3A_264, %sub3A_265 : i32
      %lt3A_267 = arith.constant 200 : i32
      %lt3A_268 = arith.cmpi slt, %sub3A_266, %lt3A_267 : i32
      %convert_element_type3A_269 = arith.extui %lt3A_268 : i1 to i32
      %cond3A_270 = arith.constant 0 : i32
      %cond3A_271 = arith.cmpi ne, %convert_element_type3A_269, %cond3A_270 : i32
      scf.if %cond3A_271 {
        %add3A_320 = arith.constant 5 : i32
        %add3A_321 = arith.addi %add3A_225, %add3A_320 : i32
        %sub3A_322 = arith.constant 1 : i32
        %sub3A_323 = arith.subi %add3A_321, %sub3A_322 : i32
        %scan3A_324 = arith.constant 0 : i32
        %scan3A_325 = arith.constant 8 : i32
        %scan3A_326 = arith.addi %scan3A_324, %scan3A_325 : i32
        %scan3A_327 = arith.constant 1 : i32
        scf.for %scan3A_344 = %scan3A_324 to %scan3A_326 step %scan3A_327  : i32 {
          %mul3A_345 = arith.constant 1 : i32
          %mul3A_346 = arith.muli %scan3A_344, %mul3A_345 : i32
          %add3A_347 = arith.constant 0 : i32
          %add3A_348 = arith.addi %add3A_347, %mul3A_346 : i32
          %mul3A_349 = arith.constant 128 : i32
          %mul3A_350 = arith.muli %sub3A_323, %mul3A_349 : i32
          %mul3A_351 = arith.constant 16 : i32
          %mul3A_352 = arith.muli %add3A_348, %mul3A_351 : i32
          %add3A_353 = arith.addi %mul3A_350, %mul3A_352 : i32
          %add3A_354 = vector.broadcast %add3A_353 : i32 to vector<16xi32>
          %add3A_355 = arith.addi %iota3A, %add3A_354 : vector<16xi32>
          %add3A_356 = arith.constant 8 : i32
          %add3A_357 = arith.addi %add3A_353, %add3A_356 : i32
          %get3A = arith.index_cast %add3A_357 : i32 to index
          %get3A_358 = tpu.vector_load %arg5[%get3A] {strides = array<i32>} : memref<25608xi32, #tpu.memory_space<vmem>>, vector<16xi32>,
          %get3A_359 = vector.shape_cast %get3A_358 : vector<16xi32> to vector<16xi32>
          %add3A_360 = arith.constant 7 : i32
          %add3A_361 = arith.addi %add3A_353, %add3A_360 : i32
          %get3A_362 = arith.index_cast %add3A_361 : i32 to index
          %get3A_363 = tpu.vector_load %arg5[%get3A_362] {strides = array<i32>} : memref<25608xi32, #tpu.memory_space<vmem>>, vector<16xi32>,
          %get3A_364 = vector.shape_cast %get3A_363 : vector<16xi32> to vector<16xi32>
          %jit3A = arith.constant 200 : i32
          %eq3A = arith.constant 0 : i32
          %eq3A_365 = arith.cmpi eq, %jit3A, %eq3A : i32
          %jit3A_366 = arith.constant 1 : i32
          %select_n3A = arith.select %eq3A_365, %jit3A_366, %jit3A : i32
          %rem3A = vector.broadcast %select_n3A : i32 to vector<16xi32>
          %rem3A_367 = arith.remsi %add3A_355, %rem3A : vector<16xi32>
          %ne3A = arith.constant 0 : i32
          %ne3A_368 = vector.broadcast %ne3A : i32 to vector<16xi32>
          %ne3A_369 = arith.cmpi ne, %rem3A_367, %ne3A_368 : vector<16xi32>
          %lt3A_370 = arith.constant 0 : i32
          %lt3A_371 = vector.broadcast %lt3A_370 : i32 to vector<16xi32>
          %lt3A_372 = arith.cmpi slt, %rem3A_367, %lt3A_371 : vector<16xi32>
          %lt3A_373 = arith.constant 0 : i32
          %lt3A_374 = arith.cmpi slt, %select_n3A, %lt3A_373 : i32
          %ne3A_375 = vector.broadcast %lt3A_374 : i1 to vector<16xi1>
          %ne3A_376 = vector.broadcast %ne3A_375 : vector<16xi1> to vector<16xi1>
          %ne3A_377 = arith.xori %lt3A_372, %ne3A_376 : vector<16xi1>
          %and3A = arith.andi %ne3A_377, %ne3A_369 : vector<16xi1>
          %add3A_378 = vector.broadcast %select_n3A : i32 to vector<16xi32>
          %add3A_379 = arith.addi %rem3A_367, %add3A_378 : vector<16xi32>
          %select_n3A_380 = arith.select %and3A, %add3A_379, %rem3A_367 : vector<16xi1>, vector<16xi32>
          %eq3A_381 = arith.constant 0 : i32
          %eq3A_382 = vector.broadcast %eq3A_381 : i32 to vector<16xi32>
          %eq3A_383 = arith.cmpi eq, %select_n3A_380, %eq3A_382 : vector<16xi32>
          %jit3A_384 = arith.constant 0 : i32
          %broadcast_in_dim3A = vector.broadcast %jit3A_384 : i32 to vector<16xi32>
          %select_n3A_385 = arith.select %eq3A_383, %broadcast_in_dim3A, %get3A_364 : vector<16xi1>, vector<16xi32>
          %mul3A_386 = arith.constant 1024 : i32
          %mul3A_387 = vector.broadcast %mul3A_386 : i32 to vector<16xi32>
          %mul3A_388 = arith.muli %select_n3A_385, %mul3A_387 : vector<16xi32>
          %add3A_389 = arith.addi %mul3A_388, %get3A_359 : vector<16xi32>
          %ge3A_390 = arith.constant 1000000 : i32
          %ge3A_391 = vector.broadcast %ge3A_390 : i32 to vector<16xi32>
          %ge3A_392 = arith.cmpi sge, %add3A_389, %ge3A_391 : vector<16xi32>
          %sub3A_393 = arith.constant 1000000 : i32
          %sub3A_394 = vector.broadcast %sub3A_393 : i32 to vector<16xi32>
          %sub3A_395 = arith.subi %add3A_389, %sub3A_394 : vector<16xi32>
          %select_n3A_396 = arith.select %ge3A_392, %sub3A_395, %add3A_389 : vector<16xi1>, vector<16xi32>
          %swap3A = arith.index_cast %add3A_353 : i32 to index
          %swap3A_397 = tpu.vector_load %arg5[%swap3A] {strides = array<i32>} : memref<25608xi32, #tpu.memory_space<vmem>>, vector<16xi32>,
          %swap3A_398 = vector.shape_cast %swap3A_397 : vector<16xi32> to vector<16xi32>
          %swap3A_399 = vector.shape_cast %select_n3A_396 : vector<16xi32> to vector<16xi32>
          tpu.vector_store %arg5[%swap3A], %swap3A_399 {strides = array<i32>} : memref<25608xi32, #tpu.memory_space<vmem>>, vector<16xi32>,
        }
        %scan3A_328 = arith.constant 8 : i32
        %add3A_329 = arith.constant 5 : i32
        %add3A_330 = arith.addi %add3A_225, %add3A_329 : i32
        %sub3A_331 = arith.constant 1 : i32
        %sub3A_332 = arith.subi %add3A_330, %sub3A_331 : i32
        %mul3A_333 = arith.constant 128 : i32
        %mul3A_334 = arith.muli %sub3A_332, %mul3A_333 : i32
        %dma_start3A_335 = arith.constant 2 : i32
        %dma_start3A_336 = arith.constant 0 : i32
        %dma_start3A_337 = arith.constant 0 : i32
        %dma_start3A_338 = tpu.memref_slice %arg6[%dma_start3A_335, %dma_start3A_336, %dma_start3A_337] : memref<5x128x128xf32, #tpu.memory_space<vmem>> -> memref<1x128x128xf32, #tpu.memory_space<vmem>>
        %dma_start3A_339 = tpu.memref_squeeze %dma_start3A_338 : memref<1x128x128xf32, #tpu.memory_space<vmem>> -> memref<128x128xf32, #tpu.memory_space<vmem>>
        %dma_start3A_340 = tpu.memref_slice %arg5[%mul3A_334] : memref<25608xi32, #tpu.memory_space<vmem>> -> memref<128xi32, #tpu.memory_space<vmem>>
        %dma_start3A_341 = arith.constant 0 : i32
        %dma_start3A_342 = arith.constant 0 : i32
        %dma_start3A_343 = tpu.memref_slice %arg3[%dma_start3A_341, %dma_start3A_342] : memref<1000000x128xf32, #tpu.memory_space<hbm>> -> memref<1000000x128xf32, #tpu.memory_space<hbm>>
        tpu.enqueue_indirect_dma source(%dma_start3A_343 : memref<1000000x128xf32, #tpu.memory_space<hbm>>) target(%dma_start3A_339 : memref<128x128xf32, #tpu.memory_space<vmem>>) offsets(%dma_start3A_340 : memref<128xi32, #tpu.memory_space<vmem>>) semaphore(%arg9 : memref<!tpu.dma_semaphore, #tpu.memory_space<semaphore_mem>>)
      } else {
      }
      %add3A_272 = arith.constant 4 : i32
      %add3A_273 = arith.addi %add3A_84, %add3A_272 : i32
      %mul3A_274 = arith.constant 128 : i32
      %mul3A_275 = arith.muli %add3A_273, %mul3A_274 : i32
      %dma_wait3A_276 = arith.constant 4 : i32
      %dma_wait3A_277 = arith.constant 0 : i32
      %dma_wait3A_278 = arith.constant 0 : i32
      %dma_wait3A_279 = tpu.memref_slice %arg6[%dma_wait3A_276, %dma_wait3A_277, %dma_wait3A_278] : memref<5x128x128xf32, #tpu.memory_space<vmem>> -> memref<1x128x128xf32, #tpu.memory_space<vmem>>
      %dma_wait3A_280 = tpu.memref_squeeze %dma_wait3A_279 : memref<1x128x128xf32, #tpu.memory_space<vmem>> -> memref<128x128xf32, #tpu.memory_space<vmem>>
      %dma_wait3A_281 = tpu.memref_slice %arg5[%mul3A_275] : memref<25608xi32, #tpu.memory_space<vmem>> -> memref<128xi32, #tpu.memory_space<vmem>>
      %dma_wait3A_282 = arith.constant 0 : i32
      %dma_wait3A_283 = arith.constant 0 : i32
      %dma_wait3A_284 = tpu.memref_slice %arg3[%dma_wait3A_282, %dma_wait3A_283] : memref<1000000x128xf32, #tpu.memory_space<hbm>> -> memref<1000000x128xf32, #tpu.memory_space<hbm>>
      tpu.wait_indirect_dma semaphore(%arg11 : memref<!tpu.dma_semaphore, #tpu.memory_space<semaphore_mem>>) src(%dma_wait3A_284 : memref<1000000x128xf32, #tpu.memory_space<hbm>>) dst(%dma_wait3A_280 : memref<128x128xf32, #tpu.memory_space<vmem>>)
      %scan3A_285 = arith.constant 0 : i32
      %scan3A_286 = arith.constant 128 : i32
      %scan3A_287 = arith.addi %scan3A_285, %scan3A_286 : i32
      %scan3A_288 = arith.constant 4 : i32
      scf.for %scan3A_320 = %scan3A_285 to %scan3A_287 step %scan3A_288  : i32 {
        %mul3A_321 = arith.constant 1 : i32
        %mul3A_322 = arith.muli %scan3A_320, %mul3A_321 : i32
        %add3A_323 = arith.constant 0 : i32
        %add3A_324 = arith.addi %add3A_323, %mul3A_322 : i32
        %get3A = arith.constant 4 : i32
        %get3A_325 = arith.index_cast %get3A : i32 to index
        %get3A_326 = arith.index_cast %add3A_324 : i32 to index
        %get3A_327 = arith.constant 0 : index
        %get3A_328 = tpu.vector_load %arg6[%get3A_325, %get3A_326, %get3A_327] {strides = array<i32>} : memref<5x128x128xf32, #tpu.memory_space<vmem>>, vector<1x1x16xf32>,
        %get3A_329 = vector.shape_cast %get3A_328 : vector<1x1x16xf32> to vector<16xf32>
        %mul3A_330 = arith.constant 5.000000e-02 : f32
        %mul3A_331 = vector.broadcast %mul3A_330 : f32 to vector<16xf32>
        %mul3A_332 = arith.mulf %get3A_329, %mul3A_331 : vector<16xf32>
        %swap3A = arith.constant 4 : i32
        %swap3A_333 = arith.index_cast %swap3A : i32 to index
        %swap3A_334 = arith.index_cast %add3A_324 : i32 to index
        %swap3A_335 = arith.constant 0 : index
        %swap3A_336 = tpu.vector_load %arg6[%swap3A_333, %swap3A_334, %swap3A_335] {strides = array<i32>} : memref<5x128x128xf32, #tpu.memory_space<vmem>>, vector<1x1x16xf32>,
        %swap3A_337 = vector.shape_cast %swap3A_336 : vector<1x1x16xf32> to vector<16xf32>
        %swap3A_338 = vector.shape_cast %mul3A_332 : vector<16xf32> to vector<1x1x16xf32>
        tpu.vector_store %arg6[%swap3A_333, %swap3A_334, %swap3A_335], %swap3A_338 {strides = array<i32>} : memref<5x128x128xf32, #tpu.memory_space<vmem>>, vector<1x1x16xf32>,
        %get3A_339 = arith.constant 4 : i32
        %get3A_340 = arith.index_cast %get3A_339 : i32 to index
        %get3A_341 = arith.index_cast %add3A_324 : i32 to index
        %get3A_342 = arith.constant 16 : index
        %get3A_343 = tpu.vector_load %arg6[%get3A_340, %get3A_341, %get3A_342] {strides = array<i32>} : memref<5x128x128xf32, #tpu.memory_space<vmem>>, vector<1x1x16xf32>,
        %get3A_344 = vector.shape_cast %get3A_343 : vector<1x1x16xf32> to vector<16xf32>
        %mul3A_345 = arith.constant 5.000000e-02 : f32
        %mul3A_346 = vector.broadcast %mul3A_345 : f32 to vector<16xf32>
        %mul3A_347 = arith.mulf %get3A_344, %mul3A_346 : vector<16xf32>
        %swap3A_348 = arith.constant 4 : i32
        %swap3A_349 = arith.index_cast %swap3A_348 : i32 to index
        %swap3A_350 = arith.index_cast %add3A_324 : i32 to index
        %swap3A_351 = arith.constant 16 : index
        %swap3A_352 = tpu.vector_load %arg6[%swap3A_349, %swap3A_350, %swap3A_351] {strides = array<i32>} : memref<5x128x128xf32, #tpu.memory_space<vmem>>, vector<1x1x16xf32>,
        %swap3A_353 = vector.shape_cast %swap3A_352 : vector<1x1x16xf32> to vector<16xf32>
        %swap3A_354 = vector.shape_cast %mul3A_347 : vector<16xf32> to vector<1x1x16xf32>
        tpu.vector_store %arg6[%swap3A_349, %swap3A_350, %swap3A_351], %swap3A_354 {strides = array<i32>} : memref<5x128x128xf32, #tpu.memory_space<vmem>>, vector<1x1x16xf32>,
        %get3A_355 = arith.constant 4 : i32
        %get3A_356 = arith.index_cast %get3A_355 : i32 to index
        %get3A_357 = arith.index_cast %add3A_324 : i32 to index
        %get3A_358 = arith.constant 32 : index
        %get3A_359 = tpu.vector_load %arg6[%get3A_356, %get3A_357, %get3A_358] {strides = array<i32>} : memref<5x128x128xf32, #tpu.memory_space<vmem>>, vector<1x1x16xf32>,
        %get3A_360 = vector.shape_cast %get3A_359 : vector<1x1x16xf32> to vector<16xf32>
        %mul3A_361 = arith.constant 5.000000e-02 : f32
        %mul3A_362 = vector.broadcast %mul3A_361 : f32 to vector<16xf32>
        %mul3A_363 = arith.mulf %get3A_360, %mul3A_362 : vector<16xf32>
        %swap3A_364 = arith.constant 4 : i32
        %swap3A_365 = arith.index_cast %swap3A_364 : i32 to index
        %swap3A_366 = arith.index_cast %add3A_324 : i32 to index
        %swap3A_367 = arith.constant 32 : index
        %swap3A_368 = tpu.vector_load %arg6[%swap3A_365, %swap3A_366, %swap3A_367] {strides = array<i32>} : memref<5x128x128xf32, #tpu.memory_space<vmem>>, vector<1x1x16xf32>,
        %swap3A_369 = vector.shape_cast %swap3A_368 : vector<1x1x16xf32> to vector<16xf32>
        %swap3A_370 = vector.shape_cast %mul3A_363 : vector<16xf32> to vector<1x1x16xf32>
        tpu.vector_store %arg6[%swap3A_365, %swap3A_366, %swap3A_367], %swap3A_370 {strides = array<i32>} : memref<5x128x128xf32, #tpu.memory_space<vmem>>, vector<1x1x16xf32>,
        %get3A_371 = arith.constant 4 : i32
        %get3A_372 = arith.index_cast %get3A_371 : i32 to index
        %get3A_373 = arith.index_cast %add3A_324 : i32 to index
        %get3A_374 = arith.constant 48 : index
        %get3A_375 = tpu.vector_load %arg6[%get3A_372, %get3A_373, %get3A_374] {strides = array<i32>} : memref<5x128x128xf32, #tpu.memory_space<vmem>>, vector<1x1x16xf32>,
        %get3A_376 = vector.shape_cast %get3A_375 : vector<1x1x16xf32> to vector<16xf32>
        %mul3A_377 = arith.constant 5.000000e-02 : f32
        %mul3A_378 = vector.broadcast %mul3A_377 : f32 to vector<16xf32>
        %mul3A_379 = arith.mulf %get3A_376, %mul3A_378 : vector<16xf32>
        %swap3A_380 = arith.constant 4 : i32
        %swap3A_381 = arith.index_cast %swap3A_380 : i32 to index
        %swap3A_382 = arith.index_cast %add3A_324 : i32 to index
        %swap3A_383 = arith.constant 48 : index
        %swap3A_384 = tpu.vector_load %arg6[%swap3A_381, %swap3A_382, %swap3A_383] {strides = array<i32>} : memref<5x128x128xf32, #tpu.memory_space<vmem>>, vector<1x1x16xf32>,
        %swap3A_385 = vector.shape_cast %swap3A_384 : vector<1x1x16xf32> to vector<16xf32>
        %swap3A_386 = vector.shape_cast %mul3A_379 : vector<16xf32> to vector<1x1x16xf32>
        tpu.vector_store %arg6[%swap3A_381, %swap3A_382, %swap3A_383], %swap3A_386 {strides = array<i32>} : memref<5x128x128xf32, #tpu.memory_space<vmem>>, vector<1x1x16xf32>,
        %get3A_387 = arith.constant 4 : i32
        %get3A_388 = arith.index_cast %get3A_387 : i32 to index
        %get3A_389 = arith.index_cast %add3A_324 : i32 to index
        %get3A_390 = arith.constant 64 : index
        %get3A_391 = tpu.vector_load %arg6[%get3A_388, %get3A_389, %get3A_390] {strides = array<i32>} : memref<5x128x128xf32, #tpu.memory_space<vmem>>, vector<1x1x16xf32>,
        %get3A_392 = vector.shape_cast %get3A_391 : vector<1x1x16xf32> to vector<16xf32>
        %mul3A_393 = arith.constant 5.000000e-02 : f32
        %mul3A_394 = vector.broadcast %mul3A_393 : f32 to vector<16xf32>
        %mul3A_395 = arith.mulf %get3A_392, %mul3A_394 : vector<16xf32>
        %swap3A_396 = arith.constant 4 : i32
        %swap3A_397 = arith.index_cast %swap3A_396 : i32 to index
        %swap3A_398 = arith.index_cast %add3A_324 : i32 to index
        %swap3A_399 = arith.constant 64 : index
        %swap3A_400 = tpu.vector_load %arg6[%swap3A_397, %swap3A_398, %swap3A_399] {strides = array<i32>} : memref<5x128x128xf32, #tpu.memory_space<vmem>>, vector<1x1x16xf32>,
        %swap3A_401 = vector.shape_cast %swap3A_400 : vector<1x1x16xf32> to vector<16xf32>
        %swap3A_402 = vector.shape_cast %mul3A_395 : vector<16xf32> to vector<1x1x16xf32>
        tpu.vector_store %arg6[%swap3A_397, %swap3A_398, %swap3A_399], %swap3A_402 {strides = array<i32>} : memref<5x128x128xf32, #tpu.memory_space<vmem>>, vector<1x1x16xf32>,
        %get3A_403 = arith.constant 4 : i32
        %get3A_404 = arith.index_cast %get3A_403 : i32 to index
        %get3A_405 = arith.index_cast %add3A_324 : i32 to index
        %get3A_406 = arith.constant 80 : index
        %get3A_407 = tpu.vector_load %arg6[%get3A_404, %get3A_405, %get3A_406] {strides = array<i32>} : memref<5x128x128xf32, #tpu.memory_space<vmem>>, vector<1x1x16xf32>,
        %get3A_408 = vector.shape_cast %get3A_407 : vector<1x1x16xf32> to vector<16xf32>
        %mul3A_409 = arith.constant 5.000000e-02 : f32
        %mul3A_410 = vector.broadcast %mul3A_409 : f32 to vector<16xf32>
        %mul3A_411 = arith.mulf %get3A_408, %mul3A_410 : vector<16xf32>
        %swap3A_412 = arith.constant 4 : i32
        %swap3A_413 = arith.index_cast %swap3A_412 : i32 to index
        %swap3A_414 = arith.index_cast %add3A_324 : i32 to index
        %swap3A_415 = arith.constant 80 : index
        %swap3A_416 = tpu.vector_load %arg6[%swap3A_413, %swap3A_414, %swap3A_415] {strides = array<i32>} : memref<5x128x128xf32, #tpu.memory_space<vmem>>, vector<1x1x16xf32>,
        %swap3A_417 = vector.shape_cast %swap3A_416 : vector<1x1x16xf32> to vector<16xf32>
        %swap3A_418 = vector.shape_cast %mul3A_411 : vector<16xf32> to vector<1x1x16xf32>
        tpu.vector_store %arg6[%swap3A_413, %swap3A_414, %swap3A_415], %swap3A_418 {strides = array<i32>} : memref<5x128x128xf32, #tpu.memory_space<vmem>>, vector<1x1x16xf32>,
        %get3A_419 = arith.constant 4 : i32
        %get3A_420 = arith.index_cast %get3A_419 : i32 to index
        %get3A_421 = arith.index_cast %add3A_324 : i32 to index
        %get3A_422 = arith.constant 96 : index
        %get3A_423 = tpu.vector_load %arg6[%get3A_420, %get3A_421, %get3A_422] {strides = array<i32>} : memref<5x128x128xf32, #tpu.memory_space<vmem>>, vector<1x1x16xf32>,
        %get3A_424 = vector.shape_cast %get3A_423 : vector<1x1x16xf32> to vector<16xf32>
        %mul3A_425 = arith.constant 5.000000e-02 : f32
        %mul3A_426 = vector.broadcast %mul3A_425 : f32 to vector<16xf32>
        %mul3A_427 = arith.mulf %get3A_424, %mul3A_426 : vector<16xf32>
        %swap3A_428 = arith.constant 4 : i32
        %swap3A_429 = arith.index_cast %swap3A_428 : i32 to index
        %swap3A_430 = arith.index_cast %add3A_324 : i32 to index
        %swap3A_431 = arith.constant 96 : index
        %swap3A_432 = tpu.vector_load %arg6[%swap3A_429, %swap3A_430, %swap3A_431] {strides = array<i32>} : memref<5x128x128xf32, #tpu.memory_space<vmem>>, vector<1x1x16xf32>,
        %swap3A_433 = vector.shape_cast %swap3A_432 : vector<1x1x16xf32> to vector<16xf32>
        %swap3A_434 = vector.shape_cast %mul3A_427 : vector<16xf32> to vector<1x1x16xf32>
        tpu.vector_store %arg6[%swap3A_429, %swap3A_430, %swap3A_431], %swap3A_434 {strides = array<i32>} : memref<5x128x128xf32, #tpu.memory_space<vmem>>, vector<1x1x16xf32>,
        %get3A_435 = arith.constant 4 : i32
        %get3A_436 = arith.index_cast %get3A_435 : i32 to index
        %get3A_437 = arith.index_cast %add3A_324 : i32 to index
        %get3A_438 = arith.constant 112 : index
        %get3A_439 = tpu.vector_load %arg6[%get3A_436, %get3A_437, %get3A_438] {strides = array<i32>} : memref<5x128x128xf32, #tpu.memory_space<vmem>>, vector<1x1x16xf32>,
        %get3A_440 = vector.shape_cast %get3A_439 : vector<1x1x16xf32> to vector<16xf32>
        %mul3A_441 = arith.constant 5.000000e-02 : f32
        %mul3A_442 = vector.broadcast %mul3A_441 : f32 to vector<16xf32>
        %mul3A_443 = arith.mulf %get3A_440, %mul3A_442 : vector<16xf32>
        %swap3A_444 = arith.constant 4 : i32
        %swap3A_445 = arith.index_cast %swap3A_444 : i32 to index
        %swap3A_446 = arith.index_cast %add3A_324 : i32 to index
        %swap3A_447 = arith.constant 112 : index
        %swap3A_448 = tpu.vector_load %arg6[%swap3A_445, %swap3A_446, %swap3A_447] {strides = array<i32>} : memref<5x128x128xf32, #tpu.memory_space<vmem>>, vector<1x1x16xf32>,
        %swap3A_449 = vector.shape_cast %swap3A_448 : vector<1x1x16xf32> to vector<16xf32>
        %swap3A_450 = vector.shape_cast %mul3A_443 : vector<16xf32> to vector<1x1x16xf32>
        tpu.vector_store %arg6[%swap3A_445, %swap3A_446, %swap3A_447], %swap3A_450 {strides = array<i32>} : memref<5x128x128xf32, #tpu.memory_space<vmem>>, vector<1x1x16xf32>,
        %scan3A_451 = arith.constant 1 : i32
        %scan3A_452 = arith.addi %scan3A_320, %scan3A_451 : i32
        %mul3A_453 = arith.constant 1 : i32
        %mul3A_454 = arith.muli %scan3A_452, %mul3A_453 : i32
        %add3A_455 = arith.constant 0 : i32
        %add3A_456 = arith.addi %add3A_455, %mul3A_454 : i32
        %get3A_457 = arith.constant 4 : i32
        %get3A_458 = arith.index_cast %get3A_457 : i32 to index
        %get3A_459 = arith.index_cast %add3A_456 : i32 to index
        %get3A_460 = arith.constant 0 : index
        %get3A_461 = tpu.vector_load %arg6[%get3A_458, %get3A_459, %get3A_460] {strides = array<i32>} : memref<5x128x128xf32, #tpu.memory_space<vmem>>, vector<1x1x16xf32>,
        %get3A_462 = vector.shape_cast %get3A_461 : vector<1x1x16xf32> to vector<16xf32>
        %mul3A_463 = arith.constant 5.000000e-02 : f32
        %mul3A_464 = vector.broadcast %mul3A_463 : f32 to vector<16xf32>
        %mul3A_465 = arith.mulf %get3A_462, %mul3A_464 : vector<16xf32>
        %swap3A_466 = arith.constant 4 : i32
        %swap3A_467 = arith.index_cast %swap3A_466 : i32 to index
        %swap3A_468 = arith.index_cast %add3A_456 : i32 to index
        %swap3A_469 = arith.constant 0 : index
        %swap3A_470 = tpu.vector_load %arg6[%swap3A_467, %swap3A_468, %swap3A_469] {strides = array<i32>} : memref<5x128x128xf32, #tpu.memory_space<vmem>>, vector<1x1x16xf32>,
        %swap3A_471 = vector.shape_cast %swap3A_470 : vector<1x1x16xf32> to vector<16xf32>
        %swap3A_472 = vector.shape_cast %mul3A_465 : vector<16xf32> to vector<1x1x16xf32>
        tpu.vector_store %arg6[%swap3A_467, %swap3A_468, %swap3A_469], %swap3A_472 {strides = array<i32>} : memref<5x128x128xf32, #tpu.memory_space<vmem>>, vector<1x1x16xf32>,
        %get3A_473 = arith.constant 4 : i32
        %get3A_474 = arith.index_cast %get3A_473 : i32 to index
        %get3A_475 = arith.index_cast %add3A_456 : i32 to index
        %get3A_476 = arith.constant 16 : index
        %get3A_477 = tpu.vector_load %arg6[%get3A_474, %get3A_475, %get3A_476] {strides = array<i32>} : memref<5x128x128xf32, #tpu.memory_space<vmem>>, vector<1x1x16xf32>,
        %get3A_478 = vector.shape_cast %get3A_477 : vector<1x1x16xf32> to vector<16xf32>
        %mul3A_479 = arith.constant 5.000000e-02 : f32
        %mul3A_480 = vector.broadcast %mul3A_479 : f32 to vector<16xf32>
        %mul3A_481 = arith.mulf %get3A_478, %mul3A_480 : vector<16xf32>
        %swap3A_482 = arith.constant 4 : i32
        %swap3A_483 = arith.index_cast %swap3A_482 : i32 to index
        %swap3A_484 = arith.index_cast %add3A_456 : i32 to index
        %swap3A_485 = arith.constant 16 : index
        %swap3A_486 = tpu.vector_load %arg6[%swap3A_483, %swap3A_484, %swap3A_485] {strides = array<i32>} : memref<5x128x128xf32, #tpu.memory_space<vmem>>, vector<1x1x16xf32>,
        %swap3A_487 = vector.shape_cast %swap3A_486 : vector<1x1x16xf32> to vector<16xf32>
        %swap3A_488 = vector.shape_cast %mul3A_481 : vector<16xf32> to vector<1x1x16xf32>
        tpu.vector_store %arg6[%swap3A_483, %swap3A_484, %swap3A_485], %swap3A_488 {strides = array<i32>} : memref<5x128x128xf32, #tpu.memory_space<vmem>>, vector<1x1x16xf32>,
        %get3A_489 = arith.constant 4 : i32
        %get3A_490 = arith.index_cast %get3A_489 : i32 to index
        %get3A_491 = arith.index_cast %add3A_456 : i32 to index
        %get3A_492 = arith.constant 32 : index
        %get3A_493 = tpu.vector_load %arg6[%get3A_490, %get3A_491, %get3A_492] {strides = array<i32>} : memref<5x128x128xf32, #tpu.memory_space<vmem>>, vector<1x1x16xf32>,
        %get3A_494 = vector.shape_cast %get3A_493 : vector<1x1x16xf32> to vector<16xf32>
        %mul3A_495 = arith.constant 5.000000e-02 : f32
        %mul3A_496 = vector.broadcast %mul3A_495 : f32 to vector<16xf32>
        %mul3A_497 = arith.mulf %get3A_494, %mul3A_496 : vector<16xf32>
        %swap3A_498 = arith.constant 4 : i32
        %swap3A_499 = arith.index_cast %swap3A_498 : i32 to index
        %swap3A_500 = arith.index_cast %add3A_456 : i32 to index
        %swap3A_501 = arith.constant 32 : index
        %swap3A_502 = tpu.vector_load %arg6[%swap3A_499, %swap3A_500, %swap3A_501] {strides = array<i32>} : memref<5x128x128xf32, #tpu.memory_space<vmem>>, vector<1x1x16xf32>,
        %swap3A_503 = vector.shape_cast %swap3A_502 : vector<1x1x16xf32> to vector<16xf32>
        %swap3A_504 = vector.shape_cast %mul3A_497 : vector<16xf32> to vector<1x1x16xf32>
        tpu.vector_store %arg6[%swap3A_499, %swap3A_500, %swap3A_501], %swap3A_504 {strides = array<i32>} : memref<5x128x128xf32, #tpu.memory_space<vmem>>, vector<1x1x16xf32>,
        %get3A_505 = arith.constant 4 : i32
        %get3A_506 = arith.index_cast %get3A_505 : i32 to index
        %get3A_507 = arith.index_cast %add3A_456 : i32 to index
        %get3A_508 = arith.constant 48 : index
        %get3A_509 = tpu.vector_load %arg6[%get3A_506, %get3A_507, %get3A_508] {strides = array<i32>} : memref<5x128x128xf32, #tpu.memory_space<vmem>>, vector<1x1x16xf32>,
        %get3A_510 = vector.shape_cast %get3A_509 : vector<1x1x16xf32> to vector<16xf32>
        %mul3A_511 = arith.constant 5.000000e-02 : f32
        %mul3A_512 = vector.broadcast %mul3A_511 : f32 to vector<16xf32>
        %mul3A_513 = arith.mulf %get3A_510, %mul3A_512 : vector<16xf32>
        %swap3A_514 = arith.constant 4 : i32
        %swap3A_515 = arith.index_cast %swap3A_514 : i32 to index
        %swap3A_516 = arith.index_cast %add3A_456 : i32 to index
        %swap3A_517 = arith.constant 48 : index
        %swap3A_518 = tpu.vector_load %arg6[%swap3A_515, %swap3A_516, %swap3A_517] {strides = array<i32>} : memref<5x128x128xf32, #tpu.memory_space<vmem>>, vector<1x1x16xf32>,
        %swap3A_519 = vector.shape_cast %swap3A_518 : vector<1x1x16xf32> to vector<16xf32>
        %swap3A_520 = vector.shape_cast %mul3A_513 : vector<16xf32> to vector<1x1x16xf32>
        tpu.vector_store %arg6[%swap3A_515, %swap3A_516, %swap3A_517], %swap3A_520 {strides = array<i32>} : memref<5x128x128xf32, #tpu.memory_space<vmem>>, vector<1x1x16xf32>,
        %get3A_521 = arith.constant 4 : i32
        %get3A_522 = arith.index_cast %get3A_521 : i32 to index
        %get3A_523 = arith.index_cast %add3A_456 : i32 to index
        %get3A_524 = arith.constant 64 : index
        %get3A_525 = tpu.vector_load %arg6[%get3A_522, %get3A_523, %get3A_524] {strides = array<i32>} : memref<5x128x128xf32, #tpu.memory_space<vmem>>, vector<1x1x16xf32>,
        %get3A_526 = vector.shape_cast %get3A_525 : vector<1x1x16xf32> to vector<16xf32>
        %mul3A_527 = arith.constant 5.000000e-02 : f32
        %mul3A_528 = vector.broadcast %mul3A_527 : f32 to vector<16xf32>
        %mul3A_529 = arith.mulf %get3A_526, %mul3A_528 : vector<16xf32>
        %swap3A_530 = arith.constant 4 : i32
        %swap3A_531 = arith.index_cast %swap3A_530 : i32 to index
        %swap3A_532 = arith.index_cast %add3A_456 : i32 to index
        %swap3A_533 = arith.constant 64 : index
        %swap3A_534 = tpu.vector_load %arg6[%swap3A_531, %swap3A_532, %swap3A_533] {strides = array<i32>} : memref<5x128x128xf32, #tpu.memory_space<vmem>>, vector<1x1x16xf32>,
        %swap3A_535 = vector.shape_cast %swap3A_534 : vector<1x1x16xf32> to vector<16xf32>
        %swap3A_536 = vector.shape_cast %mul3A_529 : vector<16xf32> to vector<1x1x16xf32>
        tpu.vector_store %arg6[%swap3A_531, %swap3A_532, %swap3A_533], %swap3A_536 {strides = array<i32>} : memref<5x128x128xf32, #tpu.memory_space<vmem>>, vector<1x1x16xf32>,
        %get3A_537 = arith.constant 4 : i32
        %get3A_538 = arith.index_cast %get3A_537 : i32 to index
        %get3A_539 = arith.index_cast %add3A_456 : i32 to index
        %get3A_540 = arith.constant 80 : index
        %get3A_541 = tpu.vector_load %arg6[%get3A_538, %get3A_539, %get3A_540] {strides = array<i32>} : memref<5x128x128xf32, #tpu.memory_space<vmem>>, vector<1x1x16xf32>,
        %get3A_542 = vector.shape_cast %get3A_541 : vector<1x1x16xf32> to vector<16xf32>
        %mul3A_543 = arith.constant 5.000000e-02 : f32
        %mul3A_544 = vector.broadcast %mul3A_543 : f32 to vector<16xf32>
        %mul3A_545 = arith.mulf %get3A_542, %mul3A_544 : vector<16xf32>
        %swap3A_546 = arith.constant 4 : i32
        %swap3A_547 = arith.index_cast %swap3A_546 : i32 to index
        %swap3A_548 = arith.index_cast %add3A_456 : i32 to index
        %swap3A_549 = arith.constant 80 : index
        %swap3A_550 = tpu.vector_load %arg6[%swap3A_547, %swap3A_548, %swap3A_549] {strides = array<i32>} : memref<5x128x128xf32, #tpu.memory_space<vmem>>, vector<1x1x16xf32>,
        %swap3A_551 = vector.shape_cast %swap3A_550 : vector<1x1x16xf32> to vector<16xf32>
        %swap3A_552 = vector.shape_cast %mul3A_545 : vector<16xf32> to vector<1x1x16xf32>
        tpu.vector_store %arg6[%swap3A_547, %swap3A_548, %swap3A_549], %swap3A_552 {strides = array<i32>} : memref<5x128x128xf32, #tpu.memory_space<vmem>>, vector<1x1x16xf32>,
        %get3A_553 = arith.constant 4 : i32
        %get3A_554 = arith.index_cast %get3A_553 : i32 to index
        %get3A_555 = arith.index_cast %add3A_456 : i32 to index
        %get3A_556 = arith.constant 96 : index
        %get3A_557 = tpu.vector_load %arg6[%get3A_554, %get3A_555, %get3A_556] {strides = array<i32>} : memref<5x128x128xf32, #tpu.memory_space<vmem>>, vector<1x1x16xf32>,
        %get3A_558 = vector.shape_cast %get3A_557 : vector<1x1x16xf32> to vector<16xf32>
        %mul3A_559 = arith.constant 5.000000e-02 : f32
        %mul3A_560 = vector.broadcast %mul3A_559 : f32 to vector<16xf32>
        %mul3A_561 = arith.mulf %get3A_558, %mul3A_560 : vector<16xf32>
        %swap3A_562 = arith.constant 4 : i32
        %swap3A_563 = arith.index_cast %swap3A_562 : i32 to index
        %swap3A_564 = arith.index_cast %add3A_456 : i32 to index
        %swap3A_565 = arith.constant 96 : index
        %swap3A_566 = tpu.vector_load %arg6[%swap3A_563, %swap3A_564, %swap3A_565] {strides = array<i32>} : memref<5x128x128xf32, #tpu.memory_space<vmem>>, vector<1x1x16xf32>,
        %swap3A_567 = vector.shape_cast %swap3A_566 : vector<1x1x16xf32> to vector<16xf32>
        %swap3A_568 = vector.shape_cast %mul3A_561 : vector<16xf32> to vector<1x1x16xf32>
        tpu.vector_store %arg6[%swap3A_563, %swap3A_564, %swap3A_565], %swap3A_568 {strides = array<i32>} : memref<5x128x128xf32, #tpu.memory_space<vmem>>, vector<1x1x16xf32>,
        %get3A_569 = arith.constant 4 : i32
        %get3A_570 = arith.index_cast %get3A_569 : i32 to index
        %get3A_571 = arith.index_cast %add3A_456 : i32 to index
        %get3A_572 = arith.constant 112 : index
        %get3A_573 = tpu.vector_load %arg6[%get3A_570, %get3A_571, %get3A_572] {strides = array<i32>} : memref<5x128x128xf32, #tpu.memory_space<vmem>>, vector<1x1x16xf32>,
        %get3A_574 = vector.shape_cast %get3A_573 : vector<1x1x16xf32> to vector<16xf32>
        %mul3A_575 = arith.constant 5.000000e-02 : f32
        %mul3A_576 = vector.broadcast %mul3A_575 : f32 to vector<16xf32>
        %mul3A_577 = arith.mulf %get3A_574, %mul3A_576 : vector<16xf32>
        %swap3A_578 = arith.constant 4 : i32
        %swap3A_579 = arith.index_cast %swap3A_578 : i32 to index
        %swap3A_580 = arith.index_cast %add3A_456 : i32 to index
        %swap3A_581 = arith.constant 112 : index
        %swap3A_582 = tpu.vector_load %arg6[%swap3A_579, %swap3A_580, %swap3A_581] {strides = array<i32>} : memref<5x128x128xf32, #tpu.memory_space<vmem>>, vector<1x1x16xf32>,
        %swap3A_583 = vector.shape_cast %swap3A_582 : vector<1x1x16xf32> to vector<16xf32>
        %swap3A_584 = vector.shape_cast %mul3A_577 : vector<16xf32> to vector<1x1x16xf32>
        tpu.vector_store %arg6[%swap3A_579, %swap3A_580, %swap3A_581], %swap3A_584 {strides = array<i32>} : memref<5x128x128xf32, #tpu.memory_space<vmem>>, vector<1x1x16xf32>,
        %scan3A_585 = arith.constant 2 : i32
        %scan3A_586 = arith.addi %scan3A_320, %scan3A_585 : i32
        %mul3A_587 = arith.constant 1 : i32
        %mul3A_588 = arith.muli %scan3A_586, %mul3A_587 : i32
        %add3A_589 = arith.constant 0 : i32
        %add3A_590 = arith.addi %add3A_589, %mul3A_588 : i32
        %get3A_591 = arith.constant 4 : i32
        %get3A_592 = arith.index_cast %get3A_591 : i32 to index
        %get3A_593 = arith.index_cast %add3A_590 : i32 to index
        %get3A_594 = arith.constant 0 : index
        %get3A_595 = tpu.vector_load %arg6[%get3A_592, %get3A_593, %get3A_594] {strides = array<i32>} : memref<5x128x128xf32, #tpu.memory_space<vmem>>, vector<1x1x16xf32>,
        %get3A_596 = vector.shape_cast %get3A_595 : vector<1x1x16xf32> to vector<16xf32>
        %mul3A_597 = arith.constant 5.000000e-02 : f32
        %mul3A_598 = vector.broadcast %mul3A_597 : f32 to vector<16xf32>
        %mul3A_599 = arith.mulf %get3A_596, %mul3A_598 : vector<16xf32>
        %swap3A_600 = arith.constant 4 : i32
        %swap3A_601 = arith.index_cast %swap3A_600 : i32 to index
        %swap3A_602 = arith.index_cast %add3A_590 : i32 to index
        %swap3A_603 = arith.constant 0 : index
        %swap3A_604 = tpu.vector_load %arg6[%swap3A_601, %swap3A_602, %swap3A_603] {strides = array<i32>} : memref<5x128x128xf32, #tpu.memory_space<vmem>>, vector<1x1x16xf32>,
        %swap3A_605 = vector.shape_cast %swap3A_604 : vector<1x1x16xf32> to vector<16xf32>
        %swap3A_606 = vector.shape_cast %mul3A_599 : vector<16xf32> to vector<1x1x16xf32>
        tpu.vector_store %arg6[%swap3A_601, %swap3A_602, %swap3A_603], %swap3A_606 {strides = array<i32>} : memref<5x128x128xf32, #tpu.memory_space<vmem>>, vector<1x1x16xf32>,
        %get3A_607 = arith.constant 4 : i32
        %get3A_608 = arith.index_cast %get3A_607 : i32 to index
        %get3A_609 = arith.index_cast %add3A_590 : i32 to index
        %get3A_610 = arith.constant 16 : index
        %get3A_611 = tpu.vector_load %arg6[%get3A_608, %get3A_609, %get3A_610] {strides = array<i32>} : memref<5x128x128xf32, #tpu.memory_space<vmem>>, vector<1x1x16xf32>,
        %get3A_612 = vector.shape_cast %get3A_611 : vector<1x1x16xf32> to vector<16xf32>
        %mul3A_613 = arith.constant 5.000000e-02 : f32
        %mul3A_614 = vector.broadcast %mul3A_613 : f32 to vector<16xf32>
        %mul3A_615 = arith.mulf %get3A_612, %mul3A_614 : vector<16xf32>
        %swap3A_616 = arith.constant 4 : i32
        %swap3A_617 = arith.index_cast %swap3A_616 : i32 to index
        %swap3A_618 = arith.index_cast %add3A_590 : i32 to index
        %swap3A_619 = arith.constant 16 : index
        %swap3A_620 = tpu.vector_load %arg6[%swap3A_617, %swap3A_618, %swap3A_619] {strides = array<i32>} : memref<5x128x128xf32, #tpu.memory_space<vmem>>, vector<1x1x16xf32>,
        %swap3A_621 = vector.shape_cast %swap3A_620 : vector<1x1x16xf32> to vector<16xf32>
        %swap3A_622 = vector.shape_cast %mul3A_615 : vector<16xf32> to vector<1x1x16xf32>
        tpu.vector_store %arg6[%swap3A_617, %swap3A_618, %swap3A_619], %swap3A_622 {strides = array<i32>} : memref<5x128x128xf32, #tpu.memory_space<vmem>>, vector<1x1x16xf32>,
        %get3A_623 = arith.constant 4 : i32
        %get3A_624 = arith.index_cast %get3A_623 : i32 to index
        %get3A_625 = arith.index_cast %add3A_590 : i32 to index
        %get3A_626 = arith.constant 32 : index
        %get3A_627 = tpu.vector_load %arg6[%get3A_624, %get3A_625, %get3A_626] {strides = array<i32>} : memref<5x128x128xf32, #tpu.memory_space<vmem>>, vector<1x1x16xf32>,
        %get3A_628 = vector.shape_cast %get3A_627 : vector<1x1x16xf32> to vector<16xf32>
        %mul3A_629 = arith.constant 5.000000e-02 : f32
        %mul3A_630 = vector.broadcast %mul3A_629 : f32 to vector<16xf32>
        %mul3A_631 = arith.mulf %get3A_628, %mul3A_630 : vector<16xf32>
        %swap3A_632 = arith.constant 4 : i32
        %swap3A_633 = arith.index_cast %swap3A_632 : i32 to index
        %swap3A_634 = arith.index_cast %add3A_590 : i32 to index
        %swap3A_635 = arith.constant 32 : index
        %swap3A_636 = tpu.vector_load %arg6[%swap3A_633, %swap3A_634, %swap3A_635] {strides = array<i32>} : memref<5x128x128xf32, #tpu.memory_space<vmem>>, vector<1x1x16xf32>,
        %swap3A_637 = vector.shape_cast %swap3A_636 : vector<1x1x16xf32> to vector<16xf32>
        %swap3A_638 = vector.shape_cast %mul3A_631 : vector<16xf32> to vector<1x1x16xf32>
        tpu.vector_store %arg6[%swap3A_633, %swap3A_634, %swap3A_635], %swap3A_638 {strides = array<i32>} : memref<5x128x128xf32, #tpu.memory_space<vmem>>, vector<1x1x16xf32>,
        %get3A_639 = arith.constant 4 : i32
        %get3A_640 = arith.index_cast %get3A_639 : i32 to index
        %get3A_641 = arith.index_cast %add3A_590 : i32 to index
        %get3A_642 = arith.constant 48 : index
        %get3A_643 = tpu.vector_load %arg6[%get3A_640, %get3A_641, %get3A_642] {strides = array<i32>} : memref<5x128x128xf32, #tpu.memory_space<vmem>>, vector<1x1x16xf32>,
        %get3A_644 = vector.shape_cast %get3A_643 : vector<1x1x16xf32> to vector<16xf32>
        %mul3A_645 = arith.constant 5.000000e-02 : f32
        %mul3A_646 = vector.broadcast %mul3A_645 : f32 to vector<16xf32>
        %mul3A_647 = arith.mulf %get3A_644, %mul3A_646 : vector<16xf32>
        %swap3A_648 = arith.constant 4 : i32
        %swap3A_649 = arith.index_cast %swap3A_648 : i32 to index
        %swap3A_650 = arith.index_cast %add3A_590 : i32 to index
        %swap3A_651 = arith.constant 48 : index
        %swap3A_652 = tpu.vector_load %arg6[%swap3A_649, %swap3A_650, %swap3A_651] {strides = array<i32>} : memref<5x128x128xf32, #tpu.memory_space<vmem>>, vector<1x1x16xf32>,
        %swap3A_653 = vector.shape_cast %swap3A_652 : vector<1x1x16xf32> to vector<16xf32>
        %swap3A_654 = vector.shape_cast %mul3A_647 : vector<16xf32> to vector<1x1x16xf32>
        tpu.vector_store %arg6[%swap3A_649, %swap3A_650, %swap3A_651], %swap3A_654 {strides = array<i32>} : memref<5x128x128xf32, #tpu.memory_space<vmem>>, vector<1x1x16xf32>,
        %get3A_655 = arith.constant 4 : i32
        %get3A_656 = arith.index_cast %get3A_655 : i32 to index
        %get3A_657 = arith.index_cast %add3A_590 : i32 to index
        %get3A_658 = arith.constant 64 : index
        %get3A_659 = tpu.vector_load %arg6[%get3A_656, %get3A_657, %get3A_658] {strides = array<i32>} : memref<5x128x128xf32, #tpu.memory_space<vmem>>, vector<1x1x16xf32>,
        %get3A_660 = vector.shape_cast %get3A_659 : vector<1x1x16xf32> to vector<16xf32>
        %mul3A_661 = arith.constant 5.000000e-02 : f32
        %mul3A_662 = vector.broadcast %mul3A_661 : f32 to vector<16xf32>
        %mul3A_663 = arith.mulf %get3A_660, %mul3A_662 : vector<16xf32>
        %swap3A_664 = arith.constant 4 : i32
        %swap3A_665 = arith.index_cast %swap3A_664 : i32 to index
        %swap3A_666 = arith.index_cast %add3A_590 : i32 to index
        %swap3A_667 = arith.constant 64 : index
        %swap3A_668 = tpu.vector_load %arg6[%swap3A_665, %swap3A_666, %swap3A_667] {strides = array<i32>} : memref<5x128x128xf32, #tpu.memory_space<vmem>>, vector<1x1x16xf32>,
        %swap3A_669 = vector.shape_cast %swap3A_668 : vector<1x1x16xf32> to vector<16xf32>
        %swap3A_670 = vector.shape_cast %mul3A_663 : vector<16xf32> to vector<1x1x16xf32>
        tpu.vector_store %arg6[%swap3A_665, %swap3A_666, %swap3A_667], %swap3A_670 {strides = array<i32>} : memref<5x128x128xf32, #tpu.memory_space<vmem>>, vector<1x1x16xf32>,
        %get3A_671 = arith.constant 4 : i32
        %get3A_672 = arith.index_cast %get3A_671 : i32 to index
        %get3A_673 = arith.index_cast %add3A_590 : i32 to index
        %get3A_674 = arith.constant 80 : index
        %get3A_675 = tpu.vector_load %arg6[%get3A_672, %get3A_673, %get3A_674] {strides = array<i32>} : memref<5x128x128xf32, #tpu.memory_space<vmem>>, vector<1x1x16xf32>,
        %get3A_676 = vector.shape_cast %get3A_675 : vector<1x1x16xf32> to vector<16xf32>
        %mul3A_677 = arith.constant 5.000000e-02 : f32
        %mul3A_678 = vector.broadcast %mul3A_677 : f32 to vector<16xf32>
        %mul3A_679 = arith.mulf %get3A_676, %mul3A_678 : vector<16xf32>
        %swap3A_680 = arith.constant 4 : i32
        %swap3A_681 = arith.index_cast %swap3A_680 : i32 to index
        %swap3A_682 = arith.index_cast %add3A_590 : i32 to index
        %swap3A_683 = arith.constant 80 : index
        %swap3A_684 = tpu.vector_load %arg6[%swap3A_681, %swap3A_682, %swap3A_683] {strides = array<i32>} : memref<5x128x128xf32, #tpu.memory_space<vmem>>, vector<1x1x16xf32>,
        %swap3A_685 = vector.shape_cast %swap3A_684 : vector<1x1x16xf32> to vector<16xf32>
        %swap3A_686 = vector.shape_cast %mul3A_679 : vector<16xf32> to vector<1x1x16xf32>
        tpu.vector_store %arg6[%swap3A_681, %swap3A_682, %swap3A_683], %swap3A_686 {strides = array<i32>} : memref<5x128x128xf32, #tpu.memory_space<vmem>>, vector<1x1x16xf32>,
        %get3A_687 = arith.constant 4 : i32
        %get3A_688 = arith.index_cast %get3A_687 : i32 to index
        %get3A_689 = arith.index_cast %add3A_590 : i32 to index
        %get3A_690 = arith.constant 96 : index
        %get3A_691 = tpu.vector_load %arg6[%get3A_688, %get3A_689, %get3A_690] {strides = array<i32>} : memref<5x128x128xf32, #tpu.memory_space<vmem>>, vector<1x1x16xf32>,
        %get3A_692 = vector.shape_cast %get3A_691 : vector<1x1x16xf32> to vector<16xf32>
        %mul3A_693 = arith.constant 5.000000e-02 : f32
        %mul3A_694 = vector.broadcast %mul3A_693 : f32 to vector<16xf32>
        %mul3A_695 = arith.mulf %get3A_692, %mul3A_694 : vector<16xf32>
        %swap3A_696 = arith.constant 4 : i32
        %swap3A_697 = arith.index_cast %swap3A_696 : i32 to index
        %swap3A_698 = arith.index_cast %add3A_590 : i32 to index
        %swap3A_699 = arith.constant 96 : index
        %swap3A_700 = tpu.vector_load %arg6[%swap3A_697, %swap3A_698, %swap3A_699] {strides = array<i32>} : memref<5x128x128xf32, #tpu.memory_space<vmem>>, vector<1x1x16xf32>,
        %swap3A_701 = vector.shape_cast %swap3A_700 : vector<1x1x16xf32> to vector<16xf32>
        %swap3A_702 = vector.shape_cast %mul3A_695 : vector<16xf32> to vector<1x1x16xf32>
        tpu.vector_store %arg6[%swap3A_697, %swap3A_698, %swap3A_699], %swap3A_702 {strides = array<i32>} : memref<5x128x128xf32, #tpu.memory_space<vmem>>, vector<1x1x16xf32>,
        %get3A_703 = arith.constant 4 : i32
        %get3A_704 = arith.index_cast %get3A_703 : i32 to index
        %get3A_705 = arith.index_cast %add3A_590 : i32 to index
        %get3A_706 = arith.constant 112 : index
        %get3A_707 = tpu.vector_load %arg6[%get3A_704, %get3A_705, %get3A_706] {strides = array<i32>} : memref<5x128x128xf32, #tpu.memory_space<vmem>>, vector<1x1x16xf32>,
        %get3A_708 = vector.shape_cast %get3A_707 : vector<1x1x16xf32> to vector<16xf32>
        %mul3A_709 = arith.constant 5.000000e-02 : f32
        %mul3A_710 = vector.broadcast %mul3A_709 : f32 to vector<16xf32>
        %mul3A_711 = arith.mulf %get3A_708, %mul3A_710 : vector<16xf32>
        %swap3A_712 = arith.constant 4 : i32
        %swap3A_713 = arith.index_cast %swap3A_712 : i32 to index
        %swap3A_714 = arith.index_cast %add3A_590 : i32 to index
        %swap3A_715 = arith.constant 112 : index
        %swap3A_716 = tpu.vector_load %arg6[%swap3A_713, %swap3A_714, %swap3A_715] {strides = array<i32>} : memref<5x128x128xf32, #tpu.memory_space<vmem>>, vector<1x1x16xf32>,
        %swap3A_717 = vector.shape_cast %swap3A_716 : vector<1x1x16xf32> to vector<16xf32>
        %swap3A_718 = vector.shape_cast %mul3A_711 : vector<16xf32> to vector<1x1x16xf32>
        tpu.vector_store %arg6[%swap3A_713, %swap3A_714, %swap3A_715], %swap3A_718 {strides = array<i32>} : memref<5x128x128xf32, #tpu.memory_space<vmem>>, vector<1x1x16xf32>,
        %scan3A_719 = arith.constant 3 : i32
        %scan3A_720 = arith.addi %scan3A_320, %scan3A_719 : i32
        %mul3A_721 = arith.constant 1 : i32
        %mul3A_722 = arith.muli %scan3A_720, %mul3A_721 : i32
        %add3A_723 = arith.constant 0 : i32
        %add3A_724 = arith.addi %add3A_723, %mul3A_722 : i32
        %get3A_725 = arith.constant 4 : i32
        %get3A_726 = arith.index_cast %get3A_725 : i32 to index
        %get3A_727 = arith.index_cast %add3A_724 : i32 to index
        %get3A_728 = arith.constant 0 : index
        %get3A_729 = tpu.vector_load %arg6[%get3A_726, %get3A_727, %get3A_728] {strides = array<i32>} : memref<5x128x128xf32, #tpu.memory_space<vmem>>, vector<1x1x16xf32>,
        %get3A_730 = vector.shape_cast %get3A_729 : vector<1x1x16xf32> to vector<16xf32>
        %mul3A_731 = arith.constant 5.000000e-02 : f32
        %mul3A_732 = vector.broadcast %mul3A_731 : f32 to vector<16xf32>
        %mul3A_733 = arith.mulf %get3A_730, %mul3A_732 : vector<16xf32>
        %swap3A_734 = arith.constant 4 : i32
        %swap3A_735 = arith.index_cast %swap3A_734 : i32 to index
        %swap3A_736 = arith.index_cast %add3A_724 : i32 to index
        %swap3A_737 = arith.constant 0 : index
        %swap3A_738 = tpu.vector_load %arg6[%swap3A_735, %swap3A_736, %swap3A_737] {strides = array<i32>} : memref<5x128x128xf32, #tpu.memory_space<vmem>>, vector<1x1x16xf32>,
        %swap3A_739 = vector.shape_cast %swap3A_738 : vector<1x1x16xf32> to vector<16xf32>
        %swap3A_740 = vector.shape_cast %mul3A_733 : vector<16xf32> to vector<1x1x16xf32>
        tpu.vector_store %arg6[%swap3A_735, %swap3A_736, %swap3A_737], %swap3A_740 {strides = array<i32>} : memref<5x128x128xf32, #tpu.memory_space<vmem>>, vector<1x1x16xf32>,
        %get3A_741 = arith.constant 4 : i32
        %get3A_742 = arith.index_cast %get3A_741 : i32 to index
        %get3A_743 = arith.index_cast %add3A_724 : i32 to index
        %get3A_744 = arith.constant 16 : index
        %get3A_745 = tpu.vector_load %arg6[%get3A_742, %get3A_743, %get3A_744] {strides = array<i32>} : memref<5x128x128xf32, #tpu.memory_space<vmem>>, vector<1x1x16xf32>,
        %get3A_746 = vector.shape_cast %get3A_745 : vector<1x1x16xf32> to vector<16xf32>
        %mul3A_747 = arith.constant 5.000000e-02 : f32
        %mul3A_748 = vector.broadcast %mul3A_747 : f32 to vector<16xf32>
        %mul3A_749 = arith.mulf %get3A_746, %mul3A_748 : vector<16xf32>
        %swap3A_750 = arith.constant 4 : i32
        %swap3A_751 = arith.index_cast %swap3A_750 : i32 to index
        %swap3A_752 = arith.index_cast %add3A_724 : i32 to index
        %swap3A_753 = arith.constant 16 : index
        %swap3A_754 = tpu.vector_load %arg6[%swap3A_751, %swap3A_752, %swap3A_753] {strides = array<i32>} : memref<5x128x128xf32, #tpu.memory_space<vmem>>, vector<1x1x16xf32>,
        %swap3A_755 = vector.shape_cast %swap3A_754 : vector<1x1x16xf32> to vector<16xf32>
        %swap3A_756 = vector.shape_cast %mul3A_749 : vector<16xf32> to vector<1x1x16xf32>
        tpu.vector_store %arg6[%swap3A_751, %swap3A_752, %swap3A_753], %swap3A_756 {strides = array<i32>} : memref<5x128x128xf32, #tpu.memory_space<vmem>>, vector<1x1x16xf32>,
        %get3A_757 = arith.constant 4 : i32
        %get3A_758 = arith.index_cast %get3A_757 : i32 to index
        %get3A_759 = arith.index_cast %add3A_724 : i32 to index
        %get3A_760 = arith.constant 32 : index
        %get3A_761 = tpu.vector_load %arg6[%get3A_758, %get3A_759, %get3A_760] {strides = array<i32>} : memref<5x128x128xf32, #tpu.memory_space<vmem>>, vector<1x1x16xf32>,
        %get3A_762 = vector.shape_cast %get3A_761 : vector<1x1x16xf32> to vector<16xf32>
        %mul3A_763 = arith.constant 5.000000e-02 : f32
        %mul3A_764 = vector.broadcast %mul3A_763 : f32 to vector<16xf32>
        %mul3A_765 = arith.mulf %get3A_762, %mul3A_764 : vector<16xf32>
        %swap3A_766 = arith.constant 4 : i32
        %swap3A_767 = arith.index_cast %swap3A_766 : i32 to index
        %swap3A_768 = arith.index_cast %add3A_724 : i32 to index
        %swap3A_769 = arith.constant 32 : index
        %swap3A_770 = tpu.vector_load %arg6[%swap3A_767, %swap3A_768, %swap3A_769] {strides = array<i32>} : memref<5x128x128xf32, #tpu.memory_space<vmem>>, vector<1x1x16xf32>,
        %swap3A_771 = vector.shape_cast %swap3A_770 : vector<1x1x16xf32> to vector<16xf32>
        %swap3A_772 = vector.shape_cast %mul3A_765 : vector<16xf32> to vector<1x1x16xf32>
        tpu.vector_store %arg6[%swap3A_767, %swap3A_768, %swap3A_769], %swap3A_772 {strides = array<i32>} : memref<5x128x128xf32, #tpu.memory_space<vmem>>, vector<1x1x16xf32>,
        %get3A_773 = arith.constant 4 : i32
        %get3A_774 = arith.index_cast %get3A_773 : i32 to index
        %get3A_775 = arith.index_cast %add3A_724 : i32 to index
        %get3A_776 = arith.constant 48 : index
        %get3A_777 = tpu.vector_load %arg6[%get3A_774, %get3A_775, %get3A_776] {strides = array<i32>} : memref<5x128x128xf32, #tpu.memory_space<vmem>>, vector<1x1x16xf32>,
        %get3A_778 = vector.shape_cast %get3A_777 : vector<1x1x16xf32> to vector<16xf32>
        %mul3A_779 = arith.constant 5.000000e-02 : f32
        %mul3A_780 = vector.broadcast %mul3A_779 : f32 to vector<16xf32>
        %mul3A_781 = arith.mulf %get3A_778, %mul3A_780 : vector<16xf32>
        %swap3A_782 = arith.constant 4 : i32
        %swap3A_783 = arith.index_cast %swap3A_782 : i32 to index
        %swap3A_784 = arith.index_cast %add3A_724 : i32 to index
        %swap3A_785 = arith.constant 48 : index
        %swap3A_786 = tpu.vector_load %arg6[%swap3A_783, %swap3A_784, %swap3A_785] {strides = array<i32>} : memref<5x128x128xf32, #tpu.memory_space<vmem>>, vector<1x1x16xf32>,
        %swap3A_787 = vector.shape_cast %swap3A_786 : vector<1x1x16xf32> to vector<16xf32>
        %swap3A_788 = vector.shape_cast %mul3A_781 : vector<16xf32> to vector<1x1x16xf32>
        tpu.vector_store %arg6[%swap3A_783, %swap3A_784, %swap3A_785], %swap3A_788 {strides = array<i32>} : memref<5x128x128xf32, #tpu.memory_space<vmem>>, vector<1x1x16xf32>,
        %get3A_789 = arith.constant 4 : i32
        %get3A_790 = arith.index_cast %get3A_789 : i32 to index
        %get3A_791 = arith.index_cast %add3A_724 : i32 to index
        %get3A_792 = arith.constant 64 : index
        %get3A_793 = tpu.vector_load %arg6[%get3A_790, %get3A_791, %get3A_792] {strides = array<i32>} : memref<5x128x128xf32, #tpu.memory_space<vmem>>, vector<1x1x16xf32>,
        %get3A_794 = vector.shape_cast %get3A_793 : vector<1x1x16xf32> to vector<16xf32>
        %mul3A_795 = arith.constant 5.000000e-02 : f32
        %mul3A_796 = vector.broadcast %mul3A_795 : f32 to vector<16xf32>
        %mul3A_797 = arith.mulf %get3A_794, %mul3A_796 : vector<16xf32>
        %swap3A_798 = arith.constant 4 : i32
        %swap3A_799 = arith.index_cast %swap3A_798 : i32 to index
        %swap3A_800 = arith.index_cast %add3A_724 : i32 to index
        %swap3A_801 = arith.constant 64 : index
        %swap3A_802 = tpu.vector_load %arg6[%swap3A_799, %swap3A_800, %swap3A_801] {strides = array<i32>} : memref<5x128x128xf32, #tpu.memory_space<vmem>>, vector<1x1x16xf32>,
        %swap3A_803 = vector.shape_cast %swap3A_802 : vector<1x1x16xf32> to vector<16xf32>
        %swap3A_804 = vector.shape_cast %mul3A_797 : vector<16xf32> to vector<1x1x16xf32>
        tpu.vector_store %arg6[%swap3A_799, %swap3A_800, %swap3A_801], %swap3A_804 {strides = array<i32>} : memref<5x128x128xf32, #tpu.memory_space<vmem>>, vector<1x1x16xf32>,
        %get3A_805 = arith.constant 4 : i32
        %get3A_806 = arith.index_cast %get3A_805 : i32 to index
        %get3A_807 = arith.index_cast %add3A_724 : i32 to index
        %get3A_808 = arith.constant 80 : index
        %get3A_809 = tpu.vector_load %arg6[%get3A_806, %get3A_807, %get3A_808] {strides = array<i32>} : memref<5x128x128xf32, #tpu.memory_space<vmem>>, vector<1x1x16xf32>,
        %get3A_810 = vector.shape_cast %get3A_809 : vector<1x1x16xf32> to vector<16xf32>
        %mul3A_811 = arith.constant 5.000000e-02 : f32
        %mul3A_812 = vector.broadcast %mul3A_811 : f32 to vector<16xf32>
        %mul3A_813 = arith.mulf %get3A_810, %mul3A_812 : vector<16xf32>
        %swap3A_814 = arith.constant 4 : i32
        %swap3A_815 = arith.index_cast %swap3A_814 : i32 to index
        %swap3A_816 = arith.index_cast %add3A_724 : i32 to index
        %swap3A_817 = arith.constant 80 : index
        %swap3A_818 = tpu.vector_load %arg6[%swap3A_815, %swap3A_816, %swap3A_817] {strides = array<i32>} : memref<5x128x128xf32, #tpu.memory_space<vmem>>, vector<1x1x16xf32>,
        %swap3A_819 = vector.shape_cast %swap3A_818 : vector<1x1x16xf32> to vector<16xf32>
        %swap3A_820 = vector.shape_cast %mul3A_813 : vector<16xf32> to vector<1x1x16xf32>
        tpu.vector_store %arg6[%swap3A_815, %swap3A_816, %swap3A_817], %swap3A_820 {strides = array<i32>} : memref<5x128x128xf32, #tpu.memory_space<vmem>>, vector<1x1x16xf32>,
        %get3A_821 = arith.constant 4 : i32
        %get3A_822 = arith.index_cast %get3A_821 : i32 to index
        %get3A_823 = arith.index_cast %add3A_724 : i32 to index
        %get3A_824 = arith.constant 96 : index
        %get3A_825 = tpu.vector_load %arg6[%get3A_822, %get3A_823, %get3A_824] {strides = array<i32>} : memref<5x128x128xf32, #tpu.memory_space<vmem>>, vector<1x1x16xf32>,
        %get3A_826 = vector.shape_cast %get3A_825 : vector<1x1x16xf32> to vector<16xf32>
        %mul3A_827 = arith.constant 5.000000e-02 : f32
        %mul3A_828 = vector.broadcast %mul3A_827 : f32 to vector<16xf32>
        %mul3A_829 = arith.mulf %get3A_826, %mul3A_828 : vector<16xf32>
        %swap3A_830 = arith.constant 4 : i32
        %swap3A_831 = arith.index_cast %swap3A_830 : i32 to index
        %swap3A_832 = arith.index_cast %add3A_724 : i32 to index
        %swap3A_833 = arith.constant 96 : index
        %swap3A_834 = tpu.vector_load %arg6[%swap3A_831, %swap3A_832, %swap3A_833] {strides = array<i32>} : memref<5x128x128xf32, #tpu.memory_space<vmem>>, vector<1x1x16xf32>,
        %swap3A_835 = vector.shape_cast %swap3A_834 : vector<1x1x16xf32> to vector<16xf32>
        %swap3A_836 = vector.shape_cast %mul3A_829 : vector<16xf32> to vector<1x1x16xf32>
        tpu.vector_store %arg6[%swap3A_831, %swap3A_832, %swap3A_833], %swap3A_836 {strides = array<i32>} : memref<5x128x128xf32, #tpu.memory_space<vmem>>, vector<1x1x16xf32>,
        %get3A_837 = arith.constant 4 : i32
        %get3A_838 = arith.index_cast %get3A_837 : i32 to index
        %get3A_839 = arith.index_cast %add3A_724 : i32 to index
        %get3A_840 = arith.constant 112 : index
        %get3A_841 = tpu.vector_load %arg6[%get3A_838, %get3A_839, %get3A_840] {strides = array<i32>} : memref<5x128x128xf32, #tpu.memory_space<vmem>>, vector<1x1x16xf32>,
        %get3A_842 = vector.shape_cast %get3A_841 : vector<1x1x16xf32> to vector<16xf32>
        %mul3A_843 = arith.constant 5.000000e-02 : f32
        %mul3A_844 = vector.broadcast %mul3A_843 : f32 to vector<16xf32>
        %mul3A_845 = arith.mulf %get3A_842, %mul3A_844 : vector<16xf32>
        %swap3A_846 = arith.constant 4 : i32
        %swap3A_847 = arith.index_cast %swap3A_846 : i32 to index
        %swap3A_848 = arith.index_cast %add3A_724 : i32 to index
        %swap3A_849 = arith.constant 112 : index
        %swap3A_850 = tpu.vector_load %arg6[%swap3A_847, %swap3A_848, %swap3A_849] {strides = array<i32>} : memref<5x128x128xf32, #tpu.memory_space<vmem>>, vector<1x1x16xf32>,
        %swap3A_851 = vector.shape_cast %swap3A_850 : vector<1x1x16xf32> to vector<16xf32>
        %swap3A_852 = vector.shape_cast %mul3A_845 : vector<16xf32> to vector<1x1x16xf32>
        tpu.vector_store %arg6[%swap3A_847, %swap3A_848, %swap3A_849], %swap3A_852 {strides = array<i32>} : memref<5x128x128xf32, #tpu.memory_space<vmem>>, vector<1x1x16xf32>,
      }
      %scan3A_289 = arith.constant 128 : i32
      %mul3A_290 = arith.constant 128 : i32
      %mul3A_291 = arith.muli %add3A_273, %mul3A_290 : i32
      %add3A_292 = arith.addi %mul3A_2, %mul3A_291 : i32
      %dma_start3A_293 = arith.constant 4 : i32
      %dma_start3A_294 = arith.constant 0 : i32
      %dma_start3A_295 = arith.constant 0 : i32
      %dma_start3A_296 = tpu.memref_slice %arg6[%dma_start3A_293, %dma_start3A_294, %dma_start3A_295] : memref<5x128x128xf32, #tpu.memory_space<vmem>> -> memref<1x128x128xf32, #tpu.memory_space<vmem>>
      %dma_start3A_297 = tpu.memref_squeeze %dma_start3A_296 : memref<1x128x128xf32, #tpu.memory_space<vmem>> -> memref<128x128xf32, #tpu.memory_space<vmem>>
      %dma_start3A_298 = arith.constant 0 : i32
      %dma_start3A_299 = tpu.memref_slice %arg4[%add3A_292, %dma_start3A_298] : memref<819200x128xf32, #tpu.memory_space<hbm>> -> memref<128x128xf32, #tpu.memory_space<hbm>>
      %dma_start3A_300 = arith.constant 0 : i32
      %dma_start3A_301 = tpu.memref_slice %arg4[%add3A_292, %dma_start3A_300] : memref<819200x128xf32, #tpu.memory_space<hbm>> -> memref<128x128xf32, #tpu.memory_space<hbm>>
      %dma_start3A_302 = arith.constant 0 : i32
      %dma_start3A_303 = arith.constant 0 : i32
      %dma_start3A_304 = tpu.memref_slice %arg6[%dma_start3A_293, %dma_start3A_302, %dma_start3A_303] : memref<5x128x128xf32, #tpu.memory_space<vmem>> -> memref<1x128x128xf32, #tpu.memory_space<vmem>>
      %dma_start3A_305 = tpu.memref_squeeze %dma_start3A_304 : memref<1x128x128xf32, #tpu.memory_space<vmem>> -> memref<128x128xf32, #tpu.memory_space<vmem>>
      tpu.enqueue_dma source(%dma_start3A_305 : memref<128x128xf32, #tpu.memory_space<vmem>>) target(%dma_start3A_301 : memref<128x128xf32, #tpu.memory_space<hbm>>) target_semaphore(%arg16 : memref<!tpu.dma_semaphore, #tpu.memory_space<semaphore_mem>>)
      %ge3A_306 = arith.constant 1 : i32
      %ge3A_307 = arith.cmpi sge, %add3A_273, %ge3A_306 : i32
      %convert_element_type3A_308 = arith.extui %ge3A_307 : i1 to i32
      %cond3A_309 = arith.constant 0 : i32
      %cond3A_310 = arith.cmpi ne, %convert_element_type3A_308, %cond3A_309 : i32
      scf.if %cond3A_310 {
        %sub3A_320 = arith.constant 1 : i32
        %sub3A_321 = arith.subi %add3A_273, %sub3A_320 : i32
        %mul3A_322 = arith.constant 128 : i32
        %mul3A_323 = arith.muli %sub3A_321, %mul3A_322 : i32
        %add3A_324 = arith.addi %mul3A_2, %mul3A_323 : i32
        %dma_wait3A_325 = arith.constant 3 : i32
        %dma_wait3A_326 = arith.constant 0 : i32
        %dma_wait3A_327 = arith.constant 0 : i32
        %dma_wait3A_328 = tpu.memref_slice %arg6[%dma_wait3A_325, %dma_wait3A_326, %dma_wait3A_327] : memref<5x128x128xf32, #tpu.memory_space<vmem>> -> memref<1x128x128xf32, #tpu.memory_space<vmem>>
        %dma_wait3A_329 = tpu.memref_squeeze %dma_wait3A_328 : memref<1x128x128xf32, #tpu.memory_space<vmem>> -> memref<128x128xf32, #tpu.memory_space<vmem>>
        %dma_wait3A_330 = arith.constant 0 : i32
        %dma_wait3A_331 = tpu.memref_slice %arg4[%add3A_324, %dma_wait3A_330] : memref<819200x128xf32, #tpu.memory_space<hbm>> -> memref<128x128xf32, #tpu.memory_space<hbm>>
        %dma_wait3A_332 = arith.constant 0 : i32
        %dma_wait3A_333 = tpu.memref_slice %arg4[%add3A_324, %dma_wait3A_332] : memref<819200x128xf32, #tpu.memory_space<hbm>> -> memref<128x128xf32, #tpu.memory_space<hbm>>
        %dma_wait3A_334 = arith.constant 0 : i32
        %dma_wait3A_335 = arith.constant 0 : i32
        %dma_wait3A_336 = tpu.memref_slice %arg6[%dma_wait3A_325, %dma_wait3A_334, %dma_wait3A_335] : memref<5x128x128xf32, #tpu.memory_space<vmem>> -> memref<1x128x128xf32, #tpu.memory_space<vmem>>
        %dma_wait3A_337 = tpu.memref_squeeze %dma_wait3A_336 : memref<1x128x128xf32, #tpu.memory_space<vmem>> -> memref<128x128xf32, #tpu.memory_space<vmem>>
        tpu.wait_dma2 semaphore(%arg15 : memref<!tpu.dma_semaphore, #tpu.memory_space<semaphore_mem>>) src(%dma_wait3A_337 : memref<128x128xf32, #tpu.memory_space<vmem>>) dst(%dma_wait3A_333 : memref<128x128xf32, #tpu.memory_space<hbm>>)
      } else {
      }
      %add3A_311 = arith.constant 5 : i32
      %add3A_312 = arith.addi %add3A_273, %add3A_311 : i32
      %sub3A_313 = arith.constant 1 : i32
      %sub3A_314 = arith.subi %add3A_312, %sub3A_313 : i32
      %lt3A_315 = arith.constant 200 : i32
      %lt3A_316 = arith.cmpi slt, %sub3A_314, %lt3A_315 : i32
      %convert_element_type3A_317 = arith.extui %lt3A_316 : i1 to i32
      %cond3A_318 = arith.constant 0 : i32
      %cond3A_319 = arith.cmpi ne, %convert_element_type3A_317, %cond3A_318 : i32
      scf.if %cond3A_319 {
        %add3A_320 = arith.constant 5 : i32
        %add3A_321 = arith.addi %add3A_273, %add3A_320 : i32
        %sub3A_322 = arith.constant 1 : i32
        %sub3A_323 = arith.subi %add3A_321, %sub3A_322 : i32
        %scan3A_324 = arith.constant 0 : i32
        %scan3A_325 = arith.constant 8 : i32
        %scan3A_326 = arith.addi %scan3A_324, %scan3A_325 : i32
        %scan3A_327 = arith.constant 1 : i32
        scf.for %scan3A_344 = %scan3A_324 to %scan3A_326 step %scan3A_327  : i32 {
          %mul3A_345 = arith.constant 1 : i32
          %mul3A_346 = arith.muli %scan3A_344, %mul3A_345 : i32
          %add3A_347 = arith.constant 0 : i32
          %add3A_348 = arith.addi %add3A_347, %mul3A_346 : i32
          %mul3A_349 = arith.constant 128 : i32
          %mul3A_350 = arith.muli %sub3A_323, %mul3A_349 : i32
          %mul3A_351 = arith.constant 16 : i32
          %mul3A_352 = arith.muli %add3A_348, %mul3A_351 : i32
          %add3A_353 = arith.addi %mul3A_350, %mul3A_352 : i32
          %add3A_354 = vector.broadcast %add3A_353 : i32 to vector<16xi32>
          %add3A_355 = arith.addi %iota3A, %add3A_354 : vector<16xi32>
          %add3A_356 = arith.constant 8 : i32
          %add3A_357 = arith.addi %add3A_353, %add3A_356 : i32
          %get3A = arith.index_cast %add3A_357 : i32 to index
          %get3A_358 = tpu.vector_load %arg5[%get3A] {strides = array<i32>} : memref<25608xi32, #tpu.memory_space<vmem>>, vector<16xi32>,
          %get3A_359 = vector.shape_cast %get3A_358 : vector<16xi32> to vector<16xi32>
          %add3A_360 = arith.constant 7 : i32
          %add3A_361 = arith.addi %add3A_353, %add3A_360 : i32
          %get3A_362 = arith.index_cast %add3A_361 : i32 to index
          %get3A_363 = tpu.vector_load %arg5[%get3A_362] {strides = array<i32>} : memref<25608xi32, #tpu.memory_space<vmem>>, vector<16xi32>,
          %get3A_364 = vector.shape_cast %get3A_363 : vector<16xi32> to vector<16xi32>
          %jit3A = arith.constant 200 : i32
          %eq3A = arith.constant 0 : i32
          %eq3A_365 = arith.cmpi eq, %jit3A, %eq3A : i32
          %jit3A_366 = arith.constant 1 : i32
          %select_n3A = arith.select %eq3A_365, %jit3A_366, %jit3A : i32
          %rem3A = vector.broadcast %select_n3A : i32 to vector<16xi32>
          %rem3A_367 = arith.remsi %add3A_355, %rem3A : vector<16xi32>
          %ne3A = arith.constant 0 : i32
          %ne3A_368 = vector.broadcast %ne3A : i32 to vector<16xi32>
          %ne3A_369 = arith.cmpi ne, %rem3A_367, %ne3A_368 : vector<16xi32>
          %lt3A_370 = arith.constant 0 : i32
          %lt3A_371 = vector.broadcast %lt3A_370 : i32 to vector<16xi32>
          %lt3A_372 = arith.cmpi slt, %rem3A_367, %lt3A_371 : vector<16xi32>
          %lt3A_373 = arith.constant 0 : i32
          %lt3A_374 = arith.cmpi slt, %select_n3A, %lt3A_373 : i32
          %ne3A_375 = vector.broadcast %lt3A_374 : i1 to vector<16xi1>
          %ne3A_376 = vector.broadcast %ne3A_375 : vector<16xi1> to vector<16xi1>
          %ne3A_377 = arith.xori %lt3A_372, %ne3A_376 : vector<16xi1>
          %and3A = arith.andi %ne3A_377, %ne3A_369 : vector<16xi1>
          %add3A_378 = vector.broadcast %select_n3A : i32 to vector<16xi32>
          %add3A_379 = arith.addi %rem3A_367, %add3A_378 : vector<16xi32>
          %select_n3A_380 = arith.select %and3A, %add3A_379, %rem3A_367 : vector<16xi1>, vector<16xi32>
          %eq3A_381 = arith.constant 0 : i32
          %eq3A_382 = vector.broadcast %eq3A_381 : i32 to vector<16xi32>
          %eq3A_383 = arith.cmpi eq, %select_n3A_380, %eq3A_382 : vector<16xi32>
          %jit3A_384 = arith.constant 0 : i32
          %broadcast_in_dim3A = vector.broadcast %jit3A_384 : i32 to vector<16xi32>
          %select_n3A_385 = arith.select %eq3A_383, %broadcast_in_dim3A, %get3A_364 : vector<16xi1>, vector<16xi32>
          %mul3A_386 = arith.constant 1024 : i32
          %mul3A_387 = vector.broadcast %mul3A_386 : i32 to vector<16xi32>
          %mul3A_388 = arith.muli %select_n3A_385, %mul3A_387 : vector<16xi32>
          %add3A_389 = arith.addi %mul3A_388, %get3A_359 : vector<16xi32>
          %ge3A_390 = arith.constant 1000000 : i32
          %ge3A_391 = vector.broadcast %ge3A_390 : i32 to vector<16xi32>
          %ge3A_392 = arith.cmpi sge, %add3A_389, %ge3A_391 : vector<16xi32>
          %sub3A_393 = arith.constant 1000000 : i32
          %sub3A_394 = vector.broadcast %sub3A_393 : i32 to vector<16xi32>
          %sub3A_395 = arith.subi %add3A_389, %sub3A_394 : vector<16xi32>
          %select_n3A_396 = arith.select %ge3A_392, %sub3A_395, %add3A_389 : vector<16xi1>, vector<16xi32>
          %swap3A = arith.index_cast %add3A_353 : i32 to index
          %swap3A_397 = tpu.vector_load %arg5[%swap3A] {strides = array<i32>} : memref<25608xi32, #tpu.memory_space<vmem>>, vector<16xi32>,
          %swap3A_398 = vector.shape_cast %swap3A_397 : vector<16xi32> to vector<16xi32>
          %swap3A_399 = vector.shape_cast %select_n3A_396 : vector<16xi32> to vector<16xi32>
          tpu.vector_store %arg5[%swap3A], %swap3A_399 {strides = array<i32>} : memref<25608xi32, #tpu.memory_space<vmem>>, vector<16xi32>,
        }
        %scan3A_328 = arith.constant 8 : i32
        %add3A_329 = arith.constant 5 : i32
        %add3A_330 = arith.addi %add3A_273, %add3A_329 : i32
        %sub3A_331 = arith.constant 1 : i32
        %sub3A_332 = arith.subi %add3A_330, %sub3A_331 : i32
        %mul3A_333 = arith.constant 128 : i32
        %mul3A_334 = arith.muli %sub3A_332, %mul3A_333 : i32
        %dma_start3A_335 = arith.constant 3 : i32
        %dma_start3A_336 = arith.constant 0 : i32
        %dma_start3A_337 = arith.constant 0 : i32
        %dma_start3A_338 = tpu.memref_slice %arg6[%dma_start3A_335, %dma_start3A_336, %dma_start3A_337] : memref<5x128x128xf32, #tpu.memory_space<vmem>> -> memref<1x128x128xf32, #tpu.memory_space<vmem>>
        %dma_start3A_339 = tpu.memref_squeeze %dma_start3A_338 : memref<1x128x128xf32, #tpu.memory_space<vmem>> -> memref<128x128xf32, #tpu.memory_space<vmem>>
        %dma_start3A_340 = tpu.memref_slice %arg5[%mul3A_334] : memref<25608xi32, #tpu.memory_space<vmem>> -> memref<128xi32, #tpu.memory_space<vmem>>
        %dma_start3A_341 = arith.constant 0 : i32
        %dma_start3A_342 = arith.constant 0 : i32
        %dma_start3A_343 = tpu.memref_slice %arg3[%dma_start3A_341, %dma_start3A_342] : memref<1000000x128xf32, #tpu.memory_space<hbm>> -> memref<1000000x128xf32, #tpu.memory_space<hbm>>
        tpu.enqueue_indirect_dma source(%dma_start3A_343 : memref<1000000x128xf32, #tpu.memory_space<hbm>>) target(%dma_start3A_339 : memref<128x128xf32, #tpu.memory_space<vmem>>) offsets(%dma_start3A_340 : memref<128xi32, #tpu.memory_space<vmem>>) semaphore(%arg10 : memref<!tpu.dma_semaphore, #tpu.memory_space<semaphore_mem>>)
      } else {
      }
    }
    %scan3A_65 = arith.constant 40 : i32
    %add3A_66 = arith.constant 25472 : i32
    %add3A_67 = arith.addi %mul3A_2, %add3A_66 : i32
    %dma_wait3A = arith.constant 4 : i32
    %dma_wait3A_68 = arith.constant 0 : i32
    %dma_wait3A_69 = arith.constant 0 : i32
    %dma_wait3A_70 = tpu.memref_slice %arg6[%dma_wait3A, %dma_wait3A_68, %dma_wait3A_69] : memref<5x128x128xf32, #tpu.memory_space<vmem>> -> memref<1x128x128xf32, #tpu.memory_space<vmem>>
    %dma_wait3A_71 = tpu.memref_squeeze %dma_wait3A_70 : memref<1x128x128xf32, #tpu.memory_space<vmem>> -> memref<128x128xf32, #tpu.memory_space<vmem>>
    %dma_wait3A_72 = arith.constant 0 : i32
    %dma_wait3A_73 = tpu.memref_slice %arg4[%add3A_67, %dma_wait3A_72] : memref<819200x128xf32, #tpu.memory_space<hbm>> -> memref<128x128xf32, #tpu.memory_space<hbm>>
    %dma_wait3A_74 = arith.constant 0 : i32
    %dma_wait3A_75 = tpu.memref_slice %arg4[%add3A_67, %dma_wait3A_74] : memref<819200x128xf32, #tpu.memory_space<hbm>> -> memref<128x128xf32, #tpu.memory_space<hbm>>
    %dma_wait3A_76 = arith.constant 0 : i32
    %dma_wait3A_77 = arith.constant 0 : i32
    %dma_wait3A_78 = tpu.memref_slice %arg6[%dma_wait3A, %dma_wait3A_76, %dma_wait3A_77] : memref<5x128x128xf32, #tpu.memory_space<vmem>> -> memref<1x128x128xf32, #tpu.memory_space<vmem>>
    %dma_wait3A_79 = tpu.memref_squeeze %dma_wait3A_78 : memref<1x128x128xf32, #tpu.memory_space<vmem>> -> memref<128x128xf32, #tpu.memory_space<vmem>>
    tpu.wait_dma2 semaphore(%arg16 : memref<!tpu.dma_semaphore, #tpu.memory_space<semaphore_mem>>) src(%dma_wait3A_79 : memref<128x128xf32, #tpu.memory_space<vmem>>) dst(%dma_wait3A_75 : memref<128x128xf32, #tpu.memory_space<hbm>>)
    return
  }
}

</mosaic_0001>

<sc_bundles>
// kernel: kernel.3.cloned.1.call-start
scs
__scs_entry_jumppad:
0x0: {  	(pc) =	sbr.rel $0x88, $3  }
0x1: {  	(tag) =	ssettag $0x0;
	lr =	simm.s32 $0x1  }
0x2: {  	[smem:$0x3F9F] =	sst lr;
	_ =	strace $0xD0000000  }
0x3: {  	_ = 	snop  }
0x4: {  	_ = 	snop  }
0x5: {  	_ = 	snop  }
0x6: {  	_ = 	snop  }
0x7: {  	_ = 	snop  }
__scs_overlays_trampoline_lowered:
0x8: {  	[smem:$0x3FAE] =	sst s0  }
0x9: {  	[smem:$0x3FAF] =	sst s1  }
0xa: {  	[smem:$0x3FB0] =	sst s2  }
0xb: {  	[smem:$0x3FB1] =	sst s3  }
0xc: {  	[smem:$0x3FB2] =	sst s4  }
0xd: {  	[smem:$0x3FB3] =	sst s5  }
0xe: {  	[smem:$0x3FB4] =	sst s6  }
0xf: {  	[smem:$0x3FB5] =	sst s7  }
0x10: {  	[smem:$0x3FB6] =	sst s8  }
0x11: {  	[smem:$0x3FB7] =	sst s9;
	s0 =	simm.s32 @!p0 $0x0  }
0x12: {  	s1 =	sld [smem:$0x3F9D];
	s0 =	simm.s32 @p0 $0x1  }
0x13: {  	[smem:$0x3FB8] =	sst s0;
	s0 =	simm.s32 @!p1 $0x0  }
0x14: {  	s2 =	sld [smem:$0x3F9C];
	s0 =	simm.s32 @p1 $0x1  }
0x15: {  	[smem:$0x3FB9] =	sst s0;
	s0 =	simm.s32 @!p2 $0x0  }
0x16: {  	s3 =	sld [smem:$0x3FDB];
	s0 =	simm.s32 @p2 $0x1  }
0x17: {  	s4 =	simm.s32 $0x1BF5;
	[smem:$0x3FBB] =	sst s0  }
0x18: {  	s0 =	sld [smem:$0x3F9E];
	_ =	swait.ge [sflag:s4], $0x0  }
0x19: {  	s7 =	sld [smem:$0x3F9F]  }
0x1a: {  	s8 =	sadd.s32 $0xFFFFE003, lr  }
0x1b: {  	s9 =	sadd.s32 $0xFFFFFEF7, lr;
	s5 =	simm.s32 $0xFFFFFFFF;
	p2 =	slt.u32 s8, $0xFFFFF086  }
0x1c: {  	p1 =	slt.u32 s9, $0xF7A;
	s5 =	simm.s32 @!p2 $0x0  }
0x1d: {  	s5 =	simm.s32 @p1 $0x1;
	p0 =	seq.s32 s7, s2  }
0x1e: {  	s7 =	smul.u32 @!p0 $0xF7A, s2;
	p2 =	seq.s32 @!p0 s5, $0x0  }
0x1f: {  	s9 =	smul.u32 $0xF7A, s1;
	s8 =	simm.s32 @!p0 $0x1BF5;
	p2 =	por !p2, p0  }
0x20: {  	[sflag:s8] =	ssyncset.s32 @!p0 $0xFFFFF086;
	s6 =	sadd.s32 @!p0 s3, s7;
	s7 =	simm.s32 @!p0 $0x108  }
0x21: {  	s3 =	sadd.s32 s3, s9;
	s6 =	sadd.s32 @!p0 $0x88, s6;
	s7 =	simm.s32 @p2 $0x1082  }
0x22: {  	[simem:s7], [sflag:s8] =	dma.local @!p0 [hbm:s6], $0xF7A  }
0x23: {  	s9 =	sor.u32 $0xD0000000, s2;
	s6 =	simm.s32 $0x108;
	_ =	swait.ge @!p0 [sflag:s8], $0x0  }
0x24: {  	s3 =	sadd.s32 $0x88, s3;
	s6 =	simm.s32 @!p1 $0x1082;
	[sflag:s4] =	ssyncset.s32 $0xFFFFF086  }
0x25: {  	[simem:s6], [sflag:s4] =	dma.local [hbm:s3], $0xF7A  }
0x26: {  	[smem:$0x3F9F] =	sst s1;
	(tag) =	ssettag s2;
	_ =	strace s9  }
0x27: {  	s1 =	sld [smem:$0x3FAF]  }
0x28: {  	s2 =	sld [smem:$0x3FB0]  }
0x29: {  	s4 =	sld [smem:$0x3FB2]  }
0x2a: {  	p0 =	seq.s32 s5, $0x0;
	s5 =	sld [smem:$0x3FB3]  }
0x2b: {  	s6 =	sld [smem:$0x3FB4]  }
0x2c: {  	s7 =	sld [smem:$0x3FB5]  }
0x2d: {  	s3 =	simm.s32 $0x108;
	s8 =	sld [smem:$0x3FB6]  }
0x2e: {  	s3 =	simm.s32 @!p0 $0x1082;
	s9 =	sld [smem:$0x3FB7]  }
0x2f: {  	lr =	sadd.s32 s0, s3;
	s0 =	sld [smem:$0x3FAE]  }
0x30: {  	s3 =	sld [smem:$0x3FB1]  }
0x31: {  	[smem:$0x3FBA] =	sst s10  }
0x32: {  	s10 =	sld [smem:$0x3FB8];
	_ =	sdelay $0x3  }
0x33: {  	p0 =	seq.s32 s10, $0x1;
	s10 =	sld [smem:$0x3FBA];
	_ =	sdelay $0x3  }
0x34: {  	[smem:$0x3FBA] =	sst s10  }
0x35: {  	s10 =	sld [smem:$0x3FB9];
	_ =	sdelay $0x3  }
0x36: {  	p1 =	seq.s32 s10, $0x1;
	s10 =	sld [smem:$0x3FBA];
	_ =	sdelay $0x3  }
0x37: {  	[smem:$0x3FBA] =	sst s10  }
0x38: {  	s10 =	sld [smem:$0x3FBB]  }
0x39: {  	_ = 	snop;
	(pc) =	sbr.ind lr, $3  }
0x3a: {  	_ = 	snop  }
0x3b: {  	_ = 	snop  }
0x3c: {  	p2 =	seq.s32 s10, $0x1;
	s10 =	sld [smem:$0x3FBA]  }
0x3d: {  	_ =	shalt  }
0x3e: {  	_ =	shalt  }
0x3f: {  	_ =	shalt  }
0x40: {  	_ =	shalt  }
0x41: {  	_ =	shalt  }
0x42: {  	_ =	shalt  }
0x43: {  	_ =	shalt  }
0x44: {  	_ =	shalt  }
0x45: {  	_ =	shalt  }
0x46: {  	_ =	shalt  }
0x47: {  	_ =	shalt  }
0x48: {  	_ =	shalt  }
0x49: {  	_ =	shalt  }
0x4a: {  	_ =	shalt  }
0x4b: {  	_ =	shalt  }
0x4c: {  	_ =	shalt  }
0x4d: {  	_ =	shalt  }
0x4e: {  	_ =	shalt  }
0x4f: {  	_ =	shalt  }
0x50: {  	_ =	shalt  }
0x51: {  	_ =	shalt  }
0x52: {  	_ =	shalt  }
0x53: {  	_ =	shalt  }
0x54: {  	_ =	shalt  }
0x55: {  	_ =	shalt  }
0x56: {  	_ =	shalt  }
0x57: {  	_ =	shalt  }
0x58: {  	_ =	shalt  }
0x59: {  	_ =	shalt  }
0x5a: {  	_ =	shalt  }
0x5b: {  	_ =	shalt  }
0x5c: {  	_ =	shalt  }
0x5d: {  	_ =	shalt  }
0x5e: {  	_ =	shalt  }
0x5f: {  	_ =	shalt  }
0x60: {  	_ =	shalt  }
0x61: {  	_ =	shalt  }
0x62: {  	_ =	shalt  }
0x63: {  	_ =	shalt  }
0x64: {  	_ =	shalt  }
0x65: {  	_ =	shalt  }
0x66: {  	_ =	shalt  }
0x67: {  	_ =	shalt  }
0x68: {  	_ =	shalt  }
0x69: {  	_ =	shalt  }
0x6a: {  	_ =	shalt  }
0x6b: {  	_ =	shalt  }
0x6c: {  	_ =	shalt  }
0x6d: {  	_ =	shalt  }
0x6e: {  	_ =	shalt  }
0x6f: {  	_ =	shalt  }
0x70: {  	_ =	shalt  }
0x71: {  	_ =	shalt  }
0x72: {  	_ =	shalt  }
0x73: {  	_ =	shalt  }
0x74: {  	_ =	shalt  }
0x75: {  	_ =	shalt  }
0x76: {  	_ =	shalt  }
0x77: {  	_ =	shalt  }
0x78: {  	_ =	shalt  }
0x79: {  	_ =	shalt  }
0x7a: {  	_ =	shalt  }
0x7b: {  	_ =	shalt  }
0x7c: {  	_ =	shalt  }
0x7d: {  	_ =	shalt  }
0x7e: {  	_ =	shalt  }
0x7f: {  	_ =	shalt  }
0x80: {  	_ =	shalt  }
0x81: {  	_ =	shalt  }
0x82: {  	_ =	shalt  }
0x83: {  	_ =	shalt  }
0x84: {  	_ =	shalt  }
0x85: {  	_ =	shalt  }
0x86: {  	_ =	shalt  }
0x87: {  	_ =	shalt  }
.Lfunc_end0:
.L_simem_size_0:
called_computation_lowered:
.L_overlay_start_0:
0x88: {  	s2 =	sld [smem:$0x3FD9]  }
0x89: {  	s3 =	sld [smem:$0x3FFE];
	_ =	sdelay $0x1  }
0x8a: {  	s1 =	srdreg.scid  }
0x8b: {  	s0 =	sand.u32 $0x1, s1  }
0x8c: {  	s17 =	sshll.u32 s0, $0xA;
	s2 =	sadd.s32 s3, s2  }
0x8d: {  	s2 =	sadd.s32 s2, s17  }
0x8e: {  	[smem:$0x3FC6] =	sst s2  }
0x8f: {  	_ = 	snop  }
0x90: {  	s2 =	sld [smem:$0x3FC8]  }
0x91: {  	s18 =	sld [smem:$0x3FD0];
	(tm) =	ssettm $0x1  }
0x92: {  	s4 =	sld [smem:$0x3FFB];
	_ =	sdelay $0x3  }
0x93: {  	_ =	strace s4  }
0x94: {  	s4 =	sld [smem:$0x3FFC];
	_ =	sdelay $0x3  }
0x95: {  	_ =	strace s4  }
0x96: {  	s4 =	sld [smem:$0x3FFD];
	_ =	sdelay $0x3  }
0x97: {  	_ =	strace s4  }
0x98: {  	_ =	strace $0x8FFFFFFF  }
0x99: {  	s19 =	sld [smem:$0x3FDB];
	_ =	sdelay $0x1  }
0x9a: {  	s5 =	simm.s32 $_scs_section_size  }
0x9b: {  	s6 =	simm.s32 $_size__tile_overlayer_lowered;
	s7 =	simm.s32 $_tile_overlayer_lowered  }
0x9c: {  	s22 =	simm.s32 $0x1BFF;
	s21 =	sshll.u32 s7, $0x1;
	s4 =	sadd.s32 s5, s19  }
0x9d: {  	s8 =	simm.s32 $0x0;
	s20 =	sshll.u32 s6, $0x1;
	s6 =	sadd.s32 s21, s4  }
0x9e: {  	[timem:s8], [sflag:s22] =	dma.local [hbm:s6], s20  }
0x9f: {  	_ =	swait.ge [sflag:s22], s20  }
0xa0: {  	s5 =	ssub.s32 $0x0, s20;
	[sflag:s22] =	ssyncset.done $0x0  }
0xa1: {  	[sflag:s22] =	ssyncadd.s32 s5;
	_ =	sdelay $0x1  }
0xa2: {  	s23 =	simm.s32 $0x1B8B  }
0xa3: {  	_ =	swait.ge [sflag:s23], $0x1  }
0xa4: {  	[sflag:s23] =	ssyncset.done $0x0  }
0xa5: {  	s25 =	simm.s32 $0x1B8E;
	s24 =	sld [smem:$0x3FFE];
	[sflag:s23] =	ssyncadd.s32 $0xFFFFFFFF  }
0xa6: {  	s26 =	simm.s32 $execute0_lowered;
	[smem:$0x3FD2] =	sst s25  }
0xa7: {  	s6 =	sshll.u32 s26, $0x1;
	_ =	strace $0x80000046;
	[dreg:$0x1] =	wrdreg $0xFFFFFFFF  }
0xa8: {  	s28 =	simm.s32 $_size_execute0_lowered;
	s4 =	sadd.s32 s4, s6;
	[dreg:$0x0] =	wrdreg $0x0  }
0xa9: {  	s6 =	sshll.u32 s28, $0x1;
	[dreg:$0x2] =	wrdreg s4  }
0xaa: {  	[dreg:$0x3] =	wrdreg s6  }
0xab: {  	[dreg:$0x4] =	wrdreg $0xC0  }
0xac: {  	_ =	task [dreg:s8], $0x5FFFF  }
0xad: {  	[dreg:$0x1] =	wrdreg $0xFFFFFFFF  }
0xae: {  	[dreg:$0x0] =	wrdreg $0x60  }
0xaf: {  	[dreg:$0x2] =	wrdreg s24  }
0xb0: {  	[dreg:$0x3] =	wrdreg s2  }
0xb1: {  	[dreg:$0x4] =	wrdreg s18  }
0xb2: {  	[dreg:$0x5] =	wrdreg $0x9  }
0xb3: {  	_ =	task.clear_ibuf [dreg:s8], $0x6FFFF;
	_ =	strace $0x90000046  }
0xb4: {  	s29 =	simm.s32 $0x9;
	_ =	strace $0x80000048  }
0xb5: {  	_ =	swait.ge [sflag:s29], $0x1  }
0xb6: {  	[sflag:s29] =	ssyncadd.s32 $0xFFFFFFFF  }
0xb7: {  	_ =	strace $0x90000048  }
0xb8: {  	_ =	sfence  }
0xb9: {  	s30 =	sld [smem:$0x0];
	_ =	sdelay $0x2  }
0xba: {  	s31 =	sshll.u32 s1, $0xD;
	s1 =	sshrl.u32 s1, $0x2  }
0xbb: {  	s3 =	sand.u32 $0x4000, s31;
	s1 =	sadd.s32 s1, s30  }
0xbc: {  	s0 =	sor.u32 s3, s0;
	s1 =	sshll.u32 s1, $0x11  }
0xbd: {  	s0 =	sor.u32 s1, s0  }
0xbe: {  	s0 =	sadd.s32 $0x8F2B, s0  }
0xbf: {  	[sflag:s0] =	ssyncadd.remote.s32 $0x1  }
0xc0: {  	_ =	sfence.sel $0xFFFF  }
0xc1: {  	[dreg:$0x0] =	wrdreg $0xFFFFFFFF;
	(pc) =	sbr.abs _section_cstart, $3  }
0xc2: {  	[dreg:$0x1] =	wrdreg $0xFFFFFFFF  }
0xc3: {  	_ =	task.clear_ibuf [dreg:s8], $0x2FFFF;
	_ =	strace $0x9FFFFFFF  }
0xc4: {  	(tm) =	ssettm $0x7FFFFFFF  }
0xc5: {  	_ =	shalt  }
tec
execute0_lowered:
.L_overlay_start_1:
0x0: {  	(tag) =	ssettag $0x1  }
0x1: {  	s0 =	srdreg.scid  }
0x2: {  	s2 =	stileid.u32;
	s1 =	rddreg [dreg:$0x0];
	s6 =	simm.s32 $0x0  }
0x3: {  	s14 =	simm.s32 $0x80;
	s21 =	simm.s32 $0x12480;
	s20 =	simm.s32 $0x1  }
0x4: {  	s22 =	simm.s32 $0x2;
	s0 =	sand.u32 $0x1, s0;
	s3 =	sshll.u32 s2, $0x1  }
0x5: {  	s23 =	simm.s32 $0x6;
	s28 =	simm.s32 $0x8;
	s4 =	sor.u32 s0, s3  }
0x6: {  	s29 =	simm.s32 $0x5;
	s2 =	rddreg [dreg:$0x1];
	s5 =	smul.u32 $0x6400, s4  }
0x7: {  	[smem:$0x7FF] =	sst s6;
	s0 =	ssub.s32 $0x2, s0;
	s4 =	smul.u32 $0x320000, s4  }
0x8: {  	s30 =	simm.s32 $0x9;
	s3 =	rddreg [dreg:$0x2];
	s24 =	sshrl.u32 s0, $0x1  }
0x9: {  	s0 =	ssub.s32 s0, s24;
	[dreg:$0x4] =	wrdreg s5;
	s25 =	sor.u32 $0x4000, s4  }
0xa: {  	s26 =	sor.u32 $0x8000, s4;
	_ =	strace $0x80000047;
	[dreg:$0x7] =	wrdreg s25  }
.Ltmp0:
0xb: {  	s24 =	simm.s32 $0x3;
	[dreg:$0x8] =	wrdreg s26;
	(pc) =	sbr.rel .LBB2_1-.Ltmp0, $4  }
0xc: {  	s5 =	sshrl.u32 s5, $0x3;
	s31 =	sor.u32 $0xC000, s4;
	[dreg:$0x5] =	wrdreg s4  }
0xd: {  	s0 =	smax.u32 s0, $0x1;
	s1 =	sadd.s32 s5, s1;
	[dreg:$0x9] =	wrdreg s31  }
0xe: {  	[dreg:$0xa] =	wrdreg s0;
	s25 =	simm.s32 $0x7;
	s1 =	sadd.s32 $0x400, s1  }
0xf: {  	v0 =	vlaneseq.u32;
	s26 =	simm.s32 $0x4;
	s4 =	simm.s32 $0x0;
	[dreg:$0x6] =	wrdreg s1  }
.LBB2_38:
0x10: {  	s1 =	simm.s32 $0xA  }
0x11: {  	_ =	swait.ge [sflag:s1], $0x4000  }
0x12: {  	s4 =	rddreg [dreg:$0xb]  }
0x13: {  	s0 =	rddreg [dreg:$0xa];
	s4 =	sadd.s32 $0x1, s4  }
0x14: {  	p0 =	sne.s32 s4, s0  }
.Ltmp1:
0x15: {  	_ = 	snop;
	(pc) =	sbr.rel @!p0 .LBB2_39-.Ltmp1, $3  }
0x16: {  	_ =	sdelay $0x1  }
0x17: {  	[sflag:s1] =	ssyncset.done $0x0  }
0x18: {  	[sflag:s1] =	ssyncadd.s32 $0xFFFFC000  }
.LBB2_1:
0x19: {  	[dreg:$0xb] =	wrdreg s4  }
0x1a: {  	s0 =	simm.s32 $0x0;
	s1 =	rddreg [dreg:$0x6];
	s31 =	simm.s32 $0xB  }
0x1b: {  	[tilespmem:s28], [sflag:$0xB] =	stream.linear.gather [hbm4b:s1+s0], $0x6400, $0x38;
	[tilespmem:$0x1A480] =	vst v63  }
0x1c: {  	_ =	swait.ge [sflag:s31], $0x6400  }
0x1d: {  	[sflag:s31] =	ssyncset.done $0x0  }
0x1e: {  	[sflag:s31] =	ssyncadd.s32 $0xFFFF9C00  }
0x1f: {  	v2 =	vld [tilespmem:s28+$0xFFFFFFFF];
	_ =	sdelay $0x1  }
0x20: {  	v1 =	vld [tilespmem:s28+$0x0];
	_ =	sdelay $0x1  }
0x21: {  	v3 =	vmov s0  }
0x22: {  	s4 =	simm.s32 $0x18;
	s1 =	simm.s32 $0x10;
	s0 =	simm.s32 $0x8;
	vm0 =	veq.s32 v3, v0;
	v2 =	vshll.u32 v2, $0xA  }
.LBB2_2:
0x23: {  	v3 =	vld [tilespmem:s4+$0xFFFFFFFF];
	p0 =	sne.s32 s1, $0x70;
	v2 =	vsel vm0, $0x0, v2;
	s5 =	smov.u32 s1;
	s1 =	sadd.s32 $0x10, s1  }
.Ltmp2:
0x24: {  	v2 =	vadd.s32 v1, v2;
	(pc) =	sbr.rel @p0 .LBB2_2-.Ltmp2, $4  }
0x25: {  	v1 =	vld [tilespmem:s4+$0x0];
	vm0 =	vgt.s32 v2, $0xF423F;
	v4 =	vadd.s32 $0xFFF0BDC0, v2  }
0x26: {  	v2 =	vsel vm0, v4, v2  }
0x27: {  	v4 =	vmov s5;
	[tilespmem:s0+$0xFFFFFFF8] =	vst v2;
	s0 =	smov.u32 s4  }
0x28: {  	vm0 =	veq.s32 v4, v0;
	s4 =	sadd.s32 $0x10, s4;
	v2 =	vshll.u32 v3, $0xA  }
0x29: {  	v2 =	vsel vm0, $0x0, v2  }
0x2a: {  	v1 =	vadd.s32 v1, v2  }
0x2b: {  	vm0 =	vgt.s32 v1, $0xF423F;
	v2 =	vadd.s32 $0xFFF0BDC0, v1  }
0x2c: {  	s1 =	simm.s32 $0x80;
	v1 =	vsel vm0, v2, v1  }
0x2d: {  	s31 =	simm.s32 $0x0;
	s4 =	simm.s32 $0x6480;
	[tilespmem:s0+$0xFFFFFFF8] =	vst v1;
	s0 =	simm.s32 $0x88;
	v1 =	vor.u32 s1, v0  }
0x2e: {  	[tilespmem:s4], [sflag:$0x1] =	stream.indirect.gather [hbm4b:s2+s1], $0x80, s31, s1, $0xb8;
	v1 =	vmul.u32 $0xC28F5C29, v1;
	[tilespmem:$0x1A480] =	vst v63  }
0x2f: {  	v2 =	vld [tilespmem:s0+$0xFFFFFFFF]  }
0x30: {  	v3 =	vshll.u32 v1, $0x1D;
	v1 =	vshrl.u32 v1, $0x3  }
0x31: {  	v3 =	vor.u32 v3, v1;
	v1 =	vld [tilespmem:s0+$0x0];
	_ =	sdelay $0x2  }
0x32: {  	s1 =	simm.s32 $0x90;
	s4 =	simm.s32 $0x98;
	vm0 =	vle.u32 v3, $0x147AE14;
	v2 =	vshll.u32 v2, $0xA  }
.LBB2_4:
0x33: {  	v3 =	vor.u32 s1, v0;
	v4 =	vld [tilespmem:s4+$0xFFFFFFFF];
	p0 =	sne.s32 s1, $0xF0;
	s1 =	sadd.s32 $0x10, s1;
	v2 =	vsel vm0, $0x0, v2  }
.Ltmp3:
0x34: {  	v3 =	vmul.u32 $0xC28F5C29, v3;
	v2 =	vadd.s32 v1, v2;
	(pc) =	sbr.rel @p0 .LBB2_4-.Ltmp3, $4  }
0x35: {  	v1 =	vld [tilespmem:s4+$0x0];
	vm0 =	vgt.s32 v2, $0xF423F;
	v5 =	vadd.s32 $0xFFF0BDC0, v2  }
0x36: {  	v6 =	vshll.u32 v3, $0x1D;
	v3 =	vshrl.u32 v3, $0x3;
	v2 =	vsel vm0, v5, v2  }
0x37: {  	v3 =	vor.u32 v6, v3;
	[tilespmem:s0+$0xFFFFFFF8] =	vst v2;
	s0 =	smov.u32 s4  }
0x38: {  	s4 =	sadd.s32 $0x10, s4;
	vm0 =	vle.u32 v3, $0x147AE14;
	v2 =	vshll.u32 v4, $0xA  }
0x39: {  	v2 =	vsel vm0, $0x0, v2  }
0x3a: {  	v1 =	vadd.s32 v1, v2  }
0x3b: {  	vm0 =	vgt.s32 v1, $0xF423F;
	v2 =	vadd.s32 $0xFFF0BDC0, v1  }
0x3c: {  	s1 =	simm.s32 $0x100;
	v1 =	vsel vm0, v2, v1  }
0x3d: {  	s31 =	simm.s32 $0xA480;
	[tilespmem:s0+$0xFFFFFFF8] =	vst v1;
	s0 =	simm.s32 $0x108;
	v1 =	vor.u32 s1, v0  }
0x3e: {  	[tilespmem:s31], [sflag:$0x2] =	stream.indirect.gather [hbm4b:s2+s14], $0x80, s14, s14, $0xb8;
	v1 =	vmul.u32 $0xC28F5C29, v1;
	[tilespmem:$0x1A480] =	vst v63  }
0x3f: {  	v2 =	vld [tilespmem:s0+$0xFFFFFFFF]  }
0x40: {  	v3 =	vshll.u32 v1, $0x1D;
	v1 =	vshrl.u32 v1, $0x3  }
0x41: {  	v3 =	vor.u32 v3, v1;
	v1 =	vld [tilespmem:s0+$0x0];
	_ =	sdelay $0x2  }
0x42: {  	s4 =	simm.s32 $0x118;
	s1 =	simm.s32 $0x110;
	vm0 =	vle.u32 v3, $0x147AE14;
	v2 =	vshll.u32 v2, $0xA  }
.LBB2_6:
0x43: {  	v3 =	vor.u32 s1, v0;
	v4 =	vld [tilespmem:s4+$0xFFFFFFFF];
	p0 =	sne.s32 s1, $0x170;
	s1 =	sadd.s32 $0x10, s1;
	v2 =	vsel vm0, $0x0, v2  }
.Ltmp4:
0x44: {  	v3 =	vmul.u32 $0xC28F5C29, v3;
	v2 =	vadd.s32 v1, v2;
	(pc) =	sbr.rel @p0 .LBB2_6-.Ltmp4, $4  }
0x45: {  	v1 =	vld [tilespmem:s4+$0x0];
	vm0 =	vgt.s32 v2, $0xF423F;
	v5 =	vadd.s32 $0xFFF0BDC0, v2  }
0x46: {  	v6 =	vshll.u32 v3, $0x1D;
	v3 =	vshrl.u32 v3, $0x3;
	v2 =	vsel vm0, v5, v2  }
0x47: {  	v3 =	vor.u32 v6, v3;
	[tilespmem:s0+$0xFFFFFFF8] =	vst v2;
	s0 =	smov.u32 s4  }
0x48: {  	s4 =	sadd.s32 $0x10, s4;
	vm0 =	vle.u32 v3, $0x147AE14;
	v2 =	vshll.u32 v4, $0xA  }
0x49: {  	v2 =	vsel vm0, $0x0, v2  }
0x4a: {  	v1 =	vadd.s32 v1, v2  }
0x4b: {  	vm0 =	vgt.s32 v1, $0xF423F;
	v2 =	vadd.s32 $0xFFF0BDC0, v1  }
0x4c: {  	s31 =	simm.s32 $0x180;
	v1 =	vsel vm0, v2, v1  }
0x4d: {  	s19 =	simm.s32 $0x100;
	s1 =	simm.s32 $0xE480;
	[tilespmem:s0+$0xFFFFFFF8] =	vst v1;
	s0 =	simm.s32 $0x188;
	v1 =	vor.u32 s31, v0  }
0x4e: {  	[tilespmem:s1], [sflag:$0x3] =	stream.indirect.gather [hbm4b:s2+s14], $0x80, s19, s14, $0xb8;
	v1 =	vmul.u32 $0xC28F5C29, v1;
	[tilespmem:$0x1A480] =	vst v63  }
0x4f: {  	v2 =	vld [tilespmem:s0+$0xFFFFFFFF]  }
0x50: {  	v3 =	vshll.u32 v1, $0x1D;
	v1 =	vshrl.u32 v1, $0x3  }
0x51: {  	v3 =	vor.u32 v3, v1;
	v1 =	vld [tilespmem:s0+$0x0];
	_ =	sdelay $0x2  }
0x52: {  	s4 =	simm.s32 $0x198;
	s1 =	simm.s32 $0x190;
	vm0 =	vle.u32 v3, $0x147AE14;
	v2 =	vshll.u32 v2, $0xA  }
.LBB2_8:
0x53: {  	v3 =	vor.u32 s1, v0;
	v4 =	vld [tilespmem:s4+$0xFFFFFFFF];
	p0 =	sne.s32 s1, $0x1F0;
	s1 =	sadd.s32 $0x10, s1;
	v2 =	vsel vm0, $0x0, v2  }
.Ltmp5:
0x54: {  	v3 =	vmul.u32 $0xC28F5C29, v3;
	v2 =	vadd.s32 v1, v2;
	(pc) =	sbr.rel @p0 .LBB2_8-.Ltmp5, $4  }
0x55: {  	v1 =	vld [tilespmem:s4+$0x0];
	vm0 =	vgt.s32 v2, $0xF423F;
	v5 =	vadd.s32 $0xFFF0BDC0, v2  }
0x56: {  	v6 =	vshll.u32 v3, $0x1D;
	v3 =	vshrl.u32 v3, $0x3;
	v2 =	vsel vm0, v5, v2  }
0x57: {  	v3 =	vor.u32 v6, v3;
	[tilespmem:s0+$0xFFFFFFF8] =	vst v2;
	s0 =	smov.u32 s4  }
0x58: {  	s4 =	sadd.s32 $0x10, s4;
	vm0 =	vle.u32 v3, $0x147AE14;
	v2 =	vshll.u32 v4, $0xA  }
0x59: {  	v2 =	vsel vm0, $0x0, v2  }
0x5a: {  	s19 =	simm.s32 $0x180;
	s16 =	simm.s32 $0x200;
	s18 =	simm.s32 $0x208;
	v1 =	vadd.s32 v1, v2  }
0x5b: {  	s7 =	simm.s32 $0x280;
	s11 =	simm.s32 $0x288;
	s12 =	simm.s32 $0x300;
	vm15 =	vgt.s32 v1, $0xF423F;
	v2 =	vadd.s32 $0xFFF0BDC0, v1  }
0x5c: {  	s31 =	simm.s32 $0x308;
	s1 =	simm.s32 $0x380;
	s5 =	simm.s32 $0x388;
	v1 =	vsel vm15, v2, v1  }
0x5d: {  	s13 =	simm.s32 $0x400;
	s15 =	simm.s32 $0x408;
	[tilespmem:s0+$0xFFFFFFF8] =	vst v1;
	s0 =	simm.s32 $0x0  }
0x5e: {  	[tilespmem:s21], [sflag:$0x4] =	stream.indirect.gather [hbm4b:s2+s14], $0x80, s19, s14, $0xb8;
	[tilespmem:$0x1A480] =	vst v63  }
.LBB2_10:
0x5f: {  	_ =	swait.ge [sflag:s20], $0x4000  }
0x60: {  	[sflag:s20] =	ssyncset.done $0x0  }
0x61: {  	s4 =	simm.s32 $0x6580;
	[sflag:s20] =	ssyncadd.s32 $0xFFFFC000  }
0x62: {  	v1 =	vld [tilespmem:s4+$0xFFFFFF00]  }
0x63: {  	v2 =	vld [tilespmem:s4+$0xFFFFFF10]  }
0x64: {  	v3 =	vld [tilespmem:s4+$0xFFFFFF20]  }
0x65: {  	v4 =	vld [tilespmem:s4+$0xFFFFFF30]  }
0x66: {  	v5 =	vld [tilespmem:s4+$0xFFFFFF40]  }
0x67: {  	v6 =	vld [tilespmem:s4+$0xFFFFFF50];
	v1 =	vmul.f32 $5.000000070e-02, v1  }
0x68: {  	v7 =	vld [tilespmem:s4+$0xFFFFFF60];
	v2 =	vmul.f32 $5.000000070e-02, v2  }
0x69: {  	[tilespmem:s4+$0xFFFFFF00] =	vst v1;
	v1 =	vmul.f32 $5.000000070e-02, v3;
	v3 =	vld [tilespmem:s4+$0xFFFFFF70]  }
0x6a: {  	[tilespmem:s4+$0xFFFFFF10] =	vst v2;
	v2 =	vmul.f32 $5.000000070e-02, v4;
	v4 =	vld [tilespmem:s4+$0xFFFFFF80]  }
0x6b: {  	[tilespmem:s4+$0xFFFFFF20] =	vst v1;
	v1 =	vmul.f32 $5.000000070e-02, v5;
	v5 =	vld [tilespmem:s4+$0xFFFFFF90]  }
0x6c: {  	[tilespmem:s4+$0xFFFFFF30] =	vst v2;
	v2 =	vmul.f32 $5.000000070e-02, v6;
	v6 =	vld [tilespmem:s4+$0xFFFFFFA0]  }
0x6d: {  	[tilespmem:s4+$0xFFFFFF40] =	vst v1;
	v1 =	vmul.f32 $5.000000070e-02, v7;
	v7 =	vld [tilespmem:s4+$0xFFFFFFB0]  }
0x6e: {  	[tilespmem:s4+$0xFFFFFF50] =	vst v2;
	v2 =	vmul.f32 $5.000000070e-02, v3;
	v3 =	vld [tilespmem:s4+$0xFFFFFFC0]  }
0x6f: {  	[tilespmem:s4+$0xFFFFFF60] =	vst v1;
	v1 =	vmul.f32 $5.000000070e-02, v4;
	v4 =	vld [tilespmem:s4+$0xFFFFFFD0]  }
0x70: {  	[tilespmem:s4+$0xFFFFFF70] =	vst v2;
	v2 =	vmul.f32 $5.000000070e-02, v5;
	v5 =	vld [tilespmem:s4+$0xFFFFFFE0]  }
0x71: {  	[tilespmem:s4+$0xFFFFFF80] =	vst v1;
	v1 =	vmul.f32 $5.000000070e-02, v6;
	v6 =	vld [tilespmem:s4+$0x0]  }
0x72: {  	[tilespmem:s4+$0xFFFFFF90] =	vst v2;
	v2 =	vmul.f32 $5.000000070e-02, v7;
	v7 =	vld [tilespmem:s4+$0x10]  }
0x73: {  	[tilespmem:s4+$0xFFFFFFA0] =	vst v1;
	v1 =	vmul.f32 $5.000000070e-02, v3;
	v3 =	vld [tilespmem:s4+$0x20]  }
0x74: {  	[tilespmem:s4+$0xFFFFFFB0] =	vst v2;
	v2 =	vmul.f32 $5.000000070e-02, v4;
	v4 =	vld [tilespmem:s4+$0x30]  }
0x75: {  	[tilespmem:s4+$0xFFFFFFC0] =	vst v1;
	v1 =	vmul.f32 $5.000000070e-02, v5;
	v5 =	vld [tilespmem:s4+$0x40]  }
0x76: {  	[tilespmem:s4+$0xFFFFFFD0] =	vst v2;
	v2 =	vmul.f32 $5.000000070e-02, v6;
	v6 =	vld [tilespmem:s4+$0x50]  }
0x77: {  	[tilespmem:s4+$0xFFFFFFE0] =	vst v1;
	v1 =	vmul.f32 $5.000000070e-02, v7;
	v7 =	vld [tilespmem:s4+$0x60]  }
0x78: {  	[tilespmem:s4+$0x0] =	vst v2;
	v2 =	vmul.f32 $5.000000070e-02, v3;
	v3 =	vld [tilespmem:s4+$0x70]  }
0x79: {  	[tilespmem:s4+$0x10] =	vst v1;
	v1 =	vmul.f32 $5.000000070e-02, v4;
	v4 =	vld [tilespmem:s4+$0x80]  }
0x7a: {  	[tilespmem:s4+$0x20] =	vst v2;
	v2 =	vmul.f32 $5.000000070e-02, v5;
	v5 =	vld [tilespmem:s4+$0x90]  }
0x7b: {  	[tilespmem:s4+$0x30] =	vst v1;
	v1 =	vmul.f32 $5.000000070e-02, v6;
	v6 =	vld [tilespmem:s4+$0xA0]  }
0x7c: {  	[tilespmem:s4+$0x40] =	vst v2;
	v2 =	vmul.f32 $5.000000070e-02, v7;
	v7 =	vld [tilespmem:s4+$0xB0]  }
0x7d: {  	[tilespmem:s4+$0x50] =	vst v1;
	v3 =	vmul.f32 $5.000000070e-02, v3;
	v1 =	vld [tilespmem:s4+$0xC0]  }
0x7e: {  	[tilespmem:s4+$0x60] =	vst v2;
	v8 =	vmul.f32 $5.000000070e-02, v4;
	v2 =	vld [tilespmem:s4+$0xD0]  }
0x7f: {  	v4 =	vld [tilespmem:s4+$0xE0];
	[tilespmem:s4+$0x70] =	vst v3;
	v9 =	vmul.f32 $5.000000070e-02, v5  }
0x80: {  	v3 =	vld [tilespmem:s4+$0xF0];
	[tilespmem:s4+$0x80] =	vst v8;
	v6 =	vmul.f32 $5.000000070e-02, v6  }
0x81: {  	s6 =	simm.s32 $0x0;
	s8 =	simm.s32 $0x6780;
	v5 =	vld [tilespmem:s4+$0xFFFFFFF0];
	[tilespmem:s4+$0x90] =	vst v9;
	v7 =	vmul.f32 $5.000000070e-02, v7  }
.LBB2_11:
0x82: {  	v8 =	vld [tilespmem:s8+$0xFFFFFF00];
	[tilespmem:s4+$0xA0] =	vst v6;
	v1 =	vmul.f32 $5.000000070e-02, v1  }
0x83: {  	v6 =	vld [tilespmem:s8+$0xFFFFFF10];
	[tilespmem:s4+$0xB0] =	vst v7;
	v2 =	vmul.f32 $5.000000070e-02, v2  }
0x84: {  	v7 =	vld [tilespmem:s8+$0xFFFFFF20];
	[tilespmem:s4+$0xC0] =	vst v1;
	v1 =	vmul.f32 $5.000000070e-02, v4  }
0x85: {  	v4 =	vld [tilespmem:s8+$0xFFFFFF30];
	[tilespmem:s4+$0xD0] =	vst v2;
	v2 =	vmul.f32 $5.000000070e-02, v3  }
0x86: {  	v3 =	vld [tilespmem:s8+$0xFFFFFF40];
	v5 =	vmul.f32 $5.000000070e-02, v5;
	[tilespmem:s4+$0xE0] =	vst v1  }
0x87: {  	v1 =	vmul.f32 $5.000000070e-02, v8;
	v8 =	vld [tilespmem:s8+$0xFFFFFF50];
	[tilespmem:s4+$0xF0] =	vst v2  }
0x88: {  	v2 =	vmul.f32 $5.000000070e-02, v6;
	v6 =	vld [tilespmem:s8+$0xFFFFFF60];
	[tilespmem:s4+$0xFFFFFFF0] =	vst v5;
	s4 =	smov.u32 s8  }
0x89: {  	[tilespmem:s8+$0xFFFFFF00] =	vst v1;
	v1 =	vmul.f32 $5.000000070e-02, v7;
	v5 =	vld [tilespmem:s8+$0xFFFFFF70]  }
0x8a: {  	[tilespmem:s8+$0xFFFFFF10] =	vst v2;
	v2 =	vmul.f32 $5.000000070e-02, v4;
	v4 =	vld [tilespmem:s8+$0xFFFFFF80]  }
0x8b: {  	[tilespmem:s8+$0xFFFFFF20] =	vst v1;
	v1 =	vmul.f32 $5.000000070e-02, v3;
	v3 =	vld [tilespmem:s8+$0xFFFFFF90]  }
0x8c: {  	[tilespmem:s8+$0xFFFFFF30] =	vst v2;
	v2 =	vmul.f32 $5.000000070e-02, v8;
	v7 =	vld [tilespmem:s8+$0xFFFFFFA0]  }
0x8d: {  	[tilespmem:s8+$0xFFFFFF40] =	vst v1;
	v1 =	vmul.f32 $5.000000070e-02, v6;
	v6 =	vld [tilespmem:s8+$0xFFFFFFB0]  }
0x8e: {  	[tilespmem:s8+$0xFFFFFF50] =	vst v2;
	v2 =	vmul.f32 $5.000000070e-02, v5;
	v5 =	vld [tilespmem:s8+$0xFFFFFFC0]  }
0x8f: {  	[tilespmem:s8+$0xFFFFFF60] =	vst v1;
	v1 =	vmul.f32 $5.000000070e-02, v4;
	v4 =	vld [tilespmem:s8+$0xFFFFFFD0]  }
0x90: {  	[tilespmem:s8+$0xFFFFFF70] =	vst v2;
	v2 =	vmul.f32 $5.000000070e-02, v3;
	v3 =	vld [tilespmem:s8+$0xFFFFFFE0]  }
0x91: {  	[tilespmem:s8+$0xFFFFFF80] =	vst v1;
	v1 =	vmul.f32 $5.000000070e-02, v7;
	v7 =	vld [tilespmem:s8+$0x0]  }
0x92: {  	[tilespmem:s8+$0xFFFFFF90] =	vst v2;
	v2 =	vmul.f32 $5.000000070e-02, v6;
	v6 =	vld [tilespmem:s8+$0x10]  }
0x93: {  	[tilespmem:s8+$0xFFFFFFA0] =	vst v1;
	v1 =	vmul.f32 $5.000000070e-02, v5;
	v5 =	vld [tilespmem:s8+$0x20]  }
0x94: {  	[tilespmem:s8+$0xFFFFFFB0] =	vst v2;
	v2 =	vmul.f32 $5.000000070e-02, v4;
	v4 =	vld [tilespmem:s8+$0x30]  }
0x95: {  	[tilespmem:s8+$0xFFFFFFC0] =	vst v1;
	v1 =	vmul.f32 $5.000000070e-02, v3;
	v3 =	vld [tilespmem:s8+$0x40]  }
0x96: {  	[tilespmem:s8+$0xFFFFFFD0] =	vst v2;
	v2 =	vmul.f32 $5.000000070e-02, v7;
	v7 =	vld [tilespmem:s8+$0x50]  }
0x97: {  	[tilespmem:s8+$0xFFFFFFE0] =	vst v1;
	v1 =	vmul.f32 $5.000000070e-02, v6;
	v6 =	vld [tilespmem:s8+$0x60]  }
0x98: {  	[tilespmem:s8+$0x0] =	vst v2;
	v2 =	vmul.f32 $5.000000070e-02, v5;
	v5 =	vld [tilespmem:s8+$0x70]  }
0x99: {  	[tilespmem:s8+$0x10] =	vst v1;
	v1 =	vmul.f32 $5.000000070e-02, v4;
	v4 =	vld [tilespmem:s8+$0x80]  }
0x9a: {  	[tilespmem:s8+$0x20] =	vst v2;
	v2 =	vmul.f32 $5.000000070e-02, v3;
	v3 =	vld [tilespmem:s8+$0x90]  }
0x9b: {  	s6 =	sadd.s32 $0x4, s6;
	[tilespmem:s8+$0x30] =	vst v1;
	v1 =	vmul.f32 $5.000000070e-02, v7;
	v7 =	vld [tilespmem:s8+$0xA0]  }
0x9c: {  	p0 =	slt.u32 s6, $0x7C;
	[tilespmem:s8+$0x40] =	vst v2;
	v2 =	vmul.f32 $5.000000070e-02, v6;
	v8 =	vld [tilespmem:s8+$0xB0]  }
.Ltmp6:
0x9d: {  	[tilespmem:s8+$0x50] =	vst v1;
	v5 =	vmul.f32 $5.000000070e-02, v5;
	v1 =	vld [tilespmem:s8+$0xC0];
	(pc) =	sbr.rel @p0 .LBB2_11-.Ltmp6, $4  }
0x9e: {  	[tilespmem:s8+$0x60] =	vst v2;
	v6 =	vmul.f32 $5.000000070e-02, v4;
	v2 =	vld [tilespmem:s8+$0xD0]  }
0x9f: {  	[tilespmem:s8+$0x70] =	vst v5;
	v9 =	vmul.f32 $5.000000070e-02, v3;
	v4 =	vld [tilespmem:s8+$0xE0]  }
0xa0: {  	[tilespmem:s8+$0x80] =	vst v6;
	v6 =	vmul.f32 $5.000000070e-02, v7;
	v3 =	vld [tilespmem:s8+$0xF0]  }
0xa1: {  	s8 =	sadd.s32 $0x200, s8;
	v5 =	vld [tilespmem:s4+$0xFFFFFFF0];
	[tilespmem:s4+$0x90] =	vst v9;
	v7 =	vmul.f32 $5.000000070e-02, v8  }
0xa2: {  	[tilespmem:s4+$0xA0] =	vst v6;
	v1 =	vmul.f32 $5.000000070e-02, v1  }
0xa3: {  	[tilespmem:s4+$0xB0] =	vst v7;
	v2 =	vmul.f32 $5.000000070e-02, v2  }
0xa4: {  	s6 =	smul.u32 $0x280, s0;
	[tilespmem:s4+$0xC0] =	vst v1;
	v1 =	vmul.f32 $5.000000070e-02, v4  }
0xa5: {  	s8 =	rddreg [dreg:$0x4];
	[tilespmem:s4+$0xD0] =	vst v2;
	v2 =	vmul.f32 $5.000000070e-02, v3  }
0xa6: {  	s6 =	sadd.s32 s8, s6;
	v3 =	vmul.f32 $5.000000070e-02, v5;
	[tilespmem:s4+$0xE0] =	vst v1  }
0xa7: {  	s10 =	simm.s32 $0x0;
	p0 =	seq.s32 s0, $0x0;
	s6 =	sshll.u32 s6, $0x4;
	[tilespmem:s4+$0xF0] =	vst v2  }
0xa8: {  	s17 =	simm.s32 $0x6480;
	s9 =	sadd.s32 s3, s6;
	[tilespmem:s4+$0xFFFFFFF0] =	vst v3;
	s4 =	simm.s32 @!p0 $0xA  }
0xa9: {  	[hbm4b:s9+s10] =	stream.linear.scatter [tilespmem:s17], [sflag:$0x6], $0x4000, $0x38;
	[tilespmem:$0x1A480] =	vst v63  }
0xaa: {  	_ =	swait.ge @!p0 [sflag:s4], $0x4000  }
0xab: {  	s19 =	sadd.s32 $0x0, s16;
	[sflag:s4] =	ssyncset.done @!p0 $0x0  }
0xac: {  	v1 =	vor.u32 s19, v0;
	[sflag:s4] =	ssyncadd.s32 @!p0 $0xFFFFC000  }
0xad: {  	v2 =	vmul.u32 $0xC28F5C29, v1;
	v1 =	vld [tilespmem:s18+$0xFFFFFFFF];
	_ =	sdelay $0x1  }
0xae: {  	s17 =	smul.u32 $0x5, s0;
	v3 =	vshll.u32 v2, $0x1D;
	v4 =	vshrl.u32 v2, $0x3;
	v2 =	vld [tilespmem:s18+$0x0]  }
0xaf: {  	s8 =	simm.s32 $0x10  }
0xb0: {  	s6 =	smov.u32 s18;
	s9 =	sadd.s32 $0x10, s18;
	v3 =	vor.u32 v3, v4;
	s4 =	sadd.s32 $0x4, s17  }
.LBB2_13:
0xb1: {  	s10 =	sadd.s32 s8, s16;
	p0 =	sne.s32 s8, $0x70;
	s8 =	sadd.s32 $0x10, s8;
	vm0 =	vle.u32 v3, $0x147AE14;
	v3 =	vshll.u32 v1, $0xA  }
.Ltmp7:
0xb2: {  	v4 =	vor.u32 s10, v0;
	v1 =	vld [tilespmem:s9+$0xFFFFFFFF];
	v3 =	vsel vm0, $0x0, v3;
	(pc) =	sbr.rel @p0 .LBB2_13-.Ltmp7, $4  }
0xb3: {  	v4 =	vmul.u32 $0xC28F5C29, v4;
	v3 =	vadd.s32 v2, v3  }
0xb4: {  	v2 =	vld [tilespmem:s9+$0x0];
	vm0 =	vgt.s32 v3, $0xF423F;
	v5 =	vadd.s32 $0xFFF0BDC0, v3  }
0xb5: {  	v6 =	vshll.u32 v4, $0x1D;
	v4 =	vshrl.u32 v4, $0x3;
	v5 =	vsel vm0, v5, v3  }
0xb6: {  	v3 =	vor.u32 v6, v4;
	[tilespmem:s6+$0xFFFFFFF8] =	vst v5;
	s6 =	smov.u32 s9;
	s9 =	sadd.s32 $0x10, s9  }
0xb7: {  	vm0 =	vle.u32 v3, $0x147AE14;
	v1 =	vshll.u32 v1, $0xA  }
0xb8: {  	v1 =	vsel vm0, $0x0, v1  }
0xb9: {  	v1 =	vadd.s32 v2, v1  }
0xba: {  	vm15 =	vgt.s32 v1, $0xF423F;
	v2 =	vadd.s32 $0xFFF0BDC0, v1  }
0xbb: {  	s8 =	sshll.u32 s4, $0x7;
	v1 =	vsel vm15, v2, v1  }
0xbc: {  	s19 =	simm.s32 $0x16480;
	s10 =	sand.u32 $0x3FFFFF80, s8;
	[tilespmem:s6+$0xFFFFFFF8] =	vst v1  }
0xbd: {  	[tilespmem:s19], [sflag:$0x5] =	stream.indirect.gather [hbm4b:s2+s14], $0x80, s10, s14, $0xb8;
	[tilespmem:$0x1A480] =	vst v63  }
0xbe: {  	_ =	swait.ge [sflag:s22], $0x4000  }
0xbf: {  	[sflag:s22] =	ssyncset.done $0x0  }
0xc0: {  	s9 =	simm.s32 $0xA480;
	[sflag:s22] =	ssyncadd.s32 $0xFFFFC000  }
0xc1: {  	v1 =	vld [tilespmem:s9+$0x1A0]  }
0xc2: {  	v2 =	vld [tilespmem:s9+$0xA0]  }
0xc3: {  	v3 =	vld [tilespmem:s9+$0x90]  }
0xc4: {  	v4 =	vld [tilespmem:s9+$0x80]  }
0xc5: {  	v5 =	vld [tilespmem:s9+$0xB0]  }
0xc6: {  	v6 =	vld [tilespmem:s9+$0x70]  }
0xc7: {  	v7 =	vld [tilespmem:s9+$0xC0]  }
0xc8: {  	v13 =	vld [tilespmem:s9+$0x60]  }
0xc9: {  	v8 =	vld [tilespmem:s9+$0xD0]  }
0xca: {  	v9 =	vld [tilespmem:s9+$0xE0]  }
0xcb: {  	v10 =	vld [tilespmem:s9+$0x1D0]  }
0xcc: {  	v11 =	vld [tilespmem:s9+$0x1E0]  }
0xcd: {  	v12 =	vld [tilespmem:s9+$0x0]  }
0xce: {  	v14 =	vld [tilespmem:s9+$0xF0]  }
0xcf: {  	v15 =	vld [tilespmem:s9+$0x100];
	v1 =	vmul.f32 $5.000000070e-02, v1  }
0xd0: {  	v16 =	vld [tilespmem:s9+$0x110];
	v10 =	vmul.f32 $5.000000070e-02, v10  }
0xd1: {  	v17 =	vld [tilespmem:s9+$0x120];
	v18 =	vmul.f32 $5.000000070e-02, v9;
	[tilespmem:s9+$0x1A0] =	vst v1  }
0xd2: {  	v19 =	vld [tilespmem:s9+$0x30];
	v21 =	vmul.f32 $5.000000070e-02, v7;
	[tilespmem:s9+$0x1D0] =	vst v10  }
0xd3: {  	v22 =	vld [tilespmem:s9+$0x10];
	v1 =	vmul.f32 $5.000000070e-02, v11;
	[tilespmem:s9+$0xE0] =	vst v18  }
0xd4: {  	v11 =	vmul.f32 $5.000000070e-02, v12;
	v12 =	vld [tilespmem:s9+$0x130];
	[tilespmem:s9+$0xC0] =	vst v21  }
0xd5: {  	v10 =	vmul.f32 $5.000000070e-02, v14;
	v14 =	vld [tilespmem:s9+$0x140];
	[tilespmem:s9+$0x1E0] =	vst v1  }
0xd6: {  	[tilespmem:s9+$0x0] =	vst v11;
	v1 =	vmul.f32 $5.000000070e-02, v15;
	v11 =	vld [tilespmem:s9+$0x150]  }
0xd7: {  	v20 =	vld [tilespmem:s9+$0x20];
	[tilespmem:s9+$0xF0] =	vst v10;
	v10 =	vmul.f32 $5.000000070e-02, v16  }
0xd8: {  	v9 =	vmul.f32 $5.000000070e-02, v2;
	v15 =	vld [tilespmem:s9+$0x1F0];
	[tilespmem:s9+$0x100] =	vst v1;
	v1 =	vmul.f32 $5.000000070e-02, v17  }
0xd9: {  	v23 =	vld [tilespmem:s9+$0x1B0];
	v7 =	vmul.f32 $5.000000070e-02, v13;
	[tilespmem:s9+$0x110] =	vst v10;
	v10 =	vmul.f32 $5.000000070e-02, v12  }
0xda: {  	v2 =	vmul.f32 $5.000000070e-02, v22;
	v16 =	vld [tilespmem:s9+$0x50];
	[tilespmem:s9+$0x120] =	vst v1;
	v1 =	vmul.f32 $5.000000070e-02, v14  }
0xdb: {  	v17 =	vld [tilespmem:s9+$0x40];
	v14 =	vmul.f32 $5.000000070e-02, v8;
	[tilespmem:s9+$0x130] =	vst v10;
	v8 =	vmul.f32 $5.000000070e-02, v11  }
0xdc: {  	v12 =	vld [tilespmem:s9+$0x190];
	v10 =	vmul.f32 $5.000000070e-02, v3;
	v11 =	vmul.f32 $5.000000070e-02, v4;
	[tilespmem:s9+$0x140] =	vst v1  }
0xdd: {  	v13 =	vld [tilespmem:s9+$0x1C0];
	v3 =	vmul.f32 $5.000000070e-02, v19;
	v1 =	vmul.f32 $5.000000070e-02, v15;
	[tilespmem:s9+$0xD0] =	vst v14  }
0xde: {  	v4 =	vmul.f32 $5.000000070e-02, v20;
	v15 =	vmul.f32 $5.000000070e-02, v5;
	v14 =	vld [tilespmem:s9+$0x180];
	[tilespmem:s9+$0x150] =	vst v8  }
0xdf: {  	v5 =	vmul.f32 $5.000000070e-02, v16;
	v16 =	vld [tilespmem:s9+$0x170];
	v8 =	vmul.f32 $5.000000070e-02, v6;
	[tilespmem:s9+$0x1F0] =	vst v1  }
0xe0: {  	s8 =	simm.s32 $0x0;
	s6 =	simm.s32 $0xA680;
	v6 =	vmul.f32 $5.000000070e-02, v23;
	v1 =	vmul.f32 $5.000000070e-02, v17;
	[tilespmem:s9+$0xB0] =	vst v15;
	v15 =	vld [tilespmem:s9+$0x160]  }
.LBB2_15:
0xe1: {  	v17 =	vld [tilespmem:s6+$0x1A0];
	s8 =	sadd.s32 $0x4, s8;
	[tilespmem:s9+$0xA0] =	vst v9;
	v9 =	vmul.f32 $5.000000070e-02, v12  }
0xe2: {  	v12 =	vld [tilespmem:s6+$0xA0];
	p0 =	slt.u32 s8, $0x7C;
	[tilespmem:s9+$0x90] =	vst v10;
	v10 =	vmul.f32 $5.000000070e-02, v13  }
0xe3: {  	v13 =	vld [tilespmem:s6+$0x90];
	[tilespmem:s9+$0x80] =	vst v11;
	v11 =	vmul.f32 $5.000000070e-02, v14  }
0xe4: {  	v14 =	vld [tilespmem:s6+$0x80];
	v16 =	vmul.f32 $5.000000070e-02, v16;
	[tilespmem:s9+$0x1C0] =	vst v10  }
0xe5: {  	v10 =	vld [tilespmem:s6+$0xB0];
	[tilespmem:s9+$0x70] =	vst v8;
	v8 =	vmul.f32 $5.000000070e-02, v15  }
0xe6: {  	v15 =	vld [tilespmem:s6+$0x70];
	v17 =	vmul.f32 $5.000000070e-02, v17;
	[tilespmem:s9+$0x180] =	vst v11  }
0xe7: {  	v11 =	vld [tilespmem:s6+$0xC0];
	[tilespmem:s9+$0x60] =	vst v7  }
0xe8: {  	v7 =	vld [tilespmem:s6+$0x60];
	[tilespmem:s9+$0x170] =	vst v16  }
0xe9: {  	v16 =	vld [tilespmem:s6+$0xD0];
	[tilespmem:s9+$0x50] =	vst v5  }
0xea: {  	v5 =	vld [tilespmem:s6+$0xE0];
	[tilespmem:s9+$0x160] =	vst v8  }
0xeb: {  	v8 =	vld [tilespmem:s6+$0x1D0];
	[tilespmem:s9+$0x40] =	vst v1  }
0xec: {  	v1 =	vld [tilespmem:s6+$0x1E0];
	[tilespmem:s9+$0x30] =	vst v3  }
0xed: {  	v3 =	vld [tilespmem:s6+$0x0];
	[tilespmem:s9+$0x20] =	vst v4  }
0xee: {  	v4 =	vld [tilespmem:s6+$0xF0];
	[tilespmem:s9+$0x190] =	vst v9  }
0xef: {  	v9 =	vld [tilespmem:s6+$0x100];
	[tilespmem:s9+$0x10] =	vst v2  }
0xf0: {  	v2 =	vld [tilespmem:s6+$0x110];
	v8 =	vmul.f32 $5.000000070e-02, v8;
	[tilespmem:s9+$0x1B0] =	vst v6;
	s9 =	smov.u32 s6  }
0xf1: {  	v6 =	vld [tilespmem:s6+$0x120];
	[tilespmem:s6+$0x1A0] =	vst v17;
	v1 =	vmul.f32 $5.000000070e-02, v1  }
0xf2: {  	v17 =	vmul.f32 $5.000000070e-02, v5;
	v3 =	vmul.f32 $5.000000070e-02, v3;
	v5 =	vld [tilespmem:s6+$0x130];
	[tilespmem:s6+$0x1D0] =	vst v8  }
0xf3: {  	v16 =	vmul.f32 $5.000000070e-02, v16;
	v4 =	vmul.f32 $5.000000070e-02, v4;
	v8 =	vld [tilespmem:s6+$0x140];
	[tilespmem:s6+$0x1E0] =	vst v1  }
0xf4: {  	v18 =	vmul.f32 $5.000000070e-02, v11;
	[tilespmem:s6+$0x0] =	vst v3;
	v1 =	vmul.f32 $5.000000070e-02, v9;
	v3 =	vld [tilespmem:s6+$0x150]  }
0xf5: {  	v19 =	vmul.f32 $5.000000070e-02, v10;
	[tilespmem:s6+$0xF0] =	vst v4;
	v2 =	vmul.f32 $5.000000070e-02, v2;
	v4 =	vld [tilespmem:s6+$0x1F0]  }
0xf6: {  	v9 =	vmul.f32 $5.000000070e-02, v12;
	v20 =	vld [tilespmem:s6+$0x50];
	[tilespmem:s6+$0x100] =	vst v1;
	v1 =	vmul.f32 $5.000000070e-02, v6  }
0xf7: {  	v10 =	vmul.f32 $5.000000070e-02, v13;
	v6 =	vld [tilespmem:s6+$0x40];
	[tilespmem:s6+$0x110] =	vst v2;
	v2 =	vmul.f32 $5.000000070e-02, v5  }
0xf8: {  	v11 =	vmul.f32 $5.000000070e-02, v14;
	v13 =	vld [tilespmem:s6+$0x30];
	[tilespmem:s6+$0x120] =	vst v1;
	v1 =	vmul.f32 $5.000000070e-02, v8  }
0xf9: {  	v8 =	vmul.f32 $5.000000070e-02, v15;
	v14 =	vld [tilespmem:s6+$0x20];
	[tilespmem:s6+$0x130] =	vst v2;
	v2 =	vmul.f32 $5.000000070e-02, v3  }
0xfa: {  	v7 =	vmul.f32 $5.000000070e-02, v7;
	v15 =	vld [tilespmem:s6+$0x10];
	[tilespmem:s6+$0x140] =	vst v1;
	v3 =	vmul.f32 $5.000000070e-02, v4  }
0xfb: {  	v5 =	vmul.f32 $5.000000070e-02, v20;
	[tilespmem:s6+$0x150] =	vst v2;
	v20 =	vld [tilespmem:s6+$0x1B0]  }
.Ltmp8:
0xfc: {  	v1 =	vmul.f32 $5.000000070e-02, v6;
	v12 =	vld [tilespmem:s6+$0x190];
	[tilespmem:s6+$0x1F0] =	vst v3;
	(pc) =	sbr.rel @p0 .LBB2_15-.Ltmp8, $4  }
0xfd: {  	v3 =	vmul.f32 $5.000000070e-02, v13;
	[tilespmem:s6+$0xE0] =	vst v17;
	v13 =	vld [tilespmem:s6+$0x1C0]  }
0xfe: {  	v4 =	vmul.f32 $5.000000070e-02, v14;
	[tilespmem:s6+$0xD0] =	vst v16;
	v14 =	vld [tilespmem:s6+$0x180]  }
0xff: {  	v2 =	vmul.f32 $5.000000070e-02, v15;
	[tilespmem:s6+$0xC0] =	vst v18;
	v16 =	vld [tilespmem:s6+$0x170]  }
0x100: {  	s6 =	sadd.s32 $0x200, s6;
	[tilespmem:s9+$0xB0] =	vst v19;
	v15 =	vld [tilespmem:s9+$0x160];
	v6 =	vmul.f32 $5.000000070e-02, v20  }
0x101: {  	[tilespmem:s9+$0xA0] =	vst v9  }
0x102: {  	[tilespmem:s9+$0x90] =	vst v10  }
0x103: {  	[tilespmem:s9+$0x80] =	vst v11  }
0x104: {  	[tilespmem:s9+$0x70] =	vst v8  }
0x105: {  	[tilespmem:s9+$0x60] =	vst v7  }
0x106: {  	[tilespmem:s9+$0x50] =	vst v5  }
0x107: {  	[tilespmem:s9+$0x40] =	vst v1  }
0x108: {  	[tilespmem:s9+$0x30] =	vst v3  }
0x109: {  	[tilespmem:s9+$0x20] =	vst v4  }
0x10a: {  	v1 =	vmul.f32 $5.000000070e-02, v12;
	[tilespmem:s9+$0x10] =	vst v2  }
0x10b: {  	v60 =	vmul.f32 $5.000000070e-02, v13;
	[tilespmem:s9+$0x1B0] =	vst v6  }
0x10c: {  	s8 =	smul.u32 $0x14000, s0;
	v61 =	vmul.f32 $5.000000070e-02, v14;
	[tilespmem:s9+$0x190] =	vst v1  }
0x10d: {  	s6 =	rddreg [dreg:$0x7];
	[tilespmem:s9+$0x1C0] =	vst v60;
	v62 =	vmul.f32 $5.000000070e-02, v16  }
0x10e: {  	s6 =	sadd.s32 s6, s8;
	[tilespmem:s9+$0x180] =	vst v61;
	v63 =	vmul.f32 $5.000000070e-02, v15  }
0x10f: {  	s19 =	simm.s32 $0x0;
	p0 =	seq.s32 s0, $0x27;
	s6 =	sshrl.u32 s6, $0x3;
	[tilespmem:s9+$0x170] =	vst v62  }
.Ltmp9:
0x110: {  	s10 =	simm.s32 $0xA480;
	s6 =	sadd.s32 s3, s6;
	[tilespmem:s9+$0x160] =	vst v63;
	(pc) =	sbr.rel @p0 .LBB2_20-.Ltmp9, $4  }
0x111: {  	[hbm4b:s6+s19] =	stream.linear.scatter [tilespmem:s10], [sflag:$0x7], $0x4000, $0x38;
	[tilespmem:$0x1A480] =	vst v63  }
0x112: {  	_ =	swait.ge [sflag:s23], $0x4000  }
0x113: {  	[sflag:s23] =	ssyncset.done $0x0  }
0x114: {  	[sflag:s23] =	ssyncadd.s32 $0xFFFFC000  }
0x115: {  	s6 =	sadd.s32 $0x0, s7  }
0x116: {  	v1 =	vor.u32 s6, v0  }
0x117: {  	v2 =	vmul.u32 $0xC28F5C29, v1;
	v1 =	vld [tilespmem:s11+$0xFFFFFFFF];
	_ =	sdelay $0x1  }
0x118: {  	v3 =	vshll.u32 v2, $0x1D;
	v4 =	vshrl.u32 v2, $0x3;
	v2 =	vld [tilespmem:s11+$0x0]  }
0x119: {  	s10 =	simm.s32 $0x10  }
0x11a: {  	s19 =	sadd.s32 $0x10, s11;
	s9 =	smov.u32 s11;
	s6 =	sadd.s32 $0x5, s17;
	v3 =	vor.u32 v3, v4  }
.LBB2_18:
0x11b: {  	s21 =	sadd.s32 s10, s7;
	p1 =	sne.s32 s10, $0x70;
	s10 =	sadd.s32 $0x10, s10;
	vm0 =	vle.u32 v3, $0x147AE14;
	v3 =	vshll.u32 v1, $0xA  }
.Ltmp10:
0x11c: {  	v4 =	vor.u32 s21, v0;
	v1 =	vld [tilespmem:s19+$0xFFFFFFFF];
	v3 =	vsel vm0, $0x0, v3;
	(pc) =	sbr.rel @p1 .LBB2_18-.Ltmp10, $4  }
0x11d: {  	v4 =	vmul.u32 $0xC28F5C29, v4;
	v3 =	vadd.s32 v2, v3  }
0x11e: {  	v2 =	vld [tilespmem:s19+$0x0];
	vm0 =	vgt.s32 v3, $0xF423F;
	v5 =	vadd.s32 $0xFFF0BDC0, v3  }
0x11f: {  	v6 =	vshll.u32 v4, $0x1D;
	v4 =	vshrl.u32 v4, $0x3;
	v5 =	vsel vm0, v5, v3  }
0x120: {  	v3 =	vor.u32 v6, v4;
	[tilespmem:s9+$0xFFFFFFF8] =	vst v5;
	s9 =	smov.u32 s19;
	s19 =	sadd.s32 $0x10, s19  }
0x121: {  	vm0 =	vle.u32 v3, $0x147AE14;
	v1 =	vshll.u32 v1, $0xA  }
0x122: {  	v1 =	vsel vm0, $0x0, v1  }
0x123: {  	v1 =	vadd.s32 v2, v1  }
0x124: {  	vm15 =	vgt.s32 v1, $0xF423F;
	v2 =	vadd.s32 $0xFFF0BDC0, v1  }
0x125: {  	s6 =	sshll.u32 s6, $0x7;
	v1 =	vsel vm15, v2, v1  }
0x126: {  	s21 =	simm.s32 $0x6480;
	s6 =	sand.u32 $0x3FFFFF80, s6;
	[tilespmem:s9+$0xFFFFFFF8] =	vst v1  }
0x127: {  	[tilespmem:s21], [sflag:$0x1] =	stream.indirect.gather [hbm4b:s2+s14], $0x80, s6, s14, $0xb8;
	[tilespmem:$0x1A480] =	vst v63  }
0x128: {  	s21 =	simm.s32 $0x12480  }
.LBB2_20:
0x129: {  	_ =	swait.ge [sflag:s24], $0x4000  }
0x12a: {  	[sflag:s24] =	ssyncset.done $0x0  }
0x12b: {  	s9 =	simm.s32 $0xE480;
	[sflag:s24] =	ssyncadd.s32 $0xFFFFC000  }
0x12c: {  	v1 =	vld [tilespmem:s9+$0x1A0]  }
0x12d: {  	v2 =	vld [tilespmem:s9+$0xA0]  }
0x12e: {  	v3 =	vld [tilespmem:s9+$0x90]  }
0x12f: {  	v4 =	vld [tilespmem:s9+$0x80]  }
0x130: {  	v5 =	vld [tilespmem:s9+$0xB0]  }
0x131: {  	v6 =	vld [tilespmem:s9+$0x70]  }
0x132: {  	v7 =	vld [tilespmem:s9+$0xC0]  }
0x133: {  	v13 =	vld [tilespmem:s9+$0x60]  }
0x134: {  	v8 =	vld [tilespmem:s9+$0xD0]  }
0x135: {  	v9 =	vld [tilespmem:s9+$0xE0]  }
0x136: {  	v10 =	vld [tilespmem:s9+$0x1D0]  }
0x137: {  	v11 =	vld [tilespmem:s9+$0x1E0]  }
0x138: {  	v12 =	vld [tilespmem:s9+$0x0]  }
0x139: {  	v14 =	vld [tilespmem:s9+$0xF0]  }
0x13a: {  	v15 =	vld [tilespmem:s9+$0x100];
	v1 =	vmul.f32 $5.000000070e-02, v1  }
0x13b: {  	v16 =	vld [tilespmem:s9+$0x110];
	v10 =	vmul.f32 $5.000000070e-02, v10  }
0x13c: {  	v17 =	vld [tilespmem:s9+$0x120];
	v18 =	vmul.f32 $5.000000070e-02, v9;
	[tilespmem:s9+$0x1A0] =	vst v1  }
0x13d: {  	v19 =	vld [tilespmem:s9+$0x30];
	v7 =	vmul.f32 $5.000000070e-02, v7;
	[tilespmem:s9+$0x1D0] =	vst v10  }
0x13e: {  	v22 =	vld [tilespmem:s9+$0x1B0];
	v1 =	vmul.f32 $5.000000070e-02, v11;
	[tilespmem:s9+$0xE0] =	vst v18  }
0x13f: {  	v11 =	vmul.f32 $5.000000070e-02, v12;
	v12 =	vld [tilespmem:s9+$0x130];
	[tilespmem:s9+$0xC0] =	vst v7  }
0x140: {  	v10 =	vmul.f32 $5.000000070e-02, v14;
	v14 =	vld [tilespmem:s9+$0x140];
	[tilespmem:s9+$0x1E0] =	vst v1  }
0x141: {  	[tilespmem:s9+$0x0] =	vst v11;
	v1 =	vmul.f32 $5.000000070e-02, v15;
	v11 =	vld [tilespmem:s9+$0x150]  }
0x142: {  	[tilespmem:s9+$0xF0] =	vst v10;
	v10 =	vmul.f32 $5.000000070e-02, v16;
	v15 =	vld [tilespmem:s9+$0x1F0]  }
0x143: {  	v20 =	vld [tilespmem:s9+$0x20];
	v9 =	vmul.f32 $5.000000070e-02, v2;
	[tilespmem:s9+$0x100] =	vst v1;
	v1 =	vmul.f32 $5.000000070e-02, v17  }
0x144: {  	v21 =	vld [tilespmem:s9+$0x10];
	v2 =	vmul.f32 $5.000000070e-02, v19;
	[tilespmem:s9+$0x110] =	vst v10;
	v10 =	vmul.f32 $5.000000070e-02, v12  }
0x145: {  	v7 =	vmul.f32 $5.000000070e-02, v22;
	v16 =	vld [tilespmem:s9+$0x50];
	[tilespmem:s9+$0x120] =	vst v1;
	v1 =	vmul.f32 $5.000000070e-02, v14  }
0x146: {  	v17 =	vld [tilespmem:s9+$0x40];
	v14 =	vmul.f32 $5.000000070e-02, v8;
	[tilespmem:s9+$0x130] =	vst v10;
	v8 =	vmul.f32 $5.000000070e-02, v11  }
0x147: {  	v12 =	vld [tilespmem:s9+$0x190];
	v10 =	vmul.f32 $5.000000070e-02, v3;
	[tilespmem:s9+$0x140] =	vst v1;
	v1 =	vmul.f32 $5.000000070e-02, v15  }
0x148: {  	[tilespmem:s9+$0x150] =	vst v8;
	v8 =	vmul.f32 $5.000000070e-02, v6;
	v6 =	vmul.f32 $5.000000070e-02, v13;
	v13 =	vld [tilespmem:s9+$0x1C0]  }
0x149: {  	v11 =	vmul.f32 $5.000000070e-02, v4;
	v15 =	vmul.f32 $5.000000070e-02, v5;
	[tilespmem:s9+$0xD0] =	vst v14;
	v14 =	vld [tilespmem:s9+$0x180]  }
0x14a: {  	v4 =	vmul.f32 $5.000000070e-02, v16;
	v16 =	vld [tilespmem:s9+$0x170];
	v3 =	vmul.f32 $5.000000070e-02, v21;
	[tilespmem:s9+$0x1F0] =	vst v1  }
0x14b: {  	s6 =	simm.s32 $0x0;
	s10 =	simm.s32 $0xE680;
	v5 =	vmul.f32 $5.000000070e-02, v20;
	v1 =	vmul.f32 $5.000000070e-02, v17;
	[tilespmem:s9+$0xB0] =	vst v15;
	v15 =	vld [tilespmem:s9+$0x160]  }
.LBB2_21:
0x14c: {  	v17 =	vld [tilespmem:s10+$0x1A0];
	s6 =	sadd.s32 $0x4, s6;
	[tilespmem:s9+$0xA0] =	vst v9;
	v9 =	vmul.f32 $5.000000070e-02, v12  }
0x14d: {  	v12 =	vld [tilespmem:s10+$0xA0];
	p1 =	slt.u32 s6, $0x7C;
	[tilespmem:s9+$0x90] =	vst v10;
	v10 =	vmul.f32 $5.000000070e-02, v13  }
0x14e: {  	v13 =	vld [tilespmem:s10+$0x90];
	[tilespmem:s9+$0x80] =	vst v11;
	v11 =	vmul.f32 $5.000000070e-02, v14  }
0x14f: {  	v14 =	vld [tilespmem:s10+$0x80];
	v16 =	vmul.f32 $5.000000070e-02, v16;
	[tilespmem:s9+$0x1C0] =	vst v10  }
0x150: {  	v10 =	vld [tilespmem:s10+$0xB0];
	[tilespmem:s9+$0x70] =	vst v8;
	v8 =	vmul.f32 $5.000000070e-02, v15  }
0x151: {  	v15 =	vld [tilespmem:s10+$0x70];
	v17 =	vmul.f32 $5.000000070e-02, v17;
	[tilespmem:s9+$0x180] =	vst v11  }
0x152: {  	v11 =	vld [tilespmem:s10+$0xC0];
	[tilespmem:s9+$0x60] =	vst v6  }
0x153: {  	v6 =	vld [tilespmem:s10+$0x60];
	[tilespmem:s9+$0x170] =	vst v16  }
0x154: {  	v16 =	vld [tilespmem:s10+$0xD0];
	[tilespmem:s9+$0x50] =	vst v4  }
0x155: {  	v4 =	vld [tilespmem:s10+$0xE0];
	[tilespmem:s9+$0x160] =	vst v8  }
0x156: {  	v8 =	vld [tilespmem:s10+$0x1D0];
	[tilespmem:s9+$0x40] =	vst v1  }
0x157: {  	v1 =	vld [tilespmem:s10+$0x1E0];
	[tilespmem:s9+$0x30] =	vst v2  }
0x158: {  	v2 =	vld [tilespmem:s10+$0x0];
	[tilespmem:s9+$0x20] =	vst v5  }
0x159: {  	v5 =	vld [tilespmem:s10+$0xF0];
	[tilespmem:s9+$0x190] =	vst v9  }
0x15a: {  	v9 =	vld [tilespmem:s10+$0x100];
	[tilespmem:s9+$0x10] =	vst v3  }
0x15b: {  	v3 =	vld [tilespmem:s10+$0x110];
	v8 =	vmul.f32 $5.000000070e-02, v8;
	[tilespmem:s9+$0x1B0] =	vst v7;
	s9 =	smov.u32 s10  }
0x15c: {  	v7 =	vld [tilespmem:s10+$0x120];
	[tilespmem:s10+$0x1A0] =	vst v17;
	v1 =	vmul.f32 $5.000000070e-02, v1  }
0x15d: {  	v17 =	vmul.f32 $5.000000070e-02, v4;
	v2 =	vmul.f32 $5.000000070e-02, v2;
	v4 =	vld [tilespmem:s10+$0x130];
	[tilespmem:s10+$0x1D0] =	vst v8  }
0x15e: {  	v16 =	vmul.f32 $5.000000070e-02, v16;
	v5 =	vmul.f32 $5.000000070e-02, v5;
	v8 =	vld [tilespmem:s10+$0x140];
	[tilespmem:s10+$0x1E0] =	vst v1  }
0x15f: {  	v18 =	vmul.f32 $5.000000070e-02, v11;
	[tilespmem:s10+$0x0] =	vst v2;
	v1 =	vmul.f32 $5.000000070e-02, v9;
	v2 =	vld [tilespmem:s10+$0x150]  }
0x160: {  	v19 =	vmul.f32 $5.000000070e-02, v10;
	[tilespmem:s10+$0xF0] =	vst v5;
	v3 =	vmul.f32 $5.000000070e-02, v3;
	v5 =	vld [tilespmem:s10+$0x1F0]  }
0x161: {  	v9 =	vmul.f32 $5.000000070e-02, v12;
	v20 =	vld [tilespmem:s10+$0x50];
	[tilespmem:s10+$0x100] =	vst v1;
	v1 =	vmul.f32 $5.000000070e-02, v7  }
0x162: {  	v10 =	vmul.f32 $5.000000070e-02, v13;
	v7 =	vld [tilespmem:s10+$0x40];
	[tilespmem:s10+$0x110] =	vst v3;
	v3 =	vmul.f32 $5.000000070e-02, v4  }
0x163: {  	v11 =	vmul.f32 $5.000000070e-02, v14;
	v13 =	vld [tilespmem:s10+$0x30];
	[tilespmem:s10+$0x120] =	vst v1;
	v1 =	vmul.f32 $5.000000070e-02, v8  }
0x164: {  	v8 =	vmul.f32 $5.000000070e-02, v15;
	v14 =	vld [tilespmem:s10+$0x20];
	[tilespmem:s10+$0x130] =	vst v3;
	v2 =	vmul.f32 $5.000000070e-02, v2  }
0x165: {  	v6 =	vmul.f32 $5.000000070e-02, v6;
	v3 =	vld [tilespmem:s10+$0x10];
	[tilespmem:s10+$0x140] =	vst v1;
	v5 =	vmul.f32 $5.000000070e-02, v5  }
0x166: {  	v4 =	vmul.f32 $5.000000070e-02, v20;
	[tilespmem:s10+$0x150] =	vst v2;
	v20 =	vld [tilespmem:s10+$0x1B0]  }
.Ltmp11:
0x167: {  	v1 =	vmul.f32 $5.000000070e-02, v7;
	v12 =	vld [tilespmem:s10+$0x190];
	[tilespmem:s10+$0x1F0] =	vst v5;
	(pc) =	sbr.rel @p1 .LBB2_21-.Ltmp11, $4  }
0x168: {  	v2 =	vmul.f32 $5.000000070e-02, v13;
	[tilespmem:s10+$0xE0] =	vst v17;
	v13 =	vld [tilespmem:s10+$0x1C0]  }
0x169: {  	v5 =	vmul.f32 $5.000000070e-02, v14;
	[tilespmem:s10+$0xD0] =	vst v16;
	v14 =	vld [tilespmem:s10+$0x180]  }
0x16a: {  	v3 =	vmul.f32 $5.000000070e-02, v3;
	[tilespmem:s10+$0xC0] =	vst v18;
	v16 =	vld [tilespmem:s10+$0x170]  }
0x16b: {  	s10 =	sadd.s32 $0x200, s10;
	[tilespmem:s9+$0xB0] =	vst v19;
	v15 =	vld [tilespmem:s9+$0x160];
	v7 =	vmul.f32 $5.000000070e-02, v20  }
0x16c: {  	[tilespmem:s9+$0xA0] =	vst v9  }
0x16d: {  	[tilespmem:s9+$0x90] =	vst v10  }
0x16e: {  	[tilespmem:s9+$0x80] =	vst v11  }
0x16f: {  	[tilespmem:s9+$0x70] =	vst v8  }
0x170: {  	[tilespmem:s9+$0x60] =	vst v6  }
0x171: {  	[tilespmem:s9+$0x50] =	vst v4  }
0x172: {  	[tilespmem:s9+$0x40] =	vst v1  }
0x173: {  	[tilespmem:s9+$0x30] =	vst v2  }
0x174: {  	[tilespmem:s9+$0x20] =	vst v5  }
0x175: {  	v1 =	vmul.f32 $5.000000070e-02, v12;
	[tilespmem:s9+$0x10] =	vst v3  }
0x176: {  	v60 =	vmul.f32 $5.000000070e-02, v13;
	[tilespmem:s9+$0x1B0] =	vst v7  }
0x177: {  	v61 =	vmul.f32 $5.000000070e-02, v14;
	[tilespmem:s9+$0x190] =	vst v1  }
0x178: {  	s6 =	rddreg [dreg:$0x8];
	[tilespmem:s9+$0x1C0] =	vst v60;
	v62 =	vmul.f32 $5.000000070e-02, v16  }
0x179: {  	s6 =	sadd.s32 s6, s8;
	[tilespmem:s9+$0x180] =	vst v61;
	v63 =	vmul.f32 $5.000000070e-02, v15  }
0x17a: {  	s19 =	simm.s32 $0x0;
	s6 =	sshrl.u32 s6, $0x3;
	[tilespmem:s9+$0x170] =	vst v62  }
.Ltmp12:
0x17b: {  	s10 =	simm.s32 $0xE480;
	s6 =	sadd.s32 s3, s6;
	[tilespmem:s9+$0x160] =	vst v63;
	(pc) =	sbr.rel @p0 .LBB2_26-.Ltmp12, $4  }
0x17c: {  	[hbm4b:s6+s19] =	stream.linear.scatter [tilespmem:s10], [sflag:$0x8], $0x4000, $0x38;
	[tilespmem:$0x1A480] =	vst v63  }
0x17d: {  	_ =	swait.ge [sflag:s25], $0x4000  }
0x17e: {  	[sflag:s25] =	ssyncset.done $0x0  }
0x17f: {  	[sflag:s25] =	ssyncadd.s32 $0xFFFFC000  }
0x180: {  	s6 =	sadd.s32 $0x0, s12  }
0x181: {  	v1 =	vor.u32 s6, v0  }
0x182: {  	v2 =	vmul.u32 $0xC28F5C29, v1;
	v1 =	vld [tilespmem:s31+$0xFFFFFFFF];
	_ =	sdelay $0x1  }
0x183: {  	v3 =	vshll.u32 v2, $0x1D;
	v4 =	vshrl.u32 v2, $0x3;
	v2 =	vld [tilespmem:s31+$0x0]  }
0x184: {  	s10 =	simm.s32 $0x10  }
0x185: {  	s19 =	sadd.s32 $0x10, s31;
	s9 =	smov.u32 s31;
	s6 =	sadd.s32 $0x6, s17;
	v3 =	vor.u32 v3, v4  }
.LBB2_24:
0x186: {  	s21 =	sadd.s32 s10, s12;
	p1 =	sne.s32 s10, $0x70;
	s10 =	sadd.s32 $0x10, s10;
	vm0 =	vle.u32 v3, $0x147AE14;
	v3 =	vshll.u32 v1, $0xA  }
.Ltmp13:
0x187: {  	v4 =	vor.u32 s21, v0;
	v1 =	vld [tilespmem:s19+$0xFFFFFFFF];
	v3 =	vsel vm0, $0x0, v3;
	(pc) =	sbr.rel @p1 .LBB2_24-.Ltmp13, $4  }
0x188: {  	v4 =	vmul.u32 $0xC28F5C29, v4;
	v3 =	vadd.s32 v2, v3  }
0x189: {  	v2 =	vld [tilespmem:s19+$0x0];
	vm0 =	vgt.s32 v3, $0xF423F;
	v5 =	vadd.s32 $0xFFF0BDC0, v3  }
0x18a: {  	v6 =	vshll.u32 v4, $0x1D;
	v4 =	vshrl.u32 v4, $0x3;
	v5 =	vsel vm0, v5, v3  }
0x18b: {  	v3 =	vor.u32 v6, v4;
	[tilespmem:s9+$0xFFFFFFF8] =	vst v5;
	s9 =	smov.u32 s19;
	s19 =	sadd.s32 $0x10, s19  }
0x18c: {  	vm0 =	vle.u32 v3, $0x147AE14;
	v1 =	vshll.u32 v1, $0xA  }
0x18d: {  	v1 =	vsel vm0, $0x0, v1  }
0x18e: {  	v1 =	vadd.s32 v2, v1  }
0x18f: {  	vm15 =	vgt.s32 v1, $0xF423F;
	v2 =	vadd.s32 $0xFFF0BDC0, v1  }
0x190: {  	s6 =	sshll.u32 s6, $0x7;
	v1 =	vsel vm15, v2, v1  }
0x191: {  	s21 =	simm.s32 $0xA480;
	s6 =	sand.u32 $0x3FFFFF80, s6;
	[tilespmem:s9+$0xFFFFFFF8] =	vst v1  }
0x192: {  	[tilespmem:s21], [sflag:$0x2] =	stream.indirect.gather [hbm4b:s2+s14], $0x80, s6, s14, $0xb8;
	[tilespmem:$0x1A480] =	vst v63  }
0x193: {  	s21 =	simm.s32 $0x12480  }
.LBB2_26:
0x194: {  	_ =	swait.ge [sflag:s26], $0x4000  }
0x195: {  	[sflag:s26] =	ssyncset.done $0x0  }
0x196: {  	s9 =	simm.s32 $0x12480;
	[sflag:s26] =	ssyncadd.s32 $0xFFFFC000  }
0x197: {  	v1 =	vld [tilespmem:s9+$0x1A0]  }
0x198: {  	v2 =	vld [tilespmem:s9+$0xA0]  }
0x199: {  	v3 =	vld [tilespmem:s9+$0x90]  }
0x19a: {  	v4 =	vld [tilespmem:s9+$0x80]  }
0x19b: {  	v5 =	vld [tilespmem:s9+$0xB0]  }
0x19c: {  	v6 =	vld [tilespmem:s9+$0x70]  }
0x19d: {  	v7 =	vld [tilespmem:s9+$0xC0]  }
0x19e: {  	v13 =	vld [tilespmem:s9+$0x60]  }
0x19f: {  	v8 =	vld [tilespmem:s9+$0xD0]  }
0x1a0: {  	v9 =	vld [tilespmem:s9+$0xE0]  }
0x1a1: {  	v10 =	vld [tilespmem:s9+$0x1D0]  }
0x1a2: {  	v11 =	vld [tilespmem:s9+$0x1E0]  }
0x1a3: {  	v12 =	vld [tilespmem:s9+$0x0]  }
0x1a4: {  	v14 =	vld [tilespmem:s9+$0xF0]  }
0x1a5: {  	v15 =	vld [tilespmem:s9+$0x100];
	v1 =	vmul.f32 $5.000000070e-02, v1  }
0x1a6: {  	v16 =	vld [tilespmem:s9+$0x110];
	v10 =	vmul.f32 $5.000000070e-02, v10  }
0x1a7: {  	v17 =	vld [tilespmem:s9+$0x120];
	v18 =	vmul.f32 $5.000000070e-02, v9;
	[tilespmem:s9+$0x1A0] =	vst v1  }
0x1a8: {  	v19 =	vld [tilespmem:s9+$0x30];
	v7 =	vmul.f32 $5.000000070e-02, v7;
	[tilespmem:s9+$0x1D0] =	vst v10  }
0x1a9: {  	v22 =	vld [tilespmem:s9+$0x1B0];
	v1 =	vmul.f32 $5.000000070e-02, v11;
	[tilespmem:s9+$0xE0] =	vst v18  }
0x1aa: {  	v11 =	vmul.f32 $5.000000070e-02, v12;
	v12 =	vld [tilespmem:s9+$0x130];
	[tilespmem:s9+$0xC0] =	vst v7  }
0x1ab: {  	v10 =	vmul.f32 $5.000000070e-02, v14;
	v14 =	vld [tilespmem:s9+$0x140];
	[tilespmem:s9+$0x1E0] =	vst v1  }
0x1ac: {  	[tilespmem:s9+$0x0] =	vst v11;
	v1 =	vmul.f32 $5.000000070e-02, v15;
	v11 =	vld [tilespmem:s9+$0x150]  }
0x1ad: {  	[tilespmem:s9+$0xF0] =	vst v10;
	v10 =	vmul.f32 $5.000000070e-02, v16;
	v15 =	vld [tilespmem:s9+$0x1F0]  }
0x1ae: {  	v20 =	vld [tilespmem:s9+$0x20];
	v9 =	vmul.f32 $5.000000070e-02, v2;
	[tilespmem:s9+$0x100] =	vst v1;
	v1 =	vmul.f32 $5.000000070e-02, v17  }
0x1af: {  	v21 =	vld [tilespmem:s9+$0x10];
	v2 =	vmul.f32 $5.000000070e-02, v19;
	[tilespmem:s9+$0x110] =	vst v10;
	v10 =	vmul.f32 $5.000000070e-02, v12  }
0x1b0: {  	v7 =	vmul.f32 $5.000000070e-02, v22;
	v16 =	vld [tilespmem:s9+$0x50];
	[tilespmem:s9+$0x120] =	vst v1;
	v1 =	vmul.f32 $5.000000070e-02, v14  }
0x1b1: {  	v17 =	vld [tilespmem:s9+$0x40];
	v14 =	vmul.f32 $5.000000070e-02, v8;
	[tilespmem:s9+$0x130] =	vst v10;
	v8 =	vmul.f32 $5.000000070e-02, v11  }
0x1b2: {  	v12 =	vld [tilespmem:s9+$0x190];
	v10 =	vmul.f32 $5.000000070e-02, v3;
	[tilespmem:s9+$0x140] =	vst v1;
	v1 =	vmul.f32 $5.000000070e-02, v15  }
0x1b3: {  	[tilespmem:s9+$0x150] =	vst v8;
	v8 =	vmul.f32 $5.000000070e-02, v6;
	v6 =	vmul.f32 $5.000000070e-02, v13;
	v13 =	vld [tilespmem:s9+$0x1C0]  }
0x1b4: {  	v11 =	vmul.f32 $5.000000070e-02, v4;
	v15 =	vmul.f32 $5.000000070e-02, v5;
	[tilespmem:s9+$0xD0] =	vst v14;
	v14 =	vld [tilespmem:s9+$0x180]  }
0x1b5: {  	v4 =	vmul.f32 $5.000000070e-02, v16;
	v16 =	vld [tilespmem:s9+$0x170];
	v3 =	vmul.f32 $5.000000070e-02, v21;
	[tilespmem:s9+$0x1F0] =	vst v1  }
0x1b6: {  	s6 =	simm.s32 $0x0;
	s10 =	simm.s32 $0x12680;
	v5 =	vmul.f32 $5.000000070e-02, v20;
	v1 =	vmul.f32 $5.000000070e-02, v17;
	[tilespmem:s9+$0xB0] =	vst v15;
	v15 =	vld [tilespmem:s9+$0x160]  }
.LBB2_27:
0x1b7: {  	v17 =	vld [tilespmem:s10+$0x1A0];
	s6 =	sadd.s32 $0x4, s6;
	[tilespmem:s9+$0xA0] =	vst v9;
	v9 =	vmul.f32 $5.000000070e-02, v12  }
0x1b8: {  	v12 =	vld [tilespmem:s10+$0xA0];
	p1 =	slt.u32 s6, $0x7C;
	[tilespmem:s9+$0x90] =	vst v10;
	v10 =	vmul.f32 $5.000000070e-02, v13  }
0x1b9: {  	v13 =	vld [tilespmem:s10+$0x90];
	[tilespmem:s9+$0x80] =	vst v11;
	v11 =	vmul.f32 $5.000000070e-02, v14  }
0x1ba: {  	v14 =	vld [tilespmem:s10+$0x80];
	v16 =	vmul.f32 $5.000000070e-02, v16;
	[tilespmem:s9+$0x1C0] =	vst v10  }
0x1bb: {  	v10 =	vld [tilespmem:s10+$0xB0];
	[tilespmem:s9+$0x70] =	vst v8;
	v8 =	vmul.f32 $5.000000070e-02, v15  }
0x1bc: {  	v15 =	vld [tilespmem:s10+$0x70];
	v17 =	vmul.f32 $5.000000070e-02, v17;
	[tilespmem:s9+$0x180] =	vst v11  }
0x1bd: {  	v11 =	vld [tilespmem:s10+$0xC0];
	[tilespmem:s9+$0x60] =	vst v6  }
0x1be: {  	v6 =	vld [tilespmem:s10+$0x60];
	[tilespmem:s9+$0x170] =	vst v16  }
0x1bf: {  	v16 =	vld [tilespmem:s10+$0xD0];
	[tilespmem:s9+$0x50] =	vst v4  }
0x1c0: {  	v4 =	vld [tilespmem:s10+$0xE0];
	[tilespmem:s9+$0x160] =	vst v8  }
0x1c1: {  	v8 =	vld [tilespmem:s10+$0x1D0];
	[tilespmem:s9+$0x40] =	vst v1  }
0x1c2: {  	v1 =	vld [tilespmem:s10+$0x1E0];
	[tilespmem:s9+$0x30] =	vst v2  }
0x1c3: {  	v2 =	vld [tilespmem:s10+$0x0];
	[tilespmem:s9+$0x20] =	vst v5  }
0x1c4: {  	v5 =	vld [tilespmem:s10+$0xF0];
	[tilespmem:s9+$0x190] =	vst v9  }
0x1c5: {  	v9 =	vld [tilespmem:s10+$0x100];
	[tilespmem:s9+$0x10] =	vst v3  }
0x1c6: {  	v3 =	vld [tilespmem:s10+$0x110];
	v8 =	vmul.f32 $5.000000070e-02, v8;
	[tilespmem:s9+$0x1B0] =	vst v7;
	s9 =	smov.u32 s10  }
0x1c7: {  	v7 =	vld [tilespmem:s10+$0x120];
	[tilespmem:s10+$0x1A0] =	vst v17;
	v1 =	vmul.f32 $5.000000070e-02, v1  }
0x1c8: {  	v17 =	vmul.f32 $5.000000070e-02, v4;
	v2 =	vmul.f32 $5.000000070e-02, v2;
	v4 =	vld [tilespmem:s10+$0x130];
	[tilespmem:s10+$0x1D0] =	vst v8  }
0x1c9: {  	v16 =	vmul.f32 $5.000000070e-02, v16;
	v5 =	vmul.f32 $5.000000070e-02, v5;
	v8 =	vld [tilespmem:s10+$0x140];
	[tilespmem:s10+$0x1E0] =	vst v1  }
0x1ca: {  	v18 =	vmul.f32 $5.000000070e-02, v11;
	[tilespmem:s10+$0x0] =	vst v2;
	v1 =	vmul.f32 $5.000000070e-02, v9;
	v2 =	vld [tilespmem:s10+$0x150]  }
0x1cb: {  	v19 =	vmul.f32 $5.000000070e-02, v10;
	[tilespmem:s10+$0xF0] =	vst v5;
	v3 =	vmul.f32 $5.000000070e-02, v3;
	v5 =	vld [tilespmem:s10+$0x1F0]  }
0x1cc: {  	v9 =	vmul.f32 $5.000000070e-02, v12;
	v20 =	vld [tilespmem:s10+$0x50];
	[tilespmem:s10+$0x100] =	vst v1;
	v1 =	vmul.f32 $5.000000070e-02, v7  }
0x1cd: {  	v10 =	vmul.f32 $5.000000070e-02, v13;
	v7 =	vld [tilespmem:s10+$0x40];
	[tilespmem:s10+$0x110] =	vst v3;
	v3 =	vmul.f32 $5.000000070e-02, v4  }
0x1ce: {  	v11 =	vmul.f32 $5.000000070e-02, v14;
	v13 =	vld [tilespmem:s10+$0x30];
	[tilespmem:s10+$0x120] =	vst v1;
	v1 =	vmul.f32 $5.000000070e-02, v8  }
0x1cf: {  	v8 =	vmul.f32 $5.000000070e-02, v15;
	v14 =	vld [tilespmem:s10+$0x20];
	[tilespmem:s10+$0x130] =	vst v3;
	v2 =	vmul.f32 $5.000000070e-02, v2  }
0x1d0: {  	v6 =	vmul.f32 $5.000000070e-02, v6;
	v3 =	vld [tilespmem:s10+$0x10];
	[tilespmem:s10+$0x140] =	vst v1;
	v5 =	vmul.f32 $5.000000070e-02, v5  }
0x1d1: {  	v4 =	vmul.f32 $5.000000070e-02, v20;
	[tilespmem:s10+$0x150] =	vst v2;
	v20 =	vld [tilespmem:s10+$0x1B0]  }
.Ltmp14:
0x1d2: {  	v1 =	vmul.f32 $5.000000070e-02, v7;
	v12 =	vld [tilespmem:s10+$0x190];
	[tilespmem:s10+$0x1F0] =	vst v5;
	(pc) =	sbr.rel @p1 .LBB2_27-.Ltmp14, $4  }
0x1d3: {  	v2 =	vmul.f32 $5.000000070e-02, v13;
	[tilespmem:s10+$0xE0] =	vst v17;
	v13 =	vld [tilespmem:s10+$0x1C0]  }
0x1d4: {  	v5 =	vmul.f32 $5.000000070e-02, v14;
	[tilespmem:s10+$0xD0] =	vst v16;
	v14 =	vld [tilespmem:s10+$0x180]  }
0x1d5: {  	v3 =	vmul.f32 $5.000000070e-02, v3;
	[tilespmem:s10+$0xC0] =	vst v18;
	v16 =	vld [tilespmem:s10+$0x170]  }
0x1d6: {  	s10 =	sadd.s32 $0x200, s10;
	[tilespmem:s9+$0xB0] =	vst v19;
	v15 =	vld [tilespmem:s9+$0x160];
	v7 =	vmul.f32 $5.000000070e-02, v20  }
0x1d7: {  	[tilespmem:s9+$0xA0] =	vst v9  }
0x1d8: {  	[tilespmem:s9+$0x90] =	vst v10  }
0x1d9: {  	[tilespmem:s9+$0x80] =	vst v11  }
0x1da: {  	[tilespmem:s9+$0x70] =	vst v8  }
0x1db: {  	[tilespmem:s9+$0x60] =	vst v6  }
0x1dc: {  	[tilespmem:s9+$0x50] =	vst v4  }
0x1dd: {  	[tilespmem:s9+$0x40] =	vst v1  }
0x1de: {  	[tilespmem:s9+$0x30] =	vst v2  }
0x1df: {  	[tilespmem:s9+$0x20] =	vst v5  }
0x1e0: {  	v1 =	vmul.f32 $5.000000070e-02, v12;
	[tilespmem:s9+$0x10] =	vst v3  }
0x1e1: {  	v60 =	vmul.f32 $5.000000070e-02, v13;
	[tilespmem:s9+$0x1B0] =	vst v7  }
0x1e2: {  	v61 =	vmul.f32 $5.000000070e-02, v14;
	[tilespmem:s9+$0x190] =	vst v1  }
0x1e3: {  	s6 =	rddreg [dreg:$0x9];
	[tilespmem:s9+$0x1C0] =	vst v60;
	v62 =	vmul.f32 $5.000000070e-02, v16  }
0x1e4: {  	s6 =	sadd.s32 s6, s8;
	[tilespmem:s9+$0x180] =	vst v61;
	v63 =	vmul.f32 $5.000000070e-02, v15  }
0x1e5: {  	s6 =	sshrl.u32 s6, $0x3;
	[tilespmem:s9+$0x170] =	vst v62  }
.Ltmp15:
0x1e6: {  	s19 =	simm.s32 $0x0;
	s6 =	sadd.s32 s3, s6;
	[tilespmem:s9+$0x160] =	vst v63;
	(pc) =	sbr.rel @p0 .LBB2_32-.Ltmp15, $4  }
0x1e7: {  	[hbm4b:s6+s19] =	stream.linear.scatter [tilespmem:s21], [sflag:$0x9], $0x4000, $0x38;
	[tilespmem:$0x1A480] =	vst v63  }
0x1e8: {  	_ =	swait.ge [sflag:s28], $0x4000  }
0x1e9: {  	[sflag:s28] =	ssyncset.done $0x0  }
0x1ea: {  	[sflag:s28] =	ssyncadd.s32 $0xFFFFC000  }
0x1eb: {  	s6 =	sadd.s32 $0x0, s1  }
0x1ec: {  	v1 =	vor.u32 s6, v0  }
0x1ed: {  	v2 =	vmul.u32 $0xC28F5C29, v1;
	v1 =	vld [tilespmem:s5+$0xFFFFFFFF];
	_ =	sdelay $0x1  }
0x1ee: {  	v3 =	vshll.u32 v2, $0x1D;
	v4 =	vshrl.u32 v2, $0x3;
	v2 =	vld [tilespmem:s5+$0x0]  }
0x1ef: {  	s9 =	simm.s32 $0x10  }
0x1f0: {  	s10 =	sadd.s32 $0x10, s5;
	s8 =	smov.u32 s5;
	s6 =	sadd.s32 $0x7, s17;
	v3 =	vor.u32 v3, v4  }
.LBB2_30:
0x1f1: {  	s19 =	sadd.s32 s9, s1;
	p1 =	sne.s32 s9, $0x70;
	s9 =	sadd.s32 $0x10, s9;
	vm0 =	vle.u32 v3, $0x147AE14;
	v3 =	vshll.u32 v1, $0xA  }
.Ltmp16:
0x1f2: {  	v4 =	vor.u32 s19, v0;
	v1 =	vld [tilespmem:s10+$0xFFFFFFFF];
	v3 =	vsel vm0, $0x0, v3;
	(pc) =	sbr.rel @p1 .LBB2_30-.Ltmp16, $4  }
0x1f3: {  	v4 =	vmul.u32 $0xC28F5C29, v4;
	v3 =	vadd.s32 v2, v3  }
0x1f4: {  	v2 =	vld [tilespmem:s10+$0x0];
	vm0 =	vgt.s32 v3, $0xF423F;
	v5 =	vadd.s32 $0xFFF0BDC0, v3  }
0x1f5: {  	v6 =	vshll.u32 v4, $0x1D;
	v4 =	vshrl.u32 v4, $0x3;
	v5 =	vsel vm0, v5, v3  }
0x1f6: {  	v3 =	vor.u32 v6, v4;
	[tilespmem:s8+$0xFFFFFFF8] =	vst v5;
	s8 =	smov.u32 s10;
	s10 =	sadd.s32 $0x10, s10  }
0x1f7: {  	vm0 =	vle.u32 v3, $0x147AE14;
	v1 =	vshll.u32 v1, $0xA  }
0x1f8: {  	v1 =	vsel vm0, $0x0, v1  }
0x1f9: {  	v1 =	vadd.s32 v2, v1  }
0x1fa: {  	vm15 =	vgt.s32 v1, $0xF423F;
	v2 =	vadd.s32 $0xFFF0BDC0, v1  }
0x1fb: {  	s6 =	sshll.u32 s6, $0x7;
	v1 =	vsel vm15, v2, v1  }
0x1fc: {  	s19 =	simm.s32 $0xE480;
	s6 =	sand.u32 $0x3FFFFF80, s6;
	[tilespmem:s8+$0xFFFFFFF8] =	vst v1  }
0x1fd: {  	[tilespmem:s19], [sflag:$0x3] =	stream.indirect.gather [hbm4b:s2+s14], $0x80, s6, s14, $0xb8;
	[tilespmem:$0x1A480] =	vst v63  }
.LBB2_32:
0x1fe: {  	_ =	swait.ge [sflag:s29], $0x4000  }
0x1ff: {  	[sflag:s29] =	ssyncset.done $0x0  }
0x200: {  	s8 =	simm.s32 $0x16480;
	[sflag:s29] =	ssyncadd.s32 $0xFFFFC000  }
0x201: {  	v1 =	vld [tilespmem:s8+$0x1A0]  }
0x202: {  	v2 =	vld [tilespmem:s8+$0xA0]  }
0x203: {  	v3 =	vld [tilespmem:s8+$0x90]  }
0x204: {  	v4 =	vld [tilespmem:s8+$0x80]  }
0x205: {  	v5 =	vld [tilespmem:s8+$0xB0]  }
0x206: {  	v6 =	vld [tilespmem:s8+$0x70]  }
0x207: {  	v7 =	vld [tilespmem:s8+$0xC0]  }
0x208: {  	v13 =	vld [tilespmem:s8+$0x60]  }
0x209: {  	v8 =	vld [tilespmem:s8+$0xD0]  }
0x20a: {  	v9 =	vld [tilespmem:s8+$0xE0]  }
0x20b: {  	v10 =	vld [tilespmem:s8+$0x1D0]  }
0x20c: {  	v11 =	vld [tilespmem:s8+$0x1E0]  }
0x20d: {  	v12 =	vld [tilespmem:s8+$0x0]  }
0x20e: {  	v14 =	vld [tilespmem:s8+$0xF0]  }
0x20f: {  	v15 =	vld [tilespmem:s8+$0x100];
	v1 =	vmul.f32 $5.000000070e-02, v1  }
0x210: {  	v16 =	vld [tilespmem:s8+$0x110];
	v10 =	vmul.f32 $5.000000070e-02, v10  }
0x211: {  	v17 =	vld [tilespmem:s8+$0x120];
	v18 =	vmul.f32 $5.000000070e-02, v9;
	[tilespmem:s8+$0x1A0] =	vst v1  }
0x212: {  	v19 =	vld [tilespmem:s8+$0x30];
	v21 =	vmul.f32 $5.000000070e-02, v7;
	[tilespmem:s8+$0x1D0] =	vst v10  }
0x213: {  	v22 =	vld [tilespmem:s8+$0x10];
	v1 =	vmul.f32 $5.000000070e-02, v11;
	[tilespmem:s8+$0xE0] =	vst v18  }
0x214: {  	v11 =	vmul.f32 $5.000000070e-02, v12;
	v12 =	vld [tilespmem:s8+$0x130];
	[tilespmem:s8+$0xC0] =	vst v21  }
0x215: {  	v10 =	vmul.f32 $5.000000070e-02, v14;
	v14 =	vld [tilespmem:s8+$0x140];
	[tilespmem:s8+$0x1E0] =	vst v1  }
0x216: {  	[tilespmem:s8+$0x0] =	vst v11;
	v1 =	vmul.f32 $5.000000070e-02, v15;
	v11 =	vld [tilespmem:s8+$0x150]  }
0x217: {  	[tilespmem:s8+$0xF0] =	vst v10;
	v10 =	vmul.f32 $5.000000070e-02, v16;
	v15 =	vld [tilespmem:s8+$0x1F0]  }
0x218: {  	v9 =	vmul.f32 $5.000000070e-02, v2;
	v16 =	vld [tilespmem:s8+$0x50];
	[tilespmem:s8+$0x100] =	vst v1;
	v1 =	vmul.f32 $5.000000070e-02, v17  }
0x219: {  	v20 =	vld [tilespmem:s8+$0x20];
	v7 =	vmul.f32 $5.000000070e-02, v13;
	[tilespmem:s8+$0x110] =	vst v10;
	v10 =	vmul.f32 $5.000000070e-02, v12  }
0x21a: {  	v23 =	vld [tilespmem:s8+$0x1B0];
	v2 =	vmul.f32 $5.000000070e-02, v22;
	[tilespmem:s8+$0x120] =	vst v1;
	v1 =	vmul.f32 $5.000000070e-02, v14  }
0x21b: {  	v17 =	vld [tilespmem:s8+$0x40];
	v14 =	vmul.f32 $5.000000070e-02, v8;
	[tilespmem:s8+$0x130] =	vst v10;
	v8 =	vmul.f32 $5.000000070e-02, v11  }
0x21c: {  	v12 =	vld [tilespmem:s8+$0x190];
	v10 =	vmul.f32 $5.000000070e-02, v3;
	v11 =	vmul.f32 $5.000000070e-02, v4;
	[tilespmem:s8+$0x140] =	vst v1  }
0x21d: {  	v13 =	vld [tilespmem:s8+$0x1C0];
	v4 =	vmul.f32 $5.000000070e-02, v16;
	v1 =	vmul.f32 $5.000000070e-02, v15;
	[tilespmem:s8+$0xD0] =	vst v14  }
0x21e: {  	v3 =	vmul.f32 $5.000000070e-02, v19;
	v15 =	vmul.f32 $5.000000070e-02, v5;
	v14 =	vld [tilespmem:s8+$0x180];
	[tilespmem:s8+$0x150] =	vst v8  }
0x21f: {  	v16 =	vld [tilespmem:s8+$0x170];
	v5 =	vmul.f32 $5.000000070e-02, v20;
	v8 =	vmul.f32 $5.000000070e-02, v6;
	[tilespmem:s8+$0x1F0] =	vst v1  }
0x220: {  	s6 =	simm.s32 $0x0;
	s9 =	simm.s32 $0x16680;
	v6 =	vmul.f32 $5.000000070e-02, v23;
	v1 =	vmul.f32 $5.000000070e-02, v17;
	[tilespmem:s8+$0xB0] =	vst v15;
	v15 =	vld [tilespmem:s8+$0x160]  }
.LBB2_33:
0x221: {  	v17 =	vld [tilespmem:s9+$0x1A0];
	s6 =	sadd.s32 $0x4, s6;
	[tilespmem:s8+$0xA0] =	vst v9;
	v9 =	vmul.f32 $5.000000070e-02, v12  }
0x222: {  	v12 =	vld [tilespmem:s9+$0xA0];
	p1 =	slt.u32 s6, $0x7C;
	[tilespmem:s8+$0x90] =	vst v10;
	v10 =	vmul.f32 $5.000000070e-02, v13  }
0x223: {  	v13 =	vld [tilespmem:s9+$0x90];
	[tilespmem:s8+$0x80] =	vst v11;
	v11 =	vmul.f32 $5.000000070e-02, v14  }
0x224: {  	v14 =	vld [tilespmem:s9+$0x80];
	v16 =	vmul.f32 $5.000000070e-02, v16;
	[tilespmem:s8+$0x1C0] =	vst v10  }
0x225: {  	v10 =	vld [tilespmem:s9+$0xB0];
	[tilespmem:s8+$0x70] =	vst v8;
	v8 =	vmul.f32 $5.000000070e-02, v15  }
0x226: {  	v15 =	vld [tilespmem:s9+$0x70];
	v17 =	vmul.f32 $5.000000070e-02, v17;
	[tilespmem:s8+$0x180] =	vst v11  }
0x227: {  	v11 =	vld [tilespmem:s9+$0xC0];
	[tilespmem:s8+$0x60] =	vst v7  }
0x228: {  	v7 =	vld [tilespmem:s9+$0x60];
	[tilespmem:s8+$0x170] =	vst v16  }
0x229: {  	v16 =	vld [tilespmem:s9+$0xD0];
	[tilespmem:s8+$0x50] =	vst v4  }
0x22a: {  	v4 =	vld [tilespmem:s9+$0xE0];
	[tilespmem:s8+$0x160] =	vst v8  }
0x22b: {  	v8 =	vld [tilespmem:s9+$0x1D0];
	[tilespmem:s8+$0x40] =	vst v1  }
0x22c: {  	v1 =	vld [tilespmem:s9+$0x1E0];
	[tilespmem:s8+$0x30] =	vst v3  }
0x22d: {  	v3 =	vld [tilespmem:s9+$0x0];
	[tilespmem:s8+$0x20] =	vst v5  }
0x22e: {  	v5 =	vld [tilespmem:s9+$0xF0];
	[tilespmem:s8+$0x190] =	vst v9  }
0x22f: {  	v9 =	vld [tilespmem:s9+$0x100];
	[tilespmem:s8+$0x10] =	vst v2  }
0x230: {  	v2 =	vld [tilespmem:s9+$0x110];
	v8 =	vmul.f32 $5.000000070e-02, v8;
	[tilespmem:s8+$0x1B0] =	vst v6;
	s8 =	smov.u32 s9  }
0x231: {  	v6 =	vld [tilespmem:s9+$0x120];
	[tilespmem:s9+$0x1A0] =	vst v17;
	v1 =	vmul.f32 $5.000000070e-02, v1  }
0x232: {  	v17 =	vmul.f32 $5.000000070e-02, v4;
	v3 =	vmul.f32 $5.000000070e-02, v3;
	v4 =	vld [tilespmem:s9+$0x130];
	[tilespmem:s9+$0x1D0] =	vst v8  }
0x233: {  	v16 =	vmul.f32 $5.000000070e-02, v16;
	v5 =	vmul.f32 $5.000000070e-02, v5;
	v8 =	vld [tilespmem:s9+$0x140];
	[tilespmem:s9+$0x1E0] =	vst v1  }
0x234: {  	v18 =	vmul.f32 $5.000000070e-02, v11;
	[tilespmem:s9+$0x0] =	vst v3;
	v1 =	vmul.f32 $5.000000070e-02, v9;
	v3 =	vld [tilespmem:s9+$0x150]  }
0x235: {  	v19 =	vmul.f32 $5.000000070e-02, v10;
	[tilespmem:s9+$0xF0] =	vst v5;
	v2 =	vmul.f32 $5.000000070e-02, v2;
	v5 =	vld [tilespmem:s9+$0x1F0]  }
0x236: {  	v9 =	vmul.f32 $5.000000070e-02, v12;
	v20 =	vld [tilespmem:s9+$0x50];
	[tilespmem:s9+$0x100] =	vst v1;
	v1 =	vmul.f32 $5.000000070e-02, v6  }
0x237: {  	v10 =	vmul.f32 $5.000000070e-02, v13;
	v6 =	vld [tilespmem:s9+$0x40];
	[tilespmem:s9+$0x110] =	vst v2;
	v2 =	vmul.f32 $5.000000070e-02, v4  }
0x238: {  	v11 =	vmul.f32 $5.000000070e-02, v14;
	v13 =	vld [tilespmem:s9+$0x30];
	[tilespmem:s9+$0x120] =	vst v1;
	v1 =	vmul.f32 $5.000000070e-02, v8  }
0x239: {  	v8 =	vmul.f32 $5.000000070e-02, v15;
	v14 =	vld [tilespmem:s9+$0x20];
	[tilespmem:s9+$0x130] =	vst v2;
	v2 =	vmul.f32 $5.000000070e-02, v3  }
0x23a: {  	v7 =	vmul.f32 $5.000000070e-02, v7;
	v15 =	vld [tilespmem:s9+$0x10];
	[tilespmem:s9+$0x140] =	vst v1;
	v3 =	vmul.f32 $5.000000070e-02, v5  }
0x23b: {  	v4 =	vmul.f32 $5.000000070e-02, v20;
	[tilespmem:s9+$0x150] =	vst v2;
	v20 =	vld [tilespmem:s9+$0x1B0]  }
.Ltmp17:
0x23c: {  	v1 =	vmul.f32 $5.000000070e-02, v6;
	v12 =	vld [tilespmem:s9+$0x190];
	[tilespmem:s9+$0x1F0] =	vst v3;
	(pc) =	sbr.rel @p1 .LBB2_33-.Ltmp17, $4  }
0x23d: {  	v3 =	vmul.f32 $5.000000070e-02, v13;
	[tilespmem:s9+$0xE0] =	vst v17;
	v13 =	vld [tilespmem:s9+$0x1C0]  }
0x23e: {  	v5 =	vmul.f32 $5.000000070e-02, v14;
	[tilespmem:s9+$0xD0] =	vst v16;
	v14 =	vld [tilespmem:s9+$0x180]  }
0x23f: {  	v2 =	vmul.f32 $5.000000070e-02, v15;
	[tilespmem:s9+$0xC0] =	vst v18;
	v16 =	vld [tilespmem:s9+$0x170]  }
0x240: {  	s9 =	sadd.s32 $0x200, s9;
	[tilespmem:s8+$0xB0] =	vst v19;
	v15 =	vld [tilespmem:s8+$0x160];
	v6 =	vmul.f32 $5.000000070e-02, v20  }
0x241: {  	[tilespmem:s8+$0xA0] =	vst v9  }
0x242: {  	[tilespmem:s8+$0x90] =	vst v10  }
0x243: {  	[tilespmem:s8+$0x80] =	vst v11  }
0x244: {  	[tilespmem:s8+$0x70] =	vst v8  }
0x245: {  	[tilespmem:s8+$0x60] =	vst v7  }
0x246: {  	[tilespmem:s8+$0x50] =	vst v4  }
0x247: {  	[tilespmem:s8+$0x40] =	vst v1  }
0x248: {  	[tilespmem:s8+$0x30] =	vst v3  }
0x249: {  	[tilespmem:s8+$0x20] =	vst v5  }
0x24a: {  	v1 =	vmul.f32 $5.000000070e-02, v12;
	[tilespmem:s8+$0x10] =	vst v2  }
0x24b: {  	v60 =	vmul.f32 $5.000000070e-02, v13;
	[tilespmem:s8+$0x1B0] =	vst v6  }
0x24c: {  	v61 =	vmul.f32 $5.000000070e-02, v14;
	[tilespmem:s8+$0x190] =	vst v1  }
0x24d: {  	s4 =	sshll.u32 s4, $0xE;
	s6 =	rddreg [dreg:$0x5];
	[tilespmem:s8+$0x1C0] =	vst v60;
	v62 =	vmul.f32 $5.000000070e-02, v16  }
0x24e: {  	s4 =	sadd.s32 s6, s4;
	[tilespmem:s8+$0x180] =	vst v61;
	v63 =	vmul.f32 $5.000000070e-02, v15  }
0x24f: {  	s10 =	simm.s32 $0x0;
	s4 =	sshrl.u32 s4, $0x3;
	[tilespmem:s8+$0x170] =	vst v62  }
.Ltmp18:
0x250: {  	s19 =	simm.s32 $0x16480;
	s4 =	sadd.s32 s3, s4;
	[tilespmem:s8+$0x160] =	vst v63;
	(pc) =	sbr.rel @p0 .LBB2_38-.Ltmp18, $4  }
0x251: {  	[hbm4b:s4+s10] =	stream.linear.scatter [tilespmem:s19], [sflag:$0xA], $0x4000, $0x38;
	[tilespmem:$0x1A480] =	vst v63  }
0x252: {  	_ =	swait.ge [sflag:s30], $0x4000  }
0x253: {  	[sflag:s30] =	ssyncset.done $0x0  }
0x254: {  	[sflag:s30] =	ssyncadd.s32 $0xFFFFC000  }
0x255: {  	s4 =	sadd.s32 $0x0, s13  }
0x256: {  	v1 =	vor.u32 s4, v0  }
0x257: {  	v2 =	vmul.u32 $0xC28F5C29, v1;
	v1 =	vld [tilespmem:s15+$0xFFFFFFFF];
	_ =	sdelay $0x1  }
0x258: {  	v3 =	vshll.u32 v2, $0x1D;
	v4 =	vshrl.u32 v2, $0x3;
	v2 =	vld [tilespmem:s15+$0x0]  }
0x259: {  	s8 =	simm.s32 $0x10  }
0x25a: {  	s9 =	sadd.s32 $0x10, s15;
	s6 =	smov.u32 s15;
	s4 =	sadd.s32 $0x8, s17;
	v3 =	vor.u32 v3, v4  }
.LBB2_36:
0x25b: {  	s10 =	sadd.s32 s8, s13;
	p0 =	sne.s32 s8, $0x70;
	s8 =	sadd.s32 $0x10, s8;
	vm0 =	vle.u32 v3, $0x147AE14;
	v3 =	vshll.u32 v1, $0xA  }
.Ltmp19:
0x25c: {  	v4 =	vor.u32 s10, v0;
	v1 =	vld [tilespmem:s9+$0xFFFFFFFF];
	v3 =	vsel vm0, $0x0, v3;
	(pc) =	sbr.rel @p0 .LBB2_36-.Ltmp19, $4  }
0x25d: {  	v4 =	vmul.u32 $0xC28F5C29, v4;
	v3 =	vadd.s32 v2, v3  }
0x25e: {  	v2 =	vld [tilespmem:s9+$0x0];
	vm0 =	vgt.s32 v3, $0xF423F;
	v5 =	vadd.s32 $0xFFF0BDC0, v3  }
0x25f: {  	v6 =	vshll.u32 v4, $0x1D;
	v4 =	vshrl.u32 v4, $0x3;
	v5 =	vsel vm0, v5, v3  }
0x260: {  	v3 =	vor.u32 v6, v4;
	[tilespmem:s6+$0xFFFFFFF8] =	vst v5;
	s6 =	smov.u32 s9;
	s9 =	sadd.s32 $0x10, s9  }
0x261: {  	vm0 =	vle.u32 v3, $0x147AE14;
	v1 =	vshll.u32 v1, $0xA  }
0x262: {  	s4 =	sshll.u32 s4, $0x7;
	s0 =	sadd.s32 $0x1, s0;
	v1 =	vsel vm0, $0x0, v1  }
.Ltmp20:
0x263: {  	s16 =	sadd.s32 $0x280, s16;
	s18 =	sadd.s32 $0x280, s18;
	v1 =	vadd.s32 v2, v1;
	(pc) =	sbr.rel .LBB2_10-.Ltmp20, $4  }
0x264: {  	s7 =	sadd.s32 $0x280, s7;
	s11 =	sadd.s32 $0x280, s11;
	s12 =	sadd.s32 $0x280, s12;
	vm15 =	vgt.s32 v1, $0xF423F;
	v2 =	vadd.s32 $0xFFF0BDC0, v1  }
0x265: {  	s31 =	sadd.s32 $0x280, s31;
	s1 =	sadd.s32 $0x280, s1;
	s5 =	sadd.s32 $0x280, s5;
	v1 =	vsel vm15, v2, v1  }
0x266: {  	s13 =	sadd.s32 $0x280, s13;
	s15 =	sadd.s32 $0x280, s15;
	s4 =	sand.u32 $0x3FFFFF80, s4;
	[tilespmem:s6+$0xFFFFFFF8] =	vst v1  }
0x267: {  	[tilespmem:s21], [sflag:$0x4] =	stream.indirect.gather [hbm4b:s2+s14], $0x80, s4, s14, $0xb8;
	[tilespmem:$0x1A480] =	vst v63  }
.LBB2_39:
0x268: {  	_ =	sfence.sel $0x180000  }
0x269: {  	[bflag:$0x0] =	sbarrier.arrive $0xFFFF  }
0x26a: {  	_ =	strace $0x90000047  }
0x26b: {  	s0 =	stileid.u32;
	[bflag:$0x2] =	sbarrier.arrive $0xFFFF  }
0x26c: {  	p0 =	sne.s32 s0, $0x0;
	s0 =	rddreg [dreg:$0x3]  }
0x26d: {  	s0 =	sadd.s32 @!p0 $0x100000, s0  }
0x26e: {  	[sflag:s0] =	ssyncadd.tile.s32 @!p0 $0x1;
	_ =	shalt  }
.Lfunc_end2:
_tile_overlayer_lowered:
.L_overlay_start_2:
0x26f: {  	(tag) =	ssettag $0x2  }
0x270: {  	s0 =	rddreg [dreg:$0x0];
	s2 =	stileid.u32  }
0x271: {  	s1 =	rddreg [dreg:$0x1];
	p0 =	sne.s32 s2, $0x0  }
0x272: {  	s3 =	rddreg [dreg:$0x2];
	[bflag:$0x3] =	sbarrier.arrive $0xFFFF;
	s2 =	simm.s32 @!p0 $0x1C0B  }
0x273: {  	[timem:s3], [sflag:s2] =	dma.local @!p0 [hbm:s0], s1  }
0x274: {  	s0 =	simm.s32 @!p0 $0xB  }
0x275: {  	_ =	swait.ge @!p0 [sflag:s0], s1  }
0x276: {  	s1 =	ssub.s32 @!p0 $0x0, s1;
	[sflag:s0] =	ssyncset.done @!p0 $0x0  }
0x277: {  	[sflag:s0] =	ssyncadd.s32 @!p0 s1  }
0x278: {  	[bflag:$0x3] =	sbarrier.arrive $0xFFFF  }
0x279: {  	_ =	shalt  }

</sc_bundles>
